<compile_context>
chip_gen: v7x
topology: tpu7x:2x2x1
jax: 0.10.2.dev20260603
libtpu: 0.0.44.dev20260713+nightly
codegen_flags: <defaults>
</compile_context>

<pallas_src>
import functools

import jax
import jax.numpy as jnp
from jax import lax
from jax.experimental import pallas as pl
from jax.experimental.pallas import tpu as pltpu
from jax.experimental.pallas import tpu_sc as plsc

BATCH = 16384
EMBD = 64
OUT_PAD = 8
WLANES = 256
NBUF = 4
RING = 8

_NC = 2
_NS = 16
_NW = _NC * _NS

N_U = 1000000
N_M = 100000
_U_TAIL = [(999936, 128)]
_M_TAIL = [(99840, 128), (99968, 128)]

_IOTA = None


def _phase(tab_hbm, stage_hbm, idx_hbm, idx_v, mpk_v, wpk_v,
           buf3_v, rowtmp_v, sem_s, sem_w, wid, n_total, tails):
    iota = lax.iota(jnp.int32, 16)
    shard = n_total // _NW
    lo = lax.bitwise_and(shard * wid, ~(WLANES - 1))
    hi_main = lax.bitwise_and(shard * (wid + 1), ~(WLANES - 1))
    hi = jnp.where(wid == _NW - 1, n_total, hi_main)

    nw = lax.shift_right_logical(hi_main - lo, 8)

    def start_w(w):
        wlo = pl.multiple_of(lo + w * WLANES, 128)
        par = lax.bitwise_and(w, NBUF - 1)
        pltpu.async_copy(tab_hbm.at[:, pl.ds(wlo, WLANES)],
                         buf3_v.at[par], sem_s)

    def wait_w():
        pltpu.make_async_copy(tab_hbm.at[:, pl.ds(0, WLANES)],
                              buf3_v.at[0], sem_s).wait()

    for pw in range(NBUF - 1):
        start_w(pw)

    pltpu.sync_copy(idx_hbm, idx_v)

    def scan_body(g, c):
        v = idx_v[pl.ds(g * 16, 16)]
        inr = jnp.logical_and(v >= lo, v < hi)
        pk = lax.shift_left(iota + g * 16, 15) + (v - lo)
        plsc.store_compressed(mpk_v.at[pl.ds(c, 16)], pk, mask=inr)
        return c + plsc.all_reduce_population_count(inr)[0]
    n = lax.fori_loop(0, BATCH // 16, scan_body, 0)

    def process_window(wloc, wsize, par, cw):
        def act_body(g, c2):
            pk = mpk_v[pl.ds(g * 16, 16)]
            lpk = lax.bitwise_and(pk, 32767)
            a = jnp.logical_and(lpk >= wloc, lpk < wloc + wsize)
            a = jnp.logical_and(a, iota < n - g * 16)
            plsc.store_compressed(wpk_v.at[pl.ds(c2, 16)], pk, mask=a)
            return c2 + plsc.all_reduce_population_count(a)[0]
        na = lax.fori_loop(0, (n + 15) // 16, act_body, 0)

        parv = jnp.broadcast_to(par, (16,))

        def ext_body(i, c3):
            pk = wpk_v[pl.ds(i, 16)][0]
            pos = lax.shift_right_logical(pk, 15)
            llv = jnp.broadcast_to(lax.bitwise_and(pk, 32767) - wloc, (16,))
            slot = lax.bitwise_and(c3, RING - 1)
            for g4 in range(4):
                col = plsc.load_gather(buf3_v, [parv, iota + g4 * 16, llv])
                rowtmp_v[slot, pl.ds(g4 * 16, 16)] = col

            @pl.when(c3 >= RING)
            def _():
                pltpu.make_async_copy(stage_hbm.at[pl.ds(0, 1)],
                                      rowtmp_v.at[pl.ds(0, 1)], sem_w).wait()
            pltpu.async_copy(rowtmp_v.at[pl.ds(slot, 1)],
                             stage_hbm.at[pl.ds(pos, 1)], sem_w)
            return c3 + 1
        return lax.fori_loop(0, na, ext_body, cw)

    def win_body(w, cw):
        wait_w()

        @pl.when(w + (NBUF - 1) < nw)
        def _():
            start_w(w + (NBUF - 1))
        return process_window(w * WLANES, WLANES,
                              lax.bitwise_and(w, NBUF - 1), cw)
    cw = lax.fori_loop(0, nw, win_body, 0)

    trips = jnp.where(wid == _NW - 1, 1, 0)
    for toff, tsize in tails:
        def tail_body(_, c, _toff=toff, _tsize=tsize):
            _aoff = pl.multiple_of(jnp.int32(_toff), 128)
            pltpu.async_copy(tab_hbm.at[:, pl.ds(_aoff, _tsize)],
                             buf3_v.at[0, :, pl.ds(0, _tsize)], sem_s).wait()
            return process_window(jnp.int32(_toff) - lo, _tsize, 0, c)
        cw = lax.fori_loop(0, trips, tail_body, cw)

    def drain_body(_, c):
        pltpu.make_async_copy(stage_hbm.at[pl.ds(0, 1)],
                              rowtmp_v.at[pl.ds(0, 1)], sem_w).wait()
        return c
    lax.fori_loop(0, jnp.minimum(cw, RING), drain_body, 0)


def _sc_filter_body(users_hbm, movies_hbm, utab_hbm, mtab_hbm,
                    u_out_hbm, m_out_hbm,
                    idx_v, mpk_v, wpk_v,
                    buf3_v, rowtmp_v, sem_s, sem_w):
    wid = lax.axis_index("s") * _NC + lax.axis_index("c")
    _phase(utab_hbm, u_out_hbm, users_hbm, idx_v, mpk_v, wpk_v,
           buf3_v, rowtmp_v, sem_s, sem_w, wid, N_U, _U_TAIL)
    _phase(mtab_hbm, m_out_hbm, movies_hbm, idx_v, mpk_v, wpk_v,
           buf3_v, rowtmp_v, sem_s, sem_w, wid, N_M, _M_TAIL)


def _sc_filter(users, movies, utab_t, mtab_t):
    mesh = plsc.VectorSubcoreMesh(core_axis_name="c", subcore_axis_name="s")
    k = pl.kernel(
        _sc_filter_body,
        mesh=mesh,
        compiler_params=pltpu.CompilerParams(needs_layout_passes=False,
                                             disable_bounds_checks=True),
        out_type=[
            jax.ShapeDtypeStruct((BATCH, EMBD), jnp.float32),
            jax.ShapeDtypeStruct((BATCH, EMBD), jnp.float32),
        ],
        scratch_types=[
            pltpu.VMEM((BATCH,), jnp.int32),
            pltpu.VMEM((BATCH + 16,), jnp.int32),
            pltpu.VMEM((BATCH + 16,), jnp.int32),
            pltpu.VMEM((NBUF, EMBD, WLANES), jnp.float32),
            pltpu.VMEM((RING, EMBD), jnp.float32),
            pltpu.SemaphoreType.DMA,
            pltpu.SemaphoreType.DMA,
        ],
    )
    return k(users, movies, utab_t, mtab_t)


def _tc_head_body(u_ref, m_ref, wu_ref, wm_ref, b_ref, out_ref):
    acc = jnp.dot(u_ref[...], wu_ref[...], preferred_element_type=jnp.float32)
    acc += jnp.dot(m_ref[...], wm_ref[...], preferred_element_type=jnp.float32)
    acc += b_ref[...]
    mx = jnp.max(acc, axis=-1, keepdims=True)
    e = jnp.exp(acc - mx)
    s = jnp.sum(e, axis=-1, keepdims=True)
    out_ref[...] = e / s


def _tc_head(u_rows, m_rows, wu, wm, b8):
    blk = 2048
    grid = BATCH // blk
    return pl.pallas_call(
        _tc_head_body,
        grid=(grid,),
        in_specs=[
            pl.BlockSpec((blk, EMBD), lambda i: (i, 0)),
            pl.BlockSpec((blk, EMBD), lambda i: (i, 0)),
            pl.BlockSpec((EMBD, OUT_PAD), lambda i: (0, 0)),
            pl.BlockSpec((EMBD, OUT_PAD), lambda i: (0, 0)),
            pl.BlockSpec((1, OUT_PAD), lambda i: (0, 0)),
        ],
        out_specs=pl.BlockSpec((blk, OUT_PAD), lambda i: (i, 0)),
        out_shape=jax.ShapeDtypeStruct((BATCH, OUT_PAD), jnp.float32),
    )(u_rows, m_rows, wu, wm, b8)


def kernel(users, movies, user_table, movie_table, W, b):
    u_rows, m_rows = _sc_filter(users, movies, user_table.T, movie_table.T)
    wu = jnp.pad(W[:EMBD], ((0, 0), (0, OUT_PAD - 5)))
    wm = jnp.pad(W[EMBD:], ((0, 0), (0, OUT_PAD - 5)))
    b8 = jnp.pad(b, (0, OUT_PAD - 5), constant_values=-1e30).reshape(1, OUT_PAD)
    out8 = _tc_head(u_rows, m_rows, wu, wm, b8)
    return out8[:, :5]

# --- scband reference (transcript-rebuilt; emitter-appended) ---
"""Pipeline reference for scband-recommender-system-7808250544788 (READ-ONLY COPY).

The authoritative reference and input builder live on the scoring server;
editing this copy changes nothing except your own understanding.
"""

import jax, jax.numpy as jnp
import numpy as np

N_USERS = 1000000
N_MOVIES = 100000
N_EMBD = 64
BATCH = 16384

def setup_inputs(seed: int = 0) -> dict:
    key = jax.random.key(seed)
    k1, k2, k3, k4, k5, k6 = jax.random.split(key, 6)
    users = jax.random.randint(k1, (BATCH,), 0, N_USERS, dtype=jnp.int64 if jax.config.jax_enable_x64 else jnp.int32)
    movies = jax.random.randint(k2, (BATCH,), 0, N_MOVIES, dtype=jnp.int64 if jax.config.jax_enable_x64 else jnp.int32)
    user_table = jax.random.normal(k3, (N_USERS, N_EMBD), dtype=jnp.float32)
    movie_table = jax.random.normal(k4, (N_MOVIES, N_EMBD), dtype=jnp.float32)
    # Linear(2*n_embd -> 5), PyTorch default init scale ~ 1/sqrt(fan_in)
    bound = 1.0 / np.sqrt(2 * N_EMBD)
    W = jax.random.uniform(k5, (2 * N_EMBD, 5), dtype=jnp.float32, minval=-bound, maxval=bound)
    b = jax.random.uniform(k6, (5,), dtype=jnp.float32, minval=-bound, maxval=bound)
    return {"users": users, "movies": movies, "user_table": user_table, "movie_table": movie_table, "W": W, "b": b}

def reference(users, movies, user_table, movie_table, W, b):
    user_emb = jnp.take(user_table, users, axis=0)
    movie_emb = jnp.take(movie_table, movies, axis=0)
    out = jnp.concatenate([user_emb, movie_emb], axis=1)
    out = out @ W + b
    out = jax.nn.softmax(out, axis=-1)
    return out

if __name__ == "__main__":
    import jax
    _d = setup_inputs()
    print(jax.jit(kernel)(*tuple(_d.values())))

</pallas_src>

<mosaic_0001>
#map = affine_map<(d0, d1) -> (0)>
#map1 = affine_map<(d0, d1) -> (0, 0)>
module attributes {stable_mosaic.version = 14 : i64} {
  func.func @_sc_filter_body(%arg0: i32, %arg1: i32, %arg2: memref<16384xi32, #tpu.memory_space<hbm>>, %arg3: memref<16384xi32, #tpu.memory_space<hbm>>, %arg4: memref<64x1000000xf32, #tpu.memory_space<hbm>>, %arg5: memref<64x100000xf32, #tpu.memory_space<hbm>>, %arg6: memref<16384x64xf32, #tpu.memory_space<hbm>>, %arg7: memref<16384x64xf32, #tpu.memory_space<hbm>>, %arg8: memref<16384xi32, #tpu.memory_space<vmem>>, %arg9: memref<16400xi32, #tpu.memory_space<vmem>>, %arg10: memref<16400xi32, #tpu.memory_space<vmem>>, %arg11: memref<4x64x256xf32, #tpu.memory_space<vmem>>, %arg12: memref<8x64xf32, #tpu.memory_space<vmem>>, %arg13: memref<!tpu.dma_semaphore, #tpu.memory_space<semaphore_mem>>, %arg14: memref<!tpu.dma_semaphore, #tpu.memory_space<semaphore_mem>>) attributes {dimension_semantics = [#tpu.dimension_semantics<core_parallel>, #tpu.dimension_semantics<subcore_parallel>], iteration_bounds = array<i64: 2, 16>, scalar_prefetch = 0 : i64, scratch_operands = 7 : i64, tpu.core_type = #tpu.core_type<sc_vector_subcore>, window_params = [{transform_indices = #map}, {transform_indices = #map}, {transform_indices = #map1}, {transform_indices = #map1}, {transform_indices = #map1}, {transform_indices = #map1}]} {
    %mul3A = arith.constant 2 : i32
    %mul3A_0 = arith.muli %arg1, %mul3A : i32
    %add3A = arith.addi %mul3A_0, %arg0 : i32
    %iota3A = tpu.iota {dimensions = array<i32: 0>} : vector<16xi32>
    %mul3A_1 = arith.constant 31250 : i32
    %mul3A_2 = arith.muli %mul3A_1, %add3A : i32
    %and3A = arith.constant -256 : i32
    %and3A_3 = arith.andi %mul3A_2, %and3A : i32
    %add3A_4 = arith.constant 1 : i32
    %add3A_5 = arith.addi %add3A, %add3A_4 : i32
    %mul3A_6 = arith.constant 31250 : i32
    %mul3A_7 = arith.muli %mul3A_6, %add3A_5 : i32
    %and3A_8 = arith.constant -256 : i32
    %and3A_9 = arith.andi %mul3A_7, %and3A_8 : i32
    %eq3A = arith.constant 31 : i32
    %eq3A_10 = arith.cmpi eq, %add3A, %eq3A : i32
    %jit3A = arith.constant 1000000 : i32
    %select_n3A = arith.select %eq3A_10, %jit3A, %and3A_9 : i32
    %sub3A = arith.subi %and3A_9, %and3A_3 : i32
    %shift_right_logical3A = arith.constant 8 : i32
    %shift_right_logical3A_11 = arith.shrui %sub3A, %shift_right_logical3A : i32
    %add3A_12 = arith.constant 0 : i32
    %add3A_13 = arith.addi %and3A_3, %add3A_12 : i32
    %multiple_of3A = tpu.assume_multiple %add3A_13, 128 : i32
    %and3A_14 = arith.constant 0 : i32
    %and3A_15 = arith.constant 3 : i32
    %and3A_16 = arith.andi %and3A_14, %and3A_15 : i32
    %dma_start3A = arith.constant 0 : i32
    %dma_start3A_17 = arith.constant 0 : i32
    %dma_start3A_18 = tpu.memref_slice %arg11[%and3A_16, %dma_start3A, %dma_start3A_17] : memref<4x64x256xf32, #tpu.memory_space<vmem>> -> memref<1x64x256xf32, #tpu.memory_space<vmem>>
    %dma_start3A_19 = tpu.memref_squeeze %dma_start3A_18 : memref<1x64x256xf32, #tpu.memory_space<vmem>> -> memref<64x256xf32, #tpu.memory_space<vmem>>
    %dma_start3A_20 = arith.constant 0 : i32
    %dma_start3A_21 = tpu.memref_slice %arg4[%dma_start3A_20, %multiple_of3A] : memref<64x1000000xf32, #tpu.memory_space<hbm>> -> memref<64x256xf32, #tpu.memory_space<hbm>>
    %dma_start3A_22 = arith.constant 0 : i32
    %dma_start3A_23 = arith.constant 0 : i32
    %dma_start3A_24 = tpu.memref_slice %arg11[%and3A_16, %dma_start3A_22, %dma_start3A_23] : memref<4x64x256xf32, #tpu.memory_space<vmem>> -> memref<1x64x256xf32, #tpu.memory_space<vmem>>
    %dma_start3A_25 = tpu.memref_squeeze %dma_start3A_24 : memref<1x64x256xf32, #tpu.memory_space<vmem>> -> memref<64x256xf32, #tpu.memory_space<vmem>>
    %dma_start3A_26 = arith.constant 0 : i32
    %dma_start3A_27 = tpu.memref_slice %arg4[%dma_start3A_26, %multiple_of3A] : memref<64x1000000xf32, #tpu.memory_space<hbm>> -> memref<64x256xf32, #tpu.memory_space<hbm>>
    tpu.enqueue_dma source(%dma_start3A_27 : memref<64x256xf32, #tpu.memory_space<hbm>>) target(%dma_start3A_25 : memref<64x256xf32, #tpu.memory_space<vmem>>) target_semaphore(%arg13 : memref<!tpu.dma_semaphore, #tpu.memory_space<semaphore_mem>>)
    %add3A_28 = arith.constant 256 : i32
    %add3A_29 = arith.addi %and3A_3, %add3A_28 : i32
    %multiple_of3A_30 = tpu.assume_multiple %add3A_29, 128 : i32
    %and3A_31 = arith.constant 1 : i32
    %and3A_32 = arith.constant 3 : i32
    %and3A_33 = arith.andi %and3A_31, %and3A_32 : i32
    %dma_start3A_34 = arith.constant 0 : i32
    %dma_start3A_35 = arith.constant 0 : i32
    %dma_start3A_36 = tpu.memref_slice %arg11[%and3A_33, %dma_start3A_34, %dma_start3A_35] : memref<4x64x256xf32, #tpu.memory_space<vmem>> -> memref<1x64x256xf32, #tpu.memory_space<vmem>>
    %dma_start3A_37 = tpu.memref_squeeze %dma_start3A_36 : memref<1x64x256xf32, #tpu.memory_space<vmem>> -> memref<64x256xf32, #tpu.memory_space<vmem>>
    %dma_start3A_38 = arith.constant 0 : i32
    %dma_start3A_39 = tpu.memref_slice %arg4[%dma_start3A_38, %multiple_of3A_30] : memref<64x1000000xf32, #tpu.memory_space<hbm>> -> memref<64x256xf32, #tpu.memory_space<hbm>>
    %dma_start3A_40 = arith.constant 0 : i32
    %dma_start3A_41 = arith.constant 0 : i32
    %dma_start3A_42 = tpu.memref_slice %arg11[%and3A_33, %dma_start3A_40, %dma_start3A_41] : memref<4x64x256xf32, #tpu.memory_space<vmem>> -> memref<1x64x256xf32, #tpu.memory_space<vmem>>
    %dma_start3A_43 = tpu.memref_squeeze %dma_start3A_42 : memref<1x64x256xf32, #tpu.memory_space<vmem>> -> memref<64x256xf32, #tpu.memory_space<vmem>>
    %dma_start3A_44 = arith.constant 0 : i32
    %dma_start3A_45 = tpu.memref_slice %arg4[%dma_start3A_44, %multiple_of3A_30] : memref<64x1000000xf32, #tpu.memory_space<hbm>> -> memref<64x256xf32, #tpu.memory_space<hbm>>
    tpu.enqueue_dma source(%dma_start3A_45 : memref<64x256xf32, #tpu.memory_space<hbm>>) target(%dma_start3A_43 : memref<64x256xf32, #tpu.memory_space<vmem>>) target_semaphore(%arg13 : memref<!tpu.dma_semaphore, #tpu.memory_space<semaphore_mem>>)
    %add3A_46 = arith.constant 512 : i32
    %add3A_47 = arith.addi %and3A_3, %add3A_46 : i32
    %multiple_of3A_48 = tpu.assume_multiple %add3A_47, 128 : i32
    %and3A_49 = arith.constant 2 : i32
    %and3A_50 = arith.constant 3 : i32
    %and3A_51 = arith.andi %and3A_49, %and3A_50 : i32
    %dma_start3A_52 = arith.constant 0 : i32
    %dma_start3A_53 = arith.constant 0 : i32
    %dma_start3A_54 = tpu.memref_slice %arg11[%and3A_51, %dma_start3A_52, %dma_start3A_53] : memref<4x64x256xf32, #tpu.memory_space<vmem>> -> memref<1x64x256xf32, #tpu.memory_space<vmem>>
    %dma_start3A_55 = tpu.memref_squeeze %dma_start3A_54 : memref<1x64x256xf32, #tpu.memory_space<vmem>> -> memref<64x256xf32, #tpu.memory_space<vmem>>
    %dma_start3A_56 = arith.constant 0 : i32
    %dma_start3A_57 = tpu.memref_slice %arg4[%dma_start3A_56, %multiple_of3A_48] : memref<64x1000000xf32, #tpu.memory_space<hbm>> -> memref<64x256xf32, #tpu.memory_space<hbm>>
    %dma_start3A_58 = arith.constant 0 : i32
    %dma_start3A_59 = arith.constant 0 : i32
    %dma_start3A_60 = tpu.memref_slice %arg11[%and3A_51, %dma_start3A_58, %dma_start3A_59] : memref<4x64x256xf32, #tpu.memory_space<vmem>> -> memref<1x64x256xf32, #tpu.memory_space<vmem>>
    %dma_start3A_61 = tpu.memref_squeeze %dma_start3A_60 : memref<1x64x256xf32, #tpu.memory_space<vmem>> -> memref<64x256xf32, #tpu.memory_space<vmem>>
    %dma_start3A_62 = arith.constant 0 : i32
    %dma_start3A_63 = tpu.memref_slice %arg4[%dma_start3A_62, %multiple_of3A_48] : memref<64x1000000xf32, #tpu.memory_space<hbm>> -> memref<64x256xf32, #tpu.memory_space<hbm>>
    tpu.enqueue_dma source(%dma_start3A_63 : memref<64x256xf32, #tpu.memory_space<hbm>>) target(%dma_start3A_61 : memref<64x256xf32, #tpu.memory_space<vmem>>) target_semaphore(%arg13 : memref<!tpu.dma_semaphore, #tpu.memory_space<semaphore_mem>>)
    "tpu.region"() ({
      %run_scoped3A = tpu.sem_alloc : memref<!tpu.dma_semaphore, #tpu.memory_space<semaphore_mem>>
      tpu.enqueue_dma source(%arg2 : memref<16384xi32, #tpu.memory_space<hbm>>) target(%arg8 : memref<16384xi32, #tpu.memory_space<vmem>>) target_semaphore(%run_scoped3A : memref<!tpu.dma_semaphore, #tpu.memory_space<semaphore_mem>>)
      tpu.wait_dma2 semaphore(%run_scoped3A : memref<!tpu.dma_semaphore, #tpu.memory_space<semaphore_mem>>) src(%arg2 : memref<16384xi32, #tpu.memory_space<hbm>>) dst(%arg8 : memref<16384xi32, #tpu.memory_space<vmem>>)
      tpu.yield
    }) : () -> ()
    %scan3A = arith.constant 0 : i32
    %scan3A_64 = arith.constant 0 : i32
    %scan3A_65 = arith.constant 1024 : i32
    %scan3A_66 = arith.addi %scan3A_64, %scan3A_65 : i32
    %scan3A_67 = arith.constant 1 : i32
    %scan3A_68 = scf.for %scan3A_238 = %scan3A_64 to %scan3A_66 step %scan3A_67 iter_args(%scan3A_239 = %scan3A) -> (i32)  : i32 {
      %mul3A_240 = arith.constant 16 : i32
      %mul3A_241 = arith.muli %scan3A_238, %mul3A_240 : i32
      %get3A = arith.index_cast %mul3A_241 : i32 to index
      %get3A_242 = tpu.vector_load %arg8[%get3A] {strides = array<i32>} : memref<16384xi32, #tpu.memory_space<vmem>>, vector<16xi32>,
      %ge3A = vector.broadcast %and3A_3 : i32 to vector<16xi32>
      %ge3A_243 = arith.cmpi sge, %get3A_242, %ge3A : vector<16xi32>
      %lt3A = vector.broadcast %select_n3A : i32 to vector<16xi32>
      %lt3A_244 = arith.cmpi slt, %get3A_242, %lt3A : vector<16xi32>
      %and3A_245 = arith.andi %ge3A_243, %lt3A_244 : vector<16xi1>
      %mul3A_246 = arith.constant 16 : i32
      %mul3A_247 = arith.muli %scan3A_238, %mul3A_246 : i32
      %add3A_248 = vector.broadcast %mul3A_247 : i32 to vector<16xi32>
      %add3A_249 = arith.addi %iota3A, %add3A_248 : vector<16xi32>
      %shift_left3A = arith.constant 15 : i32
      %shift_left3A_250 = vector.broadcast %shift_left3A : i32 to vector<16xi32>
      %shift_left3A_251 = arith.shli %add3A_249, %shift_left3A_250 : vector<16xi32>
      %sub3A_252 = vector.broadcast %and3A_3 : i32 to vector<16xi32>
      %sub3A_253 = arith.subi %get3A_242, %sub3A_252 : vector<16xi32>
      %add3A_254 = arith.addi %shift_left3A_251, %sub3A_253 : vector<16xi32>
      %swap3A = arith.index_cast %scan3A_239 : i32 to index
      %swap3A_255 = tpu.vector_load %arg9[%swap3A] masked %and3A_245 {strides = array<i32>} : memref<16400xi32, #tpu.memory_space<vmem>>, vector<16xi32>, vector<16xi1>
      tpu.vector_store %arg9[%swap3A], %add3A_254 masked %and3A_245 {strides = array<i32>} : memref<16400xi32, #tpu.memory_space<vmem>>, vector<16xi32>, vector<16xi1>
      %all_reduce_population_count3A = tpu.all_reduce %and3A_245 {dim = 0 : i64, kind = #tpu.reduction_kind<sum>} : vector<16xi1> -> vector<16xi32>
      %slice3A = vector.extract_strided_slice %all_reduce_population_count3A {offsets = [0], sizes = [1], strides = [1]} : vector<16xi32> to vector<1xi32>
      %squeeze3A = vector.extract %slice3A[0] : i32 from vector<1xi32>
      %add3A_256 = arith.addi %scan3A_239, %squeeze3A : i32
      scf.yield %add3A_256 : i32
    }
    %scan3A_69 = arith.constant 1024 : i32
    %while3A = arith.constant 0 : i32
    %while3A_70 = arith.constant 0 : i32
    %while3A_71 = arith.subi %shift_right_logical3A_11, %while3A : i32
    %while3A_72 = arith.addi %while3A, %while3A_71 : i32
    %while3A_73 = arith.constant 1 : i32
    %while3A_74 = arith.divsi %while3A_71, %while3A_73 : i32
    %while3A_75 = arith.muli %while3A_74, %while3A_73 : i32
    %while3A_76 = arith.addi %while3A, %while3A_75 : i32
    %while3A_77 = arith.constant 1 : i32
    %while3A_78 = scf.for %while3A_238 = %while3A to %while3A_76 step %while3A_77 iter_args(%while3A_239 = %while3A_70) -> (i32)  : i32 {
      %dma_wait3A = arith.constant 0 : i32
      %dma_wait3A_240 = arith.constant 0 : i32
      %dma_wait3A_241 = arith.constant 0 : i32
      %dma_wait3A_242 = tpu.memref_slice %arg11[%dma_wait3A, %dma_wait3A_240, %dma_wait3A_241] : memref<4x64x256xf32, #tpu.memory_space<vmem>> -> memref<1x64x256xf32, #tpu.memory_space<vmem>>
      %dma_wait3A_243 = tpu.memref_squeeze %dma_wait3A_242 : memref<1x64x256xf32, #tpu.memory_space<vmem>> -> memref<64x256xf32, #tpu.memory_space<vmem>>
      %dma_wait3A_244 = arith.constant 0 : i32
      %dma_wait3A_245 = arith.constant 0 : i32
      %dma_wait3A_246 = tpu.memref_slice %arg4[%dma_wait3A_244, %dma_wait3A_245] : memref<64x1000000xf32, #tpu.memory_space<hbm>> -> memref<64x256xf32, #tpu.memory_space<hbm>>
      %dma_wait3A_247 = arith.constant 0 : i32
      %dma_wait3A_248 = arith.constant 0 : i32
      %dma_wait3A_249 = tpu.memref_slice %arg11[%dma_wait3A, %dma_wait3A_247, %dma_wait3A_248] : memref<4x64x256xf32, #tpu.memory_space<vmem>> -> memref<1x64x256xf32, #tpu.memory_space<vmem>>
      %dma_wait3A_250 = tpu.memref_squeeze %dma_wait3A_249 : memref<1x64x256xf32, #tpu.memory_space<vmem>> -> memref<64x256xf32, #tpu.memory_space<vmem>>
      %dma_wait3A_251 = arith.constant 0 : i32
      %dma_wait3A_252 = arith.constant 0 : i32
      %dma_wait3A_253 = tpu.memref_slice %arg4[%dma_wait3A_251, %dma_wait3A_252] : memref<64x1000000xf32, #tpu.memory_space<hbm>> -> memref<64x256xf32, #tpu.memory_space<hbm>>
      tpu.wait_dma2 semaphore(%arg13 : memref<!tpu.dma_semaphore, #tpu.memory_space<semaphore_mem>>) src(%dma_wait3A_253 : memref<64x256xf32, #tpu.memory_space<hbm>>) dst(%dma_wait3A_250 : memref<64x256xf32, #tpu.memory_space<vmem>>)
      %add3A_254 = arith.constant 3 : i32
      %add3A_255 = arith.addi %while3A_238, %add3A_254 : i32
      %lt3A = arith.cmpi slt, %add3A_255, %shift_right_logical3A_11 : i32
      %convert_element_type3A = arith.extui %lt3A : i1 to i32
      %cond3A = arith.constant 0 : i32
      %cond3A_256 = arith.cmpi ne, %convert_element_type3A, %cond3A : i32
      scf.if %cond3A_256 {
        %add3A_306 = arith.constant 3 : i32
        %add3A_307 = arith.addi %while3A_238, %add3A_306 : i32
        %mul3A_308 = arith.constant 256 : i32
        %mul3A_309 = arith.muli %add3A_307, %mul3A_308 : i32
        %add3A_310 = arith.addi %and3A_3, %mul3A_309 : i32
        %multiple_of3A_311 = tpu.assume_multiple %add3A_310, 128 : i32
        %and3A_312 = arith.constant 3 : i32
        %and3A_313 = arith.andi %add3A_307, %and3A_312 : i32
        %dma_start3A_314 = arith.constant 0 : i32
        %dma_start3A_315 = arith.constant 0 : i32
        %dma_start3A_316 = tpu.memref_slice %arg11[%and3A_313, %dma_start3A_314, %dma_start3A_315] : memref<4x64x256xf32, #tpu.memory_space<vmem>> -> memref<1x64x256xf32, #tpu.memory_space<vmem>>
        %dma_start3A_317 = tpu.memref_squeeze %dma_start3A_316 : memref<1x64x256xf32, #tpu.memory_space<vmem>> -> memref<64x256xf32, #tpu.memory_space<vmem>>
        %dma_start3A_318 = arith.constant 0 : i32
        %dma_start3A_319 = tpu.memref_slice %arg4[%dma_start3A_318, %multiple_of3A_311] : memref<64x1000000xf32, #tpu.memory_space<hbm>> -> memref<64x256xf32, #tpu.memory_space<hbm>>
        %dma_start3A_320 = arith.constant 0 : i32
        %dma_start3A_321 = arith.constant 0 : i32
        %dma_start3A_322 = tpu.memref_slice %arg11[%and3A_313, %dma_start3A_320, %dma_start3A_321] : memref<4x64x256xf32, #tpu.memory_space<vmem>> -> memref<1x64x256xf32, #tpu.memory_space<vmem>>
        %dma_start3A_323 = tpu.memref_squeeze %dma_start3A_322 : memref<1x64x256xf32, #tpu.memory_space<vmem>> -> memref<64x256xf32, #tpu.memory_space<vmem>>
        %dma_start3A_324 = arith.constant 0 : i32
        %dma_start3A_325 = tpu.memref_slice %arg4[%dma_start3A_324, %multiple_of3A_311] : memref<64x1000000xf32, #tpu.memory_space<hbm>> -> memref<64x256xf32, #tpu.memory_space<hbm>>
        tpu.enqueue_dma source(%dma_start3A_325 : memref<64x256xf32, #tpu.memory_space<hbm>>) target(%dma_start3A_323 : memref<64x256xf32, #tpu.memory_space<vmem>>) target_semaphore(%arg13 : memref<!tpu.dma_semaphore, #tpu.memory_space<semaphore_mem>>)
      } else {
      }
      %mul3A_257 = arith.constant 256 : i32
      %mul3A_258 = arith.muli %while3A_238, %mul3A_257 : i32
      %and3A_259 = arith.constant 3 : i32
      %and3A_260 = arith.andi %while3A_238, %and3A_259 : i32
      %add3A_261 = arith.constant 15 : i32
      %add3A_262 = arith.addi %scan3A_68, %add3A_261 : i32
      %jit3A_263 = arith.constant 16 : i32
      %div3A = arith.divsi %add3A_262, %jit3A_263 : i32
      %sign3A = arith.constant 0 : i32
      %sign3A_264 = arith.cmpi sgt, %add3A_262, %sign3A : i32
      %sign3A_265 = arith.extui %sign3A_264 : i1 to i32
      %sign3A_266 = arith.constant 0 : i32
      %sign3A_267 = arith.cmpi slt, %add3A_262, %sign3A_266 : i32
      %sign3A_268 = arith.extui %sign3A_267 : i1 to i32
      %sign3A_269 = arith.subi %sign3A_265, %sign3A_268 : i32
      %sign3A_270 = arith.constant 0 : i32
      %sign3A_271 = arith.cmpi sgt, %jit3A_263, %sign3A_270 : i32
      %sign3A_272 = arith.extui %sign3A_271 : i1 to i32
      %sign3A_273 = arith.constant 0 : i32
      %sign3A_274 = arith.cmpi slt, %jit3A_263, %sign3A_273 : i32
      %sign3A_275 = arith.extui %sign3A_274 : i1 to i32
      %sign3A_276 = arith.subi %sign3A_272, %sign3A_275 : i32
      %ne3A = arith.cmpi ne, %sign3A_269, %sign3A_276 : i32
      %rem3A = arith.remsi %add3A_262, %jit3A_263 : i32
      %ne3A_277 = arith.constant 0 : i32
      %ne3A_278 = arith.cmpi ne, %rem3A, %ne3A_277 : i32
      %and3A_279 = arith.andi %ne3A, %ne3A_278 : i1
      %sub3A_280 = arith.constant 1 : i32
      %sub3A_281 = arith.subi %div3A, %sub3A_280 : i32
      %select_n3A_282 = arith.select %and3A_279, %sub3A_281, %div3A : i32
      %while3A_283 = arith.constant 0 : i32
      %while3A_284 = arith.constant 0 : i32
      %while3A_285 = arith.subi %select_n3A_282, %while3A_283 : i32
      %while3A_286 = arith.addi %while3A_283, %while3A_285 : i32
      %while3A_287 = arith.constant 1 : i32
      %while3A_288 = arith.divsi %while3A_285, %while3A_287 : i32
      %while3A_289 = arith.muli %while3A_288, %while3A_287 : i32
      %while3A_290 = arith.addi %while3A_283, %while3A_289 : i32
      %while3A_291 = arith.constant 1 : i32
      %while3A_292 = scf.for %while3A_306 = %while3A_283 to %while3A_290 step %while3A_291 iter_args(%while3A_307 = %while3A_284) -> (i32)  : i32 {
        %mul3A_308 = arith.constant 16 : i32
        %mul3A_309 = arith.muli %while3A_306, %mul3A_308 : i32
        %get3A = arith.index_cast %mul3A_309 : i32 to index
        %get3A_310 = tpu.vector_load %arg9[%get3A] {strides = array<i32>} : memref<16400xi32, #tpu.memory_space<vmem>>, vector<16xi32>,
        %and3A_311 = arith.constant 32767 : i32
        %and3A_312 = vector.broadcast %and3A_311 : i32 to vector<16xi32>
        %and3A_313 = arith.andi %get3A_310, %and3A_312 : vector<16xi32>
        %ge3A = vector.broadcast %mul3A_258 : i32 to vector<16xi32>
        %ge3A_314 = arith.cmpi sge, %and3A_313, %ge3A : vector<16xi32>
        %add3A_315 = arith.constant 256 : i32
        %add3A_316 = arith.addi %mul3A_258, %add3A_315 : i32
        %lt3A_317 = vector.broadcast %add3A_316 : i32 to vector<16xi32>
        %lt3A_318 = arith.cmpi slt, %and3A_313, %lt3A_317 : vector<16xi32>
        %and3A_319 = arith.andi %ge3A_314, %lt3A_318 : vector<16xi1>
        %mul3A_320 = arith.constant 16 : i32
        %mul3A_321 = arith.muli %while3A_306, %mul3A_320 : i32
        %sub3A_322 = arith.subi %scan3A_68, %mul3A_321 : i32
        %lt3A_323 = vector.broadcast %sub3A_322 : i32 to vector<16xi32>
        %lt3A_324 = arith.cmpi slt, %iota3A, %lt3A_323 : vector<16xi32>
        %and3A_325 = arith.andi %and3A_319, %lt3A_324 : vector<16xi1>
        %swap3A = arith.index_cast %while3A_307 : i32 to index
        %swap3A_326 = tpu.vector_load %arg10[%swap3A] masked %and3A_325 {strides = array<i32>} : memref<16400xi32, #tpu.memory_space<vmem>>, vector<16xi32>, vector<16xi1>
        tpu.vector_store %arg10[%swap3A], %get3A_310 masked %and3A_325 {strides = array<i32>} : memref<16400xi32, #tpu.memory_space<vmem>>, vector<16xi32>, vector<16xi1>
        %all_reduce_population_count3A = tpu.all_reduce %and3A_325 {dim = 0 : i64, kind = #tpu.reduction_kind<sum>} : vector<16xi1> -> vector<16xi32>
        %slice3A = vector.extract_strided_slice %all_reduce_population_count3A {offsets = [0], sizes = [1], strides = [1]} : vector<16xi32> to vector<1xi32>
        %squeeze3A = vector.extract %slice3A[0] : i32 from vector<1xi32>
        %add3A_327 = arith.addi %while3A_307, %squeeze3A : i32
        scf.yield %add3A_327 : i32
      }
      %while3A_293 = arith.constant 1 : i32
      %while3A_294 = scf.for %while3A_306 = %while3A_290 to %while3A_286 step %while3A_293 iter_args(%while3A_307 = %while3A_292) -> (i32)  : i32 {
        %mul3A_308 = arith.constant 16 : i32
        %mul3A_309 = arith.muli %while3A_306, %mul3A_308 : i32
        %get3A = arith.index_cast %mul3A_309 : i32 to index
        %get3A_310 = tpu.vector_load %arg9[%get3A] {strides = array<i32>} : memref<16400xi32, #tpu.memory_space<vmem>>, vector<16xi32>,
        %and3A_311 = arith.constant 32767 : i32
        %and3A_312 = vector.broadcast %and3A_311 : i32 to vector<16xi32>
        %and3A_313 = arith.andi %get3A_310, %and3A_312 : vector<16xi32>
        %ge3A = vector.broadcast %mul3A_258 : i32 to vector<16xi32>
        %ge3A_314 = arith.cmpi sge, %and3A_313, %ge3A : vector<16xi32>
        %add3A_315 = arith.constant 256 : i32
        %add3A_316 = arith.addi %mul3A_258, %add3A_315 : i32
        %lt3A_317 = vector.broadcast %add3A_316 : i32 to vector<16xi32>
        %lt3A_318 = arith.cmpi slt, %and3A_313, %lt3A_317 : vector<16xi32>
        %and3A_319 = arith.andi %ge3A_314, %lt3A_318 : vector<16xi1>
        %mul3A_320 = arith.constant 16 : i32
        %mul3A_321 = arith.muli %while3A_306, %mul3A_320 : i32
        %sub3A_322 = arith.subi %scan3A_68, %mul3A_321 : i32
        %lt3A_323 = vector.broadcast %sub3A_322 : i32 to vector<16xi32>
        %lt3A_324 = arith.cmpi slt, %iota3A, %lt3A_323 : vector<16xi32>
        %and3A_325 = arith.andi %and3A_319, %lt3A_324 : vector<16xi1>
        %swap3A = arith.index_cast %while3A_307 : i32 to index
        %swap3A_326 = tpu.vector_load %arg10[%swap3A] masked %and3A_325 {strides = array<i32>} : memref<16400xi32, #tpu.memory_space<vmem>>, vector<16xi32>, vector<16xi1>
        tpu.vector_store %arg10[%swap3A], %get3A_310 masked %and3A_325 {strides = array<i32>} : memref<16400xi32, #tpu.memory_space<vmem>>, vector<16xi32>, vector<16xi1>
        %all_reduce_population_count3A = tpu.all_reduce %and3A_325 {dim = 0 : i64, kind = #tpu.reduction_kind<sum>} : vector<16xi1> -> vector<16xi32>
        %slice3A = vector.extract_strided_slice %all_reduce_population_count3A {offsets = [0], sizes = [1], strides = [1]} : vector<16xi32> to vector<1xi32>
        %squeeze3A = vector.extract %slice3A[0] : i32 from vector<1xi32>
        %add3A_327 = arith.addi %while3A_307, %squeeze3A : i32
        scf.yield %add3A_327 : i32
      }
      %broadcast_in_dim3A = vector.broadcast %and3A_260 : i32 to vector<16xi32>
      %while3A_295 = arith.constant 0 : i32
      %while3A_296 = arith.subi %while3A_294, %while3A_295 : i32
      %while3A_297 = arith.addi %while3A_295, %while3A_296 : i32
      %while3A_298 = arith.constant 1 : i32
      %while3A_299 = arith.divsi %while3A_296, %while3A_298 : i32
      %while3A_300 = arith.muli %while3A_299, %while3A_298 : i32
      %while3A_301 = arith.addi %while3A_295, %while3A_300 : i32
      %while3A_302 = arith.constant 1 : i32
      %while3A_303 = scf.for %while3A_306 = %while3A_295 to %while3A_301 step %while3A_302 iter_args(%while3A_307 = %while3A_239) -> (i32)  : i32 {
        %get3A = arith.index_cast %while3A_306 : i32 to index
        %get3A_308 = tpu.vector_load %arg10[%get3A] {strides = array<i32>} : memref<16400xi32, #tpu.memory_space<vmem>>, vector<16xi32>,
        %slice3A = vector.extract_strided_slice %get3A_308 {offsets = [0], sizes = [1], strides = [1]} : vector<16xi32> to vector<1xi32>
        %squeeze3A = vector.extract %slice3A[0] : i32 from vector<1xi32>
        %shift_right_logical3A_309 = arith.constant 15 : i32
        %shift_right_logical3A_310 = arith.shrui %squeeze3A, %shift_right_logical3A_309 : i32
        %and3A_311 = arith.constant 32767 : i32
        %and3A_312 = arith.andi %squeeze3A, %and3A_311 : i32
        %sub3A_313 = arith.subi %and3A_312, %mul3A_258 : i32
        %broadcast_in_dim3A_314 = vector.broadcast %sub3A_313 : i32 to vector<16xi32>
        %and3A_315 = arith.constant 7 : i32
        %and3A_316 = arith.andi %while3A_307, %and3A_315 : i32
        %add3A_317 = arith.constant 0 : i32
        %add3A_318 = vector.broadcast %add3A_317 : i32 to vector<16xi32>
        %add3A_319 = arith.addi %iota3A, %add3A_318 : vector<16xi32>
        %gather3A = tpu.vector_load_idx %arg11[%broadcast_in_dim3A, %add3A_319, %broadcast_in_dim3A_314] : memref<4x64x256xf32, #tpu.memory_space<vmem>>[vector<16xi32>, vector<16xi32>, vector<16xi32>], vector<16xf32>,
        %swap3A = arith.index_cast %and3A_316 : i32 to index
        %swap3A_320 = arith.constant 0 : index
        %swap3A_321 = tpu.vector_load %arg12[%swap3A, %swap3A_320] {strides = array<i32>} : memref<8x64xf32, #tpu.memory_space<vmem>>, vector<16xf32>,
        tpu.vector_store %arg12[%swap3A, %swap3A_320], %gather3A {strides = array<i32>} : memref<8x64xf32, #tpu.memory_space<vmem>>, vector<16xf32>,
        %add3A_322 = arith.constant 16 : i32
        %add3A_323 = vector.broadcast %add3A_322 : i32 to vector<16xi32>
        %add3A_324 = arith.addi %iota3A, %add3A_323 : vector<16xi32>
        %gather3A_325 = tpu.vector_load_idx %arg11[%broadcast_in_dim3A, %add3A_324, %broadcast_in_dim3A_314] : memref<4x64x256xf32, #tpu.memory_space<vmem>>[vector<16xi32>, vector<16xi32>, vector<16xi32>], vector<16xf32>,
        %swap3A_326 = arith.index_cast %and3A_316 : i32 to index
        %swap3A_327 = arith.constant 16 : index
        %swap3A_328 = tpu.vector_load %arg12[%swap3A_326, %swap3A_327] {strides = array<i32>} : memref<8x64xf32, #tpu.memory_space<vmem>>, vector<16xf32>,
        tpu.vector_store %arg12[%swap3A_326, %swap3A_327], %gather3A_325 {strides = array<i32>} : memref<8x64xf32, #tpu.memory_space<vmem>>, vector<16xf32>,
        %add3A_329 = arith.constant 32 : i32
        %add3A_330 = vector.broadcast %add3A_329 : i32 to vector<16xi32>
        %add3A_331 = arith.addi %iota3A, %add3A_330 : vector<16xi32>
        %gather3A_332 = tpu.vector_load_idx %arg11[%broadcast_in_dim3A, %add3A_331, %broadcast_in_dim3A_314] : memref<4x64x256xf32, #tpu.memory_space<vmem>>[vector<16xi32>, vector<16xi32>, vector<16xi32>], vector<16xf32>,
        %swap3A_333 = arith.index_cast %and3A_316 : i32 to index
        %swap3A_334 = arith.constant 32 : index
        %swap3A_335 = tpu.vector_load %arg12[%swap3A_333, %swap3A_334] {strides = array<i32>} : memref<8x64xf32, #tpu.memory_space<vmem>>, vector<16xf32>,
        tpu.vector_store %arg12[%swap3A_333, %swap3A_334], %gather3A_332 {strides = array<i32>} : memref<8x64xf32, #tpu.memory_space<vmem>>, vector<16xf32>,
        %add3A_336 = arith.constant 48 : i32
        %add3A_337 = vector.broadcast %add3A_336 : i32 to vector<16xi32>
        %add3A_338 = arith.addi %iota3A, %add3A_337 : vector<16xi32>
        %gather3A_339 = tpu.vector_load_idx %arg11[%broadcast_in_dim3A, %add3A_338, %broadcast_in_dim3A_314] : memref<4x64x256xf32, #tpu.memory_space<vmem>>[vector<16xi32>, vector<16xi32>, vector<16xi32>], vector<16xf32>,
        %swap3A_340 = arith.index_cast %and3A_316 : i32 to index
        %swap3A_341 = arith.constant 48 : index
        %swap3A_342 = tpu.vector_load %arg12[%swap3A_340, %swap3A_341] {strides = array<i32>} : memref<8x64xf32, #tpu.memory_space<vmem>>, vector<16xf32>,
        tpu.vector_store %arg12[%swap3A_340, %swap3A_341], %gather3A_339 {strides = array<i32>} : memref<8x64xf32, #tpu.memory_space<vmem>>, vector<16xf32>,
        %ge3A = arith.constant 8 : i32
        %ge3A_343 = arith.cmpi sge, %while3A_307, %ge3A : i32
        %convert_element_type3A_344 = arith.extui %ge3A_343 : i1 to i32
        %cond3A_345 = arith.constant 0 : i32
        %cond3A_346 = arith.cmpi ne, %convert_element_type3A_344, %cond3A_345 : i32
        scf.if %cond3A_346 {
          %dma_wait3A_357 = arith.constant 0 : i32
          %dma_wait3A_358 = arith.constant 0 : i32
          %dma_wait3A_359 = tpu.memref_slice %arg12[%dma_wait3A_357, %dma_wait3A_358] : memref<8x64xf32, #tpu.memory_space<vmem>> -> memref<1x64xf32, #tpu.memory_space<vmem>>
          %dma_wait3A_360 = arith.constant 0 : i32
          %dma_wait3A_361 = arith.constant 0 : i32
          %dma_wait3A_362 = tpu.memref_slice %arg6[%dma_wait3A_360, %dma_wait3A_361] : memref<16384x64xf32, #tpu.memory_space<hbm>> -> memref<1x64xf32, #tpu.memory_space<hbm>>
          %dma_wait3A_363 = arith.constant 0 : i32
          %dma_wait3A_364 = arith.constant 0 : i32
          %dma_wait3A_365 = tpu.memref_slice %arg12[%dma_wait3A_363, %dma_wait3A_364] : memref<8x64xf32, #tpu.memory_space<vmem>> -> memref<1x64xf32, #tpu.memory_space<vmem>>
          %dma_wait3A_366 = arith.constant 0 : i32
          %dma_wait3A_367 = arith.constant 0 : i32
          %dma_wait3A_368 = tpu.memref_slice %arg6[%dma_wait3A_366, %dma_wait3A_367] : memref<16384x64xf32, #tpu.memory_space<hbm>> -> memref<1x64xf32, #tpu.memory_space<hbm>>
          tpu.wait_dma2 semaphore(%arg14 : memref<!tpu.dma_semaphore, #tpu.memory_space<semaphore_mem>>) src(%dma_wait3A_368 : memref<1x64xf32, #tpu.memory_space<hbm>>) dst(%dma_wait3A_365 : memref<1x64xf32, #tpu.memory_space<vmem>>)
        } else {
        }
        %dma_start3A_347 = arith.constant 0 : i32
        %dma_start3A_348 = tpu.memref_slice %arg12[%and3A_316, %dma_start3A_347] : memref<8x64xf32, #tpu.memory_space<vmem>> -> memref<1x64xf32, #tpu.memory_space<vmem>>
        %dma_start3A_349 = arith.constant 0 : i32
        %dma_start3A_350 = tpu.memref_slice %arg6[%shift_right_logical3A_310, %dma_start3A_349] : memref<16384x64xf32, #tpu.memory_space<hbm>> -> memref<1x64xf32, #tpu.memory_space<hbm>>
        %dma_start3A_351 = arith.constant 0 : i32
        %dma_start3A_352 = tpu.memref_slice %arg6[%shift_right_logical3A_310, %dma_start3A_351] : memref<16384x64xf32, #tpu.memory_space<hbm>> -> memref<1x64xf32, #tpu.memory_space<hbm>>
        %dma_start3A_353 = arith.constant 0 : i32
        %dma_start3A_354 = tpu.memref_slice %arg12[%and3A_316, %dma_start3A_353] : memref<8x64xf32, #tpu.memory_space<vmem>> -> memref<1x64xf32, #tpu.memory_space<vmem>>
        tpu.enqueue_dma source(%dma_start3A_354 : memref<1x64xf32, #tpu.memory_space<vmem>>) target(%dma_start3A_352 : memref<1x64xf32, #tpu.memory_space<hbm>>) target_semaphore(%arg14 : memref<!tpu.dma_semaphore, #tpu.memory_space<semaphore_mem>>)
        %add3A_355 = arith.constant 1 : i32
        %add3A_356 = arith.addi %while3A_307, %add3A_355 : i32
        scf.yield %add3A_356 : i32
      }
      %while3A_304 = arith.constant 1 : i32
      %while3A_305 = scf.for %while3A_306 = %while3A_301 to %while3A_297 step %while3A_304 iter_args(%while3A_307 = %while3A_303) -> (i32)  : i32 {
        %get3A = arith.index_cast %while3A_306 : i32 to index
        %get3A_308 = tpu.vector_load %arg10[%get3A] {strides = array<i32>} : memref<16400xi32, #tpu.memory_space<vmem>>, vector<16xi32>,
        %slice3A = vector.extract_strided_slice %get3A_308 {offsets = [0], sizes = [1], strides = [1]} : vector<16xi32> to vector<1xi32>
        %squeeze3A = vector.extract %slice3A[0] : i32 from vector<1xi32>
        %shift_right_logical3A_309 = arith.constant 15 : i32
        %shift_right_logical3A_310 = arith.shrui %squeeze3A, %shift_right_logical3A_309 : i32
        %and3A_311 = arith.constant 32767 : i32
        %and3A_312 = arith.andi %squeeze3A, %and3A_311 : i32
        %sub3A_313 = arith.subi %and3A_312, %mul3A_258 : i32
        %broadcast_in_dim3A_314 = vector.broadcast %sub3A_313 : i32 to vector<16xi32>
        %and3A_315 = arith.constant 7 : i32
        %and3A_316 = arith.andi %while3A_307, %and3A_315 : i32
        %add3A_317 = arith.constant 0 : i32
        %add3A_318 = vector.broadcast %add3A_317 : i32 to vector<16xi32>
        %add3A_319 = arith.addi %iota3A, %add3A_318 : vector<16xi32>
        %gather3A = tpu.vector_load_idx %arg11[%broadcast_in_dim3A, %add3A_319, %broadcast_in_dim3A_314] : memref<4x64x256xf32, #tpu.memory_space<vmem>>[vector<16xi32>, vector<16xi32>, vector<16xi32>], vector<16xf32>,
        %swap3A = arith.index_cast %and3A_316 : i32 to index
        %swap3A_320 = arith.constant 0 : index
        %swap3A_321 = tpu.vector_load %arg12[%swap3A, %swap3A_320] {strides = array<i32>} : memref<8x64xf32, #tpu.memory_space<vmem>>, vector<16xf32>,
        tpu.vector_store %arg12[%swap3A, %swap3A_320], %gather3A {strides = array<i32>} : memref<8x64xf32, #tpu.memory_space<vmem>>, vector<16xf32>,
        %add3A_322 = arith.constant 16 : i32
        %add3A_323 = vector.broadcast %add3A_322 : i32 to vector<16xi32>
        %add3A_324 = arith.addi %iota3A, %add3A_323 : vector<16xi32>
        %gather3A_325 = tpu.vector_load_idx %arg11[%broadcast_in_dim3A, %add3A_324, %broadcast_in_dim3A_314] : memref<4x64x256xf32, #tpu.memory_space<vmem>>[vector<16xi32>, vector<16xi32>, vector<16xi32>], vector<16xf32>,
        %swap3A_326 = arith.index_cast %and3A_316 : i32 to index
        %swap3A_327 = arith.constant 16 : index
        %swap3A_328 = tpu.vector_load %arg12[%swap3A_326, %swap3A_327] {strides = array<i32>} : memref<8x64xf32, #tpu.memory_space<vmem>>, vector<16xf32>,
        tpu.vector_store %arg12[%swap3A_326, %swap3A_327], %gather3A_325 {strides = array<i32>} : memref<8x64xf32, #tpu.memory_space<vmem>>, vector<16xf32>,
        %add3A_329 = arith.constant 32 : i32
        %add3A_330 = vector.broadcast %add3A_329 : i32 to vector<16xi32>
        %add3A_331 = arith.addi %iota3A, %add3A_330 : vector<16xi32>
        %gather3A_332 = tpu.vector_load_idx %arg11[%broadcast_in_dim3A, %add3A_331, %broadcast_in_dim3A_314] : memref<4x64x256xf32, #tpu.memory_space<vmem>>[vector<16xi32>, vector<16xi32>, vector<16xi32>], vector<16xf32>,
        %swap3A_333 = arith.index_cast %and3A_316 : i32 to index
        %swap3A_334 = arith.constant 32 : index
        %swap3A_335 = tpu.vector_load %arg12[%swap3A_333, %swap3A_334] {strides = array<i32>} : memref<8x64xf32, #tpu.memory_space<vmem>>, vector<16xf32>,
        tpu.vector_store %arg12[%swap3A_333, %swap3A_334], %gather3A_332 {strides = array<i32>} : memref<8x64xf32, #tpu.memory_space<vmem>>, vector<16xf32>,
        %add3A_336 = arith.constant 48 : i32
        %add3A_337 = vector.broadcast %add3A_336 : i32 to vector<16xi32>
        %add3A_338 = arith.addi %iota3A, %add3A_337 : vector<16xi32>
        %gather3A_339 = tpu.vector_load_idx %arg11[%broadcast_in_dim3A, %add3A_338, %broadcast_in_dim3A_314] : memref<4x64x256xf32, #tpu.memory_space<vmem>>[vector<16xi32>, vector<16xi32>, vector<16xi32>], vector<16xf32>,
        %swap3A_340 = arith.index_cast %and3A_316 : i32 to index
        %swap3A_341 = arith.constant 48 : index
        %swap3A_342 = tpu.vector_load %arg12[%swap3A_340, %swap3A_341] {strides = array<i32>} : memref<8x64xf32, #tpu.memory_space<vmem>>, vector<16xf32>,
        tpu.vector_store %arg12[%swap3A_340, %swap3A_341], %gather3A_339 {strides = array<i32>} : memref<8x64xf32, #tpu.memory_space<vmem>>, vector<16xf32>,
        %ge3A = arith.constant 8 : i32
        %ge3A_343 = arith.cmpi sge, %while3A_307, %ge3A : i32
        %convert_element_type3A_344 = arith.extui %ge3A_343 : i1 to i32
        %cond3A_345 = arith.constant 0 : i32
        %cond3A_346 = arith.cmpi ne, %convert_element_type3A_344, %cond3A_345 : i32
        scf.if %cond3A_346 {
          %dma_wait3A_357 = arith.constant 0 : i32
          %dma_wait3A_358 = arith.constant 0 : i32
          %dma_wait3A_359 = tpu.memref_slice %arg12[%dma_wait3A_357, %dma_wait3A_358] : memref<8x64xf32, #tpu.memory_space<vmem>> -> memref<1x64xf32, #tpu.memory_space<vmem>>
          %dma_wait3A_360 = arith.constant 0 : i32
          %dma_wait3A_361 = arith.constant 0 : i32
          %dma_wait3A_362 = tpu.memref_slice %arg6[%dma_wait3A_360, %dma_wait3A_361] : memref<16384x64xf32, #tpu.memory_space<hbm>> -> memref<1x64xf32, #tpu.memory_space<hbm>>
          %dma_wait3A_363 = arith.constant 0 : i32
          %dma_wait3A_364 = arith.constant 0 : i32
          %dma_wait3A_365 = tpu.memref_slice %arg12[%dma_wait3A_363, %dma_wait3A_364] : memref<8x64xf32, #tpu.memory_space<vmem>> -> memref<1x64xf32, #tpu.memory_space<vmem>>
          %dma_wait3A_366 = arith.constant 0 : i32
          %dma_wait3A_367 = arith.constant 0 : i32
          %dma_wait3A_368 = tpu.memref_slice %arg6[%dma_wait3A_366, %dma_wait3A_367] : memref<16384x64xf32, #tpu.memory_space<hbm>> -> memref<1x64xf32, #tpu.memory_space<hbm>>
          tpu.wait_dma2 semaphore(%arg14 : memref<!tpu.dma_semaphore, #tpu.memory_space<semaphore_mem>>) src(%dma_wait3A_368 : memref<1x64xf32, #tpu.memory_space<hbm>>) dst(%dma_wait3A_365 : memref<1x64xf32, #tpu.memory_space<vmem>>)
        } else {
        }
        %dma_start3A_347 = arith.constant 0 : i32
        %dma_start3A_348 = tpu.memref_slice %arg12[%and3A_316, %dma_start3A_347] : memref<8x64xf32, #tpu.memory_space<vmem>> -> memref<1x64xf32, #tpu.memory_space<vmem>>
        %dma_start3A_349 = arith.constant 0 : i32
        %dma_start3A_350 = tpu.memref_slice %arg6[%shift_right_logical3A_310, %dma_start3A_349] : memref<16384x64xf32, #tpu.memory_space<hbm>> -> memref<1x64xf32, #tpu.memory_space<hbm>>
        %dma_start3A_351 = arith.constant 0 : i32
        %dma_start3A_352 = tpu.memref_slice %arg6[%shift_right_logical3A_310, %dma_start3A_351] : memref<16384x64xf32, #tpu.memory_space<hbm>> -> memref<1x64xf32, #tpu.memory_space<hbm>>
        %dma_start3A_353 = arith.constant 0 : i32
        %dma_start3A_354 = tpu.memref_slice %arg12[%and3A_316, %dma_start3A_353] : memref<8x64xf32, #tpu.memory_space<vmem>> -> memref<1x64xf32, #tpu.memory_space<vmem>>
        tpu.enqueue_dma source(%dma_start3A_354 : memref<1x64xf32, #tpu.memory_space<vmem>>) target(%dma_start3A_352 : memref<1x64xf32, #tpu.memory_space<hbm>>) target_semaphore(%arg14 : memref<!tpu.dma_semaphore, #tpu.memory_space<semaphore_mem>>)
        %add3A_355 = arith.constant 1 : i32
        %add3A_356 = arith.addi %while3A_307, %add3A_355 : i32
        scf.yield %add3A_356 : i32
      }
      scf.yield %while3A_305 : i32
    }
    %while3A_79 = arith.constant 1 : i32
    %while3A_80 = scf.for %while3A_238 = %while3A_76 to %while3A_72 step %while3A_79 iter_args(%while3A_239 = %while3A_78) -> (i32)  : i32 {
      %dma_wait3A = arith.constant 0 : i32
      %dma_wait3A_240 = arith.constant 0 : i32
      %dma_wait3A_241 = arith.constant 0 : i32
      %dma_wait3A_242 = tpu.memref_slice %arg11[%dma_wait3A, %dma_wait3A_240, %dma_wait3A_241] : memref<4x64x256xf32, #tpu.memory_space<vmem>> -> memref<1x64x256xf32, #tpu.memory_space<vmem>>
      %dma_wait3A_243 = tpu.memref_squeeze %dma_wait3A_242 : memref<1x64x256xf32, #tpu.memory_space<vmem>> -> memref<64x256xf32, #tpu.memory_space<vmem>>
      %dma_wait3A_244 = arith.constant 0 : i32
      %dma_wait3A_245 = arith.constant 0 : i32
      %dma_wait3A_246 = tpu.memref_slice %arg4[%dma_wait3A_244, %dma_wait3A_245] : memref<64x1000000xf32, #tpu.memory_space<hbm>> -> memref<64x256xf32, #tpu.memory_space<hbm>>
      %dma_wait3A_247 = arith.constant 0 : i32
      %dma_wait3A_248 = arith.constant 0 : i32
      %dma_wait3A_249 = tpu.memref_slice %arg11[%dma_wait3A, %dma_wait3A_247, %dma_wait3A_248] : memref<4x64x256xf32, #tpu.memory_space<vmem>> -> memref<1x64x256xf32, #tpu.memory_space<vmem>>
      %dma_wait3A_250 = tpu.memref_squeeze %dma_wait3A_249 : memref<1x64x256xf32, #tpu.memory_space<vmem>> -> memref<64x256xf32, #tpu.memory_space<vmem>>
      %dma_wait3A_251 = arith.constant 0 : i32
      %dma_wait3A_252 = arith.constant 0 : i32
      %dma_wait3A_253 = tpu.memref_slice %arg4[%dma_wait3A_251, %dma_wait3A_252] : memref<64x1000000xf32, #tpu.memory_space<hbm>> -> memref<64x256xf32, #tpu.memory_space<hbm>>
      tpu.wait_dma2 semaphore(%arg13 : memref<!tpu.dma_semaphore, #tpu.memory_space<semaphore_mem>>) src(%dma_wait3A_253 : memref<64x256xf32, #tpu.memory_space<hbm>>) dst(%dma_wait3A_250 : memref<64x256xf32, #tpu.memory_space<vmem>>)
      %add3A_254 = arith.constant 3 : i32
      %add3A_255 = arith.addi %while3A_238, %add3A_254 : i32
      %lt3A = arith.cmpi slt, %add3A_255, %shift_right_logical3A_11 : i32
      %convert_element_type3A = arith.extui %lt3A : i1 to i32
      %cond3A = arith.constant 0 : i32
      %cond3A_256 = arith.cmpi ne, %convert_element_type3A, %cond3A : i32
      scf.if %cond3A_256 {
        %add3A_306 = arith.constant 3 : i32
        %add3A_307 = arith.addi %while3A_238, %add3A_306 : i32
        %mul3A_308 = arith.constant 256 : i32
        %mul3A_309 = arith.muli %add3A_307, %mul3A_308 : i32
        %add3A_310 = arith.addi %and3A_3, %mul3A_309 : i32
        %multiple_of3A_311 = tpu.assume_multiple %add3A_310, 128 : i32
        %and3A_312 = arith.constant 3 : i32
        %and3A_313 = arith.andi %add3A_307, %and3A_312 : i32
        %dma_start3A_314 = arith.constant 0 : i32
        %dma_start3A_315 = arith.constant 0 : i32
        %dma_start3A_316 = tpu.memref_slice %arg11[%and3A_313, %dma_start3A_314, %dma_start3A_315] : memref<4x64x256xf32, #tpu.memory_space<vmem>> -> memref<1x64x256xf32, #tpu.memory_space<vmem>>
        %dma_start3A_317 = tpu.memref_squeeze %dma_start3A_316 : memref<1x64x256xf32, #tpu.memory_space<vmem>> -> memref<64x256xf32, #tpu.memory_space<vmem>>
        %dma_start3A_318 = arith.constant 0 : i32
        %dma_start3A_319 = tpu.memref_slice %arg4[%dma_start3A_318, %multiple_of3A_311] : memref<64x1000000xf32, #tpu.memory_space<hbm>> -> memref<64x256xf32, #tpu.memory_space<hbm>>
        %dma_start3A_320 = arith.constant 0 : i32
        %dma_start3A_321 = arith.constant 0 : i32
        %dma_start3A_322 = tpu.memref_slice %arg11[%and3A_313, %dma_start3A_320, %dma_start3A_321] : memref<4x64x256xf32, #tpu.memory_space<vmem>> -> memref<1x64x256xf32, #tpu.memory_space<vmem>>
        %dma_start3A_323 = tpu.memref_squeeze %dma_start3A_322 : memref<1x64x256xf32, #tpu.memory_space<vmem>> -> memref<64x256xf32, #tpu.memory_space<vmem>>
        %dma_start3A_324 = arith.constant 0 : i32
        %dma_start3A_325 = tpu.memref_slice %arg4[%dma_start3A_324, %multiple_of3A_311] : memref<64x1000000xf32, #tpu.memory_space<hbm>> -> memref<64x256xf32, #tpu.memory_space<hbm>>
        tpu.enqueue_dma source(%dma_start3A_325 : memref<64x256xf32, #tpu.memory_space<hbm>>) target(%dma_start3A_323 : memref<64x256xf32, #tpu.memory_space<vmem>>) target_semaphore(%arg13 : memref<!tpu.dma_semaphore, #tpu.memory_space<semaphore_mem>>)
      } else {
      }
      %mul3A_257 = arith.constant 256 : i32
      %mul3A_258 = arith.muli %while3A_238, %mul3A_257 : i32
      %and3A_259 = arith.constant 3 : i32
      %and3A_260 = arith.andi %while3A_238, %and3A_259 : i32
      %add3A_261 = arith.constant 15 : i32
      %add3A_262 = arith.addi %scan3A_68, %add3A_261 : i32
      %jit3A_263 = arith.constant 16 : i32
      %div3A = arith.divsi %add3A_262, %jit3A_263 : i32
      %sign3A = arith.constant 0 : i32
      %sign3A_264 = arith.cmpi sgt, %add3A_262, %sign3A : i32
      %sign3A_265 = arith.extui %sign3A_264 : i1 to i32
      %sign3A_266 = arith.constant 0 : i32
      %sign3A_267 = arith.cmpi slt, %add3A_262, %sign3A_266 : i32
      %sign3A_268 = arith.extui %sign3A_267 : i1 to i32
      %sign3A_269 = arith.subi %sign3A_265, %sign3A_268 : i32
      %sign3A_270 = arith.constant 0 : i32
      %sign3A_271 = arith.cmpi sgt, %jit3A_263, %sign3A_270 : i32
      %sign3A_272 = arith.extui %sign3A_271 : i1 to i32
      %sign3A_273 = arith.constant 0 : i32
      %sign3A_274 = arith.cmpi slt, %jit3A_263, %sign3A_273 : i32
      %sign3A_275 = arith.extui %sign3A_274 : i1 to i32
      %sign3A_276 = arith.subi %sign3A_272, %sign3A_275 : i32
      %ne3A = arith.cmpi ne, %sign3A_269, %sign3A_276 : i32
      %rem3A = arith.remsi %add3A_262, %jit3A_263 : i32
      %ne3A_277 = arith.constant 0 : i32
      %ne3A_278 = arith.cmpi ne, %rem3A, %ne3A_277 : i32
      %and3A_279 = arith.andi %ne3A, %ne3A_278 : i1
      %sub3A_280 = arith.constant 1 : i32
      %sub3A_281 = arith.subi %div3A, %sub3A_280 : i32
      %select_n3A_282 = arith.select %and3A_279, %sub3A_281, %div3A : i32
      %while3A_283 = arith.constant 0 : i32
      %while3A_284 = arith.constant 0 : i32
      %while3A_285 = arith.subi %select_n3A_282, %while3A_283 : i32
      %while3A_286 = arith.addi %while3A_283, %while3A_285 : i32
      %while3A_287 = arith.constant 1 : i32
      %while3A_288 = arith.divsi %while3A_285, %while3A_287 : i32
      %while3A_289 = arith.muli %while3A_288, %while3A_287 : i32
      %while3A_290 = arith.addi %while3A_283, %while3A_289 : i32
      %while3A_291 = arith.constant 1 : i32
      %while3A_292 = scf.for %while3A_306 = %while3A_283 to %while3A_290 step %while3A_291 iter_args(%while3A_307 = %while3A_284) -> (i32)  : i32 {
        %mul3A_308 = arith.constant 16 : i32
        %mul3A_309 = arith.muli %while3A_306, %mul3A_308 : i32
        %get3A = arith.index_cast %mul3A_309 : i32 to index
        %get3A_310 = tpu.vector_load %arg9[%get3A] {strides = array<i32>} : memref<16400xi32, #tpu.memory_space<vmem>>, vector<16xi32>,
        %and3A_311 = arith.constant 32767 : i32
        %and3A_312 = vector.broadcast %and3A_311 : i32 to vector<16xi32>
        %and3A_313 = arith.andi %get3A_310, %and3A_312 : vector<16xi32>
        %ge3A = vector.broadcast %mul3A_258 : i32 to vector<16xi32>
        %ge3A_314 = arith.cmpi sge, %and3A_313, %ge3A : vector<16xi32>
        %add3A_315 = arith.constant 256 : i32
        %add3A_316 = arith.addi %mul3A_258, %add3A_315 : i32
        %lt3A_317 = vector.broadcast %add3A_316 : i32 to vector<16xi32>
        %lt3A_318 = arith.cmpi slt, %and3A_313, %lt3A_317 : vector<16xi32>
        %and3A_319 = arith.andi %ge3A_314, %lt3A_318 : vector<16xi1>
        %mul3A_320 = arith.constant 16 : i32
        %mul3A_321 = arith.muli %while3A_306, %mul3A_320 : i32
        %sub3A_322 = arith.subi %scan3A_68, %mul3A_321 : i32
        %lt3A_323 = vector.broadcast %sub3A_322 : i32 to vector<16xi32>
        %lt3A_324 = arith.cmpi slt, %iota3A, %lt3A_323 : vector<16xi32>
        %and3A_325 = arith.andi %and3A_319, %lt3A_324 : vector<16xi1>
        %swap3A = arith.index_cast %while3A_307 : i32 to index
        %swap3A_326 = tpu.vector_load %arg10[%swap3A] masked %and3A_325 {strides = array<i32>} : memref<16400xi32, #tpu.memory_space<vmem>>, vector<16xi32>, vector<16xi1>
        tpu.vector_store %arg10[%swap3A], %get3A_310 masked %and3A_325 {strides = array<i32>} : memref<16400xi32, #tpu.memory_space<vmem>>, vector<16xi32>, vector<16xi1>
        %all_reduce_population_count3A = tpu.all_reduce %and3A_325 {dim = 0 : i64, kind = #tpu.reduction_kind<sum>} : vector<16xi1> -> vector<16xi32>
        %slice3A = vector.extract_strided_slice %all_reduce_population_count3A {offsets = [0], sizes = [1], strides = [1]} : vector<16xi32> to vector<1xi32>
        %squeeze3A = vector.extract %slice3A[0] : i32 from vector<1xi32>
        %add3A_327 = arith.addi %while3A_307, %squeeze3A : i32
        scf.yield %add3A_327 : i32
      }
      %while3A_293 = arith.constant 1 : i32
      %while3A_294 = scf.for %while3A_306 = %while3A_290 to %while3A_286 step %while3A_293 iter_args(%while3A_307 = %while3A_292) -> (i32)  : i32 {
        %mul3A_308 = arith.constant 16 : i32
        %mul3A_309 = arith.muli %while3A_306, %mul3A_308 : i32
        %get3A = arith.index_cast %mul3A_309 : i32 to index
        %get3A_310 = tpu.vector_load %arg9[%get3A] {strides = array<i32>} : memref<16400xi32, #tpu.memory_space<vmem>>, vector<16xi32>,
        %and3A_311 = arith.constant 32767 : i32
        %and3A_312 = vector.broadcast %and3A_311 : i32 to vector<16xi32>
        %and3A_313 = arith.andi %get3A_310, %and3A_312 : vector<16xi32>
        %ge3A = vector.broadcast %mul3A_258 : i32 to vector<16xi32>
        %ge3A_314 = arith.cmpi sge, %and3A_313, %ge3A : vector<16xi32>
        %add3A_315 = arith.constant 256 : i32
        %add3A_316 = arith.addi %mul3A_258, %add3A_315 : i32
        %lt3A_317 = vector.broadcast %add3A_316 : i32 to vector<16xi32>
        %lt3A_318 = arith.cmpi slt, %and3A_313, %lt3A_317 : vector<16xi32>
        %and3A_319 = arith.andi %ge3A_314, %lt3A_318 : vector<16xi1>
        %mul3A_320 = arith.constant 16 : i32
        %mul3A_321 = arith.muli %while3A_306, %mul3A_320 : i32
        %sub3A_322 = arith.subi %scan3A_68, %mul3A_321 : i32
        %lt3A_323 = vector.broadcast %sub3A_322 : i32 to vector<16xi32>
        %lt3A_324 = arith.cmpi slt, %iota3A, %lt3A_323 : vector<16xi32>
        %and3A_325 = arith.andi %and3A_319, %lt3A_324 : vector<16xi1>
        %swap3A = arith.index_cast %while3A_307 : i32 to index
        %swap3A_326 = tpu.vector_load %arg10[%swap3A] masked %and3A_325 {strides = array<i32>} : memref<16400xi32, #tpu.memory_space<vmem>>, vector<16xi32>, vector<16xi1>
        tpu.vector_store %arg10[%swap3A], %get3A_310 masked %and3A_325 {strides = array<i32>} : memref<16400xi32, #tpu.memory_space<vmem>>, vector<16xi32>, vector<16xi1>
        %all_reduce_population_count3A = tpu.all_reduce %and3A_325 {dim = 0 : i64, kind = #tpu.reduction_kind<sum>} : vector<16xi1> -> vector<16xi32>
        %slice3A = vector.extract_strided_slice %all_reduce_population_count3A {offsets = [0], sizes = [1], strides = [1]} : vector<16xi32> to vector<1xi32>
        %squeeze3A = vector.extract %slice3A[0] : i32 from vector<1xi32>
        %add3A_327 = arith.addi %while3A_307, %squeeze3A : i32
        scf.yield %add3A_327 : i32
      }
      %broadcast_in_dim3A = vector.broadcast %and3A_260 : i32 to vector<16xi32>
      %while3A_295 = arith.constant 0 : i32
      %while3A_296 = arith.subi %while3A_294, %while3A_295 : i32
      %while3A_297 = arith.addi %while3A_295, %while3A_296 : i32
      %while3A_298 = arith.constant 1 : i32
      %while3A_299 = arith.divsi %while3A_296, %while3A_298 : i32
      %while3A_300 = arith.muli %while3A_299, %while3A_298 : i32
      %while3A_301 = arith.addi %while3A_295, %while3A_300 : i32
      %while3A_302 = arith.constant 1 : i32
      %while3A_303 = scf.for %while3A_306 = %while3A_295 to %while3A_301 step %while3A_302 iter_args(%while3A_307 = %while3A_239) -> (i32)  : i32 {
        %get3A = arith.index_cast %while3A_306 : i32 to index
        %get3A_308 = tpu.vector_load %arg10[%get3A] {strides = array<i32>} : memref<16400xi32, #tpu.memory_space<vmem>>, vector<16xi32>,
        %slice3A = vector.extract_strided_slice %get3A_308 {offsets = [0], sizes = [1], strides = [1]} : vector<16xi32> to vector<1xi32>
        %squeeze3A = vector.extract %slice3A[0] : i32 from vector<1xi32>
        %shift_right_logical3A_309 = arith.constant 15 : i32
        %shift_right_logical3A_310 = arith.shrui %squeeze3A, %shift_right_logical3A_309 : i32
        %and3A_311 = arith.constant 32767 : i32
        %and3A_312 = arith.andi %squeeze3A, %and3A_311 : i32
        %sub3A_313 = arith.subi %and3A_312, %mul3A_258 : i32
        %broadcast_in_dim3A_314 = vector.broadcast %sub3A_313 : i32 to vector<16xi32>
        %and3A_315 = arith.constant 7 : i32
        %and3A_316 = arith.andi %while3A_307, %and3A_315 : i32
        %add3A_317 = arith.constant 0 : i32
        %add3A_318 = vector.broadcast %add3A_317 : i32 to vector<16xi32>
        %add3A_319 = arith.addi %iota3A, %add3A_318 : vector<16xi32>
        %gather3A = tpu.vector_load_idx %arg11[%broadcast_in_dim3A, %add3A_319, %broadcast_in_dim3A_314] : memref<4x64x256xf32, #tpu.memory_space<vmem>>[vector<16xi32>, vector<16xi32>, vector<16xi32>], vector<16xf32>,
        %swap3A = arith.index_cast %and3A_316 : i32 to index
        %swap3A_320 = arith.constant 0 : index
        %swap3A_321 = tpu.vector_load %arg12[%swap3A, %swap3A_320] {strides = array<i32>} : memref<8x64xf32, #tpu.memory_space<vmem>>, vector<16xf32>,
        tpu.vector_store %arg12[%swap3A, %swap3A_320], %gather3A {strides = array<i32>} : memref<8x64xf32, #tpu.memory_space<vmem>>, vector<16xf32>,
        %add3A_322 = arith.constant 16 : i32
        %add3A_323 = vector.broadcast %add3A_322 : i32 to vector<16xi32>
        %add3A_324 = arith.addi %iota3A, %add3A_323 : vector<16xi32>
        %gather3A_325 = tpu.vector_load_idx %arg11[%broadcast_in_dim3A, %add3A_324, %broadcast_in_dim3A_314] : memref<4x64x256xf32, #tpu.memory_space<vmem>>[vector<16xi32>, vector<16xi32>, vector<16xi32>], vector<16xf32>,
        %swap3A_326 = arith.index_cast %and3A_316 : i32 to index
        %swap3A_327 = arith.constant 16 : index
        %swap3A_328 = tpu.vector_load %arg12[%swap3A_326, %swap3A_327] {strides = array<i32>} : memref<8x64xf32, #tpu.memory_space<vmem>>, vector<16xf32>,
        tpu.vector_store %arg12[%swap3A_326, %swap3A_327], %gather3A_325 {strides = array<i32>} : memref<8x64xf32, #tpu.memory_space<vmem>>, vector<16xf32>,
        %add3A_329 = arith.constant 32 : i32
        %add3A_330 = vector.broadcast %add3A_329 : i32 to vector<16xi32>
        %add3A_331 = arith.addi %iota3A, %add3A_330 : vector<16xi32>
        %gather3A_332 = tpu.vector_load_idx %arg11[%broadcast_in_dim3A, %add3A_331, %broadcast_in_dim3A_314] : memref<4x64x256xf32, #tpu.memory_space<vmem>>[vector<16xi32>, vector<16xi32>, vector<16xi32>], vector<16xf32>,
        %swap3A_333 = arith.index_cast %and3A_316 : i32 to index
        %swap3A_334 = arith.constant 32 : index
        %swap3A_335 = tpu.vector_load %arg12[%swap3A_333, %swap3A_334] {strides = array<i32>} : memref<8x64xf32, #tpu.memory_space<vmem>>, vector<16xf32>,
        tpu.vector_store %arg12[%swap3A_333, %swap3A_334], %gather3A_332 {strides = array<i32>} : memref<8x64xf32, #tpu.memory_space<vmem>>, vector<16xf32>,
        %add3A_336 = arith.constant 48 : i32
        %add3A_337 = vector.broadcast %add3A_336 : i32 to vector<16xi32>
        %add3A_338 = arith.addi %iota3A, %add3A_337 : vector<16xi32>
        %gather3A_339 = tpu.vector_load_idx %arg11[%broadcast_in_dim3A, %add3A_338, %broadcast_in_dim3A_314] : memref<4x64x256xf32, #tpu.memory_space<vmem>>[vector<16xi32>, vector<16xi32>, vector<16xi32>], vector<16xf32>,
        %swap3A_340 = arith.index_cast %and3A_316 : i32 to index
        %swap3A_341 = arith.constant 48 : index
        %swap3A_342 = tpu.vector_load %arg12[%swap3A_340, %swap3A_341] {strides = array<i32>} : memref<8x64xf32, #tpu.memory_space<vmem>>, vector<16xf32>,
        tpu.vector_store %arg12[%swap3A_340, %swap3A_341], %gather3A_339 {strides = array<i32>} : memref<8x64xf32, #tpu.memory_space<vmem>>, vector<16xf32>,
        %ge3A = arith.constant 8 : i32
        %ge3A_343 = arith.cmpi sge, %while3A_307, %ge3A : i32
        %convert_element_type3A_344 = arith.extui %ge3A_343 : i1 to i32
        %cond3A_345 = arith.constant 0 : i32
        %cond3A_346 = arith.cmpi ne, %convert_element_type3A_344, %cond3A_345 : i32
        scf.if %cond3A_346 {
          %dma_wait3A_357 = arith.constant 0 : i32
          %dma_wait3A_358 = arith.constant 0 : i32
          %dma_wait3A_359 = tpu.memref_slice %arg12[%dma_wait3A_357, %dma_wait3A_358] : memref<8x64xf32, #tpu.memory_space<vmem>> -> memref<1x64xf32, #tpu.memory_space<vmem>>
          %dma_wait3A_360 = arith.constant 0 : i32
          %dma_wait3A_361 = arith.constant 0 : i32
          %dma_wait3A_362 = tpu.memref_slice %arg6[%dma_wait3A_360, %dma_wait3A_361] : memref<16384x64xf32, #tpu.memory_space<hbm>> -> memref<1x64xf32, #tpu.memory_space<hbm>>
          %dma_wait3A_363 = arith.constant 0 : i32
          %dma_wait3A_364 = arith.constant 0 : i32
          %dma_wait3A_365 = tpu.memref_slice %arg12[%dma_wait3A_363, %dma_wait3A_364] : memref<8x64xf32, #tpu.memory_space<vmem>> -> memref<1x64xf32, #tpu.memory_space<vmem>>
          %dma_wait3A_366 = arith.constant 0 : i32
          %dma_wait3A_367 = arith.constant 0 : i32
          %dma_wait3A_368 = tpu.memref_slice %arg6[%dma_wait3A_366, %dma_wait3A_367] : memref<16384x64xf32, #tpu.memory_space<hbm>> -> memref<1x64xf32, #tpu.memory_space<hbm>>
          tpu.wait_dma2 semaphore(%arg14 : memref<!tpu.dma_semaphore, #tpu.memory_space<semaphore_mem>>) src(%dma_wait3A_368 : memref<1x64xf32, #tpu.memory_space<hbm>>) dst(%dma_wait3A_365 : memref<1x64xf32, #tpu.memory_space<vmem>>)
        } else {
        }
        %dma_start3A_347 = arith.constant 0 : i32
        %dma_start3A_348 = tpu.memref_slice %arg12[%and3A_316, %dma_start3A_347] : memref<8x64xf32, #tpu.memory_space<vmem>> -> memref<1x64xf32, #tpu.memory_space<vmem>>
        %dma_start3A_349 = arith.constant 0 : i32
        %dma_start3A_350 = tpu.memref_slice %arg6[%shift_right_logical3A_310, %dma_start3A_349] : memref<16384x64xf32, #tpu.memory_space<hbm>> -> memref<1x64xf32, #tpu.memory_space<hbm>>
        %dma_start3A_351 = arith.constant 0 : i32
        %dma_start3A_352 = tpu.memref_slice %arg6[%shift_right_logical3A_310, %dma_start3A_351] : memref<16384x64xf32, #tpu.memory_space<hbm>> -> memref<1x64xf32, #tpu.memory_space<hbm>>
        %dma_start3A_353 = arith.constant 0 : i32
        %dma_start3A_354 = tpu.memref_slice %arg12[%and3A_316, %dma_start3A_353] : memref<8x64xf32, #tpu.memory_space<vmem>> -> memref<1x64xf32, #tpu.memory_space<vmem>>
        tpu.enqueue_dma source(%dma_start3A_354 : memref<1x64xf32, #tpu.memory_space<vmem>>) target(%dma_start3A_352 : memref<1x64xf32, #tpu.memory_space<hbm>>) target_semaphore(%arg14 : memref<!tpu.dma_semaphore, #tpu.memory_space<semaphore_mem>>)
        %add3A_355 = arith.constant 1 : i32
        %add3A_356 = arith.addi %while3A_307, %add3A_355 : i32
        scf.yield %add3A_356 : i32
      }
      %while3A_304 = arith.constant 1 : i32
      %while3A_305 = scf.for %while3A_306 = %while3A_301 to %while3A_297 step %while3A_304 iter_args(%while3A_307 = %while3A_303) -> (i32)  : i32 {
        %get3A = arith.index_cast %while3A_306 : i32 to index
        %get3A_308 = tpu.vector_load %arg10[%get3A] {strides = array<i32>} : memref<16400xi32, #tpu.memory_space<vmem>>, vector<16xi32>,
        %slice3A = vector.extract_strided_slice %get3A_308 {offsets = [0], sizes = [1], strides = [1]} : vector<16xi32> to vector<1xi32>
        %squeeze3A = vector.extract %slice3A[0] : i32 from vector<1xi32>
        %shift_right_logical3A_309 = arith.constant 15 : i32
        %shift_right_logical3A_310 = arith.shrui %squeeze3A, %shift_right_logical3A_309 : i32
        %and3A_311 = arith.constant 32767 : i32
        %and3A_312 = arith.andi %squeeze3A, %and3A_311 : i32
        %sub3A_313 = arith.subi %and3A_312, %mul3A_258 : i32
        %broadcast_in_dim3A_314 = vector.broadcast %sub3A_313 : i32 to vector<16xi32>
        %and3A_315 = arith.constant 7 : i32
        %and3A_316 = arith.andi %while3A_307, %and3A_315 : i32
        %add3A_317 = arith.constant 0 : i32
        %add3A_318 = vector.broadcast %add3A_317 : i32 to vector<16xi32>
        %add3A_319 = arith.addi %iota3A, %add3A_318 : vector<16xi32>
        %gather3A = tpu.vector_load_idx %arg11[%broadcast_in_dim3A, %add3A_319, %broadcast_in_dim3A_314] : memref<4x64x256xf32, #tpu.memory_space<vmem>>[vector<16xi32>, vector<16xi32>, vector<16xi32>], vector<16xf32>,
        %swap3A = arith.index_cast %and3A_316 : i32 to index
        %swap3A_320 = arith.constant 0 : index
        %swap3A_321 = tpu.vector_load %arg12[%swap3A, %swap3A_320] {strides = array<i32>} : memref<8x64xf32, #tpu.memory_space<vmem>>, vector<16xf32>,
        tpu.vector_store %arg12[%swap3A, %swap3A_320], %gather3A {strides = array<i32>} : memref<8x64xf32, #tpu.memory_space<vmem>>, vector<16xf32>,
        %add3A_322 = arith.constant 16 : i32
        %add3A_323 = vector.broadcast %add3A_322 : i32 to vector<16xi32>
        %add3A_324 = arith.addi %iota3A, %add3A_323 : vector<16xi32>
        %gather3A_325 = tpu.vector_load_idx %arg11[%broadcast_in_dim3A, %add3A_324, %broadcast_in_dim3A_314] : memref<4x64x256xf32, #tpu.memory_space<vmem>>[vector<16xi32>, vector<16xi32>, vector<16xi32>], vector<16xf32>,
        %swap3A_326 = arith.index_cast %and3A_316 : i32 to index
        %swap3A_327 = arith.constant 16 : index
        %swap3A_328 = tpu.vector_load %arg12[%swap3A_326, %swap3A_327] {strides = array<i32>} : memref<8x64xf32, #tpu.memory_space<vmem>>, vector<16xf32>,
        tpu.vector_store %arg12[%swap3A_326, %swap3A_327], %gather3A_325 {strides = array<i32>} : memref<8x64xf32, #tpu.memory_space<vmem>>, vector<16xf32>,
        %add3A_329 = arith.constant 32 : i32
        %add3A_330 = vector.broadcast %add3A_329 : i32 to vector<16xi32>
        %add3A_331 = arith.addi %iota3A, %add3A_330 : vector<16xi32>
        %gather3A_332 = tpu.vector_load_idx %arg11[%broadcast_in_dim3A, %add3A_331, %broadcast_in_dim3A_314] : memref<4x64x256xf32, #tpu.memory_space<vmem>>[vector<16xi32>, vector<16xi32>, vector<16xi32>], vector<16xf32>,
        %swap3A_333 = arith.index_cast %and3A_316 : i32 to index
        %swap3A_334 = arith.constant 32 : index
        %swap3A_335 = tpu.vector_load %arg12[%swap3A_333, %swap3A_334] {strides = array<i32>} : memref<8x64xf32, #tpu.memory_space<vmem>>, vector<16xf32>,
        tpu.vector_store %arg12[%swap3A_333, %swap3A_334], %gather3A_332 {strides = array<i32>} : memref<8x64xf32, #tpu.memory_space<vmem>>, vector<16xf32>,
        %add3A_336 = arith.constant 48 : i32
        %add3A_337 = vector.broadcast %add3A_336 : i32 to vector<16xi32>
        %add3A_338 = arith.addi %iota3A, %add3A_337 : vector<16xi32>
        %gather3A_339 = tpu.vector_load_idx %arg11[%broadcast_in_dim3A, %add3A_338, %broadcast_in_dim3A_314] : memref<4x64x256xf32, #tpu.memory_space<vmem>>[vector<16xi32>, vector<16xi32>, vector<16xi32>], vector<16xf32>,
        %swap3A_340 = arith.index_cast %and3A_316 : i32 to index
        %swap3A_341 = arith.constant 48 : index
        %swap3A_342 = tpu.vector_load %arg12[%swap3A_340, %swap3A_341] {strides = array<i32>} : memref<8x64xf32, #tpu.memory_space<vmem>>, vector<16xf32>,
        tpu.vector_store %arg12[%swap3A_340, %swap3A_341], %gather3A_339 {strides = array<i32>} : memref<8x64xf32, #tpu.memory_space<vmem>>, vector<16xf32>,
        %ge3A = arith.constant 8 : i32
        %ge3A_343 = arith.cmpi sge, %while3A_307, %ge3A : i32
        %convert_element_type3A_344 = arith.extui %ge3A_343 : i1 to i32
        %cond3A_345 = arith.constant 0 : i32
        %cond3A_346 = arith.cmpi ne, %convert_element_type3A_344, %cond3A_345 : i32
        scf.if %cond3A_346 {
          %dma_wait3A_357 = arith.constant 0 : i32
          %dma_wait3A_358 = arith.constant 0 : i32
          %dma_wait3A_359 = tpu.memref_slice %arg12[%dma_wait3A_357, %dma_wait3A_358] : memref<8x64xf32, #tpu.memory_space<vmem>> -> memref<1x64xf32, #tpu.memory_space<vmem>>
          %dma_wait3A_360 = arith.constant 0 : i32
          %dma_wait3A_361 = arith.constant 0 : i32
          %dma_wait3A_362 = tpu.memref_slice %arg6[%dma_wait3A_360, %dma_wait3A_361] : memref<16384x64xf32, #tpu.memory_space<hbm>> -> memref<1x64xf32, #tpu.memory_space<hbm>>
          %dma_wait3A_363 = arith.constant 0 : i32
          %dma_wait3A_364 = arith.constant 0 : i32
          %dma_wait3A_365 = tpu.memref_slice %arg12[%dma_wait3A_363, %dma_wait3A_364] : memref<8x64xf32, #tpu.memory_space<vmem>> -> memref<1x64xf32, #tpu.memory_space<vmem>>
          %dma_wait3A_366 = arith.constant 0 : i32
          %dma_wait3A_367 = arith.constant 0 : i32
          %dma_wait3A_368 = tpu.memref_slice %arg6[%dma_wait3A_366, %dma_wait3A_367] : memref<16384x64xf32, #tpu.memory_space<hbm>> -> memref<1x64xf32, #tpu.memory_space<hbm>>
          tpu.wait_dma2 semaphore(%arg14 : memref<!tpu.dma_semaphore, #tpu.memory_space<semaphore_mem>>) src(%dma_wait3A_368 : memref<1x64xf32, #tpu.memory_space<hbm>>) dst(%dma_wait3A_365 : memref<1x64xf32, #tpu.memory_space<vmem>>)
        } else {
        }
        %dma_start3A_347 = arith.constant 0 : i32
        %dma_start3A_348 = tpu.memref_slice %arg12[%and3A_316, %dma_start3A_347] : memref<8x64xf32, #tpu.memory_space<vmem>> -> memref<1x64xf32, #tpu.memory_space<vmem>>
        %dma_start3A_349 = arith.constant 0 : i32
        %dma_start3A_350 = tpu.memref_slice %arg6[%shift_right_logical3A_310, %dma_start3A_349] : memref<16384x64xf32, #tpu.memory_space<hbm>> -> memref<1x64xf32, #tpu.memory_space<hbm>>
        %dma_start3A_351 = arith.constant 0 : i32
        %dma_start3A_352 = tpu.memref_slice %arg6[%shift_right_logical3A_310, %dma_start3A_351] : memref<16384x64xf32, #tpu.memory_space<hbm>> -> memref<1x64xf32, #tpu.memory_space<hbm>>
        %dma_start3A_353 = arith.constant 0 : i32
        %dma_start3A_354 = tpu.memref_slice %arg12[%and3A_316, %dma_start3A_353] : memref<8x64xf32, #tpu.memory_space<vmem>> -> memref<1x64xf32, #tpu.memory_space<vmem>>
        tpu.enqueue_dma source(%dma_start3A_354 : memref<1x64xf32, #tpu.memory_space<vmem>>) target(%dma_start3A_352 : memref<1x64xf32, #tpu.memory_space<hbm>>) target_semaphore(%arg14 : memref<!tpu.dma_semaphore, #tpu.memory_space<semaphore_mem>>)
        %add3A_355 = arith.constant 1 : i32
        %add3A_356 = arith.addi %while3A_307, %add3A_355 : i32
        scf.yield %add3A_356 : i32
      }
      scf.yield %while3A_305 : i32
    }
    %eq3A_81 = arith.constant 31 : i32
    %eq3A_82 = arith.cmpi eq, %add3A, %eq3A_81 : i32
    %jit3A_83 = arith.constant 1 : i32
    %jit3A_84 = arith.constant 0 : i32
    %select_n3A_85 = arith.select %eq3A_82, %jit3A_83, %jit3A_84 : i32
    %while3A_86 = arith.constant 0 : i32
    %while3A_87 = arith.subi %select_n3A_85, %while3A_86 : i32
    %while3A_88 = arith.addi %while3A_86, %while3A_87 : i32
    %while3A_89 = arith.constant 1 : i32
    %while3A_90 = arith.divsi %while3A_87, %while3A_89 : i32
    %while3A_91 = arith.muli %while3A_90, %while3A_89 : i32
    %while3A_92 = arith.addi %while3A_86, %while3A_91 : i32
    %while3A_93 = arith.constant 1 : i32
    %while3A_94 = scf.for %while3A_238 = %while3A_86 to %while3A_92 step %while3A_93 iter_args(%while3A_239 = %while3A_80) -> (i32)  : i32 {
      %multiple_of3A_240 = arith.constant 999936 : i32
      %multiple_of3A_241 = tpu.assume_multiple %multiple_of3A_240, 128 : i32
      %dma_start3A_242 = arith.constant 0 : i32
      %dma_start3A_243 = arith.constant 0 : i32
      %dma_start3A_244 = arith.constant 0 : i32
      %dma_start3A_245 = tpu.memref_slice %arg11[%dma_start3A_242, %dma_start3A_243, %dma_start3A_244] : memref<4x64x256xf32, #tpu.memory_space<vmem>> -> memref<1x64x128xf32, #tpu.memory_space<vmem>>
      %dma_start3A_246 = tpu.memref_squeeze %dma_start3A_245 : memref<1x64x128xf32, #tpu.memory_space<vmem>> -> memref<64x128xf32, #tpu.memory_space<vmem>>
      %dma_start3A_247 = arith.constant 0 : i32
      %dma_start3A_248 = tpu.memref_slice %arg4[%dma_start3A_247, %multiple_of3A_241] : memref<64x1000000xf32, #tpu.memory_space<hbm>> -> memref<64x128xf32, #tpu.memory_space<hbm>>
      %dma_start3A_249 = arith.constant 0 : i32
      %dma_start3A_250 = arith.constant 0 : i32
      %dma_start3A_251 = tpu.memref_slice %arg11[%dma_start3A_242, %dma_start3A_249, %dma_start3A_250] : memref<4x64x256xf32, #tpu.memory_space<vmem>> -> memref<1x64x128xf32, #tpu.memory_space<vmem>>
      %dma_start3A_252 = tpu.memref_squeeze %dma_start3A_251 : memref<1x64x128xf32, #tpu.memory_space<vmem>> -> memref<64x128xf32, #tpu.memory_space<vmem>>
      %dma_start3A_253 = arith.constant 0 : i32
      %dma_start3A_254 = tpu.memref_slice %arg4[%dma_start3A_253, %multiple_of3A_241] : memref<64x1000000xf32, #tpu.memory_space<hbm>> -> memref<64x128xf32, #tpu.memory_space<hbm>>
      tpu.enqueue_dma source(%dma_start3A_254 : memref<64x128xf32, #tpu.memory_space<hbm>>) target(%dma_start3A_252 : memref<64x128xf32, #tpu.memory_space<vmem>>) target_semaphore(%arg13 : memref<!tpu.dma_semaphore, #tpu.memory_space<semaphore_mem>>)
      %dma_wait3A = arith.constant 0 : i32
      %dma_wait3A_255 = arith.constant 0 : i32
      %dma_wait3A_256 = arith.constant 0 : i32
      %dma_wait3A_257 = tpu.memref_slice %arg11[%dma_wait3A, %dma_wait3A_255, %dma_wait3A_256] : memref<4x64x256xf32, #tpu.memory_space<vmem>> -> memref<1x64x128xf32, #tpu.memory_space<vmem>>
      %dma_wait3A_258 = tpu.memref_squeeze %dma_wait3A_257 : memref<1x64x128xf32, #tpu.memory_space<vmem>> -> memref<64x128xf32, #tpu.memory_space<vmem>>
      %dma_wait3A_259 = arith.constant 0 : i32
      %dma_wait3A_260 = tpu.memref_slice %arg4[%dma_wait3A_259, %multiple_of3A_241] : memref<64x1000000xf32, #tpu.memory_space<hbm>> -> memref<64x128xf32, #tpu.memory_space<hbm>>
      %dma_wait3A_261 = arith.constant 0 : i32
      %dma_wait3A_262 = arith.constant 0 : i32
      %dma_wait3A_263 = tpu.memref_slice %arg11[%dma_wait3A, %dma_wait3A_261, %dma_wait3A_262] : memref<4x64x256xf32, #tpu.memory_space<vmem>> -> memref<1x64x128xf32, #tpu.memory_space<vmem>>
      %dma_wait3A_264 = tpu.memref_squeeze %dma_wait3A_263 : memref<1x64x128xf32, #tpu.memory_space<vmem>> -> memref<64x128xf32, #tpu.memory_space<vmem>>
      %dma_wait3A_265 = arith.constant 0 : i32
      %dma_wait3A_266 = tpu.memref_slice %arg4[%dma_wait3A_265, %multiple_of3A_241] : memref<64x1000000xf32, #tpu.memory_space<hbm>> -> memref<64x128xf32, #tpu.memory_space<hbm>>
      tpu.wait_dma2 semaphore(%arg13 : memref<!tpu.dma_semaphore, #tpu.memory_space<semaphore_mem>>) src(%dma_wait3A_266 : memref<64x128xf32, #tpu.memory_space<hbm>>) dst(%dma_wait3A_264 : memref<64x128xf32, #tpu.memory_space<vmem>>)
      %sub3A_267 = arith.constant 999936 : i32
      %sub3A_268 = arith.subi %sub3A_267, %and3A_3 : i32
      %add3A_269 = arith.constant 15 : i32
      %add3A_270 = arith.addi %scan3A_68, %add3A_269 : i32
      %jit3A_271 = arith.constant 16 : i32
      %div3A = arith.divsi %add3A_270, %jit3A_271 : i32
      %sign3A = arith.constant 0 : i32
      %sign3A_272 = arith.cmpi sgt, %add3A_270, %sign3A : i32
      %sign3A_273 = arith.extui %sign3A_272 : i1 to i32
      %sign3A_274 = arith.constant 0 : i32
      %sign3A_275 = arith.cmpi slt, %add3A_270, %sign3A_274 : i32
      %sign3A_276 = arith.extui %sign3A_275 : i1 to i32
      %sign3A_277 = arith.subi %sign3A_273, %sign3A_276 : i32
      %sign3A_278 = arith.constant 0 : i32
      %sign3A_279 = arith.cmpi sgt, %jit3A_271, %sign3A_278 : i32
      %sign3A_280 = arith.extui %sign3A_279 : i1 to i32
      %sign3A_281 = arith.constant 0 : i32
      %sign3A_282 = arith.cmpi slt, %jit3A_271, %sign3A_281 : i32
      %sign3A_283 = arith.extui %sign3A_282 : i1 to i32
      %sign3A_284 = arith.subi %sign3A_280, %sign3A_283 : i32
      %ne3A = arith.cmpi ne, %sign3A_277, %sign3A_284 : i32
      %rem3A = arith.remsi %add3A_270, %jit3A_271 : i32
      %ne3A_285 = arith.constant 0 : i32
      %ne3A_286 = arith.cmpi ne, %rem3A, %ne3A_285 : i32
      %and3A_287 = arith.andi %ne3A, %ne3A_286 : i1
      %sub3A_288 = arith.constant 1 : i32
      %sub3A_289 = arith.subi %div3A, %sub3A_288 : i32
      %select_n3A_290 = arith.select %and3A_287, %sub3A_289, %div3A : i32
      %while3A_291 = arith.constant 0 : i32
      %while3A_292 = arith.constant 0 : i32
      %while3A_293 = arith.subi %select_n3A_290, %while3A_291 : i32
      %while3A_294 = arith.addi %while3A_291, %while3A_293 : i32
      %while3A_295 = arith.constant 1 : i32
      %while3A_296 = arith.divsi %while3A_293, %while3A_295 : i32
      %while3A_297 = arith.muli %while3A_296, %while3A_295 : i32
      %while3A_298 = arith.addi %while3A_291, %while3A_297 : i32
      %while3A_299 = arith.constant 1 : i32
      %while3A_300 = scf.for %while3A_315 = %while3A_291 to %while3A_298 step %while3A_299 iter_args(%while3A_316 = %while3A_292) -> (i32)  : i32 {
        %mul3A_317 = arith.constant 16 : i32
        %mul3A_318 = arith.muli %while3A_315, %mul3A_317 : i32
        %get3A = arith.index_cast %mul3A_318 : i32 to index
        %get3A_319 = tpu.vector_load %arg9[%get3A] {strides = array<i32>} : memref<16400xi32, #tpu.memory_space<vmem>>, vector<16xi32>,
        %and3A_320 = arith.constant 32767 : i32
        %and3A_321 = vector.broadcast %and3A_320 : i32 to vector<16xi32>
        %and3A_322 = arith.andi %get3A_319, %and3A_321 : vector<16xi32>
        %ge3A = vector.broadcast %sub3A_268 : i32 to vector<16xi32>
        %ge3A_323 = arith.cmpi sge, %and3A_322, %ge3A : vector<16xi32>
        %add3A_324 = arith.constant 128 : i32
        %add3A_325 = arith.addi %sub3A_268, %add3A_324 : i32
        %lt3A = vector.broadcast %add3A_325 : i32 to vector<16xi32>
        %lt3A_326 = arith.cmpi slt, %and3A_322, %lt3A : vector<16xi32>
        %and3A_327 = arith.andi %ge3A_323, %lt3A_326 : vector<16xi1>
        %mul3A_328 = arith.constant 16 : i32
        %mul3A_329 = arith.muli %while3A_315, %mul3A_328 : i32
        %sub3A_330 = arith.subi %scan3A_68, %mul3A_329 : i32
        %lt3A_331 = vector.broadcast %sub3A_330 : i32 to vector<16xi32>
        %lt3A_332 = arith.cmpi slt, %iota3A, %lt3A_331 : vector<16xi32>
        %and3A_333 = arith.andi %and3A_327, %lt3A_332 : vector<16xi1>
        %swap3A = arith.index_cast %while3A_316 : i32 to index
        %swap3A_334 = tpu.vector_load %arg10[%swap3A] masked %and3A_333 {strides = array<i32>} : memref<16400xi32, #tpu.memory_space<vmem>>, vector<16xi32>, vector<16xi1>
        tpu.vector_store %arg10[%swap3A], %get3A_319 masked %and3A_333 {strides = array<i32>} : memref<16400xi32, #tpu.memory_space<vmem>>, vector<16xi32>, vector<16xi1>
        %all_reduce_population_count3A = tpu.all_reduce %and3A_333 {dim = 0 : i64, kind = #tpu.reduction_kind<sum>} : vector<16xi1> -> vector<16xi32>
        %slice3A = vector.extract_strided_slice %all_reduce_population_count3A {offsets = [0], sizes = [1], strides = [1]} : vector<16xi32> to vector<1xi32>
        %squeeze3A = vector.extract %slice3A[0] : i32 from vector<1xi32>
        %add3A_335 = arith.addi %while3A_316, %squeeze3A : i32
        scf.yield %add3A_335 : i32
      }
      %while3A_301 = arith.constant 1 : i32
      %while3A_302 = scf.for %while3A_315 = %while3A_298 to %while3A_294 step %while3A_301 iter_args(%while3A_316 = %while3A_300) -> (i32)  : i32 {
        %mul3A_317 = arith.constant 16 : i32
        %mul3A_318 = arith.muli %while3A_315, %mul3A_317 : i32
        %get3A = arith.index_cast %mul3A_318 : i32 to index
        %get3A_319 = tpu.vector_load %arg9[%get3A] {strides = array<i32>} : memref<16400xi32, #tpu.memory_space<vmem>>, vector<16xi32>,
        %and3A_320 = arith.constant 32767 : i32
        %and3A_321 = vector.broadcast %and3A_320 : i32 to vector<16xi32>
        %and3A_322 = arith.andi %get3A_319, %and3A_321 : vector<16xi32>
        %ge3A = vector.broadcast %sub3A_268 : i32 to vector<16xi32>
        %ge3A_323 = arith.cmpi sge, %and3A_322, %ge3A : vector<16xi32>
        %add3A_324 = arith.constant 128 : i32
        %add3A_325 = arith.addi %sub3A_268, %add3A_324 : i32
        %lt3A = vector.broadcast %add3A_325 : i32 to vector<16xi32>
        %lt3A_326 = arith.cmpi slt, %and3A_322, %lt3A : vector<16xi32>
        %and3A_327 = arith.andi %ge3A_323, %lt3A_326 : vector<16xi1>
        %mul3A_328 = arith.constant 16 : i32
        %mul3A_329 = arith.muli %while3A_315, %mul3A_328 : i32
        %sub3A_330 = arith.subi %scan3A_68, %mul3A_329 : i32
        %lt3A_331 = vector.broadcast %sub3A_330 : i32 to vector<16xi32>
        %lt3A_332 = arith.cmpi slt, %iota3A, %lt3A_331 : vector<16xi32>
        %and3A_333 = arith.andi %and3A_327, %lt3A_332 : vector<16xi1>
        %swap3A = arith.index_cast %while3A_316 : i32 to index
        %swap3A_334 = tpu.vector_load %arg10[%swap3A] masked %and3A_333 {strides = array<i32>} : memref<16400xi32, #tpu.memory_space<vmem>>, vector<16xi32>, vector<16xi1>
        tpu.vector_store %arg10[%swap3A], %get3A_319 masked %and3A_333 {strides = array<i32>} : memref<16400xi32, #tpu.memory_space<vmem>>, vector<16xi32>, vector<16xi1>
        %all_reduce_population_count3A = tpu.all_reduce %and3A_333 {dim = 0 : i64, kind = #tpu.reduction_kind<sum>} : vector<16xi1> -> vector<16xi32>
        %slice3A = vector.extract_strided_slice %all_reduce_population_count3A {offsets = [0], sizes = [1], strides = [1]} : vector<16xi32> to vector<1xi32>
        %squeeze3A = vector.extract %slice3A[0] : i32 from vector<1xi32>
        %add3A_335 = arith.addi %while3A_316, %squeeze3A : i32
        scf.yield %add3A_335 : i32
      }
      %broadcast_in_dim3A = arith.constant 0 : i32
      %broadcast_in_dim3A_303 = vector.broadcast %broadcast_in_dim3A : i32 to vector<16xi32>
      %while3A_304 = arith.constant 0 : i32
      %while3A_305 = arith.subi %while3A_302, %while3A_304 : i32
      %while3A_306 = arith.addi %while3A_304, %while3A_305 : i32
      %while3A_307 = arith.constant 1 : i32
      %while3A_308 = arith.divsi %while3A_305, %while3A_307 : i32
      %while3A_309 = arith.muli %while3A_308, %while3A_307 : i32
      %while3A_310 = arith.addi %while3A_304, %while3A_309 : i32
      %while3A_311 = arith.constant 1 : i32
      %while3A_312 = scf.for %while3A_315 = %while3A_304 to %while3A_310 step %while3A_311 iter_args(%while3A_316 = %while3A_239) -> (i32)  : i32 {
        %get3A = arith.index_cast %while3A_315 : i32 to index
        %get3A_317 = tpu.vector_load %arg10[%get3A] {strides = array<i32>} : memref<16400xi32, #tpu.memory_space<vmem>>, vector<16xi32>,
        %slice3A = vector.extract_strided_slice %get3A_317 {offsets = [0], sizes = [1], strides = [1]} : vector<16xi32> to vector<1xi32>
        %squeeze3A = vector.extract %slice3A[0] : i32 from vector<1xi32>
        %shift_right_logical3A_318 = arith.constant 15 : i32
        %shift_right_logical3A_319 = arith.shrui %squeeze3A, %shift_right_logical3A_318 : i32
        %and3A_320 = arith.constant 32767 : i32
        %and3A_321 = arith.andi %squeeze3A, %and3A_320 : i32
        %sub3A_322 = arith.subi %and3A_321, %sub3A_268 : i32
        %broadcast_in_dim3A_323 = vector.broadcast %sub3A_322 : i32 to vector<16xi32>
        %and3A_324 = arith.constant 7 : i32
        %and3A_325 = arith.andi %while3A_316, %and3A_324 : i32
        %add3A_326 = arith.constant 0 : i32
        %add3A_327 = vector.broadcast %add3A_326 : i32 to vector<16xi32>
        %add3A_328 = arith.addi %iota3A, %add3A_327 : vector<16xi32>
        %gather3A = tpu.vector_load_idx %arg11[%broadcast_in_dim3A_303, %add3A_328, %broadcast_in_dim3A_323] : memref<4x64x256xf32, #tpu.memory_space<vmem>>[vector<16xi32>, vector<16xi32>, vector<16xi32>], vector<16xf32>,
        %swap3A = arith.index_cast %and3A_325 : i32 to index
        %swap3A_329 = arith.constant 0 : index
        %swap3A_330 = tpu.vector_load %arg12[%swap3A, %swap3A_329] {strides = array<i32>} : memref<8x64xf32, #tpu.memory_space<vmem>>, vector<16xf32>,
        tpu.vector_store %arg12[%swap3A, %swap3A_329], %gather3A {strides = array<i32>} : memref<8x64xf32, #tpu.memory_space<vmem>>, vector<16xf32>,
        %add3A_331 = arith.constant 16 : i32
        %add3A_332 = vector.broadcast %add3A_331 : i32 to vector<16xi32>
        %add3A_333 = arith.addi %iota3A, %add3A_332 : vector<16xi32>
        %gather3A_334 = tpu.vector_load_idx %arg11[%broadcast_in_dim3A_303, %add3A_333, %broadcast_in_dim3A_323] : memref<4x64x256xf32, #tpu.memory_space<vmem>>[vector<16xi32>, vector<16xi32>, vector<16xi32>], vector<16xf32>,
        %swap3A_335 = arith.index_cast %and3A_325 : i32 to index
        %swap3A_336 = arith.constant 16 : index
        %swap3A_337 = tpu.vector_load %arg12[%swap3A_335, %swap3A_336] {strides = array<i32>} : memref<8x64xf32, #tpu.memory_space<vmem>>, vector<16xf32>,
        tpu.vector_store %arg12[%swap3A_335, %swap3A_336], %gather3A_334 {strides = array<i32>} : memref<8x64xf32, #tpu.memory_space<vmem>>, vector<16xf32>,
        %add3A_338 = arith.constant 32 : i32
        %add3A_339 = vector.broadcast %add3A_338 : i32 to vector<16xi32>
        %add3A_340 = arith.addi %iota3A, %add3A_339 : vector<16xi32>
        %gather3A_341 = tpu.vector_load_idx %arg11[%broadcast_in_dim3A_303, %add3A_340, %broadcast_in_dim3A_323] : memref<4x64x256xf32, #tpu.memory_space<vmem>>[vector<16xi32>, vector<16xi32>, vector<16xi32>], vector<16xf32>,
        %swap3A_342 = arith.index_cast %and3A_325 : i32 to index
        %swap3A_343 = arith.constant 32 : index
        %swap3A_344 = tpu.vector_load %arg12[%swap3A_342, %swap3A_343] {strides = array<i32>} : memref<8x64xf32, #tpu.memory_space<vmem>>, vector<16xf32>,
        tpu.vector_store %arg12[%swap3A_342, %swap3A_343], %gather3A_341 {strides = array<i32>} : memref<8x64xf32, #tpu.memory_space<vmem>>, vector<16xf32>,
        %add3A_345 = arith.constant 48 : i32
        %add3A_346 = vector.broadcast %add3A_345 : i32 to vector<16xi32>
        %add3A_347 = arith.addi %iota3A, %add3A_346 : vector<16xi32>
        %gather3A_348 = tpu.vector_load_idx %arg11[%broadcast_in_dim3A_303, %add3A_347, %broadcast_in_dim3A_323] : memref<4x64x256xf32, #tpu.memory_space<vmem>>[vector<16xi32>, vector<16xi32>, vector<16xi32>], vector<16xf32>,
        %swap3A_349 = arith.index_cast %and3A_325 : i32 to index
        %swap3A_350 = arith.constant 48 : index
        %swap3A_351 = tpu.vector_load %arg12[%swap3A_349, %swap3A_350] {strides = array<i32>} : memref<8x64xf32, #tpu.memory_space<vmem>>, vector<16xf32>,
        tpu.vector_store %arg12[%swap3A_349, %swap3A_350], %gather3A_348 {strides = array<i32>} : memref<8x64xf32, #tpu.memory_space<vmem>>, vector<16xf32>,
        %ge3A = arith.constant 8 : i32
        %ge3A_352 = arith.cmpi sge, %while3A_316, %ge3A : i32
        %convert_element_type3A = arith.extui %ge3A_352 : i1 to i32
        %cond3A = arith.constant 0 : i32
        %cond3A_353 = arith.cmpi ne, %convert_element_type3A, %cond3A : i32
        scf.if %cond3A_353 {
          %dma_wait3A_364 = arith.constant 0 : i32
          %dma_wait3A_365 = arith.constant 0 : i32
          %dma_wait3A_366 = tpu.memref_slice %arg12[%dma_wait3A_364, %dma_wait3A_365] : memref<8x64xf32, #tpu.memory_space<vmem>> -> memref<1x64xf32, #tpu.memory_space<vmem>>
          %dma_wait3A_367 = arith.constant 0 : i32
          %dma_wait3A_368 = arith.constant 0 : i32
          %dma_wait3A_369 = tpu.memref_slice %arg6[%dma_wait3A_367, %dma_wait3A_368] : memref<16384x64xf32, #tpu.memory_space<hbm>> -> memref<1x64xf32, #tpu.memory_space<hbm>>
          %dma_wait3A_370 = arith.constant 0 : i32
          %dma_wait3A_371 = arith.constant 0 : i32
          %dma_wait3A_372 = tpu.memref_slice %arg12[%dma_wait3A_370, %dma_wait3A_371] : memref<8x64xf32, #tpu.memory_space<vmem>> -> memref<1x64xf32, #tpu.memory_space<vmem>>
          %dma_wait3A_373 = arith.constant 0 : i32
          %dma_wait3A_374 = arith.constant 0 : i32
          %dma_wait3A_375 = tpu.memref_slice %arg6[%dma_wait3A_373, %dma_wait3A_374] : memref<16384x64xf32, #tpu.memory_space<hbm>> -> memref<1x64xf32, #tpu.memory_space<hbm>>
          tpu.wait_dma2 semaphore(%arg14 : memref<!tpu.dma_semaphore, #tpu.memory_space<semaphore_mem>>) src(%dma_wait3A_375 : memref<1x64xf32, #tpu.memory_space<hbm>>) dst(%dma_wait3A_372 : memref<1x64xf32, #tpu.memory_space<vmem>>)
        } else {
        }
        %dma_start3A_354 = arith.constant 0 : i32
        %dma_start3A_355 = tpu.memref_slice %arg12[%and3A_325, %dma_start3A_354] : memref<8x64xf32, #tpu.memory_space<vmem>> -> memref<1x64xf32, #tpu.memory_space<vmem>>
        %dma_start3A_356 = arith.constant 0 : i32
        %dma_start3A_357 = tpu.memref_slice %arg6[%shift_right_logical3A_319, %dma_start3A_356] : memref<16384x64xf32, #tpu.memory_space<hbm>> -> memref<1x64xf32, #tpu.memory_space<hbm>>
        %dma_start3A_358 = arith.constant 0 : i32
        %dma_start3A_359 = tpu.memref_slice %arg6[%shift_right_logical3A_319, %dma_start3A_358] : memref<16384x64xf32, #tpu.memory_space<hbm>> -> memref<1x64xf32, #tpu.memory_space<hbm>>
        %dma_start3A_360 = arith.constant 0 : i32
        %dma_start3A_361 = tpu.memref_slice %arg12[%and3A_325, %dma_start3A_360] : memref<8x64xf32, #tpu.memory_space<vmem>> -> memref<1x64xf32, #tpu.memory_space<vmem>>
        tpu.enqueue_dma source(%dma_start3A_361 : memref<1x64xf32, #tpu.memory_space<vmem>>) target(%dma_start3A_359 : memref<1x64xf32, #tpu.memory_space<hbm>>) target_semaphore(%arg14 : memref<!tpu.dma_semaphore, #tpu.memory_space<semaphore_mem>>)
        %add3A_362 = arith.constant 1 : i32
        %add3A_363 = arith.addi %while3A_316, %add3A_362 : i32
        scf.yield %add3A_363 : i32
      }
      %while3A_313 = arith.constant 1 : i32
      %while3A_314 = scf.for %while3A_315 = %while3A_310 to %while3A_306 step %while3A_313 iter_args(%while3A_316 = %while3A_312) -> (i32)  : i32 {
        %get3A = arith.index_cast %while3A_315 : i32 to index
        %get3A_317 = tpu.vector_load %arg10[%get3A] {strides = array<i32>} : memref<16400xi32, #tpu.memory_space<vmem>>, vector<16xi32>,
        %slice3A = vector.extract_strided_slice %get3A_317 {offsets = [0], sizes = [1], strides = [1]} : vector<16xi32> to vector<1xi32>
        %squeeze3A = vector.extract %slice3A[0] : i32 from vector<1xi32>
        %shift_right_logical3A_318 = arith.constant 15 : i32
        %shift_right_logical3A_319 = arith.shrui %squeeze3A, %shift_right_logical3A_318 : i32
        %and3A_320 = arith.constant 32767 : i32
        %and3A_321 = arith.andi %squeeze3A, %and3A_320 : i32
        %sub3A_322 = arith.subi %and3A_321, %sub3A_268 : i32
        %broadcast_in_dim3A_323 = vector.broadcast %sub3A_322 : i32 to vector<16xi32>
        %and3A_324 = arith.constant 7 : i32
        %and3A_325 = arith.andi %while3A_316, %and3A_324 : i32
        %add3A_326 = arith.constant 0 : i32
        %add3A_327 = vector.broadcast %add3A_326 : i32 to vector<16xi32>
        %add3A_328 = arith.addi %iota3A, %add3A_327 : vector<16xi32>
        %gather3A = tpu.vector_load_idx %arg11[%broadcast_in_dim3A_303, %add3A_328, %broadcast_in_dim3A_323] : memref<4x64x256xf32, #tpu.memory_space<vmem>>[vector<16xi32>, vector<16xi32>, vector<16xi32>], vector<16xf32>,
        %swap3A = arith.index_cast %and3A_325 : i32 to index
        %swap3A_329 = arith.constant 0 : index
        %swap3A_330 = tpu.vector_load %arg12[%swap3A, %swap3A_329] {strides = array<i32>} : memref<8x64xf32, #tpu.memory_space<vmem>>, vector<16xf32>,
        tpu.vector_store %arg12[%swap3A, %swap3A_329], %gather3A {strides = array<i32>} : memref<8x64xf32, #tpu.memory_space<vmem>>, vector<16xf32>,
        %add3A_331 = arith.constant 16 : i32
        %add3A_332 = vector.broadcast %add3A_331 : i32 to vector<16xi32>
        %add3A_333 = arith.addi %iota3A, %add3A_332 : vector<16xi32>
        %gather3A_334 = tpu.vector_load_idx %arg11[%broadcast_in_dim3A_303, %add3A_333, %broadcast_in_dim3A_323] : memref<4x64x256xf32, #tpu.memory_space<vmem>>[vector<16xi32>, vector<16xi32>, vector<16xi32>], vector<16xf32>,
        %swap3A_335 = arith.index_cast %and3A_325 : i32 to index
        %swap3A_336 = arith.constant 16 : index
        %swap3A_337 = tpu.vector_load %arg12[%swap3A_335, %swap3A_336] {strides = array<i32>} : memref<8x64xf32, #tpu.memory_space<vmem>>, vector<16xf32>,
        tpu.vector_store %arg12[%swap3A_335, %swap3A_336], %gather3A_334 {strides = array<i32>} : memref<8x64xf32, #tpu.memory_space<vmem>>, vector<16xf32>,
        %add3A_338 = arith.constant 32 : i32
        %add3A_339 = vector.broadcast %add3A_338 : i32 to vector<16xi32>
        %add3A_340 = arith.addi %iota3A, %add3A_339 : vector<16xi32>
        %gather3A_341 = tpu.vector_load_idx %arg11[%broadcast_in_dim3A_303, %add3A_340, %broadcast_in_dim3A_323] : memref<4x64x256xf32, #tpu.memory_space<vmem>>[vector<16xi32>, vector<16xi32>, vector<16xi32>], vector<16xf32>,
        %swap3A_342 = arith.index_cast %and3A_325 : i32 to index
        %swap3A_343 = arith.constant 32 : index
        %swap3A_344 = tpu.vector_load %arg12[%swap3A_342, %swap3A_343] {strides = array<i32>} : memref<8x64xf32, #tpu.memory_space<vmem>>, vector<16xf32>,
        tpu.vector_store %arg12[%swap3A_342, %swap3A_343], %gather3A_341 {strides = array<i32>} : memref<8x64xf32, #tpu.memory_space<vmem>>, vector<16xf32>,
        %add3A_345 = arith.constant 48 : i32
        %add3A_346 = vector.broadcast %add3A_345 : i32 to vector<16xi32>
        %add3A_347 = arith.addi %iota3A, %add3A_346 : vector<16xi32>
        %gather3A_348 = tpu.vector_load_idx %arg11[%broadcast_in_dim3A_303, %add3A_347, %broadcast_in_dim3A_323] : memref<4x64x256xf32, #tpu.memory_space<vmem>>[vector<16xi32>, vector<16xi32>, vector<16xi32>], vector<16xf32>,
        %swap3A_349 = arith.index_cast %and3A_325 : i32 to index
        %swap3A_350 = arith.constant 48 : index
        %swap3A_351 = tpu.vector_load %arg12[%swap3A_349, %swap3A_350] {strides = array<i32>} : memref<8x64xf32, #tpu.memory_space<vmem>>, vector<16xf32>,
        tpu.vector_store %arg12[%swap3A_349, %swap3A_350], %gather3A_348 {strides = array<i32>} : memref<8x64xf32, #tpu.memory_space<vmem>>, vector<16xf32>,
        %ge3A = arith.constant 8 : i32
        %ge3A_352 = arith.cmpi sge, %while3A_316, %ge3A : i32
        %convert_element_type3A = arith.extui %ge3A_352 : i1 to i32
        %cond3A = arith.constant 0 : i32
        %cond3A_353 = arith.cmpi ne, %convert_element_type3A, %cond3A : i32
        scf.if %cond3A_353 {
          %dma_wait3A_364 = arith.constant 0 : i32
          %dma_wait3A_365 = arith.constant 0 : i32
          %dma_wait3A_366 = tpu.memref_slice %arg12[%dma_wait3A_364, %dma_wait3A_365] : memref<8x64xf32, #tpu.memory_space<vmem>> -> memref<1x64xf32, #tpu.memory_space<vmem>>
          %dma_wait3A_367 = arith.constant 0 : i32
          %dma_wait3A_368 = arith.constant 0 : i32
          %dma_wait3A_369 = tpu.memref_slice %arg6[%dma_wait3A_367, %dma_wait3A_368] : memref<16384x64xf32, #tpu.memory_space<hbm>> -> memref<1x64xf32, #tpu.memory_space<hbm>>
          %dma_wait3A_370 = arith.constant 0 : i32
          %dma_wait3A_371 = arith.constant 0 : i32
          %dma_wait3A_372 = tpu.memref_slice %arg12[%dma_wait3A_370, %dma_wait3A_371] : memref<8x64xf32, #tpu.memory_space<vmem>> -> memref<1x64xf32, #tpu.memory_space<vmem>>
          %dma_wait3A_373 = arith.constant 0 : i32
          %dma_wait3A_374 = arith.constant 0 : i32
          %dma_wait3A_375 = tpu.memref_slice %arg6[%dma_wait3A_373, %dma_wait3A_374] : memref<16384x64xf32, #tpu.memory_space<hbm>> -> memref<1x64xf32, #tpu.memory_space<hbm>>
          tpu.wait_dma2 semaphore(%arg14 : memref<!tpu.dma_semaphore, #tpu.memory_space<semaphore_mem>>) src(%dma_wait3A_375 : memref<1x64xf32, #tpu.memory_space<hbm>>) dst(%dma_wait3A_372 : memref<1x64xf32, #tpu.memory_space<vmem>>)
        } else {
        }
        %dma_start3A_354 = arith.constant 0 : i32
        %dma_start3A_355 = tpu.memref_slice %arg12[%and3A_325, %dma_start3A_354] : memref<8x64xf32, #tpu.memory_space<vmem>> -> memref<1x64xf32, #tpu.memory_space<vmem>>
        %dma_start3A_356 = arith.constant 0 : i32
        %dma_start3A_357 = tpu.memref_slice %arg6[%shift_right_logical3A_319, %dma_start3A_356] : memref<16384x64xf32, #tpu.memory_space<hbm>> -> memref<1x64xf32, #tpu.memory_space<hbm>>
        %dma_start3A_358 = arith.constant 0 : i32
        %dma_start3A_359 = tpu.memref_slice %arg6[%shift_right_logical3A_319, %dma_start3A_358] : memref<16384x64xf32, #tpu.memory_space<hbm>> -> memref<1x64xf32, #tpu.memory_space<hbm>>
        %dma_start3A_360 = arith.constant 0 : i32
        %dma_start3A_361 = tpu.memref_slice %arg12[%and3A_325, %dma_start3A_360] : memref<8x64xf32, #tpu.memory_space<vmem>> -> memref<1x64xf32, #tpu.memory_space<vmem>>
        tpu.enqueue_dma source(%dma_start3A_361 : memref<1x64xf32, #tpu.memory_space<vmem>>) target(%dma_start3A_359 : memref<1x64xf32, #tpu.memory_space<hbm>>) target_semaphore(%arg14 : memref<!tpu.dma_semaphore, #tpu.memory_space<semaphore_mem>>)
        %add3A_362 = arith.constant 1 : i32
        %add3A_363 = arith.addi %while3A_316, %add3A_362 : i32
        scf.yield %add3A_363 : i32
      }
      scf.yield %while3A_314 : i32
    }
    %while3A_95 = arith.constant 1 : i32
    %while3A_96 = scf.for %while3A_238 = %while3A_92 to %while3A_88 step %while3A_95 iter_args(%while3A_239 = %while3A_94) -> (i32)  : i32 {
      %multiple_of3A_240 = arith.constant 999936 : i32
      %multiple_of3A_241 = tpu.assume_multiple %multiple_of3A_240, 128 : i32
      %dma_start3A_242 = arith.constant 0 : i32
      %dma_start3A_243 = arith.constant 0 : i32
      %dma_start3A_244 = arith.constant 0 : i32
      %dma_start3A_245 = tpu.memref_slice %arg11[%dma_start3A_242, %dma_start3A_243, %dma_start3A_244] : memref<4x64x256xf32, #tpu.memory_space<vmem>> -> memref<1x64x128xf32, #tpu.memory_space<vmem>>
      %dma_start3A_246 = tpu.memref_squeeze %dma_start3A_245 : memref<1x64x128xf32, #tpu.memory_space<vmem>> -> memref<64x128xf32, #tpu.memory_space<vmem>>
      %dma_start3A_247 = arith.constant 0 : i32
      %dma_start3A_248 = tpu.memref_slice %arg4[%dma_start3A_247, %multiple_of3A_241] : memref<64x1000000xf32, #tpu.memory_space<hbm>> -> memref<64x128xf32, #tpu.memory_space<hbm>>
      %dma_start3A_249 = arith.constant 0 : i32
      %dma_start3A_250 = arith.constant 0 : i32
      %dma_start3A_251 = tpu.memref_slice %arg11[%dma_start3A_242, %dma_start3A_249, %dma_start3A_250] : memref<4x64x256xf32, #tpu.memory_space<vmem>> -> memref<1x64x128xf32, #tpu.memory_space<vmem>>
      %dma_start3A_252 = tpu.memref_squeeze %dma_start3A_251 : memref<1x64x128xf32, #tpu.memory_space<vmem>> -> memref<64x128xf32, #tpu.memory_space<vmem>>
      %dma_start3A_253 = arith.constant 0 : i32
      %dma_start3A_254 = tpu.memref_slice %arg4[%dma_start3A_253, %multiple_of3A_241] : memref<64x1000000xf32, #tpu.memory_space<hbm>> -> memref<64x128xf32, #tpu.memory_space<hbm>>
      tpu.enqueue_dma source(%dma_start3A_254 : memref<64x128xf32, #tpu.memory_space<hbm>>) target(%dma_start3A_252 : memref<64x128xf32, #tpu.memory_space<vmem>>) target_semaphore(%arg13 : memref<!tpu.dma_semaphore, #tpu.memory_space<semaphore_mem>>)
      %dma_wait3A = arith.constant 0 : i32
      %dma_wait3A_255 = arith.constant 0 : i32
      %dma_wait3A_256 = arith.constant 0 : i32
      %dma_wait3A_257 = tpu.memref_slice %arg11[%dma_wait3A, %dma_wait3A_255, %dma_wait3A_256] : memref<4x64x256xf32, #tpu.memory_space<vmem>> -> memref<1x64x128xf32, #tpu.memory_space<vmem>>
      %dma_wait3A_258 = tpu.memref_squeeze %dma_wait3A_257 : memref<1x64x128xf32, #tpu.memory_space<vmem>> -> memref<64x128xf32, #tpu.memory_space<vmem>>
      %dma_wait3A_259 = arith.constant 0 : i32
      %dma_wait3A_260 = tpu.memref_slice %arg4[%dma_wait3A_259, %multiple_of3A_241] : memref<64x1000000xf32, #tpu.memory_space<hbm>> -> memref<64x128xf32, #tpu.memory_space<hbm>>
      %dma_wait3A_261 = arith.constant 0 : i32
      %dma_wait3A_262 = arith.constant 0 : i32
      %dma_wait3A_263 = tpu.memref_slice %arg11[%dma_wait3A, %dma_wait3A_261, %dma_wait3A_262] : memref<4x64x256xf32, #tpu.memory_space<vmem>> -> memref<1x64x128xf32, #tpu.memory_space<vmem>>
      %dma_wait3A_264 = tpu.memref_squeeze %dma_wait3A_263 : memref<1x64x128xf32, #tpu.memory_space<vmem>> -> memref<64x128xf32, #tpu.memory_space<vmem>>
      %dma_wait3A_265 = arith.constant 0 : i32
      %dma_wait3A_266 = tpu.memref_slice %arg4[%dma_wait3A_265, %multiple_of3A_241] : memref<64x1000000xf32, #tpu.memory_space<hbm>> -> memref<64x128xf32, #tpu.memory_space<hbm>>
      tpu.wait_dma2 semaphore(%arg13 : memref<!tpu.dma_semaphore, #tpu.memory_space<semaphore_mem>>) src(%dma_wait3A_266 : memref<64x128xf32, #tpu.memory_space<hbm>>) dst(%dma_wait3A_264 : memref<64x128xf32, #tpu.memory_space<vmem>>)
      %sub3A_267 = arith.constant 999936 : i32
      %sub3A_268 = arith.subi %sub3A_267, %and3A_3 : i32
      %add3A_269 = arith.constant 15 : i32
      %add3A_270 = arith.addi %scan3A_68, %add3A_269 : i32
      %jit3A_271 = arith.constant 16 : i32
      %div3A = arith.divsi %add3A_270, %jit3A_271 : i32
      %sign3A = arith.constant 0 : i32
      %sign3A_272 = arith.cmpi sgt, %add3A_270, %sign3A : i32
      %sign3A_273 = arith.extui %sign3A_272 : i1 to i32
      %sign3A_274 = arith.constant 0 : i32
      %sign3A_275 = arith.cmpi slt, %add3A_270, %sign3A_274 : i32
      %sign3A_276 = arith.extui %sign3A_275 : i1 to i32
      %sign3A_277 = arith.subi %sign3A_273, %sign3A_276 : i32
      %sign3A_278 = arith.constant 0 : i32
      %sign3A_279 = arith.cmpi sgt, %jit3A_271, %sign3A_278 : i32
      %sign3A_280 = arith.extui %sign3A_279 : i1 to i32
      %sign3A_281 = arith.constant 0 : i32
      %sign3A_282 = arith.cmpi slt, %jit3A_271, %sign3A_281 : i32
      %sign3A_283 = arith.extui %sign3A_282 : i1 to i32
      %sign3A_284 = arith.subi %sign3A_280, %sign3A_283 : i32
      %ne3A = arith.cmpi ne, %sign3A_277, %sign3A_284 : i32
      %rem3A = arith.remsi %add3A_270, %jit3A_271 : i32
      %ne3A_285 = arith.constant 0 : i32
      %ne3A_286 = arith.cmpi ne, %rem3A, %ne3A_285 : i32
      %and3A_287 = arith.andi %ne3A, %ne3A_286 : i1
      %sub3A_288 = arith.constant 1 : i32
      %sub3A_289 = arith.subi %div3A, %sub3A_288 : i32
      %select_n3A_290 = arith.select %and3A_287, %sub3A_289, %div3A : i32
      %while3A_291 = arith.constant 0 : i32
      %while3A_292 = arith.constant 0 : i32
      %while3A_293 = arith.subi %select_n3A_290, %while3A_291 : i32
      %while3A_294 = arith.addi %while3A_291, %while3A_293 : i32
      %while3A_295 = arith.constant 1 : i32
      %while3A_296 = arith.divsi %while3A_293, %while3A_295 : i32
      %while3A_297 = arith.muli %while3A_296, %while3A_295 : i32
      %while3A_298 = arith.addi %while3A_291, %while3A_297 : i32
      %while3A_299 = arith.constant 1 : i32
      %while3A_300 = scf.for %while3A_315 = %while3A_291 to %while3A_298 step %while3A_299 iter_args(%while3A_316 = %while3A_292) -> (i32)  : i32 {
        %mul3A_317 = arith.constant 16 : i32
        %mul3A_318 = arith.muli %while3A_315, %mul3A_317 : i32
        %get3A = arith.index_cast %mul3A_318 : i32 to index
        %get3A_319 = tpu.vector_load %arg9[%get3A] {strides = array<i32>} : memref<16400xi32, #tpu.memory_space<vmem>>, vector<16xi32>,
        %and3A_320 = arith.constant 32767 : i32
        %and3A_321 = vector.broadcast %and3A_320 : i32 to vector<16xi32>
        %and3A_322 = arith.andi %get3A_319, %and3A_321 : vector<16xi32>
        %ge3A = vector.broadcast %sub3A_268 : i32 to vector<16xi32>
        %ge3A_323 = arith.cmpi sge, %and3A_322, %ge3A : vector<16xi32>
        %add3A_324 = arith.constant 128 : i32
        %add3A_325 = arith.addi %sub3A_268, %add3A_324 : i32
        %lt3A = vector.broadcast %add3A_325 : i32 to vector<16xi32>
        %lt3A_326 = arith.cmpi slt, %and3A_322, %lt3A : vector<16xi32>
        %and3A_327 = arith.andi %ge3A_323, %lt3A_326 : vector<16xi1>
        %mul3A_328 = arith.constant 16 : i32
        %mul3A_329 = arith.muli %while3A_315, %mul3A_328 : i32
        %sub3A_330 = arith.subi %scan3A_68, %mul3A_329 : i32
        %lt3A_331 = vector.broadcast %sub3A_330 : i32 to vector<16xi32>
        %lt3A_332 = arith.cmpi slt, %iota3A, %lt3A_331 : vector<16xi32>
        %and3A_333 = arith.andi %and3A_327, %lt3A_332 : vector<16xi1>
        %swap3A = arith.index_cast %while3A_316 : i32 to index
        %swap3A_334 = tpu.vector_load %arg10[%swap3A] masked %and3A_333 {strides = array<i32>} : memref<16400xi32, #tpu.memory_space<vmem>>, vector<16xi32>, vector<16xi1>
        tpu.vector_store %arg10[%swap3A], %get3A_319 masked %and3A_333 {strides = array<i32>} : memref<16400xi32, #tpu.memory_space<vmem>>, vector<16xi32>, vector<16xi1>
        %all_reduce_population_count3A = tpu.all_reduce %and3A_333 {dim = 0 : i64, kind = #tpu.reduction_kind<sum>} : vector<16xi1> -> vector<16xi32>
        %slice3A = vector.extract_strided_slice %all_reduce_population_count3A {offsets = [0], sizes = [1], strides = [1]} : vector<16xi32> to vector<1xi32>
        %squeeze3A = vector.extract %slice3A[0] : i32 from vector<1xi32>
        %add3A_335 = arith.addi %while3A_316, %squeeze3A : i32
        scf.yield %add3A_335 : i32
      }
      %while3A_301 = arith.constant 1 : i32
      %while3A_302 = scf.for %while3A_315 = %while3A_298 to %while3A_294 step %while3A_301 iter_args(%while3A_316 = %while3A_300) -> (i32)  : i32 {
        %mul3A_317 = arith.constant 16 : i32
        %mul3A_318 = arith.muli %while3A_315, %mul3A_317 : i32
        %get3A = arith.index_cast %mul3A_318 : i32 to index
        %get3A_319 = tpu.vector_load %arg9[%get3A] {strides = array<i32>} : memref<16400xi32, #tpu.memory_space<vmem>>, vector<16xi32>,
        %and3A_320 = arith.constant 32767 : i32
        %and3A_321 = vector.broadcast %and3A_320 : i32 to vector<16xi32>
        %and3A_322 = arith.andi %get3A_319, %and3A_321 : vector<16xi32>
        %ge3A = vector.broadcast %sub3A_268 : i32 to vector<16xi32>
        %ge3A_323 = arith.cmpi sge, %and3A_322, %ge3A : vector<16xi32>
        %add3A_324 = arith.constant 128 : i32
        %add3A_325 = arith.addi %sub3A_268, %add3A_324 : i32
        %lt3A = vector.broadcast %add3A_325 : i32 to vector<16xi32>
        %lt3A_326 = arith.cmpi slt, %and3A_322, %lt3A : vector<16xi32>
        %and3A_327 = arith.andi %ge3A_323, %lt3A_326 : vector<16xi1>
        %mul3A_328 = arith.constant 16 : i32
        %mul3A_329 = arith.muli %while3A_315, %mul3A_328 : i32
        %sub3A_330 = arith.subi %scan3A_68, %mul3A_329 : i32
        %lt3A_331 = vector.broadcast %sub3A_330 : i32 to vector<16xi32>
        %lt3A_332 = arith.cmpi slt, %iota3A, %lt3A_331 : vector<16xi32>
        %and3A_333 = arith.andi %and3A_327, %lt3A_332 : vector<16xi1>
        %swap3A = arith.index_cast %while3A_316 : i32 to index
        %swap3A_334 = tpu.vector_load %arg10[%swap3A] masked %and3A_333 {strides = array<i32>} : memref<16400xi32, #tpu.memory_space<vmem>>, vector<16xi32>, vector<16xi1>
        tpu.vector_store %arg10[%swap3A], %get3A_319 masked %and3A_333 {strides = array<i32>} : memref<16400xi32, #tpu.memory_space<vmem>>, vector<16xi32>, vector<16xi1>
        %all_reduce_population_count3A = tpu.all_reduce %and3A_333 {dim = 0 : i64, kind = #tpu.reduction_kind<sum>} : vector<16xi1> -> vector<16xi32>
        %slice3A = vector.extract_strided_slice %all_reduce_population_count3A {offsets = [0], sizes = [1], strides = [1]} : vector<16xi32> to vector<1xi32>
        %squeeze3A = vector.extract %slice3A[0] : i32 from vector<1xi32>
        %add3A_335 = arith.addi %while3A_316, %squeeze3A : i32
        scf.yield %add3A_335 : i32
      }
      %broadcast_in_dim3A = arith.constant 0 : i32
      %broadcast_in_dim3A_303 = vector.broadcast %broadcast_in_dim3A : i32 to vector<16xi32>
      %while3A_304 = arith.constant 0 : i32
      %while3A_305 = arith.subi %while3A_302, %while3A_304 : i32
      %while3A_306 = arith.addi %while3A_304, %while3A_305 : i32
      %while3A_307 = arith.constant 1 : i32
      %while3A_308 = arith.divsi %while3A_305, %while3A_307 : i32
      %while3A_309 = arith.muli %while3A_308, %while3A_307 : i32
      %while3A_310 = arith.addi %while3A_304, %while3A_309 : i32
      %while3A_311 = arith.constant 1 : i32
      %while3A_312 = scf.for %while3A_315 = %while3A_304 to %while3A_310 step %while3A_311 iter_args(%while3A_316 = %while3A_239) -> (i32)  : i32 {
        %get3A = arith.index_cast %while3A_315 : i32 to index
        %get3A_317 = tpu.vector_load %arg10[%get3A] {strides = array<i32>} : memref<16400xi32, #tpu.memory_space<vmem>>, vector<16xi32>,
        %slice3A = vector.extract_strided_slice %get3A_317 {offsets = [0], sizes = [1], strides = [1]} : vector<16xi32> to vector<1xi32>
        %squeeze3A = vector.extract %slice3A[0] : i32 from vector<1xi32>
        %shift_right_logical3A_318 = arith.constant 15 : i32
        %shift_right_logical3A_319 = arith.shrui %squeeze3A, %shift_right_logical3A_318 : i32
        %and3A_320 = arith.constant 32767 : i32
        %and3A_321 = arith.andi %squeeze3A, %and3A_320 : i32
        %sub3A_322 = arith.subi %and3A_321, %sub3A_268 : i32
        %broadcast_in_dim3A_323 = vector.broadcast %sub3A_322 : i32 to vector<16xi32>
        %and3A_324 = arith.constant 7 : i32
        %and3A_325 = arith.andi %while3A_316, %and3A_324 : i32
        %add3A_326 = arith.constant 0 : i32
        %add3A_327 = vector.broadcast %add3A_326 : i32 to vector<16xi32>
        %add3A_328 = arith.addi %iota3A, %add3A_327 : vector<16xi32>
        %gather3A = tpu.vector_load_idx %arg11[%broadcast_in_dim3A_303, %add3A_328, %broadcast_in_dim3A_323] : memref<4x64x256xf32, #tpu.memory_space<vmem>>[vector<16xi32>, vector<16xi32>, vector<16xi32>], vector<16xf32>,
        %swap3A = arith.index_cast %and3A_325 : i32 to index
        %swap3A_329 = arith.constant 0 : index
        %swap3A_330 = tpu.vector_load %arg12[%swap3A, %swap3A_329] {strides = array<i32>} : memref<8x64xf32, #tpu.memory_space<vmem>>, vector<16xf32>,
        tpu.vector_store %arg12[%swap3A, %swap3A_329], %gather3A {strides = array<i32>} : memref<8x64xf32, #tpu.memory_space<vmem>>, vector<16xf32>,
        %add3A_331 = arith.constant 16 : i32
        %add3A_332 = vector.broadcast %add3A_331 : i32 to vector<16xi32>
        %add3A_333 = arith.addi %iota3A, %add3A_332 : vector<16xi32>
        %gather3A_334 = tpu.vector_load_idx %arg11[%broadcast_in_dim3A_303, %add3A_333, %broadcast_in_dim3A_323] : memref<4x64x256xf32, #tpu.memory_space<vmem>>[vector<16xi32>, vector<16xi32>, vector<16xi32>], vector<16xf32>,
        %swap3A_335 = arith.index_cast %and3A_325 : i32 to index
        %swap3A_336 = arith.constant 16 : index
        %swap3A_337 = tpu.vector_load %arg12[%swap3A_335, %swap3A_336] {strides = array<i32>} : memref<8x64xf32, #tpu.memory_space<vmem>>, vector<16xf32>,
        tpu.vector_store %arg12[%swap3A_335, %swap3A_336], %gather3A_334 {strides = array<i32>} : memref<8x64xf32, #tpu.memory_space<vmem>>, vector<16xf32>,
        %add3A_338 = arith.constant 32 : i32
        %add3A_339 = vector.broadcast %add3A_338 : i32 to vector<16xi32>
        %add3A_340 = arith.addi %iota3A, %add3A_339 : vector<16xi32>
        %gather3A_341 = tpu.vector_load_idx %arg11[%broadcast_in_dim3A_303, %add3A_340, %broadcast_in_dim3A_323] : memref<4x64x256xf32, #tpu.memory_space<vmem>>[vector<16xi32>, vector<16xi32>, vector<16xi32>], vector<16xf32>,
        %swap3A_342 = arith.index_cast %and3A_325 : i32 to index
        %swap3A_343 = arith.constant 32 : index
        %swap3A_344 = tpu.vector_load %arg12[%swap3A_342, %swap3A_343] {strides = array<i32>} : memref<8x64xf32, #tpu.memory_space<vmem>>, vector<16xf32>,
        tpu.vector_store %arg12[%swap3A_342, %swap3A_343], %gather3A_341 {strides = array<i32>} : memref<8x64xf32, #tpu.memory_space<vmem>>, vector<16xf32>,
        %add3A_345 = arith.constant 48 : i32
        %add3A_346 = vector.broadcast %add3A_345 : i32 to vector<16xi32>
        %add3A_347 = arith.addi %iota3A, %add3A_346 : vector<16xi32>
        %gather3A_348 = tpu.vector_load_idx %arg11[%broadcast_in_dim3A_303, %add3A_347, %broadcast_in_dim3A_323] : memref<4x64x256xf32, #tpu.memory_space<vmem>>[vector<16xi32>, vector<16xi32>, vector<16xi32>], vector<16xf32>,
        %swap3A_349 = arith.index_cast %and3A_325 : i32 to index
        %swap3A_350 = arith.constant 48 : index
        %swap3A_351 = tpu.vector_load %arg12[%swap3A_349, %swap3A_350] {strides = array<i32>} : memref<8x64xf32, #tpu.memory_space<vmem>>, vector<16xf32>,
        tpu.vector_store %arg12[%swap3A_349, %swap3A_350], %gather3A_348 {strides = array<i32>} : memref<8x64xf32, #tpu.memory_space<vmem>>, vector<16xf32>,
        %ge3A = arith.constant 8 : i32
        %ge3A_352 = arith.cmpi sge, %while3A_316, %ge3A : i32
        %convert_element_type3A = arith.extui %ge3A_352 : i1 to i32
        %cond3A = arith.constant 0 : i32
        %cond3A_353 = arith.cmpi ne, %convert_element_type3A, %cond3A : i32
        scf.if %cond3A_353 {
          %dma_wait3A_364 = arith.constant 0 : i32
          %dma_wait3A_365 = arith.constant 0 : i32
          %dma_wait3A_366 = tpu.memref_slice %arg12[%dma_wait3A_364, %dma_wait3A_365] : memref<8x64xf32, #tpu.memory_space<vmem>> -> memref<1x64xf32, #tpu.memory_space<vmem>>
          %dma_wait3A_367 = arith.constant 0 : i32
          %dma_wait3A_368 = arith.constant 0 : i32
          %dma_wait3A_369 = tpu.memref_slice %arg6[%dma_wait3A_367, %dma_wait3A_368] : memref<16384x64xf32, #tpu.memory_space<hbm>> -> memref<1x64xf32, #tpu.memory_space<hbm>>
          %dma_wait3A_370 = arith.constant 0 : i32
          %dma_wait3A_371 = arith.constant 0 : i32
          %dma_wait3A_372 = tpu.memref_slice %arg12[%dma_wait3A_370, %dma_wait3A_371] : memref<8x64xf32, #tpu.memory_space<vmem>> -> memref<1x64xf32, #tpu.memory_space<vmem>>
          %dma_wait3A_373 = arith.constant 0 : i32
          %dma_wait3A_374 = arith.constant 0 : i32
          %dma_wait3A_375 = tpu.memref_slice %arg6[%dma_wait3A_373, %dma_wait3A_374] : memref<16384x64xf32, #tpu.memory_space<hbm>> -> memref<1x64xf32, #tpu.memory_space<hbm>>
          tpu.wait_dma2 semaphore(%arg14 : memref<!tpu.dma_semaphore, #tpu.memory_space<semaphore_mem>>) src(%dma_wait3A_375 : memref<1x64xf32, #tpu.memory_space<hbm>>) dst(%dma_wait3A_372 : memref<1x64xf32, #tpu.memory_space<vmem>>)
        } else {
        }
        %dma_start3A_354 = arith.constant 0 : i32
        %dma_start3A_355 = tpu.memref_slice %arg12[%and3A_325, %dma_start3A_354] : memref<8x64xf32, #tpu.memory_space<vmem>> -> memref<1x64xf32, #tpu.memory_space<vmem>>
        %dma_start3A_356 = arith.constant 0 : i32
        %dma_start3A_357 = tpu.memref_slice %arg6[%shift_right_logical3A_319, %dma_start3A_356] : memref<16384x64xf32, #tpu.memory_space<hbm>> -> memref<1x64xf32, #tpu.memory_space<hbm>>
        %dma_start3A_358 = arith.constant 0 : i32
        %dma_start3A_359 = tpu.memref_slice %arg6[%shift_right_logical3A_319, %dma_start3A_358] : memref<16384x64xf32, #tpu.memory_space<hbm>> -> memref<1x64xf32, #tpu.memory_space<hbm>>
        %dma_start3A_360 = arith.constant 0 : i32
        %dma_start3A_361 = tpu.memref_slice %arg12[%and3A_325, %dma_start3A_360] : memref<8x64xf32, #tpu.memory_space<vmem>> -> memref<1x64xf32, #tpu.memory_space<vmem>>
        tpu.enqueue_dma source(%dma_start3A_361 : memref<1x64xf32, #tpu.memory_space<vmem>>) target(%dma_start3A_359 : memref<1x64xf32, #tpu.memory_space<hbm>>) target_semaphore(%arg14 : memref<!tpu.dma_semaphore, #tpu.memory_space<semaphore_mem>>)
        %add3A_362 = arith.constant 1 : i32
        %add3A_363 = arith.addi %while3A_316, %add3A_362 : i32
        scf.yield %add3A_363 : i32
      }
      %while3A_313 = arith.constant 1 : i32
      %while3A_314 = scf.for %while3A_315 = %while3A_310 to %while3A_306 step %while3A_313 iter_args(%while3A_316 = %while3A_312) -> (i32)  : i32 {
        %get3A = arith.index_cast %while3A_315 : i32 to index
        %get3A_317 = tpu.vector_load %arg10[%get3A] {strides = array<i32>} : memref<16400xi32, #tpu.memory_space<vmem>>, vector<16xi32>,
        %slice3A = vector.extract_strided_slice %get3A_317 {offsets = [0], sizes = [1], strides = [1]} : vector<16xi32> to vector<1xi32>
        %squeeze3A = vector.extract %slice3A[0] : i32 from vector<1xi32>
        %shift_right_logical3A_318 = arith.constant 15 : i32
        %shift_right_logical3A_319 = arith.shrui %squeeze3A, %shift_right_logical3A_318 : i32
        %and3A_320 = arith.constant 32767 : i32
        %and3A_321 = arith.andi %squeeze3A, %and3A_320 : i32
        %sub3A_322 = arith.subi %and3A_321, %sub3A_268 : i32
        %broadcast_in_dim3A_323 = vector.broadcast %sub3A_322 : i32 to vector<16xi32>
        %and3A_324 = arith.constant 7 : i32
        %and3A_325 = arith.andi %while3A_316, %and3A_324 : i32
        %add3A_326 = arith.constant 0 : i32
        %add3A_327 = vector.broadcast %add3A_326 : i32 to vector<16xi32>
        %add3A_328 = arith.addi %iota3A, %add3A_327 : vector<16xi32>
        %gather3A = tpu.vector_load_idx %arg11[%broadcast_in_dim3A_303, %add3A_328, %broadcast_in_dim3A_323] : memref<4x64x256xf32, #tpu.memory_space<vmem>>[vector<16xi32>, vector<16xi32>, vector<16xi32>], vector<16xf32>,
        %swap3A = arith.index_cast %and3A_325 : i32 to index
        %swap3A_329 = arith.constant 0 : index
        %swap3A_330 = tpu.vector_load %arg12[%swap3A, %swap3A_329] {strides = array<i32>} : memref<8x64xf32, #tpu.memory_space<vmem>>, vector<16xf32>,
        tpu.vector_store %arg12[%swap3A, %swap3A_329], %gather3A {strides = array<i32>} : memref<8x64xf32, #tpu.memory_space<vmem>>, vector<16xf32>,
        %add3A_331 = arith.constant 16 : i32
        %add3A_332 = vector.broadcast %add3A_331 : i32 to vector<16xi32>
        %add3A_333 = arith.addi %iota3A, %add3A_332 : vector<16xi32>
        %gather3A_334 = tpu.vector_load_idx %arg11[%broadcast_in_dim3A_303, %add3A_333, %broadcast_in_dim3A_323] : memref<4x64x256xf32, #tpu.memory_space<vmem>>[vector<16xi32>, vector<16xi32>, vector<16xi32>], vector<16xf32>,
        %swap3A_335 = arith.index_cast %and3A_325 : i32 to index
        %swap3A_336 = arith.constant 16 : index
        %swap3A_337 = tpu.vector_load %arg12[%swap3A_335, %swap3A_336] {strides = array<i32>} : memref<8x64xf32, #tpu.memory_space<vmem>>, vector<16xf32>,
        tpu.vector_store %arg12[%swap3A_335, %swap3A_336], %gather3A_334 {strides = array<i32>} : memref<8x64xf32, #tpu.memory_space<vmem>>, vector<16xf32>,
        %add3A_338 = arith.constant 32 : i32
        %add3A_339 = vector.broadcast %add3A_338 : i32 to vector<16xi32>
        %add3A_340 = arith.addi %iota3A, %add3A_339 : vector<16xi32>
        %gather3A_341 = tpu.vector_load_idx %arg11[%broadcast_in_dim3A_303, %add3A_340, %broadcast_in_dim3A_323] : memref<4x64x256xf32, #tpu.memory_space<vmem>>[vector<16xi32>, vector<16xi32>, vector<16xi32>], vector<16xf32>,
        %swap3A_342 = arith.index_cast %and3A_325 : i32 to index
        %swap3A_343 = arith.constant 32 : index
        %swap3A_344 = tpu.vector_load %arg12[%swap3A_342, %swap3A_343] {strides = array<i32>} : memref<8x64xf32, #tpu.memory_space<vmem>>, vector<16xf32>,
        tpu.vector_store %arg12[%swap3A_342, %swap3A_343], %gather3A_341 {strides = array<i32>} : memref<8x64xf32, #tpu.memory_space<vmem>>, vector<16xf32>,
        %add3A_345 = arith.constant 48 : i32
        %add3A_346 = vector.broadcast %add3A_345 : i32 to vector<16xi32>
        %add3A_347 = arith.addi %iota3A, %add3A_346 : vector<16xi32>
        %gather3A_348 = tpu.vector_load_idx %arg11[%broadcast_in_dim3A_303, %add3A_347, %broadcast_in_dim3A_323] : memref<4x64x256xf32, #tpu.memory_space<vmem>>[vector<16xi32>, vector<16xi32>, vector<16xi32>], vector<16xf32>,
        %swap3A_349 = arith.index_cast %and3A_325 : i32 to index
        %swap3A_350 = arith.constant 48 : index
        %swap3A_351 = tpu.vector_load %arg12[%swap3A_349, %swap3A_350] {strides = array<i32>} : memref<8x64xf32, #tpu.memory_space<vmem>>, vector<16xf32>,
        tpu.vector_store %arg12[%swap3A_349, %swap3A_350], %gather3A_348 {strides = array<i32>} : memref<8x64xf32, #tpu.memory_space<vmem>>, vector<16xf32>,
        %ge3A = arith.constant 8 : i32
        %ge3A_352 = arith.cmpi sge, %while3A_316, %ge3A : i32
        %convert_element_type3A = arith.extui %ge3A_352 : i1 to i32
        %cond3A = arith.constant 0 : i32
        %cond3A_353 = arith.cmpi ne, %convert_element_type3A, %cond3A : i32
        scf.if %cond3A_353 {
          %dma_wait3A_364 = arith.constant 0 : i32
          %dma_wait3A_365 = arith.constant 0 : i32
          %dma_wait3A_366 = tpu.memref_slice %arg12[%dma_wait3A_364, %dma_wait3A_365] : memref<8x64xf32, #tpu.memory_space<vmem>> -> memref<1x64xf32, #tpu.memory_space<vmem>>
          %dma_wait3A_367 = arith.constant 0 : i32
          %dma_wait3A_368 = arith.constant 0 : i32
          %dma_wait3A_369 = tpu.memref_slice %arg6[%dma_wait3A_367, %dma_wait3A_368] : memref<16384x64xf32, #tpu.memory_space<hbm>> -> memref<1x64xf32, #tpu.memory_space<hbm>>
          %dma_wait3A_370 = arith.constant 0 : i32
          %dma_wait3A_371 = arith.constant 0 : i32
          %dma_wait3A_372 = tpu.memref_slice %arg12[%dma_wait3A_370, %dma_wait3A_371] : memref<8x64xf32, #tpu.memory_space<vmem>> -> memref<1x64xf32, #tpu.memory_space<vmem>>
          %dma_wait3A_373 = arith.constant 0 : i32
          %dma_wait3A_374 = arith.constant 0 : i32
          %dma_wait3A_375 = tpu.memref_slice %arg6[%dma_wait3A_373, %dma_wait3A_374] : memref<16384x64xf32, #tpu.memory_space<hbm>> -> memref<1x64xf32, #tpu.memory_space<hbm>>
          tpu.wait_dma2 semaphore(%arg14 : memref<!tpu.dma_semaphore, #tpu.memory_space<semaphore_mem>>) src(%dma_wait3A_375 : memref<1x64xf32, #tpu.memory_space<hbm>>) dst(%dma_wait3A_372 : memref<1x64xf32, #tpu.memory_space<vmem>>)
        } else {
        }
        %dma_start3A_354 = arith.constant 0 : i32
        %dma_start3A_355 = tpu.memref_slice %arg12[%and3A_325, %dma_start3A_354] : memref<8x64xf32, #tpu.memory_space<vmem>> -> memref<1x64xf32, #tpu.memory_space<vmem>>
        %dma_start3A_356 = arith.constant 0 : i32
        %dma_start3A_357 = tpu.memref_slice %arg6[%shift_right_logical3A_319, %dma_start3A_356] : memref<16384x64xf32, #tpu.memory_space<hbm>> -> memref<1x64xf32, #tpu.memory_space<hbm>>
        %dma_start3A_358 = arith.constant 0 : i32
        %dma_start3A_359 = tpu.memref_slice %arg6[%shift_right_logical3A_319, %dma_start3A_358] : memref<16384x64xf32, #tpu.memory_space<hbm>> -> memref<1x64xf32, #tpu.memory_space<hbm>>
        %dma_start3A_360 = arith.constant 0 : i32
        %dma_start3A_361 = tpu.memref_slice %arg12[%and3A_325, %dma_start3A_360] : memref<8x64xf32, #tpu.memory_space<vmem>> -> memref<1x64xf32, #tpu.memory_space<vmem>>
        tpu.enqueue_dma source(%dma_start3A_361 : memref<1x64xf32, #tpu.memory_space<vmem>>) target(%dma_start3A_359 : memref<1x64xf32, #tpu.memory_space<hbm>>) target_semaphore(%arg14 : memref<!tpu.dma_semaphore, #tpu.memory_space<semaphore_mem>>)
        %add3A_362 = arith.constant 1 : i32
        %add3A_363 = arith.addi %while3A_316, %add3A_362 : i32
        scf.yield %add3A_363 : i32
      }
      scf.yield %while3A_314 : i32
    }
    %min3A = arith.constant 8 : i32
    %min3A_97 = arith.minsi %while3A_96, %min3A : i32
    %while3A_98 = arith.constant 0 : i32
    %while3A_99 = arith.constant 0 : i32
    %while3A_100 = arith.subi %min3A_97, %while3A_99 : i32
    %while3A_101 = arith.addi %while3A_99, %while3A_100 : i32
    %while3A_102 = arith.constant 1 : i32
    %while3A_103 = arith.divsi %while3A_100, %while3A_102 : i32
    %while3A_104 = arith.muli %while3A_103, %while3A_102 : i32
    %while3A_105 = arith.addi %while3A_99, %while3A_104 : i32
    %while3A_106 = arith.constant 1 : i32
    scf.for %while3A_238 = %while3A_99 to %while3A_105 step %while3A_106  : i32 {
      %dma_wait3A = arith.constant 0 : i32
      %dma_wait3A_239 = arith.constant 0 : i32
      %dma_wait3A_240 = tpu.memref_slice %arg12[%dma_wait3A, %dma_wait3A_239] : memref<8x64xf32, #tpu.memory_space<vmem>> -> memref<1x64xf32, #tpu.memory_space<vmem>>
      %dma_wait3A_241 = arith.constant 0 : i32
      %dma_wait3A_242 = arith.constant 0 : i32
      %dma_wait3A_243 = tpu.memref_slice %arg6[%dma_wait3A_241, %dma_wait3A_242] : memref<16384x64xf32, #tpu.memory_space<hbm>> -> memref<1x64xf32, #tpu.memory_space<hbm>>
      %dma_wait3A_244 = arith.constant 0 : i32
      %dma_wait3A_245 = arith.constant 0 : i32
      %dma_wait3A_246 = tpu.memref_slice %arg12[%dma_wait3A_244, %dma_wait3A_245] : memref<8x64xf32, #tpu.memory_space<vmem>> -> memref<1x64xf32, #tpu.memory_space<vmem>>
      %dma_wait3A_247 = arith.constant 0 : i32
      %dma_wait3A_248 = arith.constant 0 : i32
      %dma_wait3A_249 = tpu.memref_slice %arg6[%dma_wait3A_247, %dma_wait3A_248] : memref<16384x64xf32, #tpu.memory_space<hbm>> -> memref<1x64xf32, #tpu.memory_space<hbm>>
      tpu.wait_dma2 semaphore(%arg14 : memref<!tpu.dma_semaphore, #tpu.memory_space<semaphore_mem>>) src(%dma_wait3A_249 : memref<1x64xf32, #tpu.memory_space<hbm>>) dst(%dma_wait3A_246 : memref<1x64xf32, #tpu.memory_space<vmem>>)
    }
    %while3A_107 = arith.constant 1 : i32
    scf.for %while3A_238 = %while3A_105 to %while3A_101 step %while3A_107  : i32 {
      %dma_wait3A = arith.constant 0 : i32
      %dma_wait3A_239 = arith.constant 0 : i32
      %dma_wait3A_240 = tpu.memref_slice %arg12[%dma_wait3A, %dma_wait3A_239] : memref<8x64xf32, #tpu.memory_space<vmem>> -> memref<1x64xf32, #tpu.memory_space<vmem>>
      %dma_wait3A_241 = arith.constant 0 : i32
      %dma_wait3A_242 = arith.constant 0 : i32
      %dma_wait3A_243 = tpu.memref_slice %arg6[%dma_wait3A_241, %dma_wait3A_242] : memref<16384x64xf32, #tpu.memory_space<hbm>> -> memref<1x64xf32, #tpu.memory_space<hbm>>
      %dma_wait3A_244 = arith.constant 0 : i32
      %dma_wait3A_245 = arith.constant 0 : i32
      %dma_wait3A_246 = tpu.memref_slice %arg12[%dma_wait3A_244, %dma_wait3A_245] : memref<8x64xf32, #tpu.memory_space<vmem>> -> memref<1x64xf32, #tpu.memory_space<vmem>>
      %dma_wait3A_247 = arith.constant 0 : i32
      %dma_wait3A_248 = arith.constant 0 : i32
      %dma_wait3A_249 = tpu.memref_slice %arg6[%dma_wait3A_247, %dma_wait3A_248] : memref<16384x64xf32, #tpu.memory_space<hbm>> -> memref<1x64xf32, #tpu.memory_space<hbm>>
      tpu.wait_dma2 semaphore(%arg14 : memref<!tpu.dma_semaphore, #tpu.memory_space<semaphore_mem>>) src(%dma_wait3A_249 : memref<1x64xf32, #tpu.memory_space<hbm>>) dst(%dma_wait3A_246 : memref<1x64xf32, #tpu.memory_space<vmem>>)
    }
    %iota3A_108 = tpu.iota {dimensions = array<i32: 0>} : vector<16xi32>
    %mul3A_109 = arith.constant 3125 : i32
    %mul3A_110 = arith.muli %mul3A_109, %add3A : i32
    %and3A_111 = arith.constant -256 : i32
    %and3A_112 = arith.andi %mul3A_110, %and3A_111 : i32
    %add3A_113 = arith.constant 1 : i32
    %add3A_114 = arith.addi %add3A, %add3A_113 : i32
    %mul3A_115 = arith.constant 3125 : i32
    %mul3A_116 = arith.muli %mul3A_115, %add3A_114 : i32
    %and3A_117 = arith.constant -256 : i32
    %and3A_118 = arith.andi %mul3A_116, %and3A_117 : i32
    %eq3A_119 = arith.constant 31 : i32
    %eq3A_120 = arith.cmpi eq, %add3A, %eq3A_119 : i32
    %jit3A_121 = arith.constant 100000 : i32
    %select_n3A_122 = arith.select %eq3A_120, %jit3A_121, %and3A_118 : i32
    %sub3A_123 = arith.subi %and3A_118, %and3A_112 : i32
    %shift_right_logical3A_124 = arith.constant 8 : i32
    %shift_right_logical3A_125 = arith.shrui %sub3A_123, %shift_right_logical3A_124 : i32
    %add3A_126 = arith.constant 0 : i32
    %add3A_127 = arith.addi %and3A_112, %add3A_126 : i32
    %multiple_of3A_128 = tpu.assume_multiple %add3A_127, 128 : i32
    %and3A_129 = arith.constant 0 : i32
    %and3A_130 = arith.constant 3 : i32
    %and3A_131 = arith.andi %and3A_129, %and3A_130 : i32
    %dma_start3A_132 = arith.constant 0 : i32
    %dma_start3A_133 = arith.constant 0 : i32
    %dma_start3A_134 = tpu.memref_slice %arg11[%and3A_131, %dma_start3A_132, %dma_start3A_133] : memref<4x64x256xf32, #tpu.memory_space<vmem>> -> memref<1x64x256xf32, #tpu.memory_space<vmem>>
    %dma_start3A_135 = tpu.memref_squeeze %dma_start3A_134 : memref<1x64x256xf32, #tpu.memory_space<vmem>> -> memref<64x256xf32, #tpu.memory_space<vmem>>
    %dma_start3A_136 = arith.constant 0 : i32
    %dma_start3A_137 = tpu.memref_slice %arg5[%dma_start3A_136, %multiple_of3A_128] : memref<64x100000xf32, #tpu.memory_space<hbm>> -> memref<64x256xf32, #tpu.memory_space<hbm>>
    %dma_start3A_138 = arith.constant 0 : i32
    %dma_start3A_139 = arith.constant 0 : i32
    %dma_start3A_140 = tpu.memref_slice %arg11[%and3A_131, %dma_start3A_138, %dma_start3A_139] : memref<4x64x256xf32, #tpu.memory_space<vmem>> -> memref<1x64x256xf32, #tpu.memory_space<vmem>>
    %dma_start3A_141 = tpu.memref_squeeze %dma_start3A_140 : memref<1x64x256xf32, #tpu.memory_space<vmem>> -> memref<64x256xf32, #tpu.memory_space<vmem>>
    %dma_start3A_142 = arith.constant 0 : i32
    %dma_start3A_143 = tpu.memref_slice %arg5[%dma_start3A_142, %multiple_of3A_128] : memref<64x100000xf32, #tpu.memory_space<hbm>> -> memref<64x256xf32, #tpu.memory_space<hbm>>
    tpu.enqueue_dma source(%dma_start3A_143 : memref<64x256xf32, #tpu.memory_space<hbm>>) target(%dma_start3A_141 : memref<64x256xf32, #tpu.memory_space<vmem>>) target_semaphore(%arg13 : memref<!tpu.dma_semaphore, #tpu.memory_space<semaphore_mem>>)
    %add3A_144 = arith.constant 256 : i32
    %add3A_145 = arith.addi %and3A_112, %add3A_144 : i32
    %multiple_of3A_146 = tpu.assume_multiple %add3A_145, 128 : i32
    %and3A_147 = arith.constant 1 : i32
    %and3A_148 = arith.constant 3 : i32
    %and3A_149 = arith.andi %and3A_147, %and3A_148 : i32
    %dma_start3A_150 = arith.constant 0 : i32
    %dma_start3A_151 = arith.constant 0 : i32
    %dma_start3A_152 = tpu.memref_slice %arg11[%and3A_149, %dma_start3A_150, %dma_start3A_151] : memref<4x64x256xf32, #tpu.memory_space<vmem>> -> memref<1x64x256xf32, #tpu.memory_space<vmem>>
    %dma_start3A_153 = tpu.memref_squeeze %dma_start3A_152 : memref<1x64x256xf32, #tpu.memory_space<vmem>> -> memref<64x256xf32, #tpu.memory_space<vmem>>
    %dma_start3A_154 = arith.constant 0 : i32
    %dma_start3A_155 = tpu.memref_slice %arg5[%dma_start3A_154, %multiple_of3A_146] : memref<64x100000xf32, #tpu.memory_space<hbm>> -> memref<64x256xf32, #tpu.memory_space<hbm>>
    %dma_start3A_156 = arith.constant 0 : i32
    %dma_start3A_157 = arith.constant 0 : i32
    %dma_start3A_158 = tpu.memref_slice %arg11[%and3A_149, %dma_start3A_156, %dma_start3A_157] : memref<4x64x256xf32, #tpu.memory_space<vmem>> -> memref<1x64x256xf32, #tpu.memory_space<vmem>>
    %dma_start3A_159 = tpu.memref_squeeze %dma_start3A_158 : memref<1x64x256xf32, #tpu.memory_space<vmem>> -> memref<64x256xf32, #tpu.memory_space<vmem>>
    %dma_start3A_160 = arith.constant 0 : i32
    %dma_start3A_161 = tpu.memref_slice %arg5[%dma_start3A_160, %multiple_of3A_146] : memref<64x100000xf32, #tpu.memory_space<hbm>> -> memref<64x256xf32, #tpu.memory_space<hbm>>
    tpu.enqueue_dma source(%dma_start3A_161 : memref<64x256xf32, #tpu.memory_space<hbm>>) target(%dma_start3A_159 : memref<64x256xf32, #tpu.memory_space<vmem>>) target_semaphore(%arg13 : memref<!tpu.dma_semaphore, #tpu.memory_space<semaphore_mem>>)
    %add3A_162 = arith.constant 512 : i32
    %add3A_163 = arith.addi %and3A_112, %add3A_162 : i32
    %multiple_of3A_164 = tpu.assume_multiple %add3A_163, 128 : i32
    %and3A_165 = arith.constant 2 : i32
    %and3A_166 = arith.constant 3 : i32
    %and3A_167 = arith.andi %and3A_165, %and3A_166 : i32
    %dma_start3A_168 = arith.constant 0 : i32
    %dma_start3A_169 = arith.constant 0 : i32
    %dma_start3A_170 = tpu.memref_slice %arg11[%and3A_167, %dma_start3A_168, %dma_start3A_169] : memref<4x64x256xf32, #tpu.memory_space<vmem>> -> memref<1x64x256xf32, #tpu.memory_space<vmem>>
    %dma_start3A_171 = tpu.memref_squeeze %dma_start3A_170 : memref<1x64x256xf32, #tpu.memory_space<vmem>> -> memref<64x256xf32, #tpu.memory_space<vmem>>
    %dma_start3A_172 = arith.constant 0 : i32
    %dma_start3A_173 = tpu.memref_slice %arg5[%dma_start3A_172, %multiple_of3A_164] : memref<64x100000xf32, #tpu.memory_space<hbm>> -> memref<64x256xf32, #tpu.memory_space<hbm>>
    %dma_start3A_174 = arith.constant 0 : i32
    %dma_start3A_175 = arith.constant 0 : i32
    %dma_start3A_176 = tpu.memref_slice %arg11[%and3A_167, %dma_start3A_174, %dma_start3A_175] : memref<4x64x256xf32, #tpu.memory_space<vmem>> -> memref<1x64x256xf32, #tpu.memory_space<vmem>>
    %dma_start3A_177 = tpu.memref_squeeze %dma_start3A_176 : memref<1x64x256xf32, #tpu.memory_space<vmem>> -> memref<64x256xf32, #tpu.memory_space<vmem>>
    %dma_start3A_178 = arith.constant 0 : i32
    %dma_start3A_179 = tpu.memref_slice %arg5[%dma_start3A_178, %multiple_of3A_164] : memref<64x100000xf32, #tpu.memory_space<hbm>> -> memref<64x256xf32, #tpu.memory_space<hbm>>
    tpu.enqueue_dma source(%dma_start3A_179 : memref<64x256xf32, #tpu.memory_space<hbm>>) target(%dma_start3A_177 : memref<64x256xf32, #tpu.memory_space<vmem>>) target_semaphore(%arg13 : memref<!tpu.dma_semaphore, #tpu.memory_space<semaphore_mem>>)
    "tpu.region"() ({
      %run_scoped3A = tpu.sem_alloc : memref<!tpu.dma_semaphore, #tpu.memory_space<semaphore_mem>>
      tpu.enqueue_dma source(%arg3 : memref<16384xi32, #tpu.memory_space<hbm>>) target(%arg8 : memref<16384xi32, #tpu.memory_space<vmem>>) target_semaphore(%run_scoped3A : memref<!tpu.dma_semaphore, #tpu.memory_space<semaphore_mem>>)
      tpu.wait_dma2 semaphore(%run_scoped3A : memref<!tpu.dma_semaphore, #tpu.memory_space<semaphore_mem>>) src(%arg3 : memref<16384xi32, #tpu.memory_space<hbm>>) dst(%arg8 : memref<16384xi32, #tpu.memory_space<vmem>>)
      tpu.yield
    }) : () -> ()
    %scan3A_180 = arith.constant 0 : i32
    %scan3A_181 = arith.constant 0 : i32
    %scan3A_182 = arith.constant 1024 : i32
    %scan3A_183 = arith.addi %scan3A_181, %scan3A_182 : i32
    %scan3A_184 = arith.constant 1 : i32
    %scan3A_185 = scf.for %scan3A_238 = %scan3A_181 to %scan3A_183 step %scan3A_184 iter_args(%scan3A_239 = %scan3A_180) -> (i32)  : i32 {
      %mul3A_240 = arith.constant 16 : i32
      %mul3A_241 = arith.muli %scan3A_238, %mul3A_240 : i32
      %get3A = arith.index_cast %mul3A_241 : i32 to index
      %get3A_242 = tpu.vector_load %arg8[%get3A] {strides = array<i32>} : memref<16384xi32, #tpu.memory_space<vmem>>, vector<16xi32>,
      %ge3A = vector.broadcast %and3A_112 : i32 to vector<16xi32>
      %ge3A_243 = arith.cmpi sge, %get3A_242, %ge3A : vector<16xi32>
      %lt3A = vector.broadcast %select_n3A_122 : i32 to vector<16xi32>
      %lt3A_244 = arith.cmpi slt, %get3A_242, %lt3A : vector<16xi32>
      %and3A_245 = arith.andi %ge3A_243, %lt3A_244 : vector<16xi1>
      %mul3A_246 = arith.constant 16 : i32
      %mul3A_247 = arith.muli %scan3A_238, %mul3A_246 : i32
      %add3A_248 = vector.broadcast %mul3A_247 : i32 to vector<16xi32>
      %add3A_249 = arith.addi %iota3A_108, %add3A_248 : vector<16xi32>
      %shift_left3A = arith.constant 15 : i32
      %shift_left3A_250 = vector.broadcast %shift_left3A : i32 to vector<16xi32>
      %shift_left3A_251 = arith.shli %add3A_249, %shift_left3A_250 : vector<16xi32>
      %sub3A_252 = vector.broadcast %and3A_112 : i32 to vector<16xi32>
      %sub3A_253 = arith.subi %get3A_242, %sub3A_252 : vector<16xi32>
      %add3A_254 = arith.addi %shift_left3A_251, %sub3A_253 : vector<16xi32>
      %swap3A = arith.index_cast %scan3A_239 : i32 to index
      %swap3A_255 = tpu.vector_load %arg9[%swap3A] masked %and3A_245 {strides = array<i32>} : memref<16400xi32, #tpu.memory_space<vmem>>, vector<16xi32>, vector<16xi1>
      tpu.vector_store %arg9[%swap3A], %add3A_254 masked %and3A_245 {strides = array<i32>} : memref<16400xi32, #tpu.memory_space<vmem>>, vector<16xi32>, vector<16xi1>
      %all_reduce_population_count3A = tpu.all_reduce %and3A_245 {dim = 0 : i64, kind = #tpu.reduction_kind<sum>} : vector<16xi1> -> vector<16xi32>
      %slice3A = vector.extract_strided_slice %all_reduce_population_count3A {offsets = [0], sizes = [1], strides = [1]} : vector<16xi32> to vector<1xi32>
      %squeeze3A = vector.extract %slice3A[0] : i32 from vector<1xi32>
      %add3A_256 = arith.addi %scan3A_239, %squeeze3A : i32
      scf.yield %add3A_256 : i32
    }
    %scan3A_186 = arith.constant 1024 : i32
    %while3A_187 = arith.constant 0 : i32
    %while3A_188 = arith.constant 0 : i32
    %while3A_189 = arith.subi %shift_right_logical3A_125, %while3A_187 : i32
    %while3A_190 = arith.addi %while3A_187, %while3A_189 : i32
    %while3A_191 = arith.constant 1 : i32
    %while3A_192 = arith.divsi %while3A_189, %while3A_191 : i32
    %while3A_193 = arith.muli %while3A_192, %while3A_191 : i32
    %while3A_194 = arith.addi %while3A_187, %while3A_193 : i32
    %while3A_195 = arith.constant 1 : i32
    %while3A_196 = scf.for %while3A_238 = %while3A_187 to %while3A_194 step %while3A_195 iter_args(%while3A_239 = %while3A_188) -> (i32)  : i32 {
      %dma_wait3A = arith.constant 0 : i32
      %dma_wait3A_240 = arith.constant 0 : i32
      %dma_wait3A_241 = arith.constant 0 : i32
      %dma_wait3A_242 = tpu.memref_slice %arg11[%dma_wait3A, %dma_wait3A_240, %dma_wait3A_241] : memref<4x64x256xf32, #tpu.memory_space<vmem>> -> memref<1x64x256xf32, #tpu.memory_space<vmem>>
      %dma_wait3A_243 = tpu.memref_squeeze %dma_wait3A_242 : memref<1x64x256xf32, #tpu.memory_space<vmem>> -> memref<64x256xf32, #tpu.memory_space<vmem>>
      %dma_wait3A_244 = arith.constant 0 : i32
      %dma_wait3A_245 = arith.constant 0 : i32
      %dma_wait3A_246 = tpu.memref_slice %arg5[%dma_wait3A_244, %dma_wait3A_245] : memref<64x100000xf32, #tpu.memory_space<hbm>> -> memref<64x256xf32, #tpu.memory_space<hbm>>
      %dma_wait3A_247 = arith.constant 0 : i32
      %dma_wait3A_248 = arith.constant 0 : i32
      %dma_wait3A_249 = tpu.memref_slice %arg11[%dma_wait3A, %dma_wait3A_247, %dma_wait3A_248] : memref<4x64x256xf32, #tpu.memory_space<vmem>> -> memref<1x64x256xf32, #tpu.memory_space<vmem>>
      %dma_wait3A_250 = tpu.memref_squeeze %dma_wait3A_249 : memref<1x64x256xf32, #tpu.memory_space<vmem>> -> memref<64x256xf32, #tpu.memory_space<vmem>>
      %dma_wait3A_251 = arith.constant 0 : i32
      %dma_wait3A_252 = arith.constant 0 : i32
      %dma_wait3A_253 = tpu.memref_slice %arg5[%dma_wait3A_251, %dma_wait3A_252] : memref<64x100000xf32, #tpu.memory_space<hbm>> -> memref<64x256xf32, #tpu.memory_space<hbm>>
      tpu.wait_dma2 semaphore(%arg13 : memref<!tpu.dma_semaphore, #tpu.memory_space<semaphore_mem>>) src(%dma_wait3A_253 : memref<64x256xf32, #tpu.memory_space<hbm>>) dst(%dma_wait3A_250 : memref<64x256xf32, #tpu.memory_space<vmem>>)
      %add3A_254 = arith.constant 3 : i32
      %add3A_255 = arith.addi %while3A_238, %add3A_254 : i32
      %lt3A = arith.cmpi slt, %add3A_255, %shift_right_logical3A_125 : i32
      %convert_element_type3A = arith.extui %lt3A : i1 to i32
      %cond3A = arith.constant 0 : i32
      %cond3A_256 = arith.cmpi ne, %convert_element_type3A, %cond3A : i32
      scf.if %cond3A_256 {
        %add3A_306 = arith.constant 3 : i32
        %add3A_307 = arith.addi %while3A_238, %add3A_306 : i32
        %mul3A_308 = arith.constant 256 : i32
        %mul3A_309 = arith.muli %add3A_307, %mul3A_308 : i32
        %add3A_310 = arith.addi %and3A_112, %mul3A_309 : i32
        %multiple_of3A_311 = tpu.assume_multiple %add3A_310, 128 : i32
        %and3A_312 = arith.constant 3 : i32
        %and3A_313 = arith.andi %add3A_307, %and3A_312 : i32
        %dma_start3A_314 = arith.constant 0 : i32
        %dma_start3A_315 = arith.constant 0 : i32
        %dma_start3A_316 = tpu.memref_slice %arg11[%and3A_313, %dma_start3A_314, %dma_start3A_315] : memref<4x64x256xf32, #tpu.memory_space<vmem>> -> memref<1x64x256xf32, #tpu.memory_space<vmem>>
        %dma_start3A_317 = tpu.memref_squeeze %dma_start3A_316 : memref<1x64x256xf32, #tpu.memory_space<vmem>> -> memref<64x256xf32, #tpu.memory_space<vmem>>
        %dma_start3A_318 = arith.constant 0 : i32
        %dma_start3A_319 = tpu.memref_slice %arg5[%dma_start3A_318, %multiple_of3A_311] : memref<64x100000xf32, #tpu.memory_space<hbm>> -> memref<64x256xf32, #tpu.memory_space<hbm>>
        %dma_start3A_320 = arith.constant 0 : i32
        %dma_start3A_321 = arith.constant 0 : i32
        %dma_start3A_322 = tpu.memref_slice %arg11[%and3A_313, %dma_start3A_320, %dma_start3A_321] : memref<4x64x256xf32, #tpu.memory_space<vmem>> -> memref<1x64x256xf32, #tpu.memory_space<vmem>>
        %dma_start3A_323 = tpu.memref_squeeze %dma_start3A_322 : memref<1x64x256xf32, #tpu.memory_space<vmem>> -> memref<64x256xf32, #tpu.memory_space<vmem>>
        %dma_start3A_324 = arith.constant 0 : i32
        %dma_start3A_325 = tpu.memref_slice %arg5[%dma_start3A_324, %multiple_of3A_311] : memref<64x100000xf32, #tpu.memory_space<hbm>> -> memref<64x256xf32, #tpu.memory_space<hbm>>
        tpu.enqueue_dma source(%dma_start3A_325 : memref<64x256xf32, #tpu.memory_space<hbm>>) target(%dma_start3A_323 : memref<64x256xf32, #tpu.memory_space<vmem>>) target_semaphore(%arg13 : memref<!tpu.dma_semaphore, #tpu.memory_space<semaphore_mem>>)
      } else {
      }
      %mul3A_257 = arith.constant 256 : i32
      %mul3A_258 = arith.muli %while3A_238, %mul3A_257 : i32
      %and3A_259 = arith.constant 3 : i32
      %and3A_260 = arith.andi %while3A_238, %and3A_259 : i32
      %add3A_261 = arith.constant 15 : i32
      %add3A_262 = arith.addi %scan3A_185, %add3A_261 : i32
      %jit3A_263 = arith.constant 16 : i32
      %div3A = arith.divsi %add3A_262, %jit3A_263 : i32
      %sign3A = arith.constant 0 : i32
      %sign3A_264 = arith.cmpi sgt, %add3A_262, %sign3A : i32
      %sign3A_265 = arith.extui %sign3A_264 : i1 to i32
      %sign3A_266 = arith.constant 0 : i32
      %sign3A_267 = arith.cmpi slt, %add3A_262, %sign3A_266 : i32
      %sign3A_268 = arith.extui %sign3A_267 : i1 to i32
      %sign3A_269 = arith.subi %sign3A_265, %sign3A_268 : i32
      %sign3A_270 = arith.constant 0 : i32
      %sign3A_271 = arith.cmpi sgt, %jit3A_263, %sign3A_270 : i32
      %sign3A_272 = arith.extui %sign3A_271 : i1 to i32
      %sign3A_273 = arith.constant 0 : i32
      %sign3A_274 = arith.cmpi slt, %jit3A_263, %sign3A_273 : i32
      %sign3A_275 = arith.extui %sign3A_274 : i1 to i32
      %sign3A_276 = arith.subi %sign3A_272, %sign3A_275 : i32
      %ne3A = arith.cmpi ne, %sign3A_269, %sign3A_276 : i32
      %rem3A = arith.remsi %add3A_262, %jit3A_263 : i32
      %ne3A_277 = arith.constant 0 : i32
      %ne3A_278 = arith.cmpi ne, %rem3A, %ne3A_277 : i32
      %and3A_279 = arith.andi %ne3A, %ne3A_278 : i1
      %sub3A_280 = arith.constant 1 : i32
      %sub3A_281 = arith.subi %div3A, %sub3A_280 : i32
      %select_n3A_282 = arith.select %and3A_279, %sub3A_281, %div3A : i32
      %while3A_283 = arith.constant 0 : i32
      %while3A_284 = arith.constant 0 : i32
      %while3A_285 = arith.subi %select_n3A_282, %while3A_283 : i32
      %while3A_286 = arith.addi %while3A_283, %while3A_285 : i32
      %while3A_287 = arith.constant 1 : i32
      %while3A_288 = arith.divsi %while3A_285, %while3A_287 : i32
      %while3A_289 = arith.muli %while3A_288, %while3A_287 : i32
      %while3A_290 = arith.addi %while3A_283, %while3A_289 : i32
      %while3A_291 = arith.constant 1 : i32
      %while3A_292 = scf.for %while3A_306 = %while3A_283 to %while3A_290 step %while3A_291 iter_args(%while3A_307 = %while3A_284) -> (i32)  : i32 {
        %mul3A_308 = arith.constant 16 : i32
        %mul3A_309 = arith.muli %while3A_306, %mul3A_308 : i32
        %get3A = arith.index_cast %mul3A_309 : i32 to index
        %get3A_310 = tpu.vector_load %arg9[%get3A] {strides = array<i32>} : memref<16400xi32, #tpu.memory_space<vmem>>, vector<16xi32>,
        %and3A_311 = arith.constant 32767 : i32
        %and3A_312 = vector.broadcast %and3A_311 : i32 to vector<16xi32>
        %and3A_313 = arith.andi %get3A_310, %and3A_312 : vector<16xi32>
        %ge3A = vector.broadcast %mul3A_258 : i32 to vector<16xi32>
        %ge3A_314 = arith.cmpi sge, %and3A_313, %ge3A : vector<16xi32>
        %add3A_315 = arith.constant 256 : i32
        %add3A_316 = arith.addi %mul3A_258, %add3A_315 : i32
        %lt3A_317 = vector.broadcast %add3A_316 : i32 to vector<16xi32>
        %lt3A_318 = arith.cmpi slt, %and3A_313, %lt3A_317 : vector<16xi32>
        %and3A_319 = arith.andi %ge3A_314, %lt3A_318 : vector<16xi1>
        %mul3A_320 = arith.constant 16 : i32
        %mul3A_321 = arith.muli %while3A_306, %mul3A_320 : i32
        %sub3A_322 = arith.subi %scan3A_185, %mul3A_321 : i32
        %lt3A_323 = vector.broadcast %sub3A_322 : i32 to vector<16xi32>
        %lt3A_324 = arith.cmpi slt, %iota3A_108, %lt3A_323 : vector<16xi32>
        %and3A_325 = arith.andi %and3A_319, %lt3A_324 : vector<16xi1>
        %swap3A = arith.index_cast %while3A_307 : i32 to index
        %swap3A_326 = tpu.vector_load %arg10[%swap3A] masked %and3A_325 {strides = array<i32>} : memref<16400xi32, #tpu.memory_space<vmem>>, vector<16xi32>, vector<16xi1>
        tpu.vector_store %arg10[%swap3A], %get3A_310 masked %and3A_325 {strides = array<i32>} : memref<16400xi32, #tpu.memory_space<vmem>>, vector<16xi32>, vector<16xi1>
        %all_reduce_population_count3A = tpu.all_reduce %and3A_325 {dim = 0 : i64, kind = #tpu.reduction_kind<sum>} : vector<16xi1> -> vector<16xi32>
        %slice3A = vector.extract_strided_slice %all_reduce_population_count3A {offsets = [0], sizes = [1], strides = [1]} : vector<16xi32> to vector<1xi32>
        %squeeze3A = vector.extract %slice3A[0] : i32 from vector<1xi32>
        %add3A_327 = arith.addi %while3A_307, %squeeze3A : i32
        scf.yield %add3A_327 : i32
      }
      %while3A_293 = arith.constant 1 : i32
      %while3A_294 = scf.for %while3A_306 = %while3A_290 to %while3A_286 step %while3A_293 iter_args(%while3A_307 = %while3A_292) -> (i32)  : i32 {
        %mul3A_308 = arith.constant 16 : i32
        %mul3A_309 = arith.muli %while3A_306, %mul3A_308 : i32
        %get3A = arith.index_cast %mul3A_309 : i32 to index
        %get3A_310 = tpu.vector_load %arg9[%get3A] {strides = array<i32>} : memref<16400xi32, #tpu.memory_space<vmem>>, vector<16xi32>,
        %and3A_311 = arith.constant 32767 : i32
        %and3A_312 = vector.broadcast %and3A_311 : i32 to vector<16xi32>
        %and3A_313 = arith.andi %get3A_310, %and3A_312 : vector<16xi32>
        %ge3A = vector.broadcast %mul3A_258 : i32 to vector<16xi32>
        %ge3A_314 = arith.cmpi sge, %and3A_313, %ge3A : vector<16xi32>
        %add3A_315 = arith.constant 256 : i32
        %add3A_316 = arith.addi %mul3A_258, %add3A_315 : i32
        %lt3A_317 = vector.broadcast %add3A_316 : i32 to vector<16xi32>
        %lt3A_318 = arith.cmpi slt, %and3A_313, %lt3A_317 : vector<16xi32>
        %and3A_319 = arith.andi %ge3A_314, %lt3A_318 : vector<16xi1>
        %mul3A_320 = arith.constant 16 : i32
        %mul3A_321 = arith.muli %while3A_306, %mul3A_320 : i32
        %sub3A_322 = arith.subi %scan3A_185, %mul3A_321 : i32
        %lt3A_323 = vector.broadcast %sub3A_322 : i32 to vector<16xi32>
        %lt3A_324 = arith.cmpi slt, %iota3A_108, %lt3A_323 : vector<16xi32>
        %and3A_325 = arith.andi %and3A_319, %lt3A_324 : vector<16xi1>
        %swap3A = arith.index_cast %while3A_307 : i32 to index
        %swap3A_326 = tpu.vector_load %arg10[%swap3A] masked %and3A_325 {strides = array<i32>} : memref<16400xi32, #tpu.memory_space<vmem>>, vector<16xi32>, vector<16xi1>
        tpu.vector_store %arg10[%swap3A], %get3A_310 masked %and3A_325 {strides = array<i32>} : memref<16400xi32, #tpu.memory_space<vmem>>, vector<16xi32>, vector<16xi1>
        %all_reduce_population_count3A = tpu.all_reduce %and3A_325 {dim = 0 : i64, kind = #tpu.reduction_kind<sum>} : vector<16xi1> -> vector<16xi32>
        %slice3A = vector.extract_strided_slice %all_reduce_population_count3A {offsets = [0], sizes = [1], strides = [1]} : vector<16xi32> to vector<1xi32>
        %squeeze3A = vector.extract %slice3A[0] : i32 from vector<1xi32>
        %add3A_327 = arith.addi %while3A_307, %squeeze3A : i32
        scf.yield %add3A_327 : i32
      }
      %broadcast_in_dim3A = vector.broadcast %and3A_260 : i32 to vector<16xi32>
      %while3A_295 = arith.constant 0 : i32
      %while3A_296 = arith.subi %while3A_294, %while3A_295 : i32
      %while3A_297 = arith.addi %while3A_295, %while3A_296 : i32
      %while3A_298 = arith.constant 1 : i32
      %while3A_299 = arith.divsi %while3A_296, %while3A_298 : i32
      %while3A_300 = arith.muli %while3A_299, %while3A_298 : i32
      %while3A_301 = arith.addi %while3A_295, %while3A_300 : i32
      %while3A_302 = arith.constant 1 : i32
      %while3A_303 = scf.for %while3A_306 = %while3A_295 to %while3A_301 step %while3A_302 iter_args(%while3A_307 = %while3A_239) -> (i32)  : i32 {
        %get3A = arith.index_cast %while3A_306 : i32 to index
        %get3A_308 = tpu.vector_load %arg10[%get3A] {strides = array<i32>} : memref<16400xi32, #tpu.memory_space<vmem>>, vector<16xi32>,
        %slice3A = vector.extract_strided_slice %get3A_308 {offsets = [0], sizes = [1], strides = [1]} : vector<16xi32> to vector<1xi32>
        %squeeze3A = vector.extract %slice3A[0] : i32 from vector<1xi32>
        %shift_right_logical3A_309 = arith.constant 15 : i32
        %shift_right_logical3A_310 = arith.shrui %squeeze3A, %shift_right_logical3A_309 : i32
        %and3A_311 = arith.constant 32767 : i32
        %and3A_312 = arith.andi %squeeze3A, %and3A_311 : i32
        %sub3A_313 = arith.subi %and3A_312, %mul3A_258 : i32
        %broadcast_in_dim3A_314 = vector.broadcast %sub3A_313 : i32 to vector<16xi32>
        %and3A_315 = arith.constant 7 : i32
        %and3A_316 = arith.andi %while3A_307, %and3A_315 : i32
        %add3A_317 = arith.constant 0 : i32
        %add3A_318 = vector.broadcast %add3A_317 : i32 to vector<16xi32>
        %add3A_319 = arith.addi %iota3A_108, %add3A_318 : vector<16xi32>
        %gather3A = tpu.vector_load_idx %arg11[%broadcast_in_dim3A, %add3A_319, %broadcast_in_dim3A_314] : memref<4x64x256xf32, #tpu.memory_space<vmem>>[vector<16xi32>, vector<16xi32>, vector<16xi32>], vector<16xf32>,
        %swap3A = arith.index_cast %and3A_316 : i32 to index
        %swap3A_320 = arith.constant 0 : index
        %swap3A_321 = tpu.vector_load %arg12[%swap3A, %swap3A_320] {strides = array<i32>} : memref<8x64xf32, #tpu.memory_space<vmem>>, vector<16xf32>,
        tpu.vector_store %arg12[%swap3A, %swap3A_320], %gather3A {strides = array<i32>} : memref<8x64xf32, #tpu.memory_space<vmem>>, vector<16xf32>,
        %add3A_322 = arith.constant 16 : i32
        %add3A_323 = vector.broadcast %add3A_322 : i32 to vector<16xi32>
        %add3A_324 = arith.addi %iota3A_108, %add3A_323 : vector<16xi32>
        %gather3A_325 = tpu.vector_load_idx %arg11[%broadcast_in_dim3A, %add3A_324, %broadcast_in_dim3A_314] : memref<4x64x256xf32, #tpu.memory_space<vmem>>[vector<16xi32>, vector<16xi32>, vector<16xi32>], vector<16xf32>,
        %swap3A_326 = arith.index_cast %and3A_316 : i32 to index
        %swap3A_327 = arith.constant 16 : index
        %swap3A_328 = tpu.vector_load %arg12[%swap3A_326, %swap3A_327] {strides = array<i32>} : memref<8x64xf32, #tpu.memory_space<vmem>>, vector<16xf32>,
        tpu.vector_store %arg12[%swap3A_326, %swap3A_327], %gather3A_325 {strides = array<i32>} : memref<8x64xf32, #tpu.memory_space<vmem>>, vector<16xf32>,
        %add3A_329 = arith.constant 32 : i32
        %add3A_330 = vector.broadcast %add3A_329 : i32 to vector<16xi32>
        %add3A_331 = arith.addi %iota3A_108, %add3A_330 : vector<16xi32>
        %gather3A_332 = tpu.vector_load_idx %arg11[%broadcast_in_dim3A, %add3A_331, %broadcast_in_dim3A_314] : memref<4x64x256xf32, #tpu.memory_space<vmem>>[vector<16xi32>, vector<16xi32>, vector<16xi32>], vector<16xf32>,
        %swap3A_333 = arith.index_cast %and3A_316 : i32 to index
        %swap3A_334 = arith.constant 32 : index
        %swap3A_335 = tpu.vector_load %arg12[%swap3A_333, %swap3A_334] {strides = array<i32>} : memref<8x64xf32, #tpu.memory_space<vmem>>, vector<16xf32>,
        tpu.vector_store %arg12[%swap3A_333, %swap3A_334], %gather3A_332 {strides = array<i32>} : memref<8x64xf32, #tpu.memory_space<vmem>>, vector<16xf32>,
        %add3A_336 = arith.constant 48 : i32
        %add3A_337 = vector.broadcast %add3A_336 : i32 to vector<16xi32>
        %add3A_338 = arith.addi %iota3A_108, %add3A_337 : vector<16xi32>
        %gather3A_339 = tpu.vector_load_idx %arg11[%broadcast_in_dim3A, %add3A_338, %broadcast_in_dim3A_314] : memref<4x64x256xf32, #tpu.memory_space<vmem>>[vector<16xi32>, vector<16xi32>, vector<16xi32>], vector<16xf32>,
        %swap3A_340 = arith.index_cast %and3A_316 : i32 to index
        %swap3A_341 = arith.constant 48 : index
        %swap3A_342 = tpu.vector_load %arg12[%swap3A_340, %swap3A_341] {strides = array<i32>} : memref<8x64xf32, #tpu.memory_space<vmem>>, vector<16xf32>,
        tpu.vector_store %arg12[%swap3A_340, %swap3A_341], %gather3A_339 {strides = array<i32>} : memref<8x64xf32, #tpu.memory_space<vmem>>, vector<16xf32>,
        %ge3A = arith.constant 8 : i32
        %ge3A_343 = arith.cmpi sge, %while3A_307, %ge3A : i32
        %convert_element_type3A_344 = arith.extui %ge3A_343 : i1 to i32
        %cond3A_345 = arith.constant 0 : i32
        %cond3A_346 = arith.cmpi ne, %convert_element_type3A_344, %cond3A_345 : i32
        scf.if %cond3A_346 {
          %dma_wait3A_357 = arith.constant 0 : i32
          %dma_wait3A_358 = arith.constant 0 : i32
          %dma_wait3A_359 = tpu.memref_slice %arg12[%dma_wait3A_357, %dma_wait3A_358] : memref<8x64xf32, #tpu.memory_space<vmem>> -> memref<1x64xf32, #tpu.memory_space<vmem>>
          %dma_wait3A_360 = arith.constant 0 : i32
          %dma_wait3A_361 = arith.constant 0 : i32
          %dma_wait3A_362 = tpu.memref_slice %arg7[%dma_wait3A_360, %dma_wait3A_361] : memref<16384x64xf32, #tpu.memory_space<hbm>> -> memref<1x64xf32, #tpu.memory_space<hbm>>
          %dma_wait3A_363 = arith.constant 0 : i32
          %dma_wait3A_364 = arith.constant 0 : i32
          %dma_wait3A_365 = tpu.memref_slice %arg12[%dma_wait3A_363, %dma_wait3A_364] : memref<8x64xf32, #tpu.memory_space<vmem>> -> memref<1x64xf32, #tpu.memory_space<vmem>>
          %dma_wait3A_366 = arith.constant 0 : i32
          %dma_wait3A_367 = arith.constant 0 : i32
          %dma_wait3A_368 = tpu.memref_slice %arg7[%dma_wait3A_366, %dma_wait3A_367] : memref<16384x64xf32, #tpu.memory_space<hbm>> -> memref<1x64xf32, #tpu.memory_space<hbm>>
          tpu.wait_dma2 semaphore(%arg14 : memref<!tpu.dma_semaphore, #tpu.memory_space<semaphore_mem>>) src(%dma_wait3A_368 : memref<1x64xf32, #tpu.memory_space<hbm>>) dst(%dma_wait3A_365 : memref<1x64xf32, #tpu.memory_space<vmem>>)
        } else {
        }
        %dma_start3A_347 = arith.constant 0 : i32
        %dma_start3A_348 = tpu.memref_slice %arg12[%and3A_316, %dma_start3A_347] : memref<8x64xf32, #tpu.memory_space<vmem>> -> memref<1x64xf32, #tpu.memory_space<vmem>>
        %dma_start3A_349 = arith.constant 0 : i32
        %dma_start3A_350 = tpu.memref_slice %arg7[%shift_right_logical3A_310, %dma_start3A_349] : memref<16384x64xf32, #tpu.memory_space<hbm>> -> memref<1x64xf32, #tpu.memory_space<hbm>>
        %dma_start3A_351 = arith.constant 0 : i32
        %dma_start3A_352 = tpu.memref_slice %arg7[%shift_right_logical3A_310, %dma_start3A_351] : memref<16384x64xf32, #tpu.memory_space<hbm>> -> memref<1x64xf32, #tpu.memory_space<hbm>>
        %dma_start3A_353 = arith.constant 0 : i32
        %dma_start3A_354 = tpu.memref_slice %arg12[%and3A_316, %dma_start3A_353] : memref<8x64xf32, #tpu.memory_space<vmem>> -> memref<1x64xf32, #tpu.memory_space<vmem>>
        tpu.enqueue_dma source(%dma_start3A_354 : memref<1x64xf32, #tpu.memory_space<vmem>>) target(%dma_start3A_352 : memref<1x64xf32, #tpu.memory_space<hbm>>) target_semaphore(%arg14 : memref<!tpu.dma_semaphore, #tpu.memory_space<semaphore_mem>>)
        %add3A_355 = arith.constant 1 : i32
        %add3A_356 = arith.addi %while3A_307, %add3A_355 : i32
        scf.yield %add3A_356 : i32
      }
      %while3A_304 = arith.constant 1 : i32
      %while3A_305 = scf.for %while3A_306 = %while3A_301 to %while3A_297 step %while3A_304 iter_args(%while3A_307 = %while3A_303) -> (i32)  : i32 {
        %get3A = arith.index_cast %while3A_306 : i32 to index
        %get3A_308 = tpu.vector_load %arg10[%get3A] {strides = array<i32>} : memref<16400xi32, #tpu.memory_space<vmem>>, vector<16xi32>,
        %slice3A = vector.extract_strided_slice %get3A_308 {offsets = [0], sizes = [1], strides = [1]} : vector<16xi32> to vector<1xi32>
        %squeeze3A = vector.extract %slice3A[0] : i32 from vector<1xi32>
        %shift_right_logical3A_309 = arith.constant 15 : i32
        %shift_right_logical3A_310 = arith.shrui %squeeze3A, %shift_right_logical3A_309 : i32
        %and3A_311 = arith.constant 32767 : i32
        %and3A_312 = arith.andi %squeeze3A, %and3A_311 : i32
        %sub3A_313 = arith.subi %and3A_312, %mul3A_258 : i32
        %broadcast_in_dim3A_314 = vector.broadcast %sub3A_313 : i32 to vector<16xi32>
        %and3A_315 = arith.constant 7 : i32
        %and3A_316 = arith.andi %while3A_307, %and3A_315 : i32
        %add3A_317 = arith.constant 0 : i32
        %add3A_318 = vector.broadcast %add3A_317 : i32 to vector<16xi32>
        %add3A_319 = arith.addi %iota3A_108, %add3A_318 : vector<16xi32>
        %gather3A = tpu.vector_load_idx %arg11[%broadcast_in_dim3A, %add3A_319, %broadcast_in_dim3A_314] : memref<4x64x256xf32, #tpu.memory_space<vmem>>[vector<16xi32>, vector<16xi32>, vector<16xi32>], vector<16xf32>,
        %swap3A = arith.index_cast %and3A_316 : i32 to index
        %swap3A_320 = arith.constant 0 : index
        %swap3A_321 = tpu.vector_load %arg12[%swap3A, %swap3A_320] {strides = array<i32>} : memref<8x64xf32, #tpu.memory_space<vmem>>, vector<16xf32>,
        tpu.vector_store %arg12[%swap3A, %swap3A_320], %gather3A {strides = array<i32>} : memref<8x64xf32, #tpu.memory_space<vmem>>, vector<16xf32>,
        %add3A_322 = arith.constant 16 : i32
        %add3A_323 = vector.broadcast %add3A_322 : i32 to vector<16xi32>
        %add3A_324 = arith.addi %iota3A_108, %add3A_323 : vector<16xi32>
        %gather3A_325 = tpu.vector_load_idx %arg11[%broadcast_in_dim3A, %add3A_324, %broadcast_in_dim3A_314] : memref<4x64x256xf32, #tpu.memory_space<vmem>>[vector<16xi32>, vector<16xi32>, vector<16xi32>], vector<16xf32>,
        %swap3A_326 = arith.index_cast %and3A_316 : i32 to index
        %swap3A_327 = arith.constant 16 : index
        %swap3A_328 = tpu.vector_load %arg12[%swap3A_326, %swap3A_327] {strides = array<i32>} : memref<8x64xf32, #tpu.memory_space<vmem>>, vector<16xf32>,
        tpu.vector_store %arg12[%swap3A_326, %swap3A_327], %gather3A_325 {strides = array<i32>} : memref<8x64xf32, #tpu.memory_space<vmem>>, vector<16xf32>,
        %add3A_329 = arith.constant 32 : i32
        %add3A_330 = vector.broadcast %add3A_329 : i32 to vector<16xi32>
        %add3A_331 = arith.addi %iota3A_108, %add3A_330 : vector<16xi32>
        %gather3A_332 = tpu.vector_load_idx %arg11[%broadcast_in_dim3A, %add3A_331, %broadcast_in_dim3A_314] : memref<4x64x256xf32, #tpu.memory_space<vmem>>[vector<16xi32>, vector<16xi32>, vector<16xi32>], vector<16xf32>,
        %swap3A_333 = arith.index_cast %and3A_316 : i32 to index
        %swap3A_334 = arith.constant 32 : index
        %swap3A_335 = tpu.vector_load %arg12[%swap3A_333, %swap3A_334] {strides = array<i32>} : memref<8x64xf32, #tpu.memory_space<vmem>>, vector<16xf32>,
        tpu.vector_store %arg12[%swap3A_333, %swap3A_334], %gather3A_332 {strides = array<i32>} : memref<8x64xf32, #tpu.memory_space<vmem>>, vector<16xf32>,
        %add3A_336 = arith.constant 48 : i32
        %add3A_337 = vector.broadcast %add3A_336 : i32 to vector<16xi32>
        %add3A_338 = arith.addi %iota3A_108, %add3A_337 : vector<16xi32>
        %gather3A_339 = tpu.vector_load_idx %arg11[%broadcast_in_dim3A, %add3A_338, %broadcast_in_dim3A_314] : memref<4x64x256xf32, #tpu.memory_space<vmem>>[vector<16xi32>, vector<16xi32>, vector<16xi32>], vector<16xf32>,
        %swap3A_340 = arith.index_cast %and3A_316 : i32 to index
        %swap3A_341 = arith.constant 48 : index
        %swap3A_342 = tpu.vector_load %arg12[%swap3A_340, %swap3A_341] {strides = array<i32>} : memref<8x64xf32, #tpu.memory_space<vmem>>, vector<16xf32>,
        tpu.vector_store %arg12[%swap3A_340, %swap3A_341], %gather3A_339 {strides = array<i32>} : memref<8x64xf32, #tpu.memory_space<vmem>>, vector<16xf32>,
        %ge3A = arith.constant 8 : i32
        %ge3A_343 = arith.cmpi sge, %while3A_307, %ge3A : i32
        %convert_element_type3A_344 = arith.extui %ge3A_343 : i1 to i32
        %cond3A_345 = arith.constant 0 : i32
        %cond3A_346 = arith.cmpi ne, %convert_element_type3A_344, %cond3A_345 : i32
        scf.if %cond3A_346 {
          %dma_wait3A_357 = arith.constant 0 : i32
          %dma_wait3A_358 = arith.constant 0 : i32
          %dma_wait3A_359 = tpu.memref_slice %arg12[%dma_wait3A_357, %dma_wait3A_358] : memref<8x64xf32, #tpu.memory_space<vmem>> -> memref<1x64xf32, #tpu.memory_space<vmem>>
          %dma_wait3A_360 = arith.constant 0 : i32
          %dma_wait3A_361 = arith.constant 0 : i32
          %dma_wait3A_362 = tpu.memref_slice %arg7[%dma_wait3A_360, %dma_wait3A_361] : memref<16384x64xf32, #tpu.memory_space<hbm>> -> memref<1x64xf32, #tpu.memory_space<hbm>>
          %dma_wait3A_363 = arith.constant 0 : i32
          %dma_wait3A_364 = arith.constant 0 : i32
          %dma_wait3A_365 = tpu.memref_slice %arg12[%dma_wait3A_363, %dma_wait3A_364] : memref<8x64xf32, #tpu.memory_space<vmem>> -> memref<1x64xf32, #tpu.memory_space<vmem>>
          %dma_wait3A_366 = arith.constant 0 : i32
          %dma_wait3A_367 = arith.constant 0 : i32
          %dma_wait3A_368 = tpu.memref_slice %arg7[%dma_wait3A_366, %dma_wait3A_367] : memref<16384x64xf32, #tpu.memory_space<hbm>> -> memref<1x64xf32, #tpu.memory_space<hbm>>
          tpu.wait_dma2 semaphore(%arg14 : memref<!tpu.dma_semaphore, #tpu.memory_space<semaphore_mem>>) src(%dma_wait3A_368 : memref<1x64xf32, #tpu.memory_space<hbm>>) dst(%dma_wait3A_365 : memref<1x64xf32, #tpu.memory_space<vmem>>)
        } else {
        }
        %dma_start3A_347 = arith.constant 0 : i32
        %dma_start3A_348 = tpu.memref_slice %arg12[%and3A_316, %dma_start3A_347] : memref<8x64xf32, #tpu.memory_space<vmem>> -> memref<1x64xf32, #tpu.memory_space<vmem>>
        %dma_start3A_349 = arith.constant 0 : i32
        %dma_start3A_350 = tpu.memref_slice %arg7[%shift_right_logical3A_310, %dma_start3A_349] : memref<16384x64xf32, #tpu.memory_space<hbm>> -> memref<1x64xf32, #tpu.memory_space<hbm>>
        %dma_start3A_351 = arith.constant 0 : i32
        %dma_start3A_352 = tpu.memref_slice %arg7[%shift_right_logical3A_310, %dma_start3A_351] : memref<16384x64xf32, #tpu.memory_space<hbm>> -> memref<1x64xf32, #tpu.memory_space<hbm>>
        %dma_start3A_353 = arith.constant 0 : i32
        %dma_start3A_354 = tpu.memref_slice %arg12[%and3A_316, %dma_start3A_353] : memref<8x64xf32, #tpu.memory_space<vmem>> -> memref<1x64xf32, #tpu.memory_space<vmem>>
        tpu.enqueue_dma source(%dma_start3A_354 : memref<1x64xf32, #tpu.memory_space<vmem>>) target(%dma_start3A_352 : memref<1x64xf32, #tpu.memory_space<hbm>>) target_semaphore(%arg14 : memref<!tpu.dma_semaphore, #tpu.memory_space<semaphore_mem>>)
        %add3A_355 = arith.constant 1 : i32
        %add3A_356 = arith.addi %while3A_307, %add3A_355 : i32
        scf.yield %add3A_356 : i32
      }
      scf.yield %while3A_305 : i32
    }
    %while3A_197 = arith.constant 1 : i32
    %while3A_198 = scf.for %while3A_238 = %while3A_194 to %while3A_190 step %while3A_197 iter_args(%while3A_239 = %while3A_196) -> (i32)  : i32 {
      %dma_wait3A = arith.constant 0 : i32
      %dma_wait3A_240 = arith.constant 0 : i32
      %dma_wait3A_241 = arith.constant 0 : i32
      %dma_wait3A_242 = tpu.memref_slice %arg11[%dma_wait3A, %dma_wait3A_240, %dma_wait3A_241] : memref<4x64x256xf32, #tpu.memory_space<vmem>> -> memref<1x64x256xf32, #tpu.memory_space<vmem>>
      %dma_wait3A_243 = tpu.memref_squeeze %dma_wait3A_242 : memref<1x64x256xf32, #tpu.memory_space<vmem>> -> memref<64x256xf32, #tpu.memory_space<vmem>>
      %dma_wait3A_244 = arith.constant 0 : i32
      %dma_wait3A_245 = arith.constant 0 : i32
      %dma_wait3A_246 = tpu.memref_slice %arg5[%dma_wait3A_244, %dma_wait3A_245] : memref<64x100000xf32, #tpu.memory_space<hbm>> -> memref<64x256xf32, #tpu.memory_space<hbm>>
      %dma_wait3A_247 = arith.constant 0 : i32
      %dma_wait3A_248 = arith.constant 0 : i32
      %dma_wait3A_249 = tpu.memref_slice %arg11[%dma_wait3A, %dma_wait3A_247, %dma_wait3A_248] : memref<4x64x256xf32, #tpu.memory_space<vmem>> -> memref<1x64x256xf32, #tpu.memory_space<vmem>>
      %dma_wait3A_250 = tpu.memref_squeeze %dma_wait3A_249 : memref<1x64x256xf32, #tpu.memory_space<vmem>> -> memref<64x256xf32, #tpu.memory_space<vmem>>
      %dma_wait3A_251 = arith.constant 0 : i32
      %dma_wait3A_252 = arith.constant 0 : i32
      %dma_wait3A_253 = tpu.memref_slice %arg5[%dma_wait3A_251, %dma_wait3A_252] : memref<64x100000xf32, #tpu.memory_space<hbm>> -> memref<64x256xf32, #tpu.memory_space<hbm>>
      tpu.wait_dma2 semaphore(%arg13 : memref<!tpu.dma_semaphore, #tpu.memory_space<semaphore_mem>>) src(%dma_wait3A_253 : memref<64x256xf32, #tpu.memory_space<hbm>>) dst(%dma_wait3A_250 : memref<64x256xf32, #tpu.memory_space<vmem>>)
      %add3A_254 = arith.constant 3 : i32
      %add3A_255 = arith.addi %while3A_238, %add3A_254 : i32
      %lt3A = arith.cmpi slt, %add3A_255, %shift_right_logical3A_125 : i32
      %convert_element_type3A = arith.extui %lt3A : i1 to i32
      %cond3A = arith.constant 0 : i32
      %cond3A_256 = arith.cmpi ne, %convert_element_type3A, %cond3A : i32
      scf.if %cond3A_256 {
        %add3A_306 = arith.constant 3 : i32
        %add3A_307 = arith.addi %while3A_238, %add3A_306 : i32
        %mul3A_308 = arith.constant 256 : i32
        %mul3A_309 = arith.muli %add3A_307, %mul3A_308 : i32
        %add3A_310 = arith.addi %and3A_112, %mul3A_309 : i32
        %multiple_of3A_311 = tpu.assume_multiple %add3A_310, 128 : i32
        %and3A_312 = arith.constant 3 : i32
        %and3A_313 = arith.andi %add3A_307, %and3A_312 : i32
        %dma_start3A_314 = arith.constant 0 : i32
        %dma_start3A_315 = arith.constant 0 : i32
        %dma_start3A_316 = tpu.memref_slice %arg11[%and3A_313, %dma_start3A_314, %dma_start3A_315] : memref<4x64x256xf32, #tpu.memory_space<vmem>> -> memref<1x64x256xf32, #tpu.memory_space<vmem>>
        %dma_start3A_317 = tpu.memref_squeeze %dma_start3A_316 : memref<1x64x256xf32, #tpu.memory_space<vmem>> -> memref<64x256xf32, #tpu.memory_space<vmem>>
        %dma_start3A_318 = arith.constant 0 : i32
        %dma_start3A_319 = tpu.memref_slice %arg5[%dma_start3A_318, %multiple_of3A_311] : memref<64x100000xf32, #tpu.memory_space<hbm>> -> memref<64x256xf32, #tpu.memory_space<hbm>>
        %dma_start3A_320 = arith.constant 0 : i32
        %dma_start3A_321 = arith.constant 0 : i32
        %dma_start3A_322 = tpu.memref_slice %arg11[%and3A_313, %dma_start3A_320, %dma_start3A_321] : memref<4x64x256xf32, #tpu.memory_space<vmem>> -> memref<1x64x256xf32, #tpu.memory_space<vmem>>
        %dma_start3A_323 = tpu.memref_squeeze %dma_start3A_322 : memref<1x64x256xf32, #tpu.memory_space<vmem>> -> memref<64x256xf32, #tpu.memory_space<vmem>>
        %dma_start3A_324 = arith.constant 0 : i32
        %dma_start3A_325 = tpu.memref_slice %arg5[%dma_start3A_324, %multiple_of3A_311] : memref<64x100000xf32, #tpu.memory_space<hbm>> -> memref<64x256xf32, #tpu.memory_space<hbm>>
        tpu.enqueue_dma source(%dma_start3A_325 : memref<64x256xf32, #tpu.memory_space<hbm>>) target(%dma_start3A_323 : memref<64x256xf32, #tpu.memory_space<vmem>>) target_semaphore(%arg13 : memref<!tpu.dma_semaphore, #tpu.memory_space<semaphore_mem>>)
      } else {
      }
      %mul3A_257 = arith.constant 256 : i32
      %mul3A_258 = arith.muli %while3A_238, %mul3A_257 : i32
      %and3A_259 = arith.constant 3 : i32
      %and3A_260 = arith.andi %while3A_238, %and3A_259 : i32
      %add3A_261 = arith.constant 15 : i32
      %add3A_262 = arith.addi %scan3A_185, %add3A_261 : i32
      %jit3A_263 = arith.constant 16 : i32
      %div3A = arith.divsi %add3A_262, %jit3A_263 : i32
      %sign3A = arith.constant 0 : i32
      %sign3A_264 = arith.cmpi sgt, %add3A_262, %sign3A : i32
      %sign3A_265 = arith.extui %sign3A_264 : i1 to i32
      %sign3A_266 = arith.constant 0 : i32
      %sign3A_267 = arith.cmpi slt, %add3A_262, %sign3A_266 : i32
      %sign3A_268 = arith.extui %sign3A_267 : i1 to i32
      %sign3A_269 = arith.subi %sign3A_265, %sign3A_268 : i32
      %sign3A_270 = arith.constant 0 : i32
      %sign3A_271 = arith.cmpi sgt, %jit3A_263, %sign3A_270 : i32
      %sign3A_272 = arith.extui %sign3A_271 : i1 to i32
      %sign3A_273 = arith.constant 0 : i32
      %sign3A_274 = arith.cmpi slt, %jit3A_263, %sign3A_273 : i32
      %sign3A_275 = arith.extui %sign3A_274 : i1 to i32
      %sign3A_276 = arith.subi %sign3A_272, %sign3A_275 : i32
      %ne3A = arith.cmpi ne, %sign3A_269, %sign3A_276 : i32
      %rem3A = arith.remsi %add3A_262, %jit3A_263 : i32
      %ne3A_277 = arith.constant 0 : i32
      %ne3A_278 = arith.cmpi ne, %rem3A, %ne3A_277 : i32
      %and3A_279 = arith.andi %ne3A, %ne3A_278 : i1
      %sub3A_280 = arith.constant 1 : i32
      %sub3A_281 = arith.subi %div3A, %sub3A_280 : i32
      %select_n3A_282 = arith.select %and3A_279, %sub3A_281, %div3A : i32
      %while3A_283 = arith.constant 0 : i32
      %while3A_284 = arith.constant 0 : i32
      %while3A_285 = arith.subi %select_n3A_282, %while3A_283 : i32
      %while3A_286 = arith.addi %while3A_283, %while3A_285 : i32
      %while3A_287 = arith.constant 1 : i32
      %while3A_288 = arith.divsi %while3A_285, %while3A_287 : i32
      %while3A_289 = arith.muli %while3A_288, %while3A_287 : i32
      %while3A_290 = arith.addi %while3A_283, %while3A_289 : i32
      %while3A_291 = arith.constant 1 : i32
      %while3A_292 = scf.for %while3A_306 = %while3A_283 to %while3A_290 step %while3A_291 iter_args(%while3A_307 = %while3A_284) -> (i32)  : i32 {
        %mul3A_308 = arith.constant 16 : i32
        %mul3A_309 = arith.muli %while3A_306, %mul3A_308 : i32
        %get3A = arith.index_cast %mul3A_309 : i32 to index
        %get3A_310 = tpu.vector_load %arg9[%get3A] {strides = array<i32>} : memref<16400xi32, #tpu.memory_space<vmem>>, vector<16xi32>,
        %and3A_311 = arith.constant 32767 : i32
        %and3A_312 = vector.broadcast %and3A_311 : i32 to vector<16xi32>
        %and3A_313 = arith.andi %get3A_310, %and3A_312 : vector<16xi32>
        %ge3A = vector.broadcast %mul3A_258 : i32 to vector<16xi32>
        %ge3A_314 = arith.cmpi sge, %and3A_313, %ge3A : vector<16xi32>
        %add3A_315 = arith.constant 256 : i32
        %add3A_316 = arith.addi %mul3A_258, %add3A_315 : i32
        %lt3A_317 = vector.broadcast %add3A_316 : i32 to vector<16xi32>
        %lt3A_318 = arith.cmpi slt, %and3A_313, %lt3A_317 : vector<16xi32>
        %and3A_319 = arith.andi %ge3A_314, %lt3A_318 : vector<16xi1>
        %mul3A_320 = arith.constant 16 : i32
        %mul3A_321 = arith.muli %while3A_306, %mul3A_320 : i32
        %sub3A_322 = arith.subi %scan3A_185, %mul3A_321 : i32
        %lt3A_323 = vector.broadcast %sub3A_322 : i32 to vector<16xi32>
        %lt3A_324 = arith.cmpi slt, %iota3A_108, %lt3A_323 : vector<16xi32>
        %and3A_325 = arith.andi %and3A_319, %lt3A_324 : vector<16xi1>
        %swap3A = arith.index_cast %while3A_307 : i32 to index
        %swap3A_326 = tpu.vector_load %arg10[%swap3A] masked %and3A_325 {strides = array<i32>} : memref<16400xi32, #tpu.memory_space<vmem>>, vector<16xi32>, vector<16xi1>
        tpu.vector_store %arg10[%swap3A], %get3A_310 masked %and3A_325 {strides = array<i32>} : memref<16400xi32, #tpu.memory_space<vmem>>, vector<16xi32>, vector<16xi1>
        %all_reduce_population_count3A = tpu.all_reduce %and3A_325 {dim = 0 : i64, kind = #tpu.reduction_kind<sum>} : vector<16xi1> -> vector<16xi32>
        %slice3A = vector.extract_strided_slice %all_reduce_population_count3A {offsets = [0], sizes = [1], strides = [1]} : vector<16xi32> to vector<1xi32>
        %squeeze3A = vector.extract %slice3A[0] : i32 from vector<1xi32>
        %add3A_327 = arith.addi %while3A_307, %squeeze3A : i32
        scf.yield %add3A_327 : i32
      }
      %while3A_293 = arith.constant 1 : i32
      %while3A_294 = scf.for %while3A_306 = %while3A_290 to %while3A_286 step %while3A_293 iter_args(%while3A_307 = %while3A_292) -> (i32)  : i32 {
        %mul3A_308 = arith.constant 16 : i32
        %mul3A_309 = arith.muli %while3A_306, %mul3A_308 : i32
        %get3A = arith.index_cast %mul3A_309 : i32 to index
        %get3A_310 = tpu.vector_load %arg9[%get3A] {strides = array<i32>} : memref<16400xi32, #tpu.memory_space<vmem>>, vector<16xi32>,
        %and3A_311 = arith.constant 32767 : i32
        %and3A_312 = vector.broadcast %and3A_311 : i32 to vector<16xi32>
        %and3A_313 = arith.andi %get3A_310, %and3A_312 : vector<16xi32>
        %ge3A = vector.broadcast %mul3A_258 : i32 to vector<16xi32>
        %ge3A_314 = arith.cmpi sge, %and3A_313, %ge3A : vector<16xi32>
        %add3A_315 = arith.constant 256 : i32
        %add3A_316 = arith.addi %mul3A_258, %add3A_315 : i32
        %lt3A_317 = vector.broadcast %add3A_316 : i32 to vector<16xi32>
        %lt3A_318 = arith.cmpi slt, %and3A_313, %lt3A_317 : vector<16xi32>
        %and3A_319 = arith.andi %ge3A_314, %lt3A_318 : vector<16xi1>
        %mul3A_320 = arith.constant 16 : i32
        %mul3A_321 = arith.muli %while3A_306, %mul3A_320 : i32
        %sub3A_322 = arith.subi %scan3A_185, %mul3A_321 : i32
        %lt3A_323 = vector.broadcast %sub3A_322 : i32 to vector<16xi32>
        %lt3A_324 = arith.cmpi slt, %iota3A_108, %lt3A_323 : vector<16xi32>
        %and3A_325 = arith.andi %and3A_319, %lt3A_324 : vector<16xi1>
        %swap3A = arith.index_cast %while3A_307 : i32 to index
        %swap3A_326 = tpu.vector_load %arg10[%swap3A] masked %and3A_325 {strides = array<i32>} : memref<16400xi32, #tpu.memory_space<vmem>>, vector<16xi32>, vector<16xi1>
        tpu.vector_store %arg10[%swap3A], %get3A_310 masked %and3A_325 {strides = array<i32>} : memref<16400xi32, #tpu.memory_space<vmem>>, vector<16xi32>, vector<16xi1>
        %all_reduce_population_count3A = tpu.all_reduce %and3A_325 {dim = 0 : i64, kind = #tpu.reduction_kind<sum>} : vector<16xi1> -> vector<16xi32>
        %slice3A = vector.extract_strided_slice %all_reduce_population_count3A {offsets = [0], sizes = [1], strides = [1]} : vector<16xi32> to vector<1xi32>
        %squeeze3A = vector.extract %slice3A[0] : i32 from vector<1xi32>
        %add3A_327 = arith.addi %while3A_307, %squeeze3A : i32
        scf.yield %add3A_327 : i32
      }
      %broadcast_in_dim3A = vector.broadcast %and3A_260 : i32 to vector<16xi32>
      %while3A_295 = arith.constant 0 : i32
      %while3A_296 = arith.subi %while3A_294, %while3A_295 : i32
      %while3A_297 = arith.addi %while3A_295, %while3A_296 : i32
      %while3A_298 = arith.constant 1 : i32
      %while3A_299 = arith.divsi %while3A_296, %while3A_298 : i32
      %while3A_300 = arith.muli %while3A_299, %while3A_298 : i32
      %while3A_301 = arith.addi %while3A_295, %while3A_300 : i32
      %while3A_302 = arith.constant 1 : i32
      %while3A_303 = scf.for %while3A_306 = %while3A_295 to %while3A_301 step %while3A_302 iter_args(%while3A_307 = %while3A_239) -> (i32)  : i32 {
        %get3A = arith.index_cast %while3A_306 : i32 to index
        %get3A_308 = tpu.vector_load %arg10[%get3A] {strides = array<i32>} : memref<16400xi32, #tpu.memory_space<vmem>>, vector<16xi32>,
        %slice3A = vector.extract_strided_slice %get3A_308 {offsets = [0], sizes = [1], strides = [1]} : vector<16xi32> to vector<1xi32>
        %squeeze3A = vector.extract %slice3A[0] : i32 from vector<1xi32>
        %shift_right_logical3A_309 = arith.constant 15 : i32
        %shift_right_logical3A_310 = arith.shrui %squeeze3A, %shift_right_logical3A_309 : i32
        %and3A_311 = arith.constant 32767 : i32
        %and3A_312 = arith.andi %squeeze3A, %and3A_311 : i32
        %sub3A_313 = arith.subi %and3A_312, %mul3A_258 : i32
        %broadcast_in_dim3A_314 = vector.broadcast %sub3A_313 : i32 to vector<16xi32>
        %and3A_315 = arith.constant 7 : i32
        %and3A_316 = arith.andi %while3A_307, %and3A_315 : i32
        %add3A_317 = arith.constant 0 : i32
        %add3A_318 = vector.broadcast %add3A_317 : i32 to vector<16xi32>
        %add3A_319 = arith.addi %iota3A_108, %add3A_318 : vector<16xi32>
        %gather3A = tpu.vector_load_idx %arg11[%broadcast_in_dim3A, %add3A_319, %broadcast_in_dim3A_314] : memref<4x64x256xf32, #tpu.memory_space<vmem>>[vector<16xi32>, vector<16xi32>, vector<16xi32>], vector<16xf32>,
        %swap3A = arith.index_cast %and3A_316 : i32 to index
        %swap3A_320 = arith.constant 0 : index
        %swap3A_321 = tpu.vector_load %arg12[%swap3A, %swap3A_320] {strides = array<i32>} : memref<8x64xf32, #tpu.memory_space<vmem>>, vector<16xf32>,
        tpu.vector_store %arg12[%swap3A, %swap3A_320], %gather3A {strides = array<i32>} : memref<8x64xf32, #tpu.memory_space<vmem>>, vector<16xf32>,
        %add3A_322 = arith.constant 16 : i32
        %add3A_323 = vector.broadcast %add3A_322 : i32 to vector<16xi32>
        %add3A_324 = arith.addi %iota3A_108, %add3A_323 : vector<16xi32>
        %gather3A_325 = tpu.vector_load_idx %arg11[%broadcast_in_dim3A, %add3A_324, %broadcast_in_dim3A_314] : memref<4x64x256xf32, #tpu.memory_space<vmem>>[vector<16xi32>, vector<16xi32>, vector<16xi32>], vector<16xf32>,
        %swap3A_326 = arith.index_cast %and3A_316 : i32 to index
        %swap3A_327 = arith.constant 16 : index
        %swap3A_328 = tpu.vector_load %arg12[%swap3A_326, %swap3A_327] {strides = array<i32>} : memref<8x64xf32, #tpu.memory_space<vmem>>, vector<16xf32>,
        tpu.vector_store %arg12[%swap3A_326, %swap3A_327], %gather3A_325 {strides = array<i32>} : memref<8x64xf32, #tpu.memory_space<vmem>>, vector<16xf32>,
        %add3A_329 = arith.constant 32 : i32
        %add3A_330 = vector.broadcast %add3A_329 : i32 to vector<16xi32>
        %add3A_331 = arith.addi %iota3A_108, %add3A_330 : vector<16xi32>
        %gather3A_332 = tpu.vector_load_idx %arg11[%broadcast_in_dim3A, %add3A_331, %broadcast_in_dim3A_314] : memref<4x64x256xf32, #tpu.memory_space<vmem>>[vector<16xi32>, vector<16xi32>, vector<16xi32>], vector<16xf32>,
        %swap3A_333 = arith.index_cast %and3A_316 : i32 to index
        %swap3A_334 = arith.constant 32 : index
        %swap3A_335 = tpu.vector_load %arg12[%swap3A_333, %swap3A_334] {strides = array<i32>} : memref<8x64xf32, #tpu.memory_space<vmem>>, vector<16xf32>,
        tpu.vector_store %arg12[%swap3A_333, %swap3A_334], %gather3A_332 {strides = array<i32>} : memref<8x64xf32, #tpu.memory_space<vmem>>, vector<16xf32>,
        %add3A_336 = arith.constant 48 : i32
        %add3A_337 = vector.broadcast %add3A_336 : i32 to vector<16xi32>
        %add3A_338 = arith.addi %iota3A_108, %add3A_337 : vector<16xi32>
        %gather3A_339 = tpu.vector_load_idx %arg11[%broadcast_in_dim3A, %add3A_338, %broadcast_in_dim3A_314] : memref<4x64x256xf32, #tpu.memory_space<vmem>>[vector<16xi32>, vector<16xi32>, vector<16xi32>], vector<16xf32>,
        %swap3A_340 = arith.index_cast %and3A_316 : i32 to index
        %swap3A_341 = arith.constant 48 : index
        %swap3A_342 = tpu.vector_load %arg12[%swap3A_340, %swap3A_341] {strides = array<i32>} : memref<8x64xf32, #tpu.memory_space<vmem>>, vector<16xf32>,
        tpu.vector_store %arg12[%swap3A_340, %swap3A_341], %gather3A_339 {strides = array<i32>} : memref<8x64xf32, #tpu.memory_space<vmem>>, vector<16xf32>,
        %ge3A = arith.constant 8 : i32
        %ge3A_343 = arith.cmpi sge, %while3A_307, %ge3A : i32
        %convert_element_type3A_344 = arith.extui %ge3A_343 : i1 to i32
        %cond3A_345 = arith.constant 0 : i32
        %cond3A_346 = arith.cmpi ne, %convert_element_type3A_344, %cond3A_345 : i32
        scf.if %cond3A_346 {
          %dma_wait3A_357 = arith.constant 0 : i32
          %dma_wait3A_358 = arith.constant 0 : i32
          %dma_wait3A_359 = tpu.memref_slice %arg12[%dma_wait3A_357, %dma_wait3A_358] : memref<8x64xf32, #tpu.memory_space<vmem>> -> memref<1x64xf32, #tpu.memory_space<vmem>>
          %dma_wait3A_360 = arith.constant 0 : i32
          %dma_wait3A_361 = arith.constant 0 : i32
          %dma_wait3A_362 = tpu.memref_slice %arg7[%dma_wait3A_360, %dma_wait3A_361] : memref<16384x64xf32, #tpu.memory_space<hbm>> -> memref<1x64xf32, #tpu.memory_space<hbm>>
          %dma_wait3A_363 = arith.constant 0 : i32
          %dma_wait3A_364 = arith.constant 0 : i32
          %dma_wait3A_365 = tpu.memref_slice %arg12[%dma_wait3A_363, %dma_wait3A_364] : memref<8x64xf32, #tpu.memory_space<vmem>> -> memref<1x64xf32, #tpu.memory_space<vmem>>
          %dma_wait3A_366 = arith.constant 0 : i32
          %dma_wait3A_367 = arith.constant 0 : i32
          %dma_wait3A_368 = tpu.memref_slice %arg7[%dma_wait3A_366, %dma_wait3A_367] : memref<16384x64xf32, #tpu.memory_space<hbm>> -> memref<1x64xf32, #tpu.memory_space<hbm>>
          tpu.wait_dma2 semaphore(%arg14 : memref<!tpu.dma_semaphore, #tpu.memory_space<semaphore_mem>>) src(%dma_wait3A_368 : memref<1x64xf32, #tpu.memory_space<hbm>>) dst(%dma_wait3A_365 : memref<1x64xf32, #tpu.memory_space<vmem>>)
        } else {
        }
        %dma_start3A_347 = arith.constant 0 : i32
        %dma_start3A_348 = tpu.memref_slice %arg12[%and3A_316, %dma_start3A_347] : memref<8x64xf32, #tpu.memory_space<vmem>> -> memref<1x64xf32, #tpu.memory_space<vmem>>
        %dma_start3A_349 = arith.constant 0 : i32
        %dma_start3A_350 = tpu.memref_slice %arg7[%shift_right_logical3A_310, %dma_start3A_349] : memref<16384x64xf32, #tpu.memory_space<hbm>> -> memref<1x64xf32, #tpu.memory_space<hbm>>
        %dma_start3A_351 = arith.constant 0 : i32
        %dma_start3A_352 = tpu.memref_slice %arg7[%shift_right_logical3A_310, %dma_start3A_351] : memref<16384x64xf32, #tpu.memory_space<hbm>> -> memref<1x64xf32, #tpu.memory_space<hbm>>
        %dma_start3A_353 = arith.constant 0 : i32
        %dma_start3A_354 = tpu.memref_slice %arg12[%and3A_316, %dma_start3A_353] : memref<8x64xf32, #tpu.memory_space<vmem>> -> memref<1x64xf32, #tpu.memory_space<vmem>>
        tpu.enqueue_dma source(%dma_start3A_354 : memref<1x64xf32, #tpu.memory_space<vmem>>) target(%dma_start3A_352 : memref<1x64xf32, #tpu.memory_space<hbm>>) target_semaphore(%arg14 : memref<!tpu.dma_semaphore, #tpu.memory_space<semaphore_mem>>)
        %add3A_355 = arith.constant 1 : i32
        %add3A_356 = arith.addi %while3A_307, %add3A_355 : i32
        scf.yield %add3A_356 : i32
      }
      %while3A_304 = arith.constant 1 : i32
      %while3A_305 = scf.for %while3A_306 = %while3A_301 to %while3A_297 step %while3A_304 iter_args(%while3A_307 = %while3A_303) -> (i32)  : i32 {
        %get3A = arith.index_cast %while3A_306 : i32 to index
        %get3A_308 = tpu.vector_load %arg10[%get3A] {strides = array<i32>} : memref<16400xi32, #tpu.memory_space<vmem>>, vector<16xi32>,
        %slice3A = vector.extract_strided_slice %get3A_308 {offsets = [0], sizes = [1], strides = [1]} : vector<16xi32> to vector<1xi32>
        %squeeze3A = vector.extract %slice3A[0] : i32 from vector<1xi32>
        %shift_right_logical3A_309 = arith.constant 15 : i32
        %shift_right_logical3A_310 = arith.shrui %squeeze3A, %shift_right_logical3A_309 : i32
        %and3A_311 = arith.constant 32767 : i32
        %and3A_312 = arith.andi %squeeze3A, %and3A_311 : i32
        %sub3A_313 = arith.subi %and3A_312, %mul3A_258 : i32
        %broadcast_in_dim3A_314 = vector.broadcast %sub3A_313 : i32 to vector<16xi32>
        %and3A_315 = arith.constant 7 : i32
        %and3A_316 = arith.andi %while3A_307, %and3A_315 : i32
        %add3A_317 = arith.constant 0 : i32
        %add3A_318 = vector.broadcast %add3A_317 : i32 to vector<16xi32>
        %add3A_319 = arith.addi %iota3A_108, %add3A_318 : vector<16xi32>
        %gather3A = tpu.vector_load_idx %arg11[%broadcast_in_dim3A, %add3A_319, %broadcast_in_dim3A_314] : memref<4x64x256xf32, #tpu.memory_space<vmem>>[vector<16xi32>, vector<16xi32>, vector<16xi32>], vector<16xf32>,
        %swap3A = arith.index_cast %and3A_316 : i32 to index
        %swap3A_320 = arith.constant 0 : index
        %swap3A_321 = tpu.vector_load %arg12[%swap3A, %swap3A_320] {strides = array<i32>} : memref<8x64xf32, #tpu.memory_space<vmem>>, vector<16xf32>,
        tpu.vector_store %arg12[%swap3A, %swap3A_320], %gather3A {strides = array<i32>} : memref<8x64xf32, #tpu.memory_space<vmem>>, vector<16xf32>,
        %add3A_322 = arith.constant 16 : i32
        %add3A_323 = vector.broadcast %add3A_322 : i32 to vector<16xi32>
        %add3A_324 = arith.addi %iota3A_108, %add3A_323 : vector<16xi32>
        %gather3A_325 = tpu.vector_load_idx %arg11[%broadcast_in_dim3A, %add3A_324, %broadcast_in_dim3A_314] : memref<4x64x256xf32, #tpu.memory_space<vmem>>[vector<16xi32>, vector<16xi32>, vector<16xi32>], vector<16xf32>,
        %swap3A_326 = arith.index_cast %and3A_316 : i32 to index
        %swap3A_327 = arith.constant 16 : index
        %swap3A_328 = tpu.vector_load %arg12[%swap3A_326, %swap3A_327] {strides = array<i32>} : memref<8x64xf32, #tpu.memory_space<vmem>>, vector<16xf32>,
        tpu.vector_store %arg12[%swap3A_326, %swap3A_327], %gather3A_325 {strides = array<i32>} : memref<8x64xf32, #tpu.memory_space<vmem>>, vector<16xf32>,
        %add3A_329 = arith.constant 32 : i32
        %add3A_330 = vector.broadcast %add3A_329 : i32 to vector<16xi32>
        %add3A_331 = arith.addi %iota3A_108, %add3A_330 : vector<16xi32>
        %gather3A_332 = tpu.vector_load_idx %arg11[%broadcast_in_dim3A, %add3A_331, %broadcast_in_dim3A_314] : memref<4x64x256xf32, #tpu.memory_space<vmem>>[vector<16xi32>, vector<16xi32>, vector<16xi32>], vector<16xf32>,
        %swap3A_333 = arith.index_cast %and3A_316 : i32 to index
        %swap3A_334 = arith.constant 32 : index
        %swap3A_335 = tpu.vector_load %arg12[%swap3A_333, %swap3A_334] {strides = array<i32>} : memref<8x64xf32, #tpu.memory_space<vmem>>, vector<16xf32>,
        tpu.vector_store %arg12[%swap3A_333, %swap3A_334], %gather3A_332 {strides = array<i32>} : memref<8x64xf32, #tpu.memory_space<vmem>>, vector<16xf32>,
        %add3A_336 = arith.constant 48 : i32
        %add3A_337 = vector.broadcast %add3A_336 : i32 to vector<16xi32>
        %add3A_338 = arith.addi %iota3A_108, %add3A_337 : vector<16xi32>
        %gather3A_339 = tpu.vector_load_idx %arg11[%broadcast_in_dim3A, %add3A_338, %broadcast_in_dim3A_314] : memref<4x64x256xf32, #tpu.memory_space<vmem>>[vector<16xi32>, vector<16xi32>, vector<16xi32>], vector<16xf32>,
        %swap3A_340 = arith.index_cast %and3A_316 : i32 to index
        %swap3A_341 = arith.constant 48 : index
        %swap3A_342 = tpu.vector_load %arg12[%swap3A_340, %swap3A_341] {strides = array<i32>} : memref<8x64xf32, #tpu.memory_space<vmem>>, vector<16xf32>,
        tpu.vector_store %arg12[%swap3A_340, %swap3A_341], %gather3A_339 {strides = array<i32>} : memref<8x64xf32, #tpu.memory_space<vmem>>, vector<16xf32>,
        %ge3A = arith.constant 8 : i32
        %ge3A_343 = arith.cmpi sge, %while3A_307, %ge3A : i32
        %convert_element_type3A_344 = arith.extui %ge3A_343 : i1 to i32
        %cond3A_345 = arith.constant 0 : i32
        %cond3A_346 = arith.cmpi ne, %convert_element_type3A_344, %cond3A_345 : i32
        scf.if %cond3A_346 {
          %dma_wait3A_357 = arith.constant 0 : i32
          %dma_wait3A_358 = arith.constant 0 : i32
          %dma_wait3A_359 = tpu.memref_slice %arg12[%dma_wait3A_357, %dma_wait3A_358] : memref<8x64xf32, #tpu.memory_space<vmem>> -> memref<1x64xf32, #tpu.memory_space<vmem>>
          %dma_wait3A_360 = arith.constant 0 : i32
          %dma_wait3A_361 = arith.constant 0 : i32
          %dma_wait3A_362 = tpu.memref_slice %arg7[%dma_wait3A_360, %dma_wait3A_361] : memref<16384x64xf32, #tpu.memory_space<hbm>> -> memref<1x64xf32, #tpu.memory_space<hbm>>
          %dma_wait3A_363 = arith.constant 0 : i32
          %dma_wait3A_364 = arith.constant 0 : i32
          %dma_wait3A_365 = tpu.memref_slice %arg12[%dma_wait3A_363, %dma_wait3A_364] : memref<8x64xf32, #tpu.memory_space<vmem>> -> memref<1x64xf32, #tpu.memory_space<vmem>>
          %dma_wait3A_366 = arith.constant 0 : i32
          %dma_wait3A_367 = arith.constant 0 : i32
          %dma_wait3A_368 = tpu.memref_slice %arg7[%dma_wait3A_366, %dma_wait3A_367] : memref<16384x64xf32, #tpu.memory_space<hbm>> -> memref<1x64xf32, #tpu.memory_space<hbm>>
          tpu.wait_dma2 semaphore(%arg14 : memref<!tpu.dma_semaphore, #tpu.memory_space<semaphore_mem>>) src(%dma_wait3A_368 : memref<1x64xf32, #tpu.memory_space<hbm>>) dst(%dma_wait3A_365 : memref<1x64xf32, #tpu.memory_space<vmem>>)
        } else {
        }
        %dma_start3A_347 = arith.constant 0 : i32
        %dma_start3A_348 = tpu.memref_slice %arg12[%and3A_316, %dma_start3A_347] : memref<8x64xf32, #tpu.memory_space<vmem>> -> memref<1x64xf32, #tpu.memory_space<vmem>>
        %dma_start3A_349 = arith.constant 0 : i32
        %dma_start3A_350 = tpu.memref_slice %arg7[%shift_right_logical3A_310, %dma_start3A_349] : memref<16384x64xf32, #tpu.memory_space<hbm>> -> memref<1x64xf32, #tpu.memory_space<hbm>>
        %dma_start3A_351 = arith.constant 0 : i32
        %dma_start3A_352 = tpu.memref_slice %arg7[%shift_right_logical3A_310, %dma_start3A_351] : memref<16384x64xf32, #tpu.memory_space<hbm>> -> memref<1x64xf32, #tpu.memory_space<hbm>>
        %dma_start3A_353 = arith.constant 0 : i32
        %dma_start3A_354 = tpu.memref_slice %arg12[%and3A_316, %dma_start3A_353] : memref<8x64xf32, #tpu.memory_space<vmem>> -> memref<1x64xf32, #tpu.memory_space<vmem>>
        tpu.enqueue_dma source(%dma_start3A_354 : memref<1x64xf32, #tpu.memory_space<vmem>>) target(%dma_start3A_352 : memref<1x64xf32, #tpu.memory_space<hbm>>) target_semaphore(%arg14 : memref<!tpu.dma_semaphore, #tpu.memory_space<semaphore_mem>>)
        %add3A_355 = arith.constant 1 : i32
        %add3A_356 = arith.addi %while3A_307, %add3A_355 : i32
        scf.yield %add3A_356 : i32
      }
      scf.yield %while3A_305 : i32
    }
    %eq3A_199 = arith.constant 31 : i32
    %eq3A_200 = arith.cmpi eq, %add3A, %eq3A_199 : i32
    %jit3A_201 = arith.constant 1 : i32
    %jit3A_202 = arith.constant 0 : i32
    %select_n3A_203 = arith.select %eq3A_200, %jit3A_201, %jit3A_202 : i32
    %while3A_204 = arith.constant 0 : i32
    %while3A_205 = arith.subi %select_n3A_203, %while3A_204 : i32
    %while3A_206 = arith.addi %while3A_204, %while3A_205 : i32
    %while3A_207 = arith.constant 1 : i32
    %while3A_208 = arith.divsi %while3A_205, %while3A_207 : i32
    %while3A_209 = arith.muli %while3A_208, %while3A_207 : i32
    %while3A_210 = arith.addi %while3A_204, %while3A_209 : i32
    %while3A_211 = arith.constant 1 : i32
    %while3A_212 = scf.for %while3A_238 = %while3A_204 to %while3A_210 step %while3A_211 iter_args(%while3A_239 = %while3A_198) -> (i32)  : i32 {
      %multiple_of3A_240 = arith.constant 99840 : i32
      %multiple_of3A_241 = tpu.assume_multiple %multiple_of3A_240, 128 : i32
      %dma_start3A_242 = arith.constant 0 : i32
      %dma_start3A_243 = arith.constant 0 : i32
      %dma_start3A_244 = arith.constant 0 : i32
      %dma_start3A_245 = tpu.memref_slice %arg11[%dma_start3A_242, %dma_start3A_243, %dma_start3A_244] : memref<4x64x256xf32, #tpu.memory_space<vmem>> -> memref<1x64x128xf32, #tpu.memory_space<vmem>>
      %dma_start3A_246 = tpu.memref_squeeze %dma_start3A_245 : memref<1x64x128xf32, #tpu.memory_space<vmem>> -> memref<64x128xf32, #tpu.memory_space<vmem>>
      %dma_start3A_247 = arith.constant 0 : i32
      %dma_start3A_248 = tpu.memref_slice %arg5[%dma_start3A_247, %multiple_of3A_241] : memref<64x100000xf32, #tpu.memory_space<hbm>> -> memref<64x128xf32, #tpu.memory_space<hbm>>
      %dma_start3A_249 = arith.constant 0 : i32
      %dma_start3A_250 = arith.constant 0 : i32
      %dma_start3A_251 = tpu.memref_slice %arg11[%dma_start3A_242, %dma_start3A_249, %dma_start3A_250] : memref<4x64x256xf32, #tpu.memory_space<vmem>> -> memref<1x64x128xf32, #tpu.memory_space<vmem>>
      %dma_start3A_252 = tpu.memref_squeeze %dma_start3A_251 : memref<1x64x128xf32, #tpu.memory_space<vmem>> -> memref<64x128xf32, #tpu.memory_space<vmem>>
      %dma_start3A_253 = arith.constant 0 : i32
      %dma_start3A_254 = tpu.memref_slice %arg5[%dma_start3A_253, %multiple_of3A_241] : memref<64x100000xf32, #tpu.memory_space<hbm>> -> memref<64x128xf32, #tpu.memory_space<hbm>>
      tpu.enqueue_dma source(%dma_start3A_254 : memref<64x128xf32, #tpu.memory_space<hbm>>) target(%dma_start3A_252 : memref<64x128xf32, #tpu.memory_space<vmem>>) target_semaphore(%arg13 : memref<!tpu.dma_semaphore, #tpu.memory_space<semaphore_mem>>)
      %dma_wait3A = arith.constant 0 : i32
      %dma_wait3A_255 = arith.constant 0 : i32
      %dma_wait3A_256 = arith.constant 0 : i32
      %dma_wait3A_257 = tpu.memref_slice %arg11[%dma_wait3A, %dma_wait3A_255, %dma_wait3A_256] : memref<4x64x256xf32, #tpu.memory_space<vmem>> -> memref<1x64x128xf32, #tpu.memory_space<vmem>>
      %dma_wait3A_258 = tpu.memref_squeeze %dma_wait3A_257 : memref<1x64x128xf32, #tpu.memory_space<vmem>> -> memref<64x128xf32, #tpu.memory_space<vmem>>
      %dma_wait3A_259 = arith.constant 0 : i32
      %dma_wait3A_260 = tpu.memref_slice %arg5[%dma_wait3A_259, %multiple_of3A_241] : memref<64x100000xf32, #tpu.memory_space<hbm>> -> memref<64x128xf32, #tpu.memory_space<hbm>>
      %dma_wait3A_261 = arith.constant 0 : i32
      %dma_wait3A_262 = arith.constant 0 : i32
      %dma_wait3A_263 = tpu.memref_slice %arg11[%dma_wait3A, %dma_wait3A_261, %dma_wait3A_262] : memref<4x64x256xf32, #tpu.memory_space<vmem>> -> memref<1x64x128xf32, #tpu.memory_space<vmem>>
      %dma_wait3A_264 = tpu.memref_squeeze %dma_wait3A_263 : memref<1x64x128xf32, #tpu.memory_space<vmem>> -> memref<64x128xf32, #tpu.memory_space<vmem>>
      %dma_wait3A_265 = arith.constant 0 : i32
      %dma_wait3A_266 = tpu.memref_slice %arg5[%dma_wait3A_265, %multiple_of3A_241] : memref<64x100000xf32, #tpu.memory_space<hbm>> -> memref<64x128xf32, #tpu.memory_space<hbm>>
      tpu.wait_dma2 semaphore(%arg13 : memref<!tpu.dma_semaphore, #tpu.memory_space<semaphore_mem>>) src(%dma_wait3A_266 : memref<64x128xf32, #tpu.memory_space<hbm>>) dst(%dma_wait3A_264 : memref<64x128xf32, #tpu.memory_space<vmem>>)
      %sub3A_267 = arith.constant 99840 : i32
      %sub3A_268 = arith.subi %sub3A_267, %and3A_112 : i32
      %add3A_269 = arith.constant 15 : i32
      %add3A_270 = arith.addi %scan3A_185, %add3A_269 : i32
      %jit3A_271 = arith.constant 16 : i32
      %div3A = arith.divsi %add3A_270, %jit3A_271 : i32
      %sign3A = arith.constant 0 : i32
      %sign3A_272 = arith.cmpi sgt, %add3A_270, %sign3A : i32
      %sign3A_273 = arith.extui %sign3A_272 : i1 to i32
      %sign3A_274 = arith.constant 0 : i32
      %sign3A_275 = arith.cmpi slt, %add3A_270, %sign3A_274 : i32
      %sign3A_276 = arith.extui %sign3A_275 : i1 to i32
      %sign3A_277 = arith.subi %sign3A_273, %sign3A_276 : i32
      %sign3A_278 = arith.constant 0 : i32
      %sign3A_279 = arith.cmpi sgt, %jit3A_271, %sign3A_278 : i32
      %sign3A_280 = arith.extui %sign3A_279 : i1 to i32
      %sign3A_281 = arith.constant 0 : i32
      %sign3A_282 = arith.cmpi slt, %jit3A_271, %sign3A_281 : i32
      %sign3A_283 = arith.extui %sign3A_282 : i1 to i32
      %sign3A_284 = arith.subi %sign3A_280, %sign3A_283 : i32
      %ne3A = arith.cmpi ne, %sign3A_277, %sign3A_284 : i32
      %rem3A = arith.remsi %add3A_270, %jit3A_271 : i32
      %ne3A_285 = arith.constant 0 : i32
      %ne3A_286 = arith.cmpi ne, %rem3A, %ne3A_285 : i32
      %and3A_287 = arith.andi %ne3A, %ne3A_286 : i1
      %sub3A_288 = arith.constant 1 : i32
      %sub3A_289 = arith.subi %div3A, %sub3A_288 : i32
      %select_n3A_290 = arith.select %and3A_287, %sub3A_289, %div3A : i32
      %while3A_291 = arith.constant 0 : i32
      %while3A_292 = arith.constant 0 : i32
      %while3A_293 = arith.subi %select_n3A_290, %while3A_291 : i32
      %while3A_294 = arith.addi %while3A_291, %while3A_293 : i32
      %while3A_295 = arith.constant 1 : i32
      %while3A_296 = arith.divsi %while3A_293, %while3A_295 : i32
      %while3A_297 = arith.muli %while3A_296, %while3A_295 : i32
      %while3A_298 = arith.addi %while3A_291, %while3A_297 : i32
      %while3A_299 = arith.constant 1 : i32
      %while3A_300 = scf.for %while3A_315 = %while3A_291 to %while3A_298 step %while3A_299 iter_args(%while3A_316 = %while3A_292) -> (i32)  : i32 {
        %mul3A_317 = arith.constant 16 : i32
        %mul3A_318 = arith.muli %while3A_315, %mul3A_317 : i32
        %get3A = arith.index_cast %mul3A_318 : i32 to index
        %get3A_319 = tpu.vector_load %arg9[%get3A] {strides = array<i32>} : memref<16400xi32, #tpu.memory_space<vmem>>, vector<16xi32>,
        %and3A_320 = arith.constant 32767 : i32
        %and3A_321 = vector.broadcast %and3A_320 : i32 to vector<16xi32>
        %and3A_322 = arith.andi %get3A_319, %and3A_321 : vector<16xi32>
        %ge3A = vector.broadcast %sub3A_268 : i32 to vector<16xi32>
        %ge3A_323 = arith.cmpi sge, %and3A_322, %ge3A : vector<16xi32>
        %add3A_324 = arith.constant 128 : i32
        %add3A_325 = arith.addi %sub3A_268, %add3A_324 : i32
        %lt3A = vector.broadcast %add3A_325 : i32 to vector<16xi32>
        %lt3A_326 = arith.cmpi slt, %and3A_322, %lt3A : vector<16xi32>
        %and3A_327 = arith.andi %ge3A_323, %lt3A_326 : vector<16xi1>
        %mul3A_328 = arith.constant 16 : i32
        %mul3A_329 = arith.muli %while3A_315, %mul3A_328 : i32
        %sub3A_330 = arith.subi %scan3A_185, %mul3A_329 : i32
        %lt3A_331 = vector.broadcast %sub3A_330 : i32 to vector<16xi32>
        %lt3A_332 = arith.cmpi slt, %iota3A_108, %lt3A_331 : vector<16xi32>
        %and3A_333 = arith.andi %and3A_327, %lt3A_332 : vector<16xi1>
        %swap3A = arith.index_cast %while3A_316 : i32 to index
        %swap3A_334 = tpu.vector_load %arg10[%swap3A] masked %and3A_333 {strides = array<i32>} : memref<16400xi32, #tpu.memory_space<vmem>>, vector<16xi32>, vector<16xi1>
        tpu.vector_store %arg10[%swap3A], %get3A_319 masked %and3A_333 {strides = array<i32>} : memref<16400xi32, #tpu.memory_space<vmem>>, vector<16xi32>, vector<16xi1>
        %all_reduce_population_count3A = tpu.all_reduce %and3A_333 {dim = 0 : i64, kind = #tpu.reduction_kind<sum>} : vector<16xi1> -> vector<16xi32>
        %slice3A = vector.extract_strided_slice %all_reduce_population_count3A {offsets = [0], sizes = [1], strides = [1]} : vector<16xi32> to vector<1xi32>
        %squeeze3A = vector.extract %slice3A[0] : i32 from vector<1xi32>
        %add3A_335 = arith.addi %while3A_316, %squeeze3A : i32
        scf.yield %add3A_335 : i32
      }
      %while3A_301 = arith.constant 1 : i32
      %while3A_302 = scf.for %while3A_315 = %while3A_298 to %while3A_294 step %while3A_301 iter_args(%while3A_316 = %while3A_300) -> (i32)  : i32 {
        %mul3A_317 = arith.constant 16 : i32
        %mul3A_318 = arith.muli %while3A_315, %mul3A_317 : i32
        %get3A = arith.index_cast %mul3A_318 : i32 to index
        %get3A_319 = tpu.vector_load %arg9[%get3A] {strides = array<i32>} : memref<16400xi32, #tpu.memory_space<vmem>>, vector<16xi32>,
        %and3A_320 = arith.constant 32767 : i32
        %and3A_321 = vector.broadcast %and3A_320 : i32 to vector<16xi32>
        %and3A_322 = arith.andi %get3A_319, %and3A_321 : vector<16xi32>
        %ge3A = vector.broadcast %sub3A_268 : i32 to vector<16xi32>
        %ge3A_323 = arith.cmpi sge, %and3A_322, %ge3A : vector<16xi32>
        %add3A_324 = arith.constant 128 : i32
        %add3A_325 = arith.addi %sub3A_268, %add3A_324 : i32
        %lt3A = vector.broadcast %add3A_325 : i32 to vector<16xi32>
        %lt3A_326 = arith.cmpi slt, %and3A_322, %lt3A : vector<16xi32>
        %and3A_327 = arith.andi %ge3A_323, %lt3A_326 : vector<16xi1>
        %mul3A_328 = arith.constant 16 : i32
        %mul3A_329 = arith.muli %while3A_315, %mul3A_328 : i32
        %sub3A_330 = arith.subi %scan3A_185, %mul3A_329 : i32
        %lt3A_331 = vector.broadcast %sub3A_330 : i32 to vector<16xi32>
        %lt3A_332 = arith.cmpi slt, %iota3A_108, %lt3A_331 : vector<16xi32>
        %and3A_333 = arith.andi %and3A_327, %lt3A_332 : vector<16xi1>
        %swap3A = arith.index_cast %while3A_316 : i32 to index
        %swap3A_334 = tpu.vector_load %arg10[%swap3A] masked %and3A_333 {strides = array<i32>} : memref<16400xi32, #tpu.memory_space<vmem>>, vector<16xi32>, vector<16xi1>
        tpu.vector_store %arg10[%swap3A], %get3A_319 masked %and3A_333 {strides = array<i32>} : memref<16400xi32, #tpu.memory_space<vmem>>, vector<16xi32>, vector<16xi1>
        %all_reduce_population_count3A = tpu.all_reduce %and3A_333 {dim = 0 : i64, kind = #tpu.reduction_kind<sum>} : vector<16xi1> -> vector<16xi32>
        %slice3A = vector.extract_strided_slice %all_reduce_population_count3A {offsets = [0], sizes = [1], strides = [1]} : vector<16xi32> to vector<1xi32>
        %squeeze3A = vector.extract %slice3A[0] : i32 from vector<1xi32>
        %add3A_335 = arith.addi %while3A_316, %squeeze3A : i32
        scf.yield %add3A_335 : i32
      }
      %broadcast_in_dim3A = arith.constant 0 : i32
      %broadcast_in_dim3A_303 = vector.broadcast %broadcast_in_dim3A : i32 to vector<16xi32>
      %while3A_304 = arith.constant 0 : i32
      %while3A_305 = arith.subi %while3A_302, %while3A_304 : i32
      %while3A_306 = arith.addi %while3A_304, %while3A_305 : i32
      %while3A_307 = arith.constant 1 : i32
      %while3A_308 = arith.divsi %while3A_305, %while3A_307 : i32
      %while3A_309 = arith.muli %while3A_308, %while3A_307 : i32
      %while3A_310 = arith.addi %while3A_304, %while3A_309 : i32
      %while3A_311 = arith.constant 1 : i32
      %while3A_312 = scf.for %while3A_315 = %while3A_304 to %while3A_310 step %while3A_311 iter_args(%while3A_316 = %while3A_239) -> (i32)  : i32 {
        %get3A = arith.index_cast %while3A_315 : i32 to index
        %get3A_317 = tpu.vector_load %arg10[%get3A] {strides = array<i32>} : memref<16400xi32, #tpu.memory_space<vmem>>, vector<16xi32>,
        %slice3A = vector.extract_strided_slice %get3A_317 {offsets = [0], sizes = [1], strides = [1]} : vector<16xi32> to vector<1xi32>
        %squeeze3A = vector.extract %slice3A[0] : i32 from vector<1xi32>
        %shift_right_logical3A_318 = arith.constant 15 : i32
        %shift_right_logical3A_319 = arith.shrui %squeeze3A, %shift_right_logical3A_318 : i32
        %and3A_320 = arith.constant 32767 : i32
        %and3A_321 = arith.andi %squeeze3A, %and3A_320 : i32
        %sub3A_322 = arith.subi %and3A_321, %sub3A_268 : i32
        %broadcast_in_dim3A_323 = vector.broadcast %sub3A_322 : i32 to vector<16xi32>
        %and3A_324 = arith.constant 7 : i32
        %and3A_325 = arith.andi %while3A_316, %and3A_324 : i32
        %add3A_326 = arith.constant 0 : i32
        %add3A_327 = vector.broadcast %add3A_326 : i32 to vector<16xi32>
        %add3A_328 = arith.addi %iota3A_108, %add3A_327 : vector<16xi32>
        %gather3A = tpu.vector_load_idx %arg11[%broadcast_in_dim3A_303, %add3A_328, %broadcast_in_dim3A_323] : memref<4x64x256xf32, #tpu.memory_space<vmem>>[vector<16xi32>, vector<16xi32>, vector<16xi32>], vector<16xf32>,
        %swap3A = arith.index_cast %and3A_325 : i32 to index
        %swap3A_329 = arith.constant 0 : index
        %swap3A_330 = tpu.vector_load %arg12[%swap3A, %swap3A_329] {strides = array<i32>} : memref<8x64xf32, #tpu.memory_space<vmem>>, vector<16xf32>,
        tpu.vector_store %arg12[%swap3A, %swap3A_329], %gather3A {strides = array<i32>} : memref<8x64xf32, #tpu.memory_space<vmem>>, vector<16xf32>,
        %add3A_331 = arith.constant 16 : i32
        %add3A_332 = vector.broadcast %add3A_331 : i32 to vector<16xi32>
        %add3A_333 = arith.addi %iota3A_108, %add3A_332 : vector<16xi32>
        %gather3A_334 = tpu.vector_load_idx %arg11[%broadcast_in_dim3A_303, %add3A_333, %broadcast_in_dim3A_323] : memref<4x64x256xf32, #tpu.memory_space<vmem>>[vector<16xi32>, vector<16xi32>, vector<16xi32>], vector<16xf32>,
        %swap3A_335 = arith.index_cast %and3A_325 : i32 to index
        %swap3A_336 = arith.constant 16 : index
        %swap3A_337 = tpu.vector_load %arg12[%swap3A_335, %swap3A_336] {strides = array<i32>} : memref<8x64xf32, #tpu.memory_space<vmem>>, vector<16xf32>,
        tpu.vector_store %arg12[%swap3A_335, %swap3A_336], %gather3A_334 {strides = array<i32>} : memref<8x64xf32, #tpu.memory_space<vmem>>, vector<16xf32>,
        %add3A_338 = arith.constant 32 : i32
        %add3A_339 = vector.broadcast %add3A_338 : i32 to vector<16xi32>
        %add3A_340 = arith.addi %iota3A_108, %add3A_339 : vector<16xi32>
        %gather3A_341 = tpu.vector_load_idx %arg11[%broadcast_in_dim3A_303, %add3A_340, %broadcast_in_dim3A_323] : memref<4x64x256xf32, #tpu.memory_space<vmem>>[vector<16xi32>, vector<16xi32>, vector<16xi32>], vector<16xf32>,
        %swap3A_342 = arith.index_cast %and3A_325 : i32 to index
        %swap3A_343 = arith.constant 32 : index
        %swap3A_344 = tpu.vector_load %arg12[%swap3A_342, %swap3A_343] {strides = array<i32>} : memref<8x64xf32, #tpu.memory_space<vmem>>, vector<16xf32>,
        tpu.vector_store %arg12[%swap3A_342, %swap3A_343], %gather3A_341 {strides = array<i32>} : memref<8x64xf32, #tpu.memory_space<vmem>>, vector<16xf32>,
        %add3A_345 = arith.constant 48 : i32
        %add3A_346 = vector.broadcast %add3A_345 : i32 to vector<16xi32>
        %add3A_347 = arith.addi %iota3A_108, %add3A_346 : vector<16xi32>
        %gather3A_348 = tpu.vector_load_idx %arg11[%broadcast_in_dim3A_303, %add3A_347, %broadcast_in_dim3A_323] : memref<4x64x256xf32, #tpu.memory_space<vmem>>[vector<16xi32>, vector<16xi32>, vector<16xi32>], vector<16xf32>,
        %swap3A_349 = arith.index_cast %and3A_325 : i32 to index
        %swap3A_350 = arith.constant 48 : index
        %swap3A_351 = tpu.vector_load %arg12[%swap3A_349, %swap3A_350] {strides = array<i32>} : memref<8x64xf32, #tpu.memory_space<vmem>>, vector<16xf32>,
        tpu.vector_store %arg12[%swap3A_349, %swap3A_350], %gather3A_348 {strides = array<i32>} : memref<8x64xf32, #tpu.memory_space<vmem>>, vector<16xf32>,
        %ge3A = arith.constant 8 : i32
        %ge3A_352 = arith.cmpi sge, %while3A_316, %ge3A : i32
        %convert_element_type3A = arith.extui %ge3A_352 : i1 to i32
        %cond3A = arith.constant 0 : i32
        %cond3A_353 = arith.cmpi ne, %convert_element_type3A, %cond3A : i32
        scf.if %cond3A_353 {
          %dma_wait3A_364 = arith.constant 0 : i32
          %dma_wait3A_365 = arith.constant 0 : i32
          %dma_wait3A_366 = tpu.memref_slice %arg12[%dma_wait3A_364, %dma_wait3A_365] : memref<8x64xf32, #tpu.memory_space<vmem>> -> memref<1x64xf32, #tpu.memory_space<vmem>>
          %dma_wait3A_367 = arith.constant 0 : i32
          %dma_wait3A_368 = arith.constant 0 : i32
          %dma_wait3A_369 = tpu.memref_slice %arg7[%dma_wait3A_367, %dma_wait3A_368] : memref<16384x64xf32, #tpu.memory_space<hbm>> -> memref<1x64xf32, #tpu.memory_space<hbm>>
          %dma_wait3A_370 = arith.constant 0 : i32
          %dma_wait3A_371 = arith.constant 0 : i32
          %dma_wait3A_372 = tpu.memref_slice %arg12[%dma_wait3A_370, %dma_wait3A_371] : memref<8x64xf32, #tpu.memory_space<vmem>> -> memref<1x64xf32, #tpu.memory_space<vmem>>
          %dma_wait3A_373 = arith.constant 0 : i32
          %dma_wait3A_374 = arith.constant 0 : i32
          %dma_wait3A_375 = tpu.memref_slice %arg7[%dma_wait3A_373, %dma_wait3A_374] : memref<16384x64xf32, #tpu.memory_space<hbm>> -> memref<1x64xf32, #tpu.memory_space<hbm>>
          tpu.wait_dma2 semaphore(%arg14 : memref<!tpu.dma_semaphore, #tpu.memory_space<semaphore_mem>>) src(%dma_wait3A_375 : memref<1x64xf32, #tpu.memory_space<hbm>>) dst(%dma_wait3A_372 : memref<1x64xf32, #tpu.memory_space<vmem>>)
        } else {
        }
        %dma_start3A_354 = arith.constant 0 : i32
        %dma_start3A_355 = tpu.memref_slice %arg12[%and3A_325, %dma_start3A_354] : memref<8x64xf32, #tpu.memory_space<vmem>> -> memref<1x64xf32, #tpu.memory_space<vmem>>
        %dma_start3A_356 = arith.constant 0 : i32
        %dma_start3A_357 = tpu.memref_slice %arg7[%shift_right_logical3A_319, %dma_start3A_356] : memref<16384x64xf32, #tpu.memory_space<hbm>> -> memref<1x64xf32, #tpu.memory_space<hbm>>
        %dma_start3A_358 = arith.constant 0 : i32
        %dma_start3A_359 = tpu.memref_slice %arg7[%shift_right_logical3A_319, %dma_start3A_358] : memref<16384x64xf32, #tpu.memory_space<hbm>> -> memref<1x64xf32, #tpu.memory_space<hbm>>
        %dma_start3A_360 = arith.constant 0 : i32
        %dma_start3A_361 = tpu.memref_slice %arg12[%and3A_325, %dma_start3A_360] : memref<8x64xf32, #tpu.memory_space<vmem>> -> memref<1x64xf32, #tpu.memory_space<vmem>>
        tpu.enqueue_dma source(%dma_start3A_361 : memref<1x64xf32, #tpu.memory_space<vmem>>) target(%dma_start3A_359 : memref<1x64xf32, #tpu.memory_space<hbm>>) target_semaphore(%arg14 : memref<!tpu.dma_semaphore, #tpu.memory_space<semaphore_mem>>)
        %add3A_362 = arith.constant 1 : i32
        %add3A_363 = arith.addi %while3A_316, %add3A_362 : i32
        scf.yield %add3A_363 : i32
      }
      %while3A_313 = arith.constant 1 : i32
      %while3A_314 = scf.for %while3A_315 = %while3A_310 to %while3A_306 step %while3A_313 iter_args(%while3A_316 = %while3A_312) -> (i32)  : i32 {
        %get3A = arith.index_cast %while3A_315 : i32 to index
        %get3A_317 = tpu.vector_load %arg10[%get3A] {strides = array<i32>} : memref<16400xi32, #tpu.memory_space<vmem>>, vector<16xi32>,
        %slice3A = vector.extract_strided_slice %get3A_317 {offsets = [0], sizes = [1], strides = [1]} : vector<16xi32> to vector<1xi32>
        %squeeze3A = vector.extract %slice3A[0] : i32 from vector<1xi32>
        %shift_right_logical3A_318 = arith.constant 15 : i32
        %shift_right_logical3A_319 = arith.shrui %squeeze3A, %shift_right_logical3A_318 : i32
        %and3A_320 = arith.constant 32767 : i32
        %and3A_321 = arith.andi %squeeze3A, %and3A_320 : i32
        %sub3A_322 = arith.subi %and3A_321, %sub3A_268 : i32
        %broadcast_in_dim3A_323 = vector.broadcast %sub3A_322 : i32 to vector<16xi32>
        %and3A_324 = arith.constant 7 : i32
        %and3A_325 = arith.andi %while3A_316, %and3A_324 : i32
        %add3A_326 = arith.constant 0 : i32
        %add3A_327 = vector.broadcast %add3A_326 : i32 to vector<16xi32>
        %add3A_328 = arith.addi %iota3A_108, %add3A_327 : vector<16xi32>
        %gather3A = tpu.vector_load_idx %arg11[%broadcast_in_dim3A_303, %add3A_328, %broadcast_in_dim3A_323] : memref<4x64x256xf32, #tpu.memory_space<vmem>>[vector<16xi32>, vector<16xi32>, vector<16xi32>], vector<16xf32>,
        %swap3A = arith.index_cast %and3A_325 : i32 to index
        %swap3A_329 = arith.constant 0 : index
        %swap3A_330 = tpu.vector_load %arg12[%swap3A, %swap3A_329] {strides = array<i32>} : memref<8x64xf32, #tpu.memory_space<vmem>>, vector<16xf32>,
        tpu.vector_store %arg12[%swap3A, %swap3A_329], %gather3A {strides = array<i32>} : memref<8x64xf32, #tpu.memory_space<vmem>>, vector<16xf32>,
        %add3A_331 = arith.constant 16 : i32
        %add3A_332 = vector.broadcast %add3A_331 : i32 to vector<16xi32>
        %add3A_333 = arith.addi %iota3A_108, %add3A_332 : vector<16xi32>
        %gather3A_334 = tpu.vector_load_idx %arg11[%broadcast_in_dim3A_303, %add3A_333, %broadcast_in_dim3A_323] : memref<4x64x256xf32, #tpu.memory_space<vmem>>[vector<16xi32>, vector<16xi32>, vector<16xi32>], vector<16xf32>,
        %swap3A_335 = arith.index_cast %and3A_325 : i32 to index
        %swap3A_336 = arith.constant 16 : index
        %swap3A_337 = tpu.vector_load %arg12[%swap3A_335, %swap3A_336] {strides = array<i32>} : memref<8x64xf32, #tpu.memory_space<vmem>>, vector<16xf32>,
        tpu.vector_store %arg12[%swap3A_335, %swap3A_336], %gather3A_334 {strides = array<i32>} : memref<8x64xf32, #tpu.memory_space<vmem>>, vector<16xf32>,
        %add3A_338 = arith.constant 32 : i32
        %add3A_339 = vector.broadcast %add3A_338 : i32 to vector<16xi32>
        %add3A_340 = arith.addi %iota3A_108, %add3A_339 : vector<16xi32>
        %gather3A_341 = tpu.vector_load_idx %arg11[%broadcast_in_dim3A_303, %add3A_340, %broadcast_in_dim3A_323] : memref<4x64x256xf32, #tpu.memory_space<vmem>>[vector<16xi32>, vector<16xi32>, vector<16xi32>], vector<16xf32>,
        %swap3A_342 = arith.index_cast %and3A_325 : i32 to index
        %swap3A_343 = arith.constant 32 : index
        %swap3A_344 = tpu.vector_load %arg12[%swap3A_342, %swap3A_343] {strides = array<i32>} : memref<8x64xf32, #tpu.memory_space<vmem>>, vector<16xf32>,
        tpu.vector_store %arg12[%swap3A_342, %swap3A_343], %gather3A_341 {strides = array<i32>} : memref<8x64xf32, #tpu.memory_space<vmem>>, vector<16xf32>,
        %add3A_345 = arith.constant 48 : i32
        %add3A_346 = vector.broadcast %add3A_345 : i32 to vector<16xi32>
        %add3A_347 = arith.addi %iota3A_108, %add3A_346 : vector<16xi32>
        %gather3A_348 = tpu.vector_load_idx %arg11[%broadcast_in_dim3A_303, %add3A_347, %broadcast_in_dim3A_323] : memref<4x64x256xf32, #tpu.memory_space<vmem>>[vector<16xi32>, vector<16xi32>, vector<16xi32>], vector<16xf32>,
        %swap3A_349 = arith.index_cast %and3A_325 : i32 to index
        %swap3A_350 = arith.constant 48 : index
        %swap3A_351 = tpu.vector_load %arg12[%swap3A_349, %swap3A_350] {strides = array<i32>} : memref<8x64xf32, #tpu.memory_space<vmem>>, vector<16xf32>,
        tpu.vector_store %arg12[%swap3A_349, %swap3A_350], %gather3A_348 {strides = array<i32>} : memref<8x64xf32, #tpu.memory_space<vmem>>, vector<16xf32>,
        %ge3A = arith.constant 8 : i32
        %ge3A_352 = arith.cmpi sge, %while3A_316, %ge3A : i32
        %convert_element_type3A = arith.extui %ge3A_352 : i1 to i32
        %cond3A = arith.constant 0 : i32
        %cond3A_353 = arith.cmpi ne, %convert_element_type3A, %cond3A : i32
        scf.if %cond3A_353 {
          %dma_wait3A_364 = arith.constant 0 : i32
          %dma_wait3A_365 = arith.constant 0 : i32
          %dma_wait3A_366 = tpu.memref_slice %arg12[%dma_wait3A_364, %dma_wait3A_365] : memref<8x64xf32, #tpu.memory_space<vmem>> -> memref<1x64xf32, #tpu.memory_space<vmem>>
          %dma_wait3A_367 = arith.constant 0 : i32
          %dma_wait3A_368 = arith.constant 0 : i32
          %dma_wait3A_369 = tpu.memref_slice %arg7[%dma_wait3A_367, %dma_wait3A_368] : memref<16384x64xf32, #tpu.memory_space<hbm>> -> memref<1x64xf32, #tpu.memory_space<hbm>>
          %dma_wait3A_370 = arith.constant 0 : i32
          %dma_wait3A_371 = arith.constant 0 : i32
          %dma_wait3A_372 = tpu.memref_slice %arg12[%dma_wait3A_370, %dma_wait3A_371] : memref<8x64xf32, #tpu.memory_space<vmem>> -> memref<1x64xf32, #tpu.memory_space<vmem>>
          %dma_wait3A_373 = arith.constant 0 : i32
          %dma_wait3A_374 = arith.constant 0 : i32
          %dma_wait3A_375 = tpu.memref_slice %arg7[%dma_wait3A_373, %dma_wait3A_374] : memref<16384x64xf32, #tpu.memory_space<hbm>> -> memref<1x64xf32, #tpu.memory_space<hbm>>
          tpu.wait_dma2 semaphore(%arg14 : memref<!tpu.dma_semaphore, #tpu.memory_space<semaphore_mem>>) src(%dma_wait3A_375 : memref<1x64xf32, #tpu.memory_space<hbm>>) dst(%dma_wait3A_372 : memref<1x64xf32, #tpu.memory_space<vmem>>)
        } else {
        }
        %dma_start3A_354 = arith.constant 0 : i32
        %dma_start3A_355 = tpu.memref_slice %arg12[%and3A_325, %dma_start3A_354] : memref<8x64xf32, #tpu.memory_space<vmem>> -> memref<1x64xf32, #tpu.memory_space<vmem>>
        %dma_start3A_356 = arith.constant 0 : i32
        %dma_start3A_357 = tpu.memref_slice %arg7[%shift_right_logical3A_319, %dma_start3A_356] : memref<16384x64xf32, #tpu.memory_space<hbm>> -> memref<1x64xf32, #tpu.memory_space<hbm>>
        %dma_start3A_358 = arith.constant 0 : i32
        %dma_start3A_359 = tpu.memref_slice %arg7[%shift_right_logical3A_319, %dma_start3A_358] : memref<16384x64xf32, #tpu.memory_space<hbm>> -> memref<1x64xf32, #tpu.memory_space<hbm>>
        %dma_start3A_360 = arith.constant 0 : i32
        %dma_start3A_361 = tpu.memref_slice %arg12[%and3A_325, %dma_start3A_360] : memref<8x64xf32, #tpu.memory_space<vmem>> -> memref<1x64xf32, #tpu.memory_space<vmem>>
        tpu.enqueue_dma source(%dma_start3A_361 : memref<1x64xf32, #tpu.memory_space<vmem>>) target(%dma_start3A_359 : memref<1x64xf32, #tpu.memory_space<hbm>>) target_semaphore(%arg14 : memref<!tpu.dma_semaphore, #tpu.memory_space<semaphore_mem>>)
        %add3A_362 = arith.constant 1 : i32
        %add3A_363 = arith.addi %while3A_316, %add3A_362 : i32
        scf.yield %add3A_363 : i32
      }
      scf.yield %while3A_314 : i32
    }
    %while3A_213 = arith.constant 1 : i32
    %while3A_214 = scf.for %while3A_238 = %while3A_210 to %while3A_206 step %while3A_213 iter_args(%while3A_239 = %while3A_212) -> (i32)  : i32 {
      %multiple_of3A_240 = arith.constant 99840 : i32
      %multiple_of3A_241 = tpu.assume_multiple %multiple_of3A_240, 128 : i32
      %dma_start3A_242 = arith.constant 0 : i32
      %dma_start3A_243 = arith.constant 0 : i32
      %dma_start3A_244 = arith.constant 0 : i32
      %dma_start3A_245 = tpu.memref_slice %arg11[%dma_start3A_242, %dma_start3A_243, %dma_start3A_244] : memref<4x64x256xf32, #tpu.memory_space<vmem>> -> memref<1x64x128xf32, #tpu.memory_space<vmem>>
      %dma_start3A_246 = tpu.memref_squeeze %dma_start3A_245 : memref<1x64x128xf32, #tpu.memory_space<vmem>> -> memref<64x128xf32, #tpu.memory_space<vmem>>
      %dma_start3A_247 = arith.constant 0 : i32
      %dma_start3A_248 = tpu.memref_slice %arg5[%dma_start3A_247, %multiple_of3A_241] : memref<64x100000xf32, #tpu.memory_space<hbm>> -> memref<64x128xf32, #tpu.memory_space<hbm>>
      %dma_start3A_249 = arith.constant 0 : i32
      %dma_start3A_250 = arith.constant 0 : i32
      %dma_start3A_251 = tpu.memref_slice %arg11[%dma_start3A_242, %dma_start3A_249, %dma_start3A_250] : memref<4x64x256xf32, #tpu.memory_space<vmem>> -> memref<1x64x128xf32, #tpu.memory_space<vmem>>
      %dma_start3A_252 = tpu.memref_squeeze %dma_start3A_251 : memref<1x64x128xf32, #tpu.memory_space<vmem>> -> memref<64x128xf32, #tpu.memory_space<vmem>>
      %dma_start3A_253 = arith.constant 0 : i32
      %dma_start3A_254 = tpu.memref_slice %arg5[%dma_start3A_253, %multiple_of3A_241] : memref<64x100000xf32, #tpu.memory_space<hbm>> -> memref<64x128xf32, #tpu.memory_space<hbm>>
      tpu.enqueue_dma source(%dma_start3A_254 : memref<64x128xf32, #tpu.memory_space<hbm>>) target(%dma_start3A_252 : memref<64x128xf32, #tpu.memory_space<vmem>>) target_semaphore(%arg13 : memref<!tpu.dma_semaphore, #tpu.memory_space<semaphore_mem>>)
      %dma_wait3A = arith.constant 0 : i32
      %dma_wait3A_255 = arith.constant 0 : i32
      %dma_wait3A_256 = arith.constant 0 : i32
      %dma_wait3A_257 = tpu.memref_slice %arg11[%dma_wait3A, %dma_wait3A_255, %dma_wait3A_256] : memref<4x64x256xf32, #tpu.memory_space<vmem>> -> memref<1x64x128xf32, #tpu.memory_space<vmem>>
      %dma_wait3A_258 = tpu.memref_squeeze %dma_wait3A_257 : memref<1x64x128xf32, #tpu.memory_space<vmem>> -> memref<64x128xf32, #tpu.memory_space<vmem>>
      %dma_wait3A_259 = arith.constant 0 : i32
      %dma_wait3A_260 = tpu.memref_slice %arg5[%dma_wait3A_259, %multiple_of3A_241] : memref<64x100000xf32, #tpu.memory_space<hbm>> -> memref<64x128xf32, #tpu.memory_space<hbm>>
      %dma_wait3A_261 = arith.constant 0 : i32
      %dma_wait3A_262 = arith.constant 0 : i32
      %dma_wait3A_263 = tpu.memref_slice %arg11[%dma_wait3A, %dma_wait3A_261, %dma_wait3A_262] : memref<4x64x256xf32, #tpu.memory_space<vmem>> -> memref<1x64x128xf32, #tpu.memory_space<vmem>>
      %dma_wait3A_264 = tpu.memref_squeeze %dma_wait3A_263 : memref<1x64x128xf32, #tpu.memory_space<vmem>> -> memref<64x128xf32, #tpu.memory_space<vmem>>
      %dma_wait3A_265 = arith.constant 0 : i32
      %dma_wait3A_266 = tpu.memref_slice %arg5[%dma_wait3A_265, %multiple_of3A_241] : memref<64x100000xf32, #tpu.memory_space<hbm>> -> memref<64x128xf32, #tpu.memory_space<hbm>>
      tpu.wait_dma2 semaphore(%arg13 : memref<!tpu.dma_semaphore, #tpu.memory_space<semaphore_mem>>) src(%dma_wait3A_266 : memref<64x128xf32, #tpu.memory_space<hbm>>) dst(%dma_wait3A_264 : memref<64x128xf32, #tpu.memory_space<vmem>>)
      %sub3A_267 = arith.constant 99840 : i32
      %sub3A_268 = arith.subi %sub3A_267, %and3A_112 : i32
      %add3A_269 = arith.constant 15 : i32
      %add3A_270 = arith.addi %scan3A_185, %add3A_269 : i32
      %jit3A_271 = arith.constant 16 : i32
      %div3A = arith.divsi %add3A_270, %jit3A_271 : i32
      %sign3A = arith.constant 0 : i32
      %sign3A_272 = arith.cmpi sgt, %add3A_270, %sign3A : i32
      %sign3A_273 = arith.extui %sign3A_272 : i1 to i32
      %sign3A_274 = arith.constant 0 : i32
      %sign3A_275 = arith.cmpi slt, %add3A_270, %sign3A_274 : i32
      %sign3A_276 = arith.extui %sign3A_275 : i1 to i32
      %sign3A_277 = arith.subi %sign3A_273, %sign3A_276 : i32
      %sign3A_278 = arith.constant 0 : i32
      %sign3A_279 = arith.cmpi sgt, %jit3A_271, %sign3A_278 : i32
      %sign3A_280 = arith.extui %sign3A_279 : i1 to i32
      %sign3A_281 = arith.constant 0 : i32
      %sign3A_282 = arith.cmpi slt, %jit3A_271, %sign3A_281 : i32
      %sign3A_283 = arith.extui %sign3A_282 : i1 to i32
      %sign3A_284 = arith.subi %sign3A_280, %sign3A_283 : i32
      %ne3A = arith.cmpi ne, %sign3A_277, %sign3A_284 : i32
      %rem3A = arith.remsi %add3A_270, %jit3A_271 : i32
      %ne3A_285 = arith.constant 0 : i32
      %ne3A_286 = arith.cmpi ne, %rem3A, %ne3A_285 : i32
      %and3A_287 = arith.andi %ne3A, %ne3A_286 : i1
      %sub3A_288 = arith.constant 1 : i32
      %sub3A_289 = arith.subi %div3A, %sub3A_288 : i32
      %select_n3A_290 = arith.select %and3A_287, %sub3A_289, %div3A : i32
      %while3A_291 = arith.constant 0 : i32
      %while3A_292 = arith.constant 0 : i32
      %while3A_293 = arith.subi %select_n3A_290, %while3A_291 : i32
      %while3A_294 = arith.addi %while3A_291, %while3A_293 : i32
      %while3A_295 = arith.constant 1 : i32
      %while3A_296 = arith.divsi %while3A_293, %while3A_295 : i32
      %while3A_297 = arith.muli %while3A_296, %while3A_295 : i32
      %while3A_298 = arith.addi %while3A_291, %while3A_297 : i32
      %while3A_299 = arith.constant 1 : i32
      %while3A_300 = scf.for %while3A_315 = %while3A_291 to %while3A_298 step %while3A_299 iter_args(%while3A_316 = %while3A_292) -> (i32)  : i32 {
        %mul3A_317 = arith.constant 16 : i32
        %mul3A_318 = arith.muli %while3A_315, %mul3A_317 : i32
        %get3A = arith.index_cast %mul3A_318 : i32 to index
        %get3A_319 = tpu.vector_load %arg9[%get3A] {strides = array<i32>} : memref<16400xi32, #tpu.memory_space<vmem>>, vector<16xi32>,
        %and3A_320 = arith.constant 32767 : i32
        %and3A_321 = vector.broadcast %and3A_320 : i32 to vector<16xi32>
        %and3A_322 = arith.andi %get3A_319, %and3A_321 : vector<16xi32>
        %ge3A = vector.broadcast %sub3A_268 : i32 to vector<16xi32>
        %ge3A_323 = arith.cmpi sge, %and3A_322, %ge3A : vector<16xi32>
        %add3A_324 = arith.constant 128 : i32
        %add3A_325 = arith.addi %sub3A_268, %add3A_324 : i32
        %lt3A = vector.broadcast %add3A_325 : i32 to vector<16xi32>
        %lt3A_326 = arith.cmpi slt, %and3A_322, %lt3A : vector<16xi32>
        %and3A_327 = arith.andi %ge3A_323, %lt3A_326 : vector<16xi1>
        %mul3A_328 = arith.constant 16 : i32
        %mul3A_329 = arith.muli %while3A_315, %mul3A_328 : i32
        %sub3A_330 = arith.subi %scan3A_185, %mul3A_329 : i32
        %lt3A_331 = vector.broadcast %sub3A_330 : i32 to vector<16xi32>
        %lt3A_332 = arith.cmpi slt, %iota3A_108, %lt3A_331 : vector<16xi32>
        %and3A_333 = arith.andi %and3A_327, %lt3A_332 : vector<16xi1>
        %swap3A = arith.index_cast %while3A_316 : i32 to index
        %swap3A_334 = tpu.vector_load %arg10[%swap3A] masked %and3A_333 {strides = array<i32>} : memref<16400xi32, #tpu.memory_space<vmem>>, vector<16xi32>, vector<16xi1>
        tpu.vector_store %arg10[%swap3A], %get3A_319 masked %and3A_333 {strides = array<i32>} : memref<16400xi32, #tpu.memory_space<vmem>>, vector<16xi32>, vector<16xi1>
        %all_reduce_population_count3A = tpu.all_reduce %and3A_333 {dim = 0 : i64, kind = #tpu.reduction_kind<sum>} : vector<16xi1> -> vector<16xi32>
        %slice3A = vector.extract_strided_slice %all_reduce_population_count3A {offsets = [0], sizes = [1], strides = [1]} : vector<16xi32> to vector<1xi32>
        %squeeze3A = vector.extract %slice3A[0] : i32 from vector<1xi32>
        %add3A_335 = arith.addi %while3A_316, %squeeze3A : i32
        scf.yield %add3A_335 : i32
      }
      %while3A_301 = arith.constant 1 : i32
      %while3A_302 = scf.for %while3A_315 = %while3A_298 to %while3A_294 step %while3A_301 iter_args(%while3A_316 = %while3A_300) -> (i32)  : i32 {
        %mul3A_317 = arith.constant 16 : i32
        %mul3A_318 = arith.muli %while3A_315, %mul3A_317 : i32
        %get3A = arith.index_cast %mul3A_318 : i32 to index
        %get3A_319 = tpu.vector_load %arg9[%get3A] {strides = array<i32>} : memref<16400xi32, #tpu.memory_space<vmem>>, vector<16xi32>,
        %and3A_320 = arith.constant 32767 : i32
        %and3A_321 = vector.broadcast %and3A_320 : i32 to vector<16xi32>
        %and3A_322 = arith.andi %get3A_319, %and3A_321 : vector<16xi32>
        %ge3A = vector.broadcast %sub3A_268 : i32 to vector<16xi32>
        %ge3A_323 = arith.cmpi sge, %and3A_322, %ge3A : vector<16xi32>
        %add3A_324 = arith.constant 128 : i32
        %add3A_325 = arith.addi %sub3A_268, %add3A_324 : i32
        %lt3A = vector.broadcast %add3A_325 : i32 to vector<16xi32>
        %lt3A_326 = arith.cmpi slt, %and3A_322, %lt3A : vector<16xi32>
        %and3A_327 = arith.andi %ge3A_323, %lt3A_326 : vector<16xi1>
        %mul3A_328 = arith.constant 16 : i32
        %mul3A_329 = arith.muli %while3A_315, %mul3A_328 : i32
        %sub3A_330 = arith.subi %scan3A_185, %mul3A_329 : i32
        %lt3A_331 = vector.broadcast %sub3A_330 : i32 to vector<16xi32>
        %lt3A_332 = arith.cmpi slt, %iota3A_108, %lt3A_331 : vector<16xi32>
        %and3A_333 = arith.andi %and3A_327, %lt3A_332 : vector<16xi1>
        %swap3A = arith.index_cast %while3A_316 : i32 to index
        %swap3A_334 = tpu.vector_load %arg10[%swap3A] masked %and3A_333 {strides = array<i32>} : memref<16400xi32, #tpu.memory_space<vmem>>, vector<16xi32>, vector<16xi1>
        tpu.vector_store %arg10[%swap3A], %get3A_319 masked %and3A_333 {strides = array<i32>} : memref<16400xi32, #tpu.memory_space<vmem>>, vector<16xi32>, vector<16xi1>
        %all_reduce_population_count3A = tpu.all_reduce %and3A_333 {dim = 0 : i64, kind = #tpu.reduction_kind<sum>} : vector<16xi1> -> vector<16xi32>
        %slice3A = vector.extract_strided_slice %all_reduce_population_count3A {offsets = [0], sizes = [1], strides = [1]} : vector<16xi32> to vector<1xi32>
        %squeeze3A = vector.extract %slice3A[0] : i32 from vector<1xi32>
        %add3A_335 = arith.addi %while3A_316, %squeeze3A : i32
        scf.yield %add3A_335 : i32
      }
      %broadcast_in_dim3A = arith.constant 0 : i32
      %broadcast_in_dim3A_303 = vector.broadcast %broadcast_in_dim3A : i32 to vector<16xi32>
      %while3A_304 = arith.constant 0 : i32
      %while3A_305 = arith.subi %while3A_302, %while3A_304 : i32
      %while3A_306 = arith.addi %while3A_304, %while3A_305 : i32
      %while3A_307 = arith.constant 1 : i32
      %while3A_308 = arith.divsi %while3A_305, %while3A_307 : i32
      %while3A_309 = arith.muli %while3A_308, %while3A_307 : i32
      %while3A_310 = arith.addi %while3A_304, %while3A_309 : i32
      %while3A_311 = arith.constant 1 : i32
      %while3A_312 = scf.for %while3A_315 = %while3A_304 to %while3A_310 step %while3A_311 iter_args(%while3A_316 = %while3A_239) -> (i32)  : i32 {
        %get3A = arith.index_cast %while3A_315 : i32 to index
        %get3A_317 = tpu.vector_load %arg10[%get3A] {strides = array<i32>} : memref<16400xi32, #tpu.memory_space<vmem>>, vector<16xi32>,
        %slice3A = vector.extract_strided_slice %get3A_317 {offsets = [0], sizes = [1], strides = [1]} : vector<16xi32> to vector<1xi32>
        %squeeze3A = vector.extract %slice3A[0] : i32 from vector<1xi32>
        %shift_right_logical3A_318 = arith.constant 15 : i32
        %shift_right_logical3A_319 = arith.shrui %squeeze3A, %shift_right_logical3A_318 : i32
        %and3A_320 = arith.constant 32767 : i32
        %and3A_321 = arith.andi %squeeze3A, %and3A_320 : i32
        %sub3A_322 = arith.subi %and3A_321, %sub3A_268 : i32
        %broadcast_in_dim3A_323 = vector.broadcast %sub3A_322 : i32 to vector<16xi32>
        %and3A_324 = arith.constant 7 : i32
        %and3A_325 = arith.andi %while3A_316, %and3A_324 : i32
        %add3A_326 = arith.constant 0 : i32
        %add3A_327 = vector.broadcast %add3A_326 : i32 to vector<16xi32>
        %add3A_328 = arith.addi %iota3A_108, %add3A_327 : vector<16xi32>
        %gather3A = tpu.vector_load_idx %arg11[%broadcast_in_dim3A_303, %add3A_328, %broadcast_in_dim3A_323] : memref<4x64x256xf32, #tpu.memory_space<vmem>>[vector<16xi32>, vector<16xi32>, vector<16xi32>], vector<16xf32>,
        %swap3A = arith.index_cast %and3A_325 : i32 to index
        %swap3A_329 = arith.constant 0 : index
        %swap3A_330 = tpu.vector_load %arg12[%swap3A, %swap3A_329] {strides = array<i32>} : memref<8x64xf32, #tpu.memory_space<vmem>>, vector<16xf32>,
        tpu.vector_store %arg12[%swap3A, %swap3A_329], %gather3A {strides = array<i32>} : memref<8x64xf32, #tpu.memory_space<vmem>>, vector<16xf32>,
        %add3A_331 = arith.constant 16 : i32
        %add3A_332 = vector.broadcast %add3A_331 : i32 to vector<16xi32>
        %add3A_333 = arith.addi %iota3A_108, %add3A_332 : vector<16xi32>
        %gather3A_334 = tpu.vector_load_idx %arg11[%broadcast_in_dim3A_303, %add3A_333, %broadcast_in_dim3A_323] : memref<4x64x256xf32, #tpu.memory_space<vmem>>[vector<16xi32>, vector<16xi32>, vector<16xi32>], vector<16xf32>,
        %swap3A_335 = arith.index_cast %and3A_325 : i32 to index
        %swap3A_336 = arith.constant 16 : index
        %swap3A_337 = tpu.vector_load %arg12[%swap3A_335, %swap3A_336] {strides = array<i32>} : memref<8x64xf32, #tpu.memory_space<vmem>>, vector<16xf32>,
        tpu.vector_store %arg12[%swap3A_335, %swap3A_336], %gather3A_334 {strides = array<i32>} : memref<8x64xf32, #tpu.memory_space<vmem>>, vector<16xf32>,
        %add3A_338 = arith.constant 32 : i32
        %add3A_339 = vector.broadcast %add3A_338 : i32 to vector<16xi32>
        %add3A_340 = arith.addi %iota3A_108, %add3A_339 : vector<16xi32>
        %gather3A_341 = tpu.vector_load_idx %arg11[%broadcast_in_dim3A_303, %add3A_340, %broadcast_in_dim3A_323] : memref<4x64x256xf32, #tpu.memory_space<vmem>>[vector<16xi32>, vector<16xi32>, vector<16xi32>], vector<16xf32>,
        %swap3A_342 = arith.index_cast %and3A_325 : i32 to index
        %swap3A_343 = arith.constant 32 : index
        %swap3A_344 = tpu.vector_load %arg12[%swap3A_342, %swap3A_343] {strides = array<i32>} : memref<8x64xf32, #tpu.memory_space<vmem>>, vector<16xf32>,
        tpu.vector_store %arg12[%swap3A_342, %swap3A_343], %gather3A_341 {strides = array<i32>} : memref<8x64xf32, #tpu.memory_space<vmem>>, vector<16xf32>,
        %add3A_345 = arith.constant 48 : i32
        %add3A_346 = vector.broadcast %add3A_345 : i32 to vector<16xi32>
        %add3A_347 = arith.addi %iota3A_108, %add3A_346 : vector<16xi32>
        %gather3A_348 = tpu.vector_load_idx %arg11[%broadcast_in_dim3A_303, %add3A_347, %broadcast_in_dim3A_323] : memref<4x64x256xf32, #tpu.memory_space<vmem>>[vector<16xi32>, vector<16xi32>, vector<16xi32>], vector<16xf32>,
        %swap3A_349 = arith.index_cast %and3A_325 : i32 to index
        %swap3A_350 = arith.constant 48 : index
        %swap3A_351 = tpu.vector_load %arg12[%swap3A_349, %swap3A_350] {strides = array<i32>} : memref<8x64xf32, #tpu.memory_space<vmem>>, vector<16xf32>,
        tpu.vector_store %arg12[%swap3A_349, %swap3A_350], %gather3A_348 {strides = array<i32>} : memref<8x64xf32, #tpu.memory_space<vmem>>, vector<16xf32>,
        %ge3A = arith.constant 8 : i32
        %ge3A_352 = arith.cmpi sge, %while3A_316, %ge3A : i32
        %convert_element_type3A = arith.extui %ge3A_352 : i1 to i32
        %cond3A = arith.constant 0 : i32
        %cond3A_353 = arith.cmpi ne, %convert_element_type3A, %cond3A : i32
        scf.if %cond3A_353 {
          %dma_wait3A_364 = arith.constant 0 : i32
          %dma_wait3A_365 = arith.constant 0 : i32
          %dma_wait3A_366 = tpu.memref_slice %arg12[%dma_wait3A_364, %dma_wait3A_365] : memref<8x64xf32, #tpu.memory_space<vmem>> -> memref<1x64xf32, #tpu.memory_space<vmem>>
          %dma_wait3A_367 = arith.constant 0 : i32
          %dma_wait3A_368 = arith.constant 0 : i32
          %dma_wait3A_369 = tpu.memref_slice %arg7[%dma_wait3A_367, %dma_wait3A_368] : memref<16384x64xf32, #tpu.memory_space<hbm>> -> memref<1x64xf32, #tpu.memory_space<hbm>>
          %dma_wait3A_370 = arith.constant 0 : i32
          %dma_wait3A_371 = arith.constant 0 : i32
          %dma_wait3A_372 = tpu.memref_slice %arg12[%dma_wait3A_370, %dma_wait3A_371] : memref<8x64xf32, #tpu.memory_space<vmem>> -> memref<1x64xf32, #tpu.memory_space<vmem>>
          %dma_wait3A_373 = arith.constant 0 : i32
          %dma_wait3A_374 = arith.constant 0 : i32
          %dma_wait3A_375 = tpu.memref_slice %arg7[%dma_wait3A_373, %dma_wait3A_374] : memref<16384x64xf32, #tpu.memory_space<hbm>> -> memref<1x64xf32, #tpu.memory_space<hbm>>
          tpu.wait_dma2 semaphore(%arg14 : memref<!tpu.dma_semaphore, #tpu.memory_space<semaphore_mem>>) src(%dma_wait3A_375 : memref<1x64xf32, #tpu.memory_space<hbm>>) dst(%dma_wait3A_372 : memref<1x64xf32, #tpu.memory_space<vmem>>)
        } else {
        }
        %dma_start3A_354 = arith.constant 0 : i32
        %dma_start3A_355 = tpu.memref_slice %arg12[%and3A_325, %dma_start3A_354] : memref<8x64xf32, #tpu.memory_space<vmem>> -> memref<1x64xf32, #tpu.memory_space<vmem>>
        %dma_start3A_356 = arith.constant 0 : i32
        %dma_start3A_357 = tpu.memref_slice %arg7[%shift_right_logical3A_319, %dma_start3A_356] : memref<16384x64xf32, #tpu.memory_space<hbm>> -> memref<1x64xf32, #tpu.memory_space<hbm>>
        %dma_start3A_358 = arith.constant 0 : i32
        %dma_start3A_359 = tpu.memref_slice %arg7[%shift_right_logical3A_319, %dma_start3A_358] : memref<16384x64xf32, #tpu.memory_space<hbm>> -> memref<1x64xf32, #tpu.memory_space<hbm>>
        %dma_start3A_360 = arith.constant 0 : i32
        %dma_start3A_361 = tpu.memref_slice %arg12[%and3A_325, %dma_start3A_360] : memref<8x64xf32, #tpu.memory_space<vmem>> -> memref<1x64xf32, #tpu.memory_space<vmem>>
        tpu.enqueue_dma source(%dma_start3A_361 : memref<1x64xf32, #tpu.memory_space<vmem>>) target(%dma_start3A_359 : memref<1x64xf32, #tpu.memory_space<hbm>>) target_semaphore(%arg14 : memref<!tpu.dma_semaphore, #tpu.memory_space<semaphore_mem>>)
        %add3A_362 = arith.constant 1 : i32
        %add3A_363 = arith.addi %while3A_316, %add3A_362 : i32
        scf.yield %add3A_363 : i32
      }
      %while3A_313 = arith.constant 1 : i32
      %while3A_314 = scf.for %while3A_315 = %while3A_310 to %while3A_306 step %while3A_313 iter_args(%while3A_316 = %while3A_312) -> (i32)  : i32 {
        %get3A = arith.index_cast %while3A_315 : i32 to index
        %get3A_317 = tpu.vector_load %arg10[%get3A] {strides = array<i32>} : memref<16400xi32, #tpu.memory_space<vmem>>, vector<16xi32>,
        %slice3A = vector.extract_strided_slice %get3A_317 {offsets = [0], sizes = [1], strides = [1]} : vector<16xi32> to vector<1xi32>
        %squeeze3A = vector.extract %slice3A[0] : i32 from vector<1xi32>
        %shift_right_logical3A_318 = arith.constant 15 : i32
        %shift_right_logical3A_319 = arith.shrui %squeeze3A, %shift_right_logical3A_318 : i32
        %and3A_320 = arith.constant 32767 : i32
        %and3A_321 = arith.andi %squeeze3A, %and3A_320 : i32
        %sub3A_322 = arith.subi %and3A_321, %sub3A_268 : i32
        %broadcast_in_dim3A_323 = vector.broadcast %sub3A_322 : i32 to vector<16xi32>
        %and3A_324 = arith.constant 7 : i32
        %and3A_325 = arith.andi %while3A_316, %and3A_324 : i32
        %add3A_326 = arith.constant 0 : i32
        %add3A_327 = vector.broadcast %add3A_326 : i32 to vector<16xi32>
        %add3A_328 = arith.addi %iota3A_108, %add3A_327 : vector<16xi32>
        %gather3A = tpu.vector_load_idx %arg11[%broadcast_in_dim3A_303, %add3A_328, %broadcast_in_dim3A_323] : memref<4x64x256xf32, #tpu.memory_space<vmem>>[vector<16xi32>, vector<16xi32>, vector<16xi32>], vector<16xf32>,
        %swap3A = arith.index_cast %and3A_325 : i32 to index
        %swap3A_329 = arith.constant 0 : index
        %swap3A_330 = tpu.vector_load %arg12[%swap3A, %swap3A_329] {strides = array<i32>} : memref<8x64xf32, #tpu.memory_space<vmem>>, vector<16xf32>,
        tpu.vector_store %arg12[%swap3A, %swap3A_329], %gather3A {strides = array<i32>} : memref<8x64xf32, #tpu.memory_space<vmem>>, vector<16xf32>,
        %add3A_331 = arith.constant 16 : i32
        %add3A_332 = vector.broadcast %add3A_331 : i32 to vector<16xi32>
        %add3A_333 = arith.addi %iota3A_108, %add3A_332 : vector<16xi32>
        %gather3A_334 = tpu.vector_load_idx %arg11[%broadcast_in_dim3A_303, %add3A_333, %broadcast_in_dim3A_323] : memref<4x64x256xf32, #tpu.memory_space<vmem>>[vector<16xi32>, vector<16xi32>, vector<16xi32>], vector<16xf32>,
        %swap3A_335 = arith.index_cast %and3A_325 : i32 to index
        %swap3A_336 = arith.constant 16 : index
        %swap3A_337 = tpu.vector_load %arg12[%swap3A_335, %swap3A_336] {strides = array<i32>} : memref<8x64xf32, #tpu.memory_space<vmem>>, vector<16xf32>,
        tpu.vector_store %arg12[%swap3A_335, %swap3A_336], %gather3A_334 {strides = array<i32>} : memref<8x64xf32, #tpu.memory_space<vmem>>, vector<16xf32>,
        %add3A_338 = arith.constant 32 : i32
        %add3A_339 = vector.broadcast %add3A_338 : i32 to vector<16xi32>
        %add3A_340 = arith.addi %iota3A_108, %add3A_339 : vector<16xi32>
        %gather3A_341 = tpu.vector_load_idx %arg11[%broadcast_in_dim3A_303, %add3A_340, %broadcast_in_dim3A_323] : memref<4x64x256xf32, #tpu.memory_space<vmem>>[vector<16xi32>, vector<16xi32>, vector<16xi32>], vector<16xf32>,
        %swap3A_342 = arith.index_cast %and3A_325 : i32 to index
        %swap3A_343 = arith.constant 32 : index
        %swap3A_344 = tpu.vector_load %arg12[%swap3A_342, %swap3A_343] {strides = array<i32>} : memref<8x64xf32, #tpu.memory_space<vmem>>, vector<16xf32>,
        tpu.vector_store %arg12[%swap3A_342, %swap3A_343], %gather3A_341 {strides = array<i32>} : memref<8x64xf32, #tpu.memory_space<vmem>>, vector<16xf32>,
        %add3A_345 = arith.constant 48 : i32
        %add3A_346 = vector.broadcast %add3A_345 : i32 to vector<16xi32>
        %add3A_347 = arith.addi %iota3A_108, %add3A_346 : vector<16xi32>
        %gather3A_348 = tpu.vector_load_idx %arg11[%broadcast_in_dim3A_303, %add3A_347, %broadcast_in_dim3A_323] : memref<4x64x256xf32, #tpu.memory_space<vmem>>[vector<16xi32>, vector<16xi32>, vector<16xi32>], vector<16xf32>,
        %swap3A_349 = arith.index_cast %and3A_325 : i32 to index
        %swap3A_350 = arith.constant 48 : index
        %swap3A_351 = tpu.vector_load %arg12[%swap3A_349, %swap3A_350] {strides = array<i32>} : memref<8x64xf32, #tpu.memory_space<vmem>>, vector<16xf32>,
        tpu.vector_store %arg12[%swap3A_349, %swap3A_350], %gather3A_348 {strides = array<i32>} : memref<8x64xf32, #tpu.memory_space<vmem>>, vector<16xf32>,
        %ge3A = arith.constant 8 : i32
        %ge3A_352 = arith.cmpi sge, %while3A_316, %ge3A : i32
        %convert_element_type3A = arith.extui %ge3A_352 : i1 to i32
        %cond3A = arith.constant 0 : i32
        %cond3A_353 = arith.cmpi ne, %convert_element_type3A, %cond3A : i32
        scf.if %cond3A_353 {
          %dma_wait3A_364 = arith.constant 0 : i32
          %dma_wait3A_365 = arith.constant 0 : i32
          %dma_wait3A_366 = tpu.memref_slice %arg12[%dma_wait3A_364, %dma_wait3A_365] : memref<8x64xf32, #tpu.memory_space<vmem>> -> memref<1x64xf32, #tpu.memory_space<vmem>>
          %dma_wait3A_367 = arith.constant 0 : i32
          %dma_wait3A_368 = arith.constant 0 : i32
          %dma_wait3A_369 = tpu.memref_slice %arg7[%dma_wait3A_367, %dma_wait3A_368] : memref<16384x64xf32, #tpu.memory_space<hbm>> -> memref<1x64xf32, #tpu.memory_space<hbm>>
          %dma_wait3A_370 = arith.constant 0 : i32
          %dma_wait3A_371 = arith.constant 0 : i32
          %dma_wait3A_372 = tpu.memref_slice %arg12[%dma_wait3A_370, %dma_wait3A_371] : memref<8x64xf32, #tpu.memory_space<vmem>> -> memref<1x64xf32, #tpu.memory_space<vmem>>
          %dma_wait3A_373 = arith.constant 0 : i32
          %dma_wait3A_374 = arith.constant 0 : i32
          %dma_wait3A_375 = tpu.memref_slice %arg7[%dma_wait3A_373, %dma_wait3A_374] : memref<16384x64xf32, #tpu.memory_space<hbm>> -> memref<1x64xf32, #tpu.memory_space<hbm>>
          tpu.wait_dma2 semaphore(%arg14 : memref<!tpu.dma_semaphore, #tpu.memory_space<semaphore_mem>>) src(%dma_wait3A_375 : memref<1x64xf32, #tpu.memory_space<hbm>>) dst(%dma_wait3A_372 : memref<1x64xf32, #tpu.memory_space<vmem>>)
        } else {
        }
        %dma_start3A_354 = arith.constant 0 : i32
        %dma_start3A_355 = tpu.memref_slice %arg12[%and3A_325, %dma_start3A_354] : memref<8x64xf32, #tpu.memory_space<vmem>> -> memref<1x64xf32, #tpu.memory_space<vmem>>
        %dma_start3A_356 = arith.constant 0 : i32
        %dma_start3A_357 = tpu.memref_slice %arg7[%shift_right_logical3A_319, %dma_start3A_356] : memref<16384x64xf32, #tpu.memory_space<hbm>> -> memref<1x64xf32, #tpu.memory_space<hbm>>
        %dma_start3A_358 = arith.constant 0 : i32
        %dma_start3A_359 = tpu.memref_slice %arg7[%shift_right_logical3A_319, %dma_start3A_358] : memref<16384x64xf32, #tpu.memory_space<hbm>> -> memref<1x64xf32, #tpu.memory_space<hbm>>
        %dma_start3A_360 = arith.constant 0 : i32
        %dma_start3A_361 = tpu.memref_slice %arg12[%and3A_325, %dma_start3A_360] : memref<8x64xf32, #tpu.memory_space<vmem>> -> memref<1x64xf32, #tpu.memory_space<vmem>>
        tpu.enqueue_dma source(%dma_start3A_361 : memref<1x64xf32, #tpu.memory_space<vmem>>) target(%dma_start3A_359 : memref<1x64xf32, #tpu.memory_space<hbm>>) target_semaphore(%arg14 : memref<!tpu.dma_semaphore, #tpu.memory_space<semaphore_mem>>)
        %add3A_362 = arith.constant 1 : i32
        %add3A_363 = arith.addi %while3A_316, %add3A_362 : i32
        scf.yield %add3A_363 : i32
      }
      scf.yield %while3A_314 : i32
    }
    %while3A_215 = arith.constant 0 : i32
    %while3A_216 = arith.subi %select_n3A_203, %while3A_215 : i32
    %while3A_217 = arith.addi %while3A_215, %while3A_216 : i32
    %while3A_218 = arith.constant 1 : i32
    %while3A_219 = arith.divsi %while3A_216, %while3A_218 : i32
    %while3A_220 = arith.muli %while3A_219, %while3A_218 : i32
    %while3A_221 = arith.addi %while3A_215, %while3A_220 : i32
    %while3A_222 = arith.constant 1 : i32
    %while3A_223 = scf.for %while3A_238 = %while3A_215 to %while3A_221 step %while3A_222 iter_args(%while3A_239 = %while3A_214) -> (i32)  : i32 {
      %multiple_of3A_240 = arith.constant 99968 : i32
      %multiple_of3A_241 = tpu.assume_multiple %multiple_of3A_240, 128 : i32
      %dma_start3A_242 = arith.constant 0 : i32
      %dma_start3A_243 = arith.constant 0 : i32
      %dma_start3A_244 = arith.constant 0 : i32
      %dma_start3A_245 = tpu.memref_slice %arg11[%dma_start3A_242, %dma_start3A_243, %dma_start3A_244] : memref<4x64x256xf32, #tpu.memory_space<vmem>> -> memref<1x64x128xf32, #tpu.memory_space<vmem>>
      %dma_start3A_246 = tpu.memref_squeeze %dma_start3A_245 : memref<1x64x128xf32, #tpu.memory_space<vmem>> -> memref<64x128xf32, #tpu.memory_space<vmem>>
      %dma_start3A_247 = arith.constant 0 : i32
      %dma_start3A_248 = tpu.memref_slice %arg5[%dma_start3A_247, %multiple_of3A_241] : memref<64x100000xf32, #tpu.memory_space<hbm>> -> memref<64x128xf32, #tpu.memory_space<hbm>>
      %dma_start3A_249 = arith.constant 0 : i32
      %dma_start3A_250 = arith.constant 0 : i32
      %dma_start3A_251 = tpu.memref_slice %arg11[%dma_start3A_242, %dma_start3A_249, %dma_start3A_250] : memref<4x64x256xf32, #tpu.memory_space<vmem>> -> memref<1x64x128xf32, #tpu.memory_space<vmem>>
      %dma_start3A_252 = tpu.memref_squeeze %dma_start3A_251 : memref<1x64x128xf32, #tpu.memory_space<vmem>> -> memref<64x128xf32, #tpu.memory_space<vmem>>
      %dma_start3A_253 = arith.constant 0 : i32
      %dma_start3A_254 = tpu.memref_slice %arg5[%dma_start3A_253, %multiple_of3A_241] : memref<64x100000xf32, #tpu.memory_space<hbm>> -> memref<64x128xf32, #tpu.memory_space<hbm>>
      tpu.enqueue_dma source(%dma_start3A_254 : memref<64x128xf32, #tpu.memory_space<hbm>>) target(%dma_start3A_252 : memref<64x128xf32, #tpu.memory_space<vmem>>) target_semaphore(%arg13 : memref<!tpu.dma_semaphore, #tpu.memory_space<semaphore_mem>>)
      %dma_wait3A = arith.constant 0 : i32
      %dma_wait3A_255 = arith.constant 0 : i32
      %dma_wait3A_256 = arith.constant 0 : i32
      %dma_wait3A_257 = tpu.memref_slice %arg11[%dma_wait3A, %dma_wait3A_255, %dma_wait3A_256] : memref<4x64x256xf32, #tpu.memory_space<vmem>> -> memref<1x64x128xf32, #tpu.memory_space<vmem>>
      %dma_wait3A_258 = tpu.memref_squeeze %dma_wait3A_257 : memref<1x64x128xf32, #tpu.memory_space<vmem>> -> memref<64x128xf32, #tpu.memory_space<vmem>>
      %dma_wait3A_259 = arith.constant 0 : i32
      %dma_wait3A_260 = tpu.memref_slice %arg5[%dma_wait3A_259, %multiple_of3A_241] : memref<64x100000xf32, #tpu.memory_space<hbm>> -> memref<64x128xf32, #tpu.memory_space<hbm>>
      %dma_wait3A_261 = arith.constant 0 : i32
      %dma_wait3A_262 = arith.constant 0 : i32
      %dma_wait3A_263 = tpu.memref_slice %arg11[%dma_wait3A, %dma_wait3A_261, %dma_wait3A_262] : memref<4x64x256xf32, #tpu.memory_space<vmem>> -> memref<1x64x128xf32, #tpu.memory_space<vmem>>
      %dma_wait3A_264 = tpu.memref_squeeze %dma_wait3A_263 : memref<1x64x128xf32, #tpu.memory_space<vmem>> -> memref<64x128xf32, #tpu.memory_space<vmem>>
      %dma_wait3A_265 = arith.constant 0 : i32
      %dma_wait3A_266 = tpu.memref_slice %arg5[%dma_wait3A_265, %multiple_of3A_241] : memref<64x100000xf32, #tpu.memory_space<hbm>> -> memref<64x128xf32, #tpu.memory_space<hbm>>
      tpu.wait_dma2 semaphore(%arg13 : memref<!tpu.dma_semaphore, #tpu.memory_space<semaphore_mem>>) src(%dma_wait3A_266 : memref<64x128xf32, #tpu.memory_space<hbm>>) dst(%dma_wait3A_264 : memref<64x128xf32, #tpu.memory_space<vmem>>)
      %sub3A_267 = arith.constant 99968 : i32
      %sub3A_268 = arith.subi %sub3A_267, %and3A_112 : i32
      %add3A_269 = arith.constant 15 : i32
      %add3A_270 = arith.addi %scan3A_185, %add3A_269 : i32
      %jit3A_271 = arith.constant 16 : i32
      %div3A = arith.divsi %add3A_270, %jit3A_271 : i32
      %sign3A = arith.constant 0 : i32
      %sign3A_272 = arith.cmpi sgt, %add3A_270, %sign3A : i32
      %sign3A_273 = arith.extui %sign3A_272 : i1 to i32
      %sign3A_274 = arith.constant 0 : i32
      %sign3A_275 = arith.cmpi slt, %add3A_270, %sign3A_274 : i32
      %sign3A_276 = arith.extui %sign3A_275 : i1 to i32
      %sign3A_277 = arith.subi %sign3A_273, %sign3A_276 : i32
      %sign3A_278 = arith.constant 0 : i32
      %sign3A_279 = arith.cmpi sgt, %jit3A_271, %sign3A_278 : i32
      %sign3A_280 = arith.extui %sign3A_279 : i1 to i32
      %sign3A_281 = arith.constant 0 : i32
      %sign3A_282 = arith.cmpi slt, %jit3A_271, %sign3A_281 : i32
      %sign3A_283 = arith.extui %sign3A_282 : i1 to i32
      %sign3A_284 = arith.subi %sign3A_280, %sign3A_283 : i32
      %ne3A = arith.cmpi ne, %sign3A_277, %sign3A_284 : i32
      %rem3A = arith.remsi %add3A_270, %jit3A_271 : i32
      %ne3A_285 = arith.constant 0 : i32
      %ne3A_286 = arith.cmpi ne, %rem3A, %ne3A_285 : i32
      %and3A_287 = arith.andi %ne3A, %ne3A_286 : i1
      %sub3A_288 = arith.constant 1 : i32
      %sub3A_289 = arith.subi %div3A, %sub3A_288 : i32
      %select_n3A_290 = arith.select %and3A_287, %sub3A_289, %div3A : i32
      %while3A_291 = arith.constant 0 : i32
      %while3A_292 = arith.constant 0 : i32
      %while3A_293 = arith.subi %select_n3A_290, %while3A_291 : i32
      %while3A_294 = arith.addi %while3A_291, %while3A_293 : i32
      %while3A_295 = arith.constant 1 : i32
      %while3A_296 = arith.divsi %while3A_293, %while3A_295 : i32
      %while3A_297 = arith.muli %while3A_296, %while3A_295 : i32
      %while3A_298 = arith.addi %while3A_291, %while3A_297 : i32
      %while3A_299 = arith.constant 1 : i32
      %while3A_300 = scf.for %while3A_315 = %while3A_291 to %while3A_298 step %while3A_299 iter_args(%while3A_316 = %while3A_292) -> (i32)  : i32 {
        %mul3A_317 = arith.constant 16 : i32
        %mul3A_318 = arith.muli %while3A_315, %mul3A_317 : i32
        %get3A = arith.index_cast %mul3A_318 : i32 to index
        %get3A_319 = tpu.vector_load %arg9[%get3A] {strides = array<i32>} : memref<16400xi32, #tpu.memory_space<vmem>>, vector<16xi32>,
        %and3A_320 = arith.constant 32767 : i32
        %and3A_321 = vector.broadcast %and3A_320 : i32 to vector<16xi32>
        %and3A_322 = arith.andi %get3A_319, %and3A_321 : vector<16xi32>
        %ge3A = vector.broadcast %sub3A_268 : i32 to vector<16xi32>
        %ge3A_323 = arith.cmpi sge, %and3A_322, %ge3A : vector<16xi32>
        %add3A_324 = arith.constant 128 : i32
        %add3A_325 = arith.addi %sub3A_268, %add3A_324 : i32
        %lt3A = vector.broadcast %add3A_325 : i32 to vector<16xi32>
        %lt3A_326 = arith.cmpi slt, %and3A_322, %lt3A : vector<16xi32>
        %and3A_327 = arith.andi %ge3A_323, %lt3A_326 : vector<16xi1>
        %mul3A_328 = arith.constant 16 : i32
        %mul3A_329 = arith.muli %while3A_315, %mul3A_328 : i32
        %sub3A_330 = arith.subi %scan3A_185, %mul3A_329 : i32
        %lt3A_331 = vector.broadcast %sub3A_330 : i32 to vector<16xi32>
        %lt3A_332 = arith.cmpi slt, %iota3A_108, %lt3A_331 : vector<16xi32>
        %and3A_333 = arith.andi %and3A_327, %lt3A_332 : vector<16xi1>
        %swap3A = arith.index_cast %while3A_316 : i32 to index
        %swap3A_334 = tpu.vector_load %arg10[%swap3A] masked %and3A_333 {strides = array<i32>} : memref<16400xi32, #tpu.memory_space<vmem>>, vector<16xi32>, vector<16xi1>
        tpu.vector_store %arg10[%swap3A], %get3A_319 masked %and3A_333 {strides = array<i32>} : memref<16400xi32, #tpu.memory_space<vmem>>, vector<16xi32>, vector<16xi1>
        %all_reduce_population_count3A = tpu.all_reduce %and3A_333 {dim = 0 : i64, kind = #tpu.reduction_kind<sum>} : vector<16xi1> -> vector<16xi32>
        %slice3A = vector.extract_strided_slice %all_reduce_population_count3A {offsets = [0], sizes = [1], strides = [1]} : vector<16xi32> to vector<1xi32>
        %squeeze3A = vector.extract %slice3A[0] : i32 from vector<1xi32>
        %add3A_335 = arith.addi %while3A_316, %squeeze3A : i32
        scf.yield %add3A_335 : i32
      }
      %while3A_301 = arith.constant 1 : i32
      %while3A_302 = scf.for %while3A_315 = %while3A_298 to %while3A_294 step %while3A_301 iter_args(%while3A_316 = %while3A_300) -> (i32)  : i32 {
        %mul3A_317 = arith.constant 16 : i32
        %mul3A_318 = arith.muli %while3A_315, %mul3A_317 : i32
        %get3A = arith.index_cast %mul3A_318 : i32 to index
        %get3A_319 = tpu.vector_load %arg9[%get3A] {strides = array<i32>} : memref<16400xi32, #tpu.memory_space<vmem>>, vector<16xi32>,
        %and3A_320 = arith.constant 32767 : i32
        %and3A_321 = vector.broadcast %and3A_320 : i32 to vector<16xi32>
        %and3A_322 = arith.andi %get3A_319, %and3A_321 : vector<16xi32>
        %ge3A = vector.broadcast %sub3A_268 : i32 to vector<16xi32>
        %ge3A_323 = arith.cmpi sge, %and3A_322, %ge3A : vector<16xi32>
        %add3A_324 = arith.constant 128 : i32
        %add3A_325 = arith.addi %sub3A_268, %add3A_324 : i32
        %lt3A = vector.broadcast %add3A_325 : i32 to vector<16xi32>
        %lt3A_326 = arith.cmpi slt, %and3A_322, %lt3A : vector<16xi32>
        %and3A_327 = arith.andi %ge3A_323, %lt3A_326 : vector<16xi1>
        %mul3A_328 = arith.constant 16 : i32
        %mul3A_329 = arith.muli %while3A_315, %mul3A_328 : i32
        %sub3A_330 = arith.subi %scan3A_185, %mul3A_329 : i32
        %lt3A_331 = vector.broadcast %sub3A_330 : i32 to vector<16xi32>
        %lt3A_332 = arith.cmpi slt, %iota3A_108, %lt3A_331 : vector<16xi32>
        %and3A_333 = arith.andi %and3A_327, %lt3A_332 : vector<16xi1>
        %swap3A = arith.index_cast %while3A_316 : i32 to index
        %swap3A_334 = tpu.vector_load %arg10[%swap3A] masked %and3A_333 {strides = array<i32>} : memref<16400xi32, #tpu.memory_space<vmem>>, vector<16xi32>, vector<16xi1>
        tpu.vector_store %arg10[%swap3A], %get3A_319 masked %and3A_333 {strides = array<i32>} : memref<16400xi32, #tpu.memory_space<vmem>>, vector<16xi32>, vector<16xi1>
        %all_reduce_population_count3A = tpu.all_reduce %and3A_333 {dim = 0 : i64, kind = #tpu.reduction_kind<sum>} : vector<16xi1> -> vector<16xi32>
        %slice3A = vector.extract_strided_slice %all_reduce_population_count3A {offsets = [0], sizes = [1], strides = [1]} : vector<16xi32> to vector<1xi32>
        %squeeze3A = vector.extract %slice3A[0] : i32 from vector<1xi32>
        %add3A_335 = arith.addi %while3A_316, %squeeze3A : i32
        scf.yield %add3A_335 : i32
      }
      %broadcast_in_dim3A = arith.constant 0 : i32
      %broadcast_in_dim3A_303 = vector.broadcast %broadcast_in_dim3A : i32 to vector<16xi32>
      %while3A_304 = arith.constant 0 : i32
      %while3A_305 = arith.subi %while3A_302, %while3A_304 : i32
      %while3A_306 = arith.addi %while3A_304, %while3A_305 : i32
      %while3A_307 = arith.constant 1 : i32
      %while3A_308 = arith.divsi %while3A_305, %while3A_307 : i32
      %while3A_309 = arith.muli %while3A_308, %while3A_307 : i32
      %while3A_310 = arith.addi %while3A_304, %while3A_309 : i32
      %while3A_311 = arith.constant 1 : i32
      %while3A_312 = scf.for %while3A_315 = %while3A_304 to %while3A_310 step %while3A_311 iter_args(%while3A_316 = %while3A_239) -> (i32)  : i32 {
        %get3A = arith.index_cast %while3A_315 : i32 to index
        %get3A_317 = tpu.vector_load %arg10[%get3A] {strides = array<i32>} : memref<16400xi32, #tpu.memory_space<vmem>>, vector<16xi32>,
        %slice3A = vector.extract_strided_slice %get3A_317 {offsets = [0], sizes = [1], strides = [1]} : vector<16xi32> to vector<1xi32>
        %squeeze3A = vector.extract %slice3A[0] : i32 from vector<1xi32>
        %shift_right_logical3A_318 = arith.constant 15 : i32
        %shift_right_logical3A_319 = arith.shrui %squeeze3A, %shift_right_logical3A_318 : i32
        %and3A_320 = arith.constant 32767 : i32
        %and3A_321 = arith.andi %squeeze3A, %and3A_320 : i32
        %sub3A_322 = arith.subi %and3A_321, %sub3A_268 : i32
        %broadcast_in_dim3A_323 = vector.broadcast %sub3A_322 : i32 to vector<16xi32>
        %and3A_324 = arith.constant 7 : i32
        %and3A_325 = arith.andi %while3A_316, %and3A_324 : i32
        %add3A_326 = arith.constant 0 : i32
        %add3A_327 = vector.broadcast %add3A_326 : i32 to vector<16xi32>
        %add3A_328 = arith.addi %iota3A_108, %add3A_327 : vector<16xi32>
        %gather3A = tpu.vector_load_idx %arg11[%broadcast_in_dim3A_303, %add3A_328, %broadcast_in_dim3A_323] : memref<4x64x256xf32, #tpu.memory_space<vmem>>[vector<16xi32>, vector<16xi32>, vector<16xi32>], vector<16xf32>,
        %swap3A = arith.index_cast %and3A_325 : i32 to index
        %swap3A_329 = arith.constant 0 : index
        %swap3A_330 = tpu.vector_load %arg12[%swap3A, %swap3A_329] {strides = array<i32>} : memref<8x64xf32, #tpu.memory_space<vmem>>, vector<16xf32>,
        tpu.vector_store %arg12[%swap3A, %swap3A_329], %gather3A {strides = array<i32>} : memref<8x64xf32, #tpu.memory_space<vmem>>, vector<16xf32>,
        %add3A_331 = arith.constant 16 : i32
        %add3A_332 = vector.broadcast %add3A_331 : i32 to vector<16xi32>
        %add3A_333 = arith.addi %iota3A_108, %add3A_332 : vector<16xi32>
        %gather3A_334 = tpu.vector_load_idx %arg11[%broadcast_in_dim3A_303, %add3A_333, %broadcast_in_dim3A_323] : memref<4x64x256xf32, #tpu.memory_space<vmem>>[vector<16xi32>, vector<16xi32>, vector<16xi32>], vector<16xf32>,
        %swap3A_335 = arith.index_cast %and3A_325 : i32 to index
        %swap3A_336 = arith.constant 16 : index
        %swap3A_337 = tpu.vector_load %arg12[%swap3A_335, %swap3A_336] {strides = array<i32>} : memref<8x64xf32, #tpu.memory_space<vmem>>, vector<16xf32>,
        tpu.vector_store %arg12[%swap3A_335, %swap3A_336], %gather3A_334 {strides = array<i32>} : memref<8x64xf32, #tpu.memory_space<vmem>>, vector<16xf32>,
        %add3A_338 = arith.constant 32 : i32
        %add3A_339 = vector.broadcast %add3A_338 : i32 to vector<16xi32>
        %add3A_340 = arith.addi %iota3A_108, %add3A_339 : vector<16xi32>
        %gather3A_341 = tpu.vector_load_idx %arg11[%broadcast_in_dim3A_303, %add3A_340, %broadcast_in_dim3A_323] : memref<4x64x256xf32, #tpu.memory_space<vmem>>[vector<16xi32>, vector<16xi32>, vector<16xi32>], vector<16xf32>,
        %swap3A_342 = arith.index_cast %and3A_325 : i32 to index
        %swap3A_343 = arith.constant 32 : index
        %swap3A_344 = tpu.vector_load %arg12[%swap3A_342, %swap3A_343] {strides = array<i32>} : memref<8x64xf32, #tpu.memory_space<vmem>>, vector<16xf32>,
        tpu.vector_store %arg12[%swap3A_342, %swap3A_343], %gather3A_341 {strides = array<i32>} : memref<8x64xf32, #tpu.memory_space<vmem>>, vector<16xf32>,
        %add3A_345 = arith.constant 48 : i32
        %add3A_346 = vector.broadcast %add3A_345 : i32 to vector<16xi32>
        %add3A_347 = arith.addi %iota3A_108, %add3A_346 : vector<16xi32>
        %gather3A_348 = tpu.vector_load_idx %arg11[%broadcast_in_dim3A_303, %add3A_347, %broadcast_in_dim3A_323] : memref<4x64x256xf32, #tpu.memory_space<vmem>>[vector<16xi32>, vector<16xi32>, vector<16xi32>], vector<16xf32>,
        %swap3A_349 = arith.index_cast %and3A_325 : i32 to index
        %swap3A_350 = arith.constant 48 : index
        %swap3A_351 = tpu.vector_load %arg12[%swap3A_349, %swap3A_350] {strides = array<i32>} : memref<8x64xf32, #tpu.memory_space<vmem>>, vector<16xf32>,
        tpu.vector_store %arg12[%swap3A_349, %swap3A_350], %gather3A_348 {strides = array<i32>} : memref<8x64xf32, #tpu.memory_space<vmem>>, vector<16xf32>,
        %ge3A = arith.constant 8 : i32
        %ge3A_352 = arith.cmpi sge, %while3A_316, %ge3A : i32
        %convert_element_type3A = arith.extui %ge3A_352 : i1 to i32
        %cond3A = arith.constant 0 : i32
        %cond3A_353 = arith.cmpi ne, %convert_element_type3A, %cond3A : i32
        scf.if %cond3A_353 {
          %dma_wait3A_364 = arith.constant 0 : i32
          %dma_wait3A_365 = arith.constant 0 : i32
          %dma_wait3A_366 = tpu.memref_slice %arg12[%dma_wait3A_364, %dma_wait3A_365] : memref<8x64xf32, #tpu.memory_space<vmem>> -> memref<1x64xf32, #tpu.memory_space<vmem>>
          %dma_wait3A_367 = arith.constant 0 : i32
          %dma_wait3A_368 = arith.constant 0 : i32
          %dma_wait3A_369 = tpu.memref_slice %arg7[%dma_wait3A_367, %dma_wait3A_368] : memref<16384x64xf32, #tpu.memory_space<hbm>> -> memref<1x64xf32, #tpu.memory_space<hbm>>
          %dma_wait3A_370 = arith.constant 0 : i32
          %dma_wait3A_371 = arith.constant 0 : i32
          %dma_wait3A_372 = tpu.memref_slice %arg12[%dma_wait3A_370, %dma_wait3A_371] : memref<8x64xf32, #tpu.memory_space<vmem>> -> memref<1x64xf32, #tpu.memory_space<vmem>>
          %dma_wait3A_373 = arith.constant 0 : i32
          %dma_wait3A_374 = arith.constant 0 : i32
          %dma_wait3A_375 = tpu.memref_slice %arg7[%dma_wait3A_373, %dma_wait3A_374] : memref<16384x64xf32, #tpu.memory_space<hbm>> -> memref<1x64xf32, #tpu.memory_space<hbm>>
          tpu.wait_dma2 semaphore(%arg14 : memref<!tpu.dma_semaphore, #tpu.memory_space<semaphore_mem>>) src(%dma_wait3A_375 : memref<1x64xf32, #tpu.memory_space<hbm>>) dst(%dma_wait3A_372 : memref<1x64xf32, #tpu.memory_space<vmem>>)
        } else {
        }
        %dma_start3A_354 = arith.constant 0 : i32
        %dma_start3A_355 = tpu.memref_slice %arg12[%and3A_325, %dma_start3A_354] : memref<8x64xf32, #tpu.memory_space<vmem>> -> memref<1x64xf32, #tpu.memory_space<vmem>>
        %dma_start3A_356 = arith.constant 0 : i32
        %dma_start3A_357 = tpu.memref_slice %arg7[%shift_right_logical3A_319, %dma_start3A_356] : memref<16384x64xf32, #tpu.memory_space<hbm>> -> memref<1x64xf32, #tpu.memory_space<hbm>>
        %dma_start3A_358 = arith.constant 0 : i32
        %dma_start3A_359 = tpu.memref_slice %arg7[%shift_right_logical3A_319, %dma_start3A_358] : memref<16384x64xf32, #tpu.memory_space<hbm>> -> memref<1x64xf32, #tpu.memory_space<hbm>>
        %dma_start3A_360 = arith.constant 0 : i32
        %dma_start3A_361 = tpu.memref_slice %arg12[%and3A_325, %dma_start3A_360] : memref<8x64xf32, #tpu.memory_space<vmem>> -> memref<1x64xf32, #tpu.memory_space<vmem>>
        tpu.enqueue_dma source(%dma_start3A_361 : memref<1x64xf32, #tpu.memory_space<vmem>>) target(%dma_start3A_359 : memref<1x64xf32, #tpu.memory_space<hbm>>) target_semaphore(%arg14 : memref<!tpu.dma_semaphore, #tpu.memory_space<semaphore_mem>>)
        %add3A_362 = arith.constant 1 : i32
        %add3A_363 = arith.addi %while3A_316, %add3A_362 : i32
        scf.yield %add3A_363 : i32
      }
      %while3A_313 = arith.constant 1 : i32
      %while3A_314 = scf.for %while3A_315 = %while3A_310 to %while3A_306 step %while3A_313 iter_args(%while3A_316 = %while3A_312) -> (i32)  : i32 {
        %get3A = arith.index_cast %while3A_315 : i32 to index
        %get3A_317 = tpu.vector_load %arg10[%get3A] {strides = array<i32>} : memref<16400xi32, #tpu.memory_space<vmem>>, vector<16xi32>,
        %slice3A = vector.extract_strided_slice %get3A_317 {offsets = [0], sizes = [1], strides = [1]} : vector<16xi32> to vector<1xi32>
        %squeeze3A = vector.extract %slice3A[0] : i32 from vector<1xi32>
        %shift_right_logical3A_318 = arith.constant 15 : i32
        %shift_right_logical3A_319 = arith.shrui %squeeze3A, %shift_right_logical3A_318 : i32
        %and3A_320 = arith.constant 32767 : i32
        %and3A_321 = arith.andi %squeeze3A, %and3A_320 : i32
        %sub3A_322 = arith.subi %and3A_321, %sub3A_268 : i32
        %broadcast_in_dim3A_323 = vector.broadcast %sub3A_322 : i32 to vector<16xi32>
        %and3A_324 = arith.constant 7 : i32
        %and3A_325 = arith.andi %while3A_316, %and3A_324 : i32
        %add3A_326 = arith.constant 0 : i32
        %add3A_327 = vector.broadcast %add3A_326 : i32 to vector<16xi32>
        %add3A_328 = arith.addi %iota3A_108, %add3A_327 : vector<16xi32>
        %gather3A = tpu.vector_load_idx %arg11[%broadcast_in_dim3A_303, %add3A_328, %broadcast_in_dim3A_323] : memref<4x64x256xf32, #tpu.memory_space<vmem>>[vector<16xi32>, vector<16xi32>, vector<16xi32>], vector<16xf32>,
        %swap3A = arith.index_cast %and3A_325 : i32 to index
        %swap3A_329 = arith.constant 0 : index
        %swap3A_330 = tpu.vector_load %arg12[%swap3A, %swap3A_329] {strides = array<i32>} : memref<8x64xf32, #tpu.memory_space<vmem>>, vector<16xf32>,
        tpu.vector_store %arg12[%swap3A, %swap3A_329], %gather3A {strides = array<i32>} : memref<8x64xf32, #tpu.memory_space<vmem>>, vector<16xf32>,
        %add3A_331 = arith.constant 16 : i32
        %add3A_332 = vector.broadcast %add3A_331 : i32 to vector<16xi32>
        %add3A_333 = arith.addi %iota3A_108, %add3A_332 : vector<16xi32>
        %gather3A_334 = tpu.vector_load_idx %arg11[%broadcast_in_dim3A_303, %add3A_333, %broadcast_in_dim3A_323] : memref<4x64x256xf32, #tpu.memory_space<vmem>>[vector<16xi32>, vector<16xi32>, vector<16xi32>], vector<16xf32>,
        %swap3A_335 = arith.index_cast %and3A_325 : i32 to index
        %swap3A_336 = arith.constant 16 : index
        %swap3A_337 = tpu.vector_load %arg12[%swap3A_335, %swap3A_336] {strides = array<i32>} : memref<8x64xf32, #tpu.memory_space<vmem>>, vector<16xf32>,
        tpu.vector_store %arg12[%swap3A_335, %swap3A_336], %gather3A_334 {strides = array<i32>} : memref<8x64xf32, #tpu.memory_space<vmem>>, vector<16xf32>,
        %add3A_338 = arith.constant 32 : i32
        %add3A_339 = vector.broadcast %add3A_338 : i32 to vector<16xi32>
        %add3A_340 = arith.addi %iota3A_108, %add3A_339 : vector<16xi32>
        %gather3A_341 = tpu.vector_load_idx %arg11[%broadcast_in_dim3A_303, %add3A_340, %broadcast_in_dim3A_323] : memref<4x64x256xf32, #tpu.memory_space<vmem>>[vector<16xi32>, vector<16xi32>, vector<16xi32>], vector<16xf32>,
        %swap3A_342 = arith.index_cast %and3A_325 : i32 to index
        %swap3A_343 = arith.constant 32 : index
        %swap3A_344 = tpu.vector_load %arg12[%swap3A_342, %swap3A_343] {strides = array<i32>} : memref<8x64xf32, #tpu.memory_space<vmem>>, vector<16xf32>,
        tpu.vector_store %arg12[%swap3A_342, %swap3A_343], %gather3A_341 {strides = array<i32>} : memref<8x64xf32, #tpu.memory_space<vmem>>, vector<16xf32>,
        %add3A_345 = arith.constant 48 : i32
        %add3A_346 = vector.broadcast %add3A_345 : i32 to vector<16xi32>
        %add3A_347 = arith.addi %iota3A_108, %add3A_346 : vector<16xi32>
        %gather3A_348 = tpu.vector_load_idx %arg11[%broadcast_in_dim3A_303, %add3A_347, %broadcast_in_dim3A_323] : memref<4x64x256xf32, #tpu.memory_space<vmem>>[vector<16xi32>, vector<16xi32>, vector<16xi32>], vector<16xf32>,
        %swap3A_349 = arith.index_cast %and3A_325 : i32 to index
        %swap3A_350 = arith.constant 48 : index
        %swap3A_351 = tpu.vector_load %arg12[%swap3A_349, %swap3A_350] {strides = array<i32>} : memref<8x64xf32, #tpu.memory_space<vmem>>, vector<16xf32>,
        tpu.vector_store %arg12[%swap3A_349, %swap3A_350], %gather3A_348 {strides = array<i32>} : memref<8x64xf32, #tpu.memory_space<vmem>>, vector<16xf32>,
        %ge3A = arith.constant 8 : i32
        %ge3A_352 = arith.cmpi sge, %while3A_316, %ge3A : i32
        %convert_element_type3A = arith.extui %ge3A_352 : i1 to i32
        %cond3A = arith.constant 0 : i32
        %cond3A_353 = arith.cmpi ne, %convert_element_type3A, %cond3A : i32
        scf.if %cond3A_353 {
          %dma_wait3A_364 = arith.constant 0 : i32
          %dma_wait3A_365 = arith.constant 0 : i32
          %dma_wait3A_366 = tpu.memref_slice %arg12[%dma_wait3A_364, %dma_wait3A_365] : memref<8x64xf32, #tpu.memory_space<vmem>> -> memref<1x64xf32, #tpu.memory_space<vmem>>
          %dma_wait3A_367 = arith.constant 0 : i32
          %dma_wait3A_368 = arith.constant 0 : i32
          %dma_wait3A_369 = tpu.memref_slice %arg7[%dma_wait3A_367, %dma_wait3A_368] : memref<16384x64xf32, #tpu.memory_space<hbm>> -> memref<1x64xf32, #tpu.memory_space<hbm>>
          %dma_wait3A_370 = arith.constant 0 : i32
          %dma_wait3A_371 = arith.constant 0 : i32
          %dma_wait3A_372 = tpu.memref_slice %arg12[%dma_wait3A_370, %dma_wait3A_371] : memref<8x64xf32, #tpu.memory_space<vmem>> -> memref<1x64xf32, #tpu.memory_space<vmem>>
          %dma_wait3A_373 = arith.constant 0 : i32
          %dma_wait3A_374 = arith.constant 0 : i32
          %dma_wait3A_375 = tpu.memref_slice %arg7[%dma_wait3A_373, %dma_wait3A_374] : memref<16384x64xf32, #tpu.memory_space<hbm>> -> memref<1x64xf32, #tpu.memory_space<hbm>>
          tpu.wait_dma2 semaphore(%arg14 : memref<!tpu.dma_semaphore, #tpu.memory_space<semaphore_mem>>) src(%dma_wait3A_375 : memref<1x64xf32, #tpu.memory_space<hbm>>) dst(%dma_wait3A_372 : memref<1x64xf32, #tpu.memory_space<vmem>>)
        } else {
        }
        %dma_start3A_354 = arith.constant 0 : i32
        %dma_start3A_355 = tpu.memref_slice %arg12[%and3A_325, %dma_start3A_354] : memref<8x64xf32, #tpu.memory_space<vmem>> -> memref<1x64xf32, #tpu.memory_space<vmem>>
        %dma_start3A_356 = arith.constant 0 : i32
        %dma_start3A_357 = tpu.memref_slice %arg7[%shift_right_logical3A_319, %dma_start3A_356] : memref<16384x64xf32, #tpu.memory_space<hbm>> -> memref<1x64xf32, #tpu.memory_space<hbm>>
        %dma_start3A_358 = arith.constant 0 : i32
        %dma_start3A_359 = tpu.memref_slice %arg7[%shift_right_logical3A_319, %dma_start3A_358] : memref<16384x64xf32, #tpu.memory_space<hbm>> -> memref<1x64xf32, #tpu.memory_space<hbm>>
        %dma_start3A_360 = arith.constant 0 : i32
        %dma_start3A_361 = tpu.memref_slice %arg12[%and3A_325, %dma_start3A_360] : memref<8x64xf32, #tpu.memory_space<vmem>> -> memref<1x64xf32, #tpu.memory_space<vmem>>
        tpu.enqueue_dma source(%dma_start3A_361 : memref<1x64xf32, #tpu.memory_space<vmem>>) target(%dma_start3A_359 : memref<1x64xf32, #tpu.memory_space<hbm>>) target_semaphore(%arg14 : memref<!tpu.dma_semaphore, #tpu.memory_space<semaphore_mem>>)
        %add3A_362 = arith.constant 1 : i32
        %add3A_363 = arith.addi %while3A_316, %add3A_362 : i32
        scf.yield %add3A_363 : i32
      }
      scf.yield %while3A_314 : i32
    }
    %while3A_224 = arith.constant 1 : i32
    %while3A_225 = scf.for %while3A_238 = %while3A_221 to %while3A_217 step %while3A_224 iter_args(%while3A_239 = %while3A_223) -> (i32)  : i32 {
      %multiple_of3A_240 = arith.constant 99968 : i32
      %multiple_of3A_241 = tpu.assume_multiple %multiple_of3A_240, 128 : i32
      %dma_start3A_242 = arith.constant 0 : i32
      %dma_start3A_243 = arith.constant 0 : i32
      %dma_start3A_244 = arith.constant 0 : i32
      %dma_start3A_245 = tpu.memref_slice %arg11[%dma_start3A_242, %dma_start3A_243, %dma_start3A_244] : memref<4x64x256xf32, #tpu.memory_space<vmem>> -> memref<1x64x128xf32, #tpu.memory_space<vmem>>
      %dma_start3A_246 = tpu.memref_squeeze %dma_start3A_245 : memref<1x64x128xf32, #tpu.memory_space<vmem>> -> memref<64x128xf32, #tpu.memory_space<vmem>>
      %dma_start3A_247 = arith.constant 0 : i32
      %dma_start3A_248 = tpu.memref_slice %arg5[%dma_start3A_247, %multiple_of3A_241] : memref<64x100000xf32, #tpu.memory_space<hbm>> -> memref<64x128xf32, #tpu.memory_space<hbm>>
      %dma_start3A_249 = arith.constant 0 : i32
      %dma_start3A_250 = arith.constant 0 : i32
      %dma_start3A_251 = tpu.memref_slice %arg11[%dma_start3A_242, %dma_start3A_249, %dma_start3A_250] : memref<4x64x256xf32, #tpu.memory_space<vmem>> -> memref<1x64x128xf32, #tpu.memory_space<vmem>>
      %dma_start3A_252 = tpu.memref_squeeze %dma_start3A_251 : memref<1x64x128xf32, #tpu.memory_space<vmem>> -> memref<64x128xf32, #tpu.memory_space<vmem>>
      %dma_start3A_253 = arith.constant 0 : i32
      %dma_start3A_254 = tpu.memref_slice %arg5[%dma_start3A_253, %multiple_of3A_241] : memref<64x100000xf32, #tpu.memory_space<hbm>> -> memref<64x128xf32, #tpu.memory_space<hbm>>
      tpu.enqueue_dma source(%dma_start3A_254 : memref<64x128xf32, #tpu.memory_space<hbm>>) target(%dma_start3A_252 : memref<64x128xf32, #tpu.memory_space<vmem>>) target_semaphore(%arg13 : memref<!tpu.dma_semaphore, #tpu.memory_space<semaphore_mem>>)
      %dma_wait3A = arith.constant 0 : i32
      %dma_wait3A_255 = arith.constant 0 : i32
      %dma_wait3A_256 = arith.constant 0 : i32
      %dma_wait3A_257 = tpu.memref_slice %arg11[%dma_wait3A, %dma_wait3A_255, %dma_wait3A_256] : memref<4x64x256xf32, #tpu.memory_space<vmem>> -> memref<1x64x128xf32, #tpu.memory_space<vmem>>
      %dma_wait3A_258 = tpu.memref_squeeze %dma_wait3A_257 : memref<1x64x128xf32, #tpu.memory_space<vmem>> -> memref<64x128xf32, #tpu.memory_space<vmem>>
      %dma_wait3A_259 = arith.constant 0 : i32
      %dma_wait3A_260 = tpu.memref_slice %arg5[%dma_wait3A_259, %multiple_of3A_241] : memref<64x100000xf32, #tpu.memory_space<hbm>> -> memref<64x128xf32, #tpu.memory_space<hbm>>
      %dma_wait3A_261 = arith.constant 0 : i32
      %dma_wait3A_262 = arith.constant 0 : i32
      %dma_wait3A_263 = tpu.memref_slice %arg11[%dma_wait3A, %dma_wait3A_261, %dma_wait3A_262] : memref<4x64x256xf32, #tpu.memory_space<vmem>> -> memref<1x64x128xf32, #tpu.memory_space<vmem>>
      %dma_wait3A_264 = tpu.memref_squeeze %dma_wait3A_263 : memref<1x64x128xf32, #tpu.memory_space<vmem>> -> memref<64x128xf32, #tpu.memory_space<vmem>>
      %dma_wait3A_265 = arith.constant 0 : i32
      %dma_wait3A_266 = tpu.memref_slice %arg5[%dma_wait3A_265, %multiple_of3A_241] : memref<64x100000xf32, #tpu.memory_space<hbm>> -> memref<64x128xf32, #tpu.memory_space<hbm>>
      tpu.wait_dma2 semaphore(%arg13 : memref<!tpu.dma_semaphore, #tpu.memory_space<semaphore_mem>>) src(%dma_wait3A_266 : memref<64x128xf32, #tpu.memory_space<hbm>>) dst(%dma_wait3A_264 : memref<64x128xf32, #tpu.memory_space<vmem>>)
      %sub3A_267 = arith.constant 99968 : i32
      %sub3A_268 = arith.subi %sub3A_267, %and3A_112 : i32
      %add3A_269 = arith.constant 15 : i32
      %add3A_270 = arith.addi %scan3A_185, %add3A_269 : i32
      %jit3A_271 = arith.constant 16 : i32
      %div3A = arith.divsi %add3A_270, %jit3A_271 : i32
      %sign3A = arith.constant 0 : i32
      %sign3A_272 = arith.cmpi sgt, %add3A_270, %sign3A : i32
      %sign3A_273 = arith.extui %sign3A_272 : i1 to i32
      %sign3A_274 = arith.constant 0 : i32
      %sign3A_275 = arith.cmpi slt, %add3A_270, %sign3A_274 : i32
      %sign3A_276 = arith.extui %sign3A_275 : i1 to i32
      %sign3A_277 = arith.subi %sign3A_273, %sign3A_276 : i32
      %sign3A_278 = arith.constant 0 : i32
      %sign3A_279 = arith.cmpi sgt, %jit3A_271, %sign3A_278 : i32
      %sign3A_280 = arith.extui %sign3A_279 : i1 to i32
      %sign3A_281 = arith.constant 0 : i32
      %sign3A_282 = arith.cmpi slt, %jit3A_271, %sign3A_281 : i32
      %sign3A_283 = arith.extui %sign3A_282 : i1 to i32
      %sign3A_284 = arith.subi %sign3A_280, %sign3A_283 : i32
      %ne3A = arith.cmpi ne, %sign3A_277, %sign3A_284 : i32
      %rem3A = arith.remsi %add3A_270, %jit3A_271 : i32
      %ne3A_285 = arith.constant 0 : i32
      %ne3A_286 = arith.cmpi ne, %rem3A, %ne3A_285 : i32
      %and3A_287 = arith.andi %ne3A, %ne3A_286 : i1
      %sub3A_288 = arith.constant 1 : i32
      %sub3A_289 = arith.subi %div3A, %sub3A_288 : i32
      %select_n3A_290 = arith.select %and3A_287, %sub3A_289, %div3A : i32
      %while3A_291 = arith.constant 0 : i32
      %while3A_292 = arith.constant 0 : i32
      %while3A_293 = arith.subi %select_n3A_290, %while3A_291 : i32
      %while3A_294 = arith.addi %while3A_291, %while3A_293 : i32
      %while3A_295 = arith.constant 1 : i32
      %while3A_296 = arith.divsi %while3A_293, %while3A_295 : i32
      %while3A_297 = arith.muli %while3A_296, %while3A_295 : i32
      %while3A_298 = arith.addi %while3A_291, %while3A_297 : i32
      %while3A_299 = arith.constant 1 : i32
      %while3A_300 = scf.for %while3A_315 = %while3A_291 to %while3A_298 step %while3A_299 iter_args(%while3A_316 = %while3A_292) -> (i32)  : i32 {
        %mul3A_317 = arith.constant 16 : i32
        %mul3A_318 = arith.muli %while3A_315, %mul3A_317 : i32
        %get3A = arith.index_cast %mul3A_318 : i32 to index
        %get3A_319 = tpu.vector_load %arg9[%get3A] {strides = array<i32>} : memref<16400xi32, #tpu.memory_space<vmem>>, vector<16xi32>,
        %and3A_320 = arith.constant 32767 : i32
        %and3A_321 = vector.broadcast %and3A_320 : i32 to vector<16xi32>
        %and3A_322 = arith.andi %get3A_319, %and3A_321 : vector<16xi32>
        %ge3A = vector.broadcast %sub3A_268 : i32 to vector<16xi32>
        %ge3A_323 = arith.cmpi sge, %and3A_322, %ge3A : vector<16xi32>
        %add3A_324 = arith.constant 128 : i32
        %add3A_325 = arith.addi %sub3A_268, %add3A_324 : i32
        %lt3A = vector.broadcast %add3A_325 : i32 to vector<16xi32>
        %lt3A_326 = arith.cmpi slt, %and3A_322, %lt3A : vector<16xi32>
        %and3A_327 = arith.andi %ge3A_323, %lt3A_326 : vector<16xi1>
        %mul3A_328 = arith.constant 16 : i32
        %mul3A_329 = arith.muli %while3A_315, %mul3A_328 : i32
        %sub3A_330 = arith.subi %scan3A_185, %mul3A_329 : i32
        %lt3A_331 = vector.broadcast %sub3A_330 : i32 to vector<16xi32>
        %lt3A_332 = arith.cmpi slt, %iota3A_108, %lt3A_331 : vector<16xi32>
        %and3A_333 = arith.andi %and3A_327, %lt3A_332 : vector<16xi1>
        %swap3A = arith.index_cast %while3A_316 : i32 to index
        %swap3A_334 = tpu.vector_load %arg10[%swap3A] masked %and3A_333 {strides = array<i32>} : memref<16400xi32, #tpu.memory_space<vmem>>, vector<16xi32>, vector<16xi1>
        tpu.vector_store %arg10[%swap3A], %get3A_319 masked %and3A_333 {strides = array<i32>} : memref<16400xi32, #tpu.memory_space<vmem>>, vector<16xi32>, vector<16xi1>
        %all_reduce_population_count3A = tpu.all_reduce %and3A_333 {dim = 0 : i64, kind = #tpu.reduction_kind<sum>} : vector<16xi1> -> vector<16xi32>
        %slice3A = vector.extract_strided_slice %all_reduce_population_count3A {offsets = [0], sizes = [1], strides = [1]} : vector<16xi32> to vector<1xi32>
        %squeeze3A = vector.extract %slice3A[0] : i32 from vector<1xi32>
        %add3A_335 = arith.addi %while3A_316, %squeeze3A : i32
        scf.yield %add3A_335 : i32
      }
      %while3A_301 = arith.constant 1 : i32
      %while3A_302 = scf.for %while3A_315 = %while3A_298 to %while3A_294 step %while3A_301 iter_args(%while3A_316 = %while3A_300) -> (i32)  : i32 {
        %mul3A_317 = arith.constant 16 : i32
        %mul3A_318 = arith.muli %while3A_315, %mul3A_317 : i32
        %get3A = arith.index_cast %mul3A_318 : i32 to index
        %get3A_319 = tpu.vector_load %arg9[%get3A] {strides = array<i32>} : memref<16400xi32, #tpu.memory_space<vmem>>, vector<16xi32>,
        %and3A_320 = arith.constant 32767 : i32
        %and3A_321 = vector.broadcast %and3A_320 : i32 to vector<16xi32>
        %and3A_322 = arith.andi %get3A_319, %and3A_321 : vector<16xi32>
        %ge3A = vector.broadcast %sub3A_268 : i32 to vector<16xi32>
        %ge3A_323 = arith.cmpi sge, %and3A_322, %ge3A : vector<16xi32>
        %add3A_324 = arith.constant 128 : i32
        %add3A_325 = arith.addi %sub3A_268, %add3A_324 : i32
        %lt3A = vector.broadcast %add3A_325 : i32 to vector<16xi32>
        %lt3A_326 = arith.cmpi slt, %and3A_322, %lt3A : vector<16xi32>
        %and3A_327 = arith.andi %ge3A_323, %lt3A_326 : vector<16xi1>
        %mul3A_328 = arith.constant 16 : i32
        %mul3A_329 = arith.muli %while3A_315, %mul3A_328 : i32
        %sub3A_330 = arith.subi %scan3A_185, %mul3A_329 : i32
        %lt3A_331 = vector.broadcast %sub3A_330 : i32 to vector<16xi32>
        %lt3A_332 = arith.cmpi slt, %iota3A_108, %lt3A_331 : vector<16xi32>
        %and3A_333 = arith.andi %and3A_327, %lt3A_332 : vector<16xi1>
        %swap3A = arith.index_cast %while3A_316 : i32 to index
        %swap3A_334 = tpu.vector_load %arg10[%swap3A] masked %and3A_333 {strides = array<i32>} : memref<16400xi32, #tpu.memory_space<vmem>>, vector<16xi32>, vector<16xi1>
        tpu.vector_store %arg10[%swap3A], %get3A_319 masked %and3A_333 {strides = array<i32>} : memref<16400xi32, #tpu.memory_space<vmem>>, vector<16xi32>, vector<16xi1>
        %all_reduce_population_count3A = tpu.all_reduce %and3A_333 {dim = 0 : i64, kind = #tpu.reduction_kind<sum>} : vector<16xi1> -> vector<16xi32>
        %slice3A = vector.extract_strided_slice %all_reduce_population_count3A {offsets = [0], sizes = [1], strides = [1]} : vector<16xi32> to vector<1xi32>
        %squeeze3A = vector.extract %slice3A[0] : i32 from vector<1xi32>
        %add3A_335 = arith.addi %while3A_316, %squeeze3A : i32
        scf.yield %add3A_335 : i32
      }
      %broadcast_in_dim3A = arith.constant 0 : i32
      %broadcast_in_dim3A_303 = vector.broadcast %broadcast_in_dim3A : i32 to vector<16xi32>
      %while3A_304 = arith.constant 0 : i32
      %while3A_305 = arith.subi %while3A_302, %while3A_304 : i32
      %while3A_306 = arith.addi %while3A_304, %while3A_305 : i32
      %while3A_307 = arith.constant 1 : i32
      %while3A_308 = arith.divsi %while3A_305, %while3A_307 : i32
      %while3A_309 = arith.muli %while3A_308, %while3A_307 : i32
      %while3A_310 = arith.addi %while3A_304, %while3A_309 : i32
      %while3A_311 = arith.constant 1 : i32
      %while3A_312 = scf.for %while3A_315 = %while3A_304 to %while3A_310 step %while3A_311 iter_args(%while3A_316 = %while3A_239) -> (i32)  : i32 {
        %get3A = arith.index_cast %while3A_315 : i32 to index
        %get3A_317 = tpu.vector_load %arg10[%get3A] {strides = array<i32>} : memref<16400xi32, #tpu.memory_space<vmem>>, vector<16xi32>,
        %slice3A = vector.extract_strided_slice %get3A_317 {offsets = [0], sizes = [1], strides = [1]} : vector<16xi32> to vector<1xi32>
        %squeeze3A = vector.extract %slice3A[0] : i32 from vector<1xi32>
        %shift_right_logical3A_318 = arith.constant 15 : i32
        %shift_right_logical3A_319 = arith.shrui %squeeze3A, %shift_right_logical3A_318 : i32
        %and3A_320 = arith.constant 32767 : i32
        %and3A_321 = arith.andi %squeeze3A, %and3A_320 : i32
        %sub3A_322 = arith.subi %and3A_321, %sub3A_268 : i32
        %broadcast_in_dim3A_323 = vector.broadcast %sub3A_322 : i32 to vector<16xi32>
        %and3A_324 = arith.constant 7 : i32
        %and3A_325 = arith.andi %while3A_316, %and3A_324 : i32
        %add3A_326 = arith.constant 0 : i32
        %add3A_327 = vector.broadcast %add3A_326 : i32 to vector<16xi32>
        %add3A_328 = arith.addi %iota3A_108, %add3A_327 : vector<16xi32>
        %gather3A = tpu.vector_load_idx %arg11[%broadcast_in_dim3A_303, %add3A_328, %broadcast_in_dim3A_323] : memref<4x64x256xf32, #tpu.memory_space<vmem>>[vector<16xi32>, vector<16xi32>, vector<16xi32>], vector<16xf32>,
        %swap3A = arith.index_cast %and3A_325 : i32 to index
        %swap3A_329 = arith.constant 0 : index
        %swap3A_330 = tpu.vector_load %arg12[%swap3A, %swap3A_329] {strides = array<i32>} : memref<8x64xf32, #tpu.memory_space<vmem>>, vector<16xf32>,
        tpu.vector_store %arg12[%swap3A, %swap3A_329], %gather3A {strides = array<i32>} : memref<8x64xf32, #tpu.memory_space<vmem>>, vector<16xf32>,
        %add3A_331 = arith.constant 16 : i32
        %add3A_332 = vector.broadcast %add3A_331 : i32 to vector<16xi32>
        %add3A_333 = arith.addi %iota3A_108, %add3A_332 : vector<16xi32>
        %gather3A_334 = tpu.vector_load_idx %arg11[%broadcast_in_dim3A_303, %add3A_333, %broadcast_in_dim3A_323] : memref<4x64x256xf32, #tpu.memory_space<vmem>>[vector<16xi32>, vector<16xi32>, vector<16xi32>], vector<16xf32>,
        %swap3A_335 = arith.index_cast %and3A_325 : i32 to index
        %swap3A_336 = arith.constant 16 : index
        %swap3A_337 = tpu.vector_load %arg12[%swap3A_335, %swap3A_336] {strides = array<i32>} : memref<8x64xf32, #tpu.memory_space<vmem>>, vector<16xf32>,
        tpu.vector_store %arg12[%swap3A_335, %swap3A_336], %gather3A_334 {strides = array<i32>} : memref<8x64xf32, #tpu.memory_space<vmem>>, vector<16xf32>,
        %add3A_338 = arith.constant 32 : i32
        %add3A_339 = vector.broadcast %add3A_338 : i32 to vector<16xi32>
        %add3A_340 = arith.addi %iota3A_108, %add3A_339 : vector<16xi32>
        %gather3A_341 = tpu.vector_load_idx %arg11[%broadcast_in_dim3A_303, %add3A_340, %broadcast_in_dim3A_323] : memref<4x64x256xf32, #tpu.memory_space<vmem>>[vector<16xi32>, vector<16xi32>, vector<16xi32>], vector<16xf32>,
        %swap3A_342 = arith.index_cast %and3A_325 : i32 to index
        %swap3A_343 = arith.constant 32 : index
        %swap3A_344 = tpu.vector_load %arg12[%swap3A_342, %swap3A_343] {strides = array<i32>} : memref<8x64xf32, #tpu.memory_space<vmem>>, vector<16xf32>,
        tpu.vector_store %arg12[%swap3A_342, %swap3A_343], %gather3A_341 {strides = array<i32>} : memref<8x64xf32, #tpu.memory_space<vmem>>, vector<16xf32>,
        %add3A_345 = arith.constant 48 : i32
        %add3A_346 = vector.broadcast %add3A_345 : i32 to vector<16xi32>
        %add3A_347 = arith.addi %iota3A_108, %add3A_346 : vector<16xi32>
        %gather3A_348 = tpu.vector_load_idx %arg11[%broadcast_in_dim3A_303, %add3A_347, %broadcast_in_dim3A_323] : memref<4x64x256xf32, #tpu.memory_space<vmem>>[vector<16xi32>, vector<16xi32>, vector<16xi32>], vector<16xf32>,
        %swap3A_349 = arith.index_cast %and3A_325 : i32 to index
        %swap3A_350 = arith.constant 48 : index
        %swap3A_351 = tpu.vector_load %arg12[%swap3A_349, %swap3A_350] {strides = array<i32>} : memref<8x64xf32, #tpu.memory_space<vmem>>, vector<16xf32>,
        tpu.vector_store %arg12[%swap3A_349, %swap3A_350], %gather3A_348 {strides = array<i32>} : memref<8x64xf32, #tpu.memory_space<vmem>>, vector<16xf32>,
        %ge3A = arith.constant 8 : i32
        %ge3A_352 = arith.cmpi sge, %while3A_316, %ge3A : i32
        %convert_element_type3A = arith.extui %ge3A_352 : i1 to i32
        %cond3A = arith.constant 0 : i32
        %cond3A_353 = arith.cmpi ne, %convert_element_type3A, %cond3A : i32
        scf.if %cond3A_353 {
          %dma_wait3A_364 = arith.constant 0 : i32
          %dma_wait3A_365 = arith.constant 0 : i32
          %dma_wait3A_366 = tpu.memref_slice %arg12[%dma_wait3A_364, %dma_wait3A_365] : memref<8x64xf32, #tpu.memory_space<vmem>> -> memref<1x64xf32, #tpu.memory_space<vmem>>
          %dma_wait3A_367 = arith.constant 0 : i32
          %dma_wait3A_368 = arith.constant 0 : i32
          %dma_wait3A_369 = tpu.memref_slice %arg7[%dma_wait3A_367, %dma_wait3A_368] : memref<16384x64xf32, #tpu.memory_space<hbm>> -> memref<1x64xf32, #tpu.memory_space<hbm>>
          %dma_wait3A_370 = arith.constant 0 : i32
          %dma_wait3A_371 = arith.constant 0 : i32
          %dma_wait3A_372 = tpu.memref_slice %arg12[%dma_wait3A_370, %dma_wait3A_371] : memref<8x64xf32, #tpu.memory_space<vmem>> -> memref<1x64xf32, #tpu.memory_space<vmem>>
          %dma_wait3A_373 = arith.constant 0 : i32
          %dma_wait3A_374 = arith.constant 0 : i32
          %dma_wait3A_375 = tpu.memref_slice %arg7[%dma_wait3A_373, %dma_wait3A_374] : memref<16384x64xf32, #tpu.memory_space<hbm>> -> memref<1x64xf32, #tpu.memory_space<hbm>>
          tpu.wait_dma2 semaphore(%arg14 : memref<!tpu.dma_semaphore, #tpu.memory_space<semaphore_mem>>) src(%dma_wait3A_375 : memref<1x64xf32, #tpu.memory_space<hbm>>) dst(%dma_wait3A_372 : memref<1x64xf32, #tpu.memory_space<vmem>>)
        } else {
        }
        %dma_start3A_354 = arith.constant 0 : i32
        %dma_start3A_355 = tpu.memref_slice %arg12[%and3A_325, %dma_start3A_354] : memref<8x64xf32, #tpu.memory_space<vmem>> -> memref<1x64xf32, #tpu.memory_space<vmem>>
        %dma_start3A_356 = arith.constant 0 : i32
        %dma_start3A_357 = tpu.memref_slice %arg7[%shift_right_logical3A_319, %dma_start3A_356] : memref<16384x64xf32, #tpu.memory_space<hbm>> -> memref<1x64xf32, #tpu.memory_space<hbm>>
        %dma_start3A_358 = arith.constant 0 : i32
        %dma_start3A_359 = tpu.memref_slice %arg7[%shift_right_logical3A_319, %dma_start3A_358] : memref<16384x64xf32, #tpu.memory_space<hbm>> -> memref<1x64xf32, #tpu.memory_space<hbm>>
        %dma_start3A_360 = arith.constant 0 : i32
        %dma_start3A_361 = tpu.memref_slice %arg12[%and3A_325, %dma_start3A_360] : memref<8x64xf32, #tpu.memory_space<vmem>> -> memref<1x64xf32, #tpu.memory_space<vmem>>
        tpu.enqueue_dma source(%dma_start3A_361 : memref<1x64xf32, #tpu.memory_space<vmem>>) target(%dma_start3A_359 : memref<1x64xf32, #tpu.memory_space<hbm>>) target_semaphore(%arg14 : memref<!tpu.dma_semaphore, #tpu.memory_space<semaphore_mem>>)
        %add3A_362 = arith.constant 1 : i32
        %add3A_363 = arith.addi %while3A_316, %add3A_362 : i32
        scf.yield %add3A_363 : i32
      }
      %while3A_313 = arith.constant 1 : i32
      %while3A_314 = scf.for %while3A_315 = %while3A_310 to %while3A_306 step %while3A_313 iter_args(%while3A_316 = %while3A_312) -> (i32)  : i32 {
        %get3A = arith.index_cast %while3A_315 : i32 to index
        %get3A_317 = tpu.vector_load %arg10[%get3A] {strides = array<i32>} : memref<16400xi32, #tpu.memory_space<vmem>>, vector<16xi32>,
        %slice3A = vector.extract_strided_slice %get3A_317 {offsets = [0], sizes = [1], strides = [1]} : vector<16xi32> to vector<1xi32>
        %squeeze3A = vector.extract %slice3A[0] : i32 from vector<1xi32>
        %shift_right_logical3A_318 = arith.constant 15 : i32
        %shift_right_logical3A_319 = arith.shrui %squeeze3A, %shift_right_logical3A_318 : i32
        %and3A_320 = arith.constant 32767 : i32
        %and3A_321 = arith.andi %squeeze3A, %and3A_320 : i32
        %sub3A_322 = arith.subi %and3A_321, %sub3A_268 : i32
        %broadcast_in_dim3A_323 = vector.broadcast %sub3A_322 : i32 to vector<16xi32>
        %and3A_324 = arith.constant 7 : i32
        %and3A_325 = arith.andi %while3A_316, %and3A_324 : i32
        %add3A_326 = arith.constant 0 : i32
        %add3A_327 = vector.broadcast %add3A_326 : i32 to vector<16xi32>
        %add3A_328 = arith.addi %iota3A_108, %add3A_327 : vector<16xi32>
        %gather3A = tpu.vector_load_idx %arg11[%broadcast_in_dim3A_303, %add3A_328, %broadcast_in_dim3A_323] : memref<4x64x256xf32, #tpu.memory_space<vmem>>[vector<16xi32>, vector<16xi32>, vector<16xi32>], vector<16xf32>,
        %swap3A = arith.index_cast %and3A_325 : i32 to index
        %swap3A_329 = arith.constant 0 : index
        %swap3A_330 = tpu.vector_load %arg12[%swap3A, %swap3A_329] {strides = array<i32>} : memref<8x64xf32, #tpu.memory_space<vmem>>, vector<16xf32>,
        tpu.vector_store %arg12[%swap3A, %swap3A_329], %gather3A {strides = array<i32>} : memref<8x64xf32, #tpu.memory_space<vmem>>, vector<16xf32>,
        %add3A_331 = arith.constant 16 : i32
        %add3A_332 = vector.broadcast %add3A_331 : i32 to vector<16xi32>
        %add3A_333 = arith.addi %iota3A_108, %add3A_332 : vector<16xi32>
        %gather3A_334 = tpu.vector_load_idx %arg11[%broadcast_in_dim3A_303, %add3A_333, %broadcast_in_dim3A_323] : memref<4x64x256xf32, #tpu.memory_space<vmem>>[vector<16xi32>, vector<16xi32>, vector<16xi32>], vector<16xf32>,
        %swap3A_335 = arith.index_cast %and3A_325 : i32 to index
        %swap3A_336 = arith.constant 16 : index
        %swap3A_337 = tpu.vector_load %arg12[%swap3A_335, %swap3A_336] {strides = array<i32>} : memref<8x64xf32, #tpu.memory_space<vmem>>, vector<16xf32>,
        tpu.vector_store %arg12[%swap3A_335, %swap3A_336], %gather3A_334 {strides = array<i32>} : memref<8x64xf32, #tpu.memory_space<vmem>>, vector<16xf32>,
        %add3A_338 = arith.constant 32 : i32
        %add3A_339 = vector.broadcast %add3A_338 : i32 to vector<16xi32>
        %add3A_340 = arith.addi %iota3A_108, %add3A_339 : vector<16xi32>
        %gather3A_341 = tpu.vector_load_idx %arg11[%broadcast_in_dim3A_303, %add3A_340, %broadcast_in_dim3A_323] : memref<4x64x256xf32, #tpu.memory_space<vmem>>[vector<16xi32>, vector<16xi32>, vector<16xi32>], vector<16xf32>,
        %swap3A_342 = arith.index_cast %and3A_325 : i32 to index
        %swap3A_343 = arith.constant 32 : index
        %swap3A_344 = tpu.vector_load %arg12[%swap3A_342, %swap3A_343] {strides = array<i32>} : memref<8x64xf32, #tpu.memory_space<vmem>>, vector<16xf32>,
        tpu.vector_store %arg12[%swap3A_342, %swap3A_343], %gather3A_341 {strides = array<i32>} : memref<8x64xf32, #tpu.memory_space<vmem>>, vector<16xf32>,
        %add3A_345 = arith.constant 48 : i32
        %add3A_346 = vector.broadcast %add3A_345 : i32 to vector<16xi32>
        %add3A_347 = arith.addi %iota3A_108, %add3A_346 : vector<16xi32>
        %gather3A_348 = tpu.vector_load_idx %arg11[%broadcast_in_dim3A_303, %add3A_347, %broadcast_in_dim3A_323] : memref<4x64x256xf32, #tpu.memory_space<vmem>>[vector<16xi32>, vector<16xi32>, vector<16xi32>], vector<16xf32>,
        %swap3A_349 = arith.index_cast %and3A_325 : i32 to index
        %swap3A_350 = arith.constant 48 : index
        %swap3A_351 = tpu.vector_load %arg12[%swap3A_349, %swap3A_350] {strides = array<i32>} : memref<8x64xf32, #tpu.memory_space<vmem>>, vector<16xf32>,
        tpu.vector_store %arg12[%swap3A_349, %swap3A_350], %gather3A_348 {strides = array<i32>} : memref<8x64xf32, #tpu.memory_space<vmem>>, vector<16xf32>,
        %ge3A = arith.constant 8 : i32
        %ge3A_352 = arith.cmpi sge, %while3A_316, %ge3A : i32
        %convert_element_type3A = arith.extui %ge3A_352 : i1 to i32
        %cond3A = arith.constant 0 : i32
        %cond3A_353 = arith.cmpi ne, %convert_element_type3A, %cond3A : i32
        scf.if %cond3A_353 {
          %dma_wait3A_364 = arith.constant 0 : i32
          %dma_wait3A_365 = arith.constant 0 : i32
          %dma_wait3A_366 = tpu.memref_slice %arg12[%dma_wait3A_364, %dma_wait3A_365] : memref<8x64xf32, #tpu.memory_space<vmem>> -> memref<1x64xf32, #tpu.memory_space<vmem>>
          %dma_wait3A_367 = arith.constant 0 : i32
          %dma_wait3A_368 = arith.constant 0 : i32
          %dma_wait3A_369 = tpu.memref_slice %arg7[%dma_wait3A_367, %dma_wait3A_368] : memref<16384x64xf32, #tpu.memory_space<hbm>> -> memref<1x64xf32, #tpu.memory_space<hbm>>
          %dma_wait3A_370 = arith.constant 0 : i32
          %dma_wait3A_371 = arith.constant 0 : i32
          %dma_wait3A_372 = tpu.memref_slice %arg12[%dma_wait3A_370, %dma_wait3A_371] : memref<8x64xf32, #tpu.memory_space<vmem>> -> memref<1x64xf32, #tpu.memory_space<vmem>>
          %dma_wait3A_373 = arith.constant 0 : i32
          %dma_wait3A_374 = arith.constant 0 : i32
          %dma_wait3A_375 = tpu.memref_slice %arg7[%dma_wait3A_373, %dma_wait3A_374] : memref<16384x64xf32, #tpu.memory_space<hbm>> -> memref<1x64xf32, #tpu.memory_space<hbm>>
          tpu.wait_dma2 semaphore(%arg14 : memref<!tpu.dma_semaphore, #tpu.memory_space<semaphore_mem>>) src(%dma_wait3A_375 : memref<1x64xf32, #tpu.memory_space<hbm>>) dst(%dma_wait3A_372 : memref<1x64xf32, #tpu.memory_space<vmem>>)
        } else {
        }
        %dma_start3A_354 = arith.constant 0 : i32
        %dma_start3A_355 = tpu.memref_slice %arg12[%and3A_325, %dma_start3A_354] : memref<8x64xf32, #tpu.memory_space<vmem>> -> memref<1x64xf32, #tpu.memory_space<vmem>>
        %dma_start3A_356 = arith.constant 0 : i32
        %dma_start3A_357 = tpu.memref_slice %arg7[%shift_right_logical3A_319, %dma_start3A_356] : memref<16384x64xf32, #tpu.memory_space<hbm>> -> memref<1x64xf32, #tpu.memory_space<hbm>>
        %dma_start3A_358 = arith.constant 0 : i32
        %dma_start3A_359 = tpu.memref_slice %arg7[%shift_right_logical3A_319, %dma_start3A_358] : memref<16384x64xf32, #tpu.memory_space<hbm>> -> memref<1x64xf32, #tpu.memory_space<hbm>>
        %dma_start3A_360 = arith.constant 0 : i32
        %dma_start3A_361 = tpu.memref_slice %arg12[%and3A_325, %dma_start3A_360] : memref<8x64xf32, #tpu.memory_space<vmem>> -> memref<1x64xf32, #tpu.memory_space<vmem>>
        tpu.enqueue_dma source(%dma_start3A_361 : memref<1x64xf32, #tpu.memory_space<vmem>>) target(%dma_start3A_359 : memref<1x64xf32, #tpu.memory_space<hbm>>) target_semaphore(%arg14 : memref<!tpu.dma_semaphore, #tpu.memory_space<semaphore_mem>>)
        %add3A_362 = arith.constant 1 : i32
        %add3A_363 = arith.addi %while3A_316, %add3A_362 : i32
        scf.yield %add3A_363 : i32
      }
      scf.yield %while3A_314 : i32
    }
    %min3A_226 = arith.constant 8 : i32
    %min3A_227 = arith.minsi %while3A_225, %min3A_226 : i32
    %while3A_228 = arith.constant 0 : i32
    %while3A_229 = arith.constant 0 : i32
    %while3A_230 = arith.subi %min3A_227, %while3A_229 : i32
    %while3A_231 = arith.addi %while3A_229, %while3A_230 : i32
    %while3A_232 = arith.constant 1 : i32
    %while3A_233 = arith.divsi %while3A_230, %while3A_232 : i32
    %while3A_234 = arith.muli %while3A_233, %while3A_232 : i32
    %while3A_235 = arith.addi %while3A_229, %while3A_234 : i32
    %while3A_236 = arith.constant 1 : i32
    scf.for %while3A_238 = %while3A_229 to %while3A_235 step %while3A_236  : i32 {
      %dma_wait3A = arith.constant 0 : i32
      %dma_wait3A_239 = arith.constant 0 : i32
      %dma_wait3A_240 = tpu.memref_slice %arg12[%dma_wait3A, %dma_wait3A_239] : memref<8x64xf32, #tpu.memory_space<vmem>> -> memref<1x64xf32, #tpu.memory_space<vmem>>
      %dma_wait3A_241 = arith.constant 0 : i32
      %dma_wait3A_242 = arith.constant 0 : i32
      %dma_wait3A_243 = tpu.memref_slice %arg7[%dma_wait3A_241, %dma_wait3A_242] : memref<16384x64xf32, #tpu.memory_space<hbm>> -> memref<1x64xf32, #tpu.memory_space<hbm>>
      %dma_wait3A_244 = arith.constant 0 : i32
      %dma_wait3A_245 = arith.constant 0 : i32
      %dma_wait3A_246 = tpu.memref_slice %arg12[%dma_wait3A_244, %dma_wait3A_245] : memref<8x64xf32, #tpu.memory_space<vmem>> -> memref<1x64xf32, #tpu.memory_space<vmem>>
      %dma_wait3A_247 = arith.constant 0 : i32
      %dma_wait3A_248 = arith.constant 0 : i32
      %dma_wait3A_249 = tpu.memref_slice %arg7[%dma_wait3A_247, %dma_wait3A_248] : memref<16384x64xf32, #tpu.memory_space<hbm>> -> memref<1x64xf32, #tpu.memory_space<hbm>>
      tpu.wait_dma2 semaphore(%arg14 : memref<!tpu.dma_semaphore, #tpu.memory_space<semaphore_mem>>) src(%dma_wait3A_249 : memref<1x64xf32, #tpu.memory_space<hbm>>) dst(%dma_wait3A_246 : memref<1x64xf32, #tpu.memory_space<vmem>>)
    }
    %while3A_237 = arith.constant 1 : i32
    scf.for %while3A_238 = %while3A_235 to %while3A_231 step %while3A_237  : i32 {
      %dma_wait3A = arith.constant 0 : i32
      %dma_wait3A_239 = arith.constant 0 : i32
      %dma_wait3A_240 = tpu.memref_slice %arg12[%dma_wait3A, %dma_wait3A_239] : memref<8x64xf32, #tpu.memory_space<vmem>> -> memref<1x64xf32, #tpu.memory_space<vmem>>
      %dma_wait3A_241 = arith.constant 0 : i32
      %dma_wait3A_242 = arith.constant 0 : i32
      %dma_wait3A_243 = tpu.memref_slice %arg7[%dma_wait3A_241, %dma_wait3A_242] : memref<16384x64xf32, #tpu.memory_space<hbm>> -> memref<1x64xf32, #tpu.memory_space<hbm>>
      %dma_wait3A_244 = arith.constant 0 : i32
      %dma_wait3A_245 = arith.constant 0 : i32
      %dma_wait3A_246 = tpu.memref_slice %arg12[%dma_wait3A_244, %dma_wait3A_245] : memref<8x64xf32, #tpu.memory_space<vmem>> -> memref<1x64xf32, #tpu.memory_space<vmem>>
      %dma_wait3A_247 = arith.constant 0 : i32
      %dma_wait3A_248 = arith.constant 0 : i32
      %dma_wait3A_249 = tpu.memref_slice %arg7[%dma_wait3A_247, %dma_wait3A_248] : memref<16384x64xf32, #tpu.memory_space<hbm>> -> memref<1x64xf32, #tpu.memory_space<hbm>>
      tpu.wait_dma2 semaphore(%arg14 : memref<!tpu.dma_semaphore, #tpu.memory_space<semaphore_mem>>) src(%dma_wait3A_249 : memref<1x64xf32, #tpu.memory_space<hbm>>) dst(%dma_wait3A_246 : memref<1x64xf32, #tpu.memory_space<vmem>>)
    }
    return
  }
}

module attributes {stable_mosaic.version = 14 : i64} {
  func.func @_tc_head_body(%arg0: i32, %arg1: memref<2048x64xf32, #tpu.memory_space<vmem>>, %arg2: memref<2048x64xf32, #tpu.memory_space<vmem>>, %arg3: memref<64x8xf32, #tpu.memory_space<vmem>>, %arg4: memref<64x8xf32, #tpu.memory_space<vmem>>, %arg5: memref<1x8xf32, #tpu.memory_space<vmem>>, %arg6: memref<2048x8xf32, #tpu.memory_space<vmem>>) attributes {dimension_semantics = [#tpu.dimension_semantics<arbitrary>], iteration_bounds = array<i64: 8>, scalar_prefetch = 0 : i64, scratch_operands = 0 : i64, tpu.core_type = #tpu.core_type<tc>, window_params = [{transform_indices = @transform_0, window_bounds = array<i64: 2048, 64>}, {transform_indices = @transform_1, window_bounds = array<i64: 2048, 64>}, {pipeline_mode = #tpu.pipeline_mode<synchronous>, transform_indices = @transform_2, window_bounds = array<i64: 64, 8>}, {pipeline_mode = #tpu.pipeline_mode<synchronous>, transform_indices = @transform_3, window_bounds = array<i64: 64, 8>}, {pipeline_mode = #tpu.pipeline_mode<synchronous>, transform_indices = @transform_4, window_bounds = array<i64: 1, 8>}, {transform_indices = @transform_5, window_bounds = array<i64: 2048, 8>}]} {
    %get3A = arith.constant 0 : index
    %get3A_0 = arith.constant 0 : index
    %get3A_1 = vector.load %arg1[%get3A, %get3A_0] : memref<2048x64xf32, #tpu.memory_space<vmem>>, vector<2048x64xf32>
    %get3A_2 = arith.constant 0 : index
    %get3A_3 = arith.constant 0 : index
    %get3A_4 = vector.load %arg3[%get3A_2, %get3A_3] : memref<64x8xf32, #tpu.memory_space<vmem>>, vector<64x8xf32>
    %dot_general3A = arith.constant dense<0.000000e+00> : vector<2048x8xf32>
    %dot_general3A_5 = tpu.matmul %get3A_1, %get3A_4, %dot_general3A {dimension_numbers = #tpu.dot_dimension_numbers<[1], [0], [0], [1], [0, 0, 1, 1], [], []>, transpose_lhs_hint = false} : vector<2048x64xf32>, vector<64x8xf32>, vector<2048x8xf32> -> vector<2048x8xf32>
    %get3A_6 = arith.constant 0 : index
    %get3A_7 = arith.constant 0 : index
    %get3A_8 = vector.load %arg2[%get3A_6, %get3A_7] : memref<2048x64xf32, #tpu.memory_space<vmem>>, vector<2048x64xf32>
    %get3A_9 = arith.constant 0 : index
    %get3A_10 = arith.constant 0 : index
    %get3A_11 = vector.load %arg4[%get3A_9, %get3A_10] : memref<64x8xf32, #tpu.memory_space<vmem>>, vector<64x8xf32>
    %dot_general3A_12 = arith.constant dense<0.000000e+00> : vector<2048x8xf32>
    %dot_general3A_13 = tpu.matmul %get3A_8, %get3A_11, %dot_general3A_12 {dimension_numbers = #tpu.dot_dimension_numbers<[1], [0], [0], [1], [0, 0, 1, 1], [], []>, transpose_lhs_hint = false} : vector<2048x64xf32>, vector<64x8xf32>, vector<2048x8xf32> -> vector<2048x8xf32>
    %add3A = arith.addf %dot_general3A_5, %dot_general3A_13 : vector<2048x8xf32>
    %get3A_14 = arith.constant 0 : index
    %get3A_15 = arith.constant 0 : index
    %get3A_16 = vector.load %arg5[%get3A_14, %get3A_15] : memref<1x8xf32, #tpu.memory_space<vmem>>, vector<1x8xf32>
    %add3A_17 = vector.broadcast %get3A_16 : vector<1x8xf32> to vector<2048x8xf32>
    %add3A_18 = arith.addf %add3A, %add3A_17 : vector<2048x8xf32>
    %reduce_max3A = arith.constant dense<0xFF800000> : vector<2048xf32>
    %reduce_max3A_19 = vector.multi_reduction <maximumf>, %add3A_18, %reduce_max3A [1] : vector<2048x8xf32> to vector<2048xf32>
    %broadcast_in_dim3A = vector.shape_cast %reduce_max3A_19 : vector<2048xf32> to vector<2048x1xf32>
    %sub3A = vector.broadcast %broadcast_in_dim3A : vector<2048x1xf32> to vector<2048x8xf32>
    %sub3A_20 = arith.subf %add3A_18, %sub3A : vector<2048x8xf32>
    %exp3A = math.exp %sub3A_20 : vector<2048x8xf32>
    %reduce_sum3A = arith.constant dense<0.000000e+00> : vector<2048xf32>
    %reduce_sum3A_21 = vector.multi_reduction <add>, %exp3A, %reduce_sum3A [1] : vector<2048x8xf32> to vector<2048xf32>
    %broadcast_in_dim3A_22 = vector.shape_cast %reduce_sum3A_21 : vector<2048xf32> to vector<2048x1xf32>
    %div3A = vector.broadcast %broadcast_in_dim3A_22 : vector<2048x1xf32> to vector<2048x8xf32>
    %div3A_23 = arith.divf %exp3A, %div3A : vector<2048x8xf32>
    %swap3A = arith.constant 0 : index
    %swap3A_24 = arith.constant 0 : index
    %swap3A_25 = vector.load %arg6[%swap3A, %swap3A_24] : memref<2048x8xf32, #tpu.memory_space<vmem>>, vector<2048x8xf32>
    tpu.vector_store %arg6[%swap3A, %swap3A_24], %div3A_23 {strides = array<i32>} : memref<2048x8xf32, #tpu.memory_space<vmem>>, vector<2048x8xf32>,
    return
  }
  func.func @transform_0(%arg0: i32) -> (i32, i32) {
    %c0_i32 = arith.constant 0 : i32
    %c0_i32_0 = arith.constant 0 : i32
    return %arg0, %c0_i32 : i32, i32
  }
  func.func @transform_1(%arg0: i32) -> (i32, i32) {
    %c0_i32 = arith.constant 0 : i32
    %c0_i32_0 = arith.constant 0 : i32
    return %arg0, %c0_i32 : i32, i32
  }
  func.func @transform_2(%arg0: i32) -> (i32, i32) {
    %c0_i32 = arith.constant 0 : i32
    %c0_i32_0 = arith.constant 0 : i32
    %c0_i32_1 = arith.constant 0 : i32
    return %c0_i32, %c0_i32_0 : i32, i32
  }
  func.func @transform_3(%arg0: i32) -> (i32, i32) {
    %c0_i32 = arith.constant 0 : i32
    %c0_i32_0 = arith.constant 0 : i32
    %c0_i32_1 = arith.constant 0 : i32
    return %c0_i32, %c0_i32_0 : i32, i32
  }
  func.func @transform_4(%arg0: i32) -> (i32, i32) {
    %c0_i32 = arith.constant 0 : i32
    %c0_i32_0 = arith.constant 0 : i32
    %c0_i32_1 = arith.constant 0 : i32
    return %c0_i32, %c0_i32_0 : i32, i32
  }
  func.func @transform_5(%arg0: i32) -> (i32, i32) {
    %c0_i32 = arith.constant 0 : i32
    %c0_i32_0 = arith.constant 0 : i32
    return %arg0, %c0_i32 : i32, i32
  }
}

</mosaic_0001>

<sc_bundles>
// kernel: kernel.4.cloned.1.call-start
scs
__scs_entry_jumppad:
0x0: {  	(pc) =	sbr.rel $0x88, $3  }
0x1: {  	(tag) =	ssettag $0x0;
	lr =	simm.s32 $0x1  }
0x2: {  	[smem:$0x3F9B] =	sst lr;
	_ =	strace $0xD0000000  }
0x3: {  	_ = 	snop  }
0x4: {  	_ = 	snop  }
0x5: {  	_ = 	snop  }
0x6: {  	_ = 	snop  }
0x7: {  	_ = 	snop  }
__scs_overlays_trampoline_lowered:
0x8: {  	[smem:$0x3FAA] =	sst s0  }
0x9: {  	[smem:$0x3FAB] =	sst s1  }
0xa: {  	[smem:$0x3FAC] =	sst s2  }
0xb: {  	[smem:$0x3FAD] =	sst s3  }
0xc: {  	[smem:$0x3FAE] =	sst s4  }
0xd: {  	[smem:$0x3FAF] =	sst s5  }
0xe: {  	[smem:$0x3FB0] =	sst s6  }
0xf: {  	[smem:$0x3FB1] =	sst s7  }
0x10: {  	[smem:$0x3FB2] =	sst s8  }
0x11: {  	[smem:$0x3FB3] =	sst s9;
	s0 =	simm.s32 @!p0 $0x0  }
0x12: {  	s1 =	sld [smem:$0x3F99];
	s0 =	simm.s32 @p0 $0x1  }
0x13: {  	[smem:$0x3FB4] =	sst s0;
	s0 =	simm.s32 @!p1 $0x0  }
0x14: {  	s2 =	sld [smem:$0x3F98];
	s0 =	simm.s32 @p1 $0x1  }
0x15: {  	[smem:$0x3FB5] =	sst s0;
	s0 =	simm.s32 @!p2 $0x0  }
0x16: {  	s3 =	sld [smem:$0x3FDB];
	s0 =	simm.s32 @p2 $0x1  }
0x17: {  	s4 =	simm.s32 $0x1BF5;
	[smem:$0x3FB7] =	sst s0  }
0x18: {  	s0 =	sld [smem:$0x3F9A];
	_ =	swait.ge [sflag:s4], $0x0  }
0x19: {  	s7 =	sld [smem:$0x3F9B]  }
0x1a: {  	s8 =	sadd.s32 $0xFFFFE003, lr  }
0x1b: {  	s9 =	sadd.s32 $0xFFFFFEF7, lr;
	s5 =	simm.s32 $0xFFFFFFFF;
	p2 =	slt.u32 s8, $0xFFFFF086  }
0x1c: {  	p1 =	slt.u32 s9, $0xF7A;
	s5 =	simm.s32 @!p2 $0x0  }
0x1d: {  	s5 =	simm.s32 @p1 $0x1;
	p0 =	seq.s32 s7, s2  }
0x1e: {  	s7 =	smul.u32 @!p0 $0xF7A, s2;
	p2 =	seq.s32 @!p0 s5, $0x0  }
0x1f: {  	s9 =	smul.u32 $0xF7A, s1;
	s8 =	simm.s32 @!p0 $0x1BF5;
	p2 =	por !p2, p0  }
0x20: {  	[sflag:s8] =	ssyncset.s32 @!p0 $0xFFFFF086;
	s6 =	sadd.s32 @!p0 s3, s7;
	s7 =	simm.s32 @!p0 $0x108  }
0x21: {  	s3 =	sadd.s32 s3, s9;
	s6 =	sadd.s32 @!p0 $0x88, s6;
	s7 =	simm.s32 @p2 $0x1082  }
0x22: {  	[simem:s7], [sflag:s8] =	dma.local @!p0 [hbm:s6], $0xF7A  }
0x23: {  	s9 =	sor.u32 $0xD0000000, s2;
	s6 =	simm.s32 $0x108;
	_ =	swait.ge @!p0 [sflag:s8], $0x0  }
0x24: {  	s3 =	sadd.s32 $0x88, s3;
	s6 =	simm.s32 @!p1 $0x1082;
	[sflag:s4] =	ssyncset.s32 $0xFFFFF086  }
0x25: {  	[simem:s6], [sflag:s4] =	dma.local [hbm:s3], $0xF7A  }
0x26: {  	[smem:$0x3F9B] =	sst s1;
	(tag) =	ssettag s2;
	_ =	strace s9  }
0x27: {  	s1 =	sld [smem:$0x3FAB]  }
0x28: {  	s2 =	sld [smem:$0x3FAC]  }
0x29: {  	s4 =	sld [smem:$0x3FAE]  }
0x2a: {  	p0 =	seq.s32 s5, $0x0;
	s5 =	sld [smem:$0x3FAF]  }
0x2b: {  	s6 =	sld [smem:$0x3FB0]  }
0x2c: {  	s7 =	sld [smem:$0x3FB1]  }
0x2d: {  	s3 =	simm.s32 $0x108;
	s8 =	sld [smem:$0x3FB2]  }
0x2e: {  	s3 =	simm.s32 @!p0 $0x1082;
	s9 =	sld [smem:$0x3FB3]  }
0x2f: {  	lr =	sadd.s32 s0, s3;
	s0 =	sld [smem:$0x3FAA]  }
0x30: {  	s3 =	sld [smem:$0x3FAD]  }
0x31: {  	[smem:$0x3FB6] =	sst s10  }
0x32: {  	s10 =	sld [smem:$0x3FB4];
	_ =	sdelay $0x3  }
0x33: {  	p0 =	seq.s32 s10, $0x1;
	s10 =	sld [smem:$0x3FB6];
	_ =	sdelay $0x3  }
0x34: {  	[smem:$0x3FB6] =	sst s10  }
0x35: {  	s10 =	sld [smem:$0x3FB5];
	_ =	sdelay $0x3  }
0x36: {  	p1 =	seq.s32 s10, $0x1;
	s10 =	sld [smem:$0x3FB6];
	_ =	sdelay $0x3  }
0x37: {  	[smem:$0x3FB6] =	sst s10  }
0x38: {  	s10 =	sld [smem:$0x3FB7]  }
0x39: {  	_ = 	snop;
	(pc) =	sbr.ind lr, $3  }
0x3a: {  	_ = 	snop  }
0x3b: {  	_ = 	snop  }
0x3c: {  	p2 =	seq.s32 s10, $0x1;
	s10 =	sld [smem:$0x3FB6]  }
0x3d: {  	_ =	shalt  }
0x3e: {  	_ =	shalt  }
0x3f: {  	_ =	shalt  }
0x40: {  	_ =	shalt  }
0x41: {  	_ =	shalt  }
0x42: {  	_ =	shalt  }
0x43: {  	_ =	shalt  }
0x44: {  	_ =	shalt  }
0x45: {  	_ =	shalt  }
0x46: {  	_ =	shalt  }
0x47: {  	_ =	shalt  }
0x48: {  	_ =	shalt  }
0x49: {  	_ =	shalt  }
0x4a: {  	_ =	shalt  }
0x4b: {  	_ =	shalt  }
0x4c: {  	_ =	shalt  }
0x4d: {  	_ =	shalt  }
0x4e: {  	_ =	shalt  }
0x4f: {  	_ =	shalt  }
0x50: {  	_ =	shalt  }
0x51: {  	_ =	shalt  }
0x52: {  	_ =	shalt  }
0x53: {  	_ =	shalt  }
0x54: {  	_ =	shalt  }
0x55: {  	_ =	shalt  }
0x56: {  	_ =	shalt  }
0x57: {  	_ =	shalt  }
0x58: {  	_ =	shalt  }
0x59: {  	_ =	shalt  }
0x5a: {  	_ =	shalt  }
0x5b: {  	_ =	shalt  }
0x5c: {  	_ =	shalt  }
0x5d: {  	_ =	shalt  }
0x5e: {  	_ =	shalt  }
0x5f: {  	_ =	shalt  }
0x60: {  	_ =	shalt  }
0x61: {  	_ =	shalt  }
0x62: {  	_ =	shalt  }
0x63: {  	_ =	shalt  }
0x64: {  	_ =	shalt  }
0x65: {  	_ =	shalt  }
0x66: {  	_ =	shalt  }
0x67: {  	_ =	shalt  }
0x68: {  	_ =	shalt  }
0x69: {  	_ =	shalt  }
0x6a: {  	_ =	shalt  }
0x6b: {  	_ =	shalt  }
0x6c: {  	_ =	shalt  }
0x6d: {  	_ =	shalt  }
0x6e: {  	_ =	shalt  }
0x6f: {  	_ =	shalt  }
0x70: {  	_ =	shalt  }
0x71: {  	_ =	shalt  }
0x72: {  	_ =	shalt  }
0x73: {  	_ =	shalt  }
0x74: {  	_ =	shalt  }
0x75: {  	_ =	shalt  }
0x76: {  	_ =	shalt  }
0x77: {  	_ =	shalt  }
0x78: {  	_ =	shalt  }
0x79: {  	_ =	shalt  }
0x7a: {  	_ =	shalt  }
0x7b: {  	_ =	shalt  }
0x7c: {  	_ =	shalt  }
0x7d: {  	_ =	shalt  }
0x7e: {  	_ =	shalt  }
0x7f: {  	_ =	shalt  }
0x80: {  	_ =	shalt  }
0x81: {  	_ =	shalt  }
0x82: {  	_ =	shalt  }
0x83: {  	_ =	shalt  }
0x84: {  	_ =	shalt  }
0x85: {  	_ =	shalt  }
0x86: {  	_ =	shalt  }
0x87: {  	_ =	shalt  }
.Lfunc_end0:
.L_simem_size_0:
called_computation_lowered:
.L_overlay_start_0:
0x88: {  	s2 =	sld [smem:$0x3FD9]  }
0x89: {  	s3 =	sld [smem:$0x3FFE];
	_ =	sdelay $0x1  }
0x8a: {  	s1 =	srdreg.scid  }
0x8b: {  	s0 =	sand.u32 $0x1, s1  }
0x8c: {  	s17 =	sshll.u32 s0, $0xA;
	s2 =	sadd.s32 s3, s2  }
0x8d: {  	s2 =	sadd.s32 s2, s17  }
0x8e: {  	[smem:$0x3FC2] =	sst s2  }
0x8f: {  	_ = 	snop  }
0x90: {  	s2 =	sld [smem:$0x3FC9]  }
0x91: {  	s18 =	sld [smem:$0x3FC8]  }
0x92: {  	s4 =	sld [smem:$0x3FC7]  }
0x93: {  	s5 =	sld [smem:$0x3FC6];
	(tm) =	ssettm $0x1  }
0x94: {  	s6 =	sld [smem:$0x3FFB];
	_ =	sdelay $0x3  }
0x95: {  	_ =	strace s6  }
0x96: {  	s6 =	sld [smem:$0x3FFC];
	_ =	sdelay $0x3  }
0x97: {  	_ =	strace s6  }
0x98: {  	s6 =	sld [smem:$0x3FFD];
	_ =	sdelay $0x3  }
0x99: {  	_ =	strace s6  }
0x9a: {  	_ =	strace $0x8FFFFFFF  }
0x9b: {  	s19 =	sld [smem:$0x3FDB];
	_ =	sdelay $0x1  }
0x9c: {  	s7 =	simm.s32 $_scs_section_size  }
0x9d: {  	s8 =	simm.s32 $_size__tile_overlayer_lowered;
	s9 =	simm.s32 $_tile_overlayer_lowered  }
0x9e: {  	s22 =	simm.s32 $0x1BFF;
	s21 =	sshll.u32 s9, $0x1;
	s6 =	sadd.s32 s7, s19  }
0x9f: {  	s10 =	simm.s32 $0x0;
	s20 =	sshll.u32 s8, $0x1;
	s8 =	sadd.s32 s21, s6  }
0xa0: {  	[timem:s10], [sflag:s22] =	dma.local [hbm:s8], s20  }
0xa1: {  	_ =	swait.ge [sflag:s22], s20  }
0xa2: {  	s7 =	ssub.s32 $0x0, s20;
	[sflag:s22] =	ssyncset.done $0x0  }
0xa3: {  	[sflag:s22] =	ssyncadd.s32 s7;
	_ =	sdelay $0x1  }
0xa4: {  	s23 =	simm.s32 $0x1B8B  }
0xa5: {  	_ =	swait.ge [sflag:s23], $0x1  }
0xa6: {  	[sflag:s23] =	ssyncset.done $0x0  }
0xa7: {  	s25 =	simm.s32 $0x1B8E;
	s24 =	sld [smem:$0x3FFE];
	[sflag:s23] =	ssyncadd.s32 $0xFFFFFFFF  }
0xa8: {  	s26 =	simm.s32 $execute0_lowered;
	[smem:$0x3FD2] =	sst s25  }
0xa9: {  	s8 =	sshll.u32 s26, $0x1;
	_ =	strace $0x80000046;
	[dreg:$0x1] =	wrdreg $0xFFFFFFFF  }
0xaa: {  	s28 =	simm.s32 $_size_execute0_lowered;
	s6 =	sadd.s32 s6, s8;
	[dreg:$0x0] =	wrdreg $0x0  }
0xab: {  	s8 =	sshll.u32 s28, $0x1;
	[dreg:$0x2] =	wrdreg s6  }
0xac: {  	[dreg:$0x3] =	wrdreg s8  }
0xad: {  	[dreg:$0x4] =	wrdreg $0xC0  }
0xae: {  	_ =	task [dreg:s10], $0x5FFFF  }
0xaf: {  	[dreg:$0x1] =	wrdreg $0xFFFFFFFF  }
0xb0: {  	[dreg:$0x0] =	wrdreg $0x60  }
0xb1: {  	[dreg:$0x2] =	wrdreg s2  }
0xb2: {  	[dreg:$0x3] =	wrdreg s18  }
0xb3: {  	[dreg:$0x4] =	wrdreg s4  }
0xb4: {  	[dreg:$0x5] =	wrdreg s5  }
0xb5: {  	[dreg:$0x6] =	wrdreg s24  }
0xb6: {  	[dreg:$0x7] =	wrdreg $0x9  }
0xb7: {  	_ =	task.clear_ibuf [dreg:s10], $0x8FFFF;
	_ =	strace $0x90000046  }
0xb8: {  	s29 =	simm.s32 $0x9;
	_ =	strace $0x80000048  }
0xb9: {  	_ =	swait.ge [sflag:s29], $0x1  }
0xba: {  	[sflag:s29] =	ssyncadd.s32 $0xFFFFFFFF  }
0xbb: {  	_ =	strace $0x90000048  }
0xbc: {  	_ =	sfence  }
0xbd: {  	s30 =	sld [smem:$0x0];
	_ =	sdelay $0x2  }
0xbe: {  	s31 =	sshll.u32 s1, $0xD;
	s1 =	sshrl.u32 s1, $0x2  }
0xbf: {  	s3 =	sand.u32 $0x4000, s31;
	s1 =	sadd.s32 s1, s30  }
0xc0: {  	s0 =	sor.u32 s3, s0;
	s1 =	sshll.u32 s1, $0x11  }
0xc1: {  	s0 =	sor.u32 s1, s0  }
0xc2: {  	s0 =	sadd.s32 $0x8F2B, s0  }
0xc3: {  	[sflag:s0] =	ssyncadd.remote.s32 $0x1  }
0xc4: {  	_ =	sfence.sel $0xFFFF  }
0xc5: {  	[dreg:$0x0] =	wrdreg $0xFFFFFFFF;
	(pc) =	sbr.abs _section_cstart, $3  }
0xc6: {  	[dreg:$0x1] =	wrdreg $0xFFFFFFFF  }
0xc7: {  	_ =	task.clear_ibuf [dreg:s10], $0x2FFFF;
	_ =	strace $0x9FFFFFFF  }
0xc8: {  	(tm) =	ssettm $0x7FFFFFFF  }
0xc9: {  	_ =	shalt  }
tec
execute0_lowered:
.L_overlay_start_1:
0x0: {  	(tag) =	ssettag $0x1  }
0x1: {  	v0 =	vimm.s32 $0xB80;
	vm14 =	vcmask $0x300;
	vm13 =	vcmask $0x704  }
0x2: {  	vm12 =	vcmask $0xB08;
	s4 =	rddreg [dreg:$0x2];
	vm11 =	vcmask $0xF0C;
	vm9 =	vcmask $0x1310  }
0x3: {  	s0 =	srdreg.scid;
	s20 =	rddreg [dreg:$0x3];
	vm2 =	vcmask $0x1714;
	vm1 =	vcmask $0x1B18;
	vm0 =	vcmask $0x1F1C  }
0x4: {  	s3 =	stileid.u32;
	s12 =	rddreg [dreg:$0x4];
	vm3 =	vcmask $0x2320;
	s8 =	simm.s32 $0x0;
	vm10 =	vcmask $0x2724;
	vm4 =	vcmask $0x2B28  }
0x5: {  	vm5 =	vcmask $0x2F2C;
	vm6 =	vcmask $0x3330;
	vm7 =	vcmask $0x3734;
	s31 =	simm.s32 $0xC100;
	s1 =	sand.u32 $0x1, s0;
	s26 =	sshll.u32 s3, $0x1  }
0x6: {  	vm8 =	vcmask $0x3B38;
	v11 =	vimm.s32 $0x1B80;
	v12 =	vimm.s32 $0x2B80;
	[smem:$0x7FF] =	sst s8;
	s10 =	sadd.s32 $0x1000, s12;
	s19 =	smul.u32 $0xF424, s3  }
0x7: {  	v13 =	vimm.s32 $0x3B80;
	v0 =	vsel vm14, $0x0, v0;
	s12 =	sadd.s32 $0x41000, s12;
	v11 =	vsel vm14, $0x1000, v11;
	s0 =	sor.u32 s1, s26;
	s30 =	smul.u32 $0x7A12, s1  }
0x8: {  	v12 =	vsel vm14, $0x2000, v12;
	v13 =	vsel vm14, $0x3000, v13;
	v0 =	vsel vm13, $0x80, v0;
	_ =	strace $0x80000047;
	s15 =	ssub.s32 $0x2, s1;
	s1 =	smul.u32 $0xC35, s1  }
0x9: {  	v11 =	vsel vm13, $0x1080, v11;
	v12 =	vsel vm13, $0x2080, v12;
	v13 =	vsel vm13, $0x3080, v13;
	s26 =	sadd.s32 $0x18600, s20;
	s6 =	smul.u32 $0x7A12, s0;
	p0 =	seq.s32 s0, $0x1F  }
0xa: {  	v0 =	vsel vm12, $0x100, v0;
	s2 =	smul.u32 $0xC35, s0;
	s17 =	sshrl.u32 s15, $0x1;
	v11 =	vsel vm12, $0x1100, v11;
	v12 =	vsel vm12, $0x2100, v12;
	[dreg:$0xd] =	wrdreg s26  }
0xb: {  	v13 =	vsel vm12, $0x3100, v13;
	v0 =	vsel vm11, $0x180, v0;
	s15 =	ssub.s32 s15, s17;
	s17 =	smul.u32 $0x186A, s3;
	s21 =	sadd.s32 s30, s19;
	v11 =	vsel vm11, $0x1180, v11  }
0xc: {  	v12 =	vsel vm11, $0x2180, v12;
	v13 =	vsel vm11, $0x3180, v13;
	s30 =	sadd.s32 $0x18680, s20;
	s13 =	sadd.s32 $0x7A12, s6;
	s5 =	sand.u32 $0xFFF00, s6;
	v1 =	vsel vm9, $0x200, v0  }
0xd: {  	s14 =	sadd.s32 $0xC35, s2;
	s18 =	sadd.s32 $0x100, s6;
	s6 =	sadd.s32 $0x200, s6;
	v11 =	vsel vm9, $0x1200, v11;
	v12 =	vsel vm9, $0x2200, v12;
	v13 =	vsel vm9, $0x3200, v13  }
0xe: {  	s22 =	sadd.s32 $0x100, s2;
	s25 =	sand.u32 $0xFE, s21;
	s7 =	sand.u32 $0x1FFF00, s13;
	v0 =	vmov s5;
	v2 =	vsel vm2, $0x280, v1;
	v11 =	vsel vm2, $0x1280, v11  }
0xf: {  	[dreg:$0xf] =	wrdreg s30;
	s9 =	ssub.s32 $0xF4280, s5;
	s11 =	sand.u32 $0x3FF00, s14;
	v12 =	vsel vm2, $0x2280, v12;
	v13 =	vsel vm2, $0x3280, v13;
	v3 =	vsel vm1, $0x300, v2  }
0x10: {  	s13 =	ssub.s32 s13, s5;
	s28 =	sand.u32 $0x1FFF00, s18;
	s7 =	simm.s32 @p0 $0xF4240;
	v11 =	vsel vm1, $0x1300, v11;
	v12 =	vsel vm1, $0x2300, v12;
	v13 =	vsel vm1, $0x3300, v13  }
0x11: {  	s29 =	sadd.s32 s4, s5;
	s6 =	sand.u32 $0x1FFF00, s6;
	s18 =	sadd.s32 $0xF4200, s4;
	v1 =	vmov s7;
	v4 =	vsel vm0, $0x380, v3;
	v3 =	vmov s9  }
0x12: {  	s1 =	sadd.s32 s1, s17;
	s7 =	ssub.s32 $0xF4200, s5;
	s9 =	sand.u32 $0x1FF00, s2;
	v11 =	vsel vm0, $0x1380, v11;
	v12 =	vsel vm0, $0x2380, v12;
	v13 =	vsel vm0, $0x3380, v13  }
0x13: {  	s11 =	simm.s32 @p0 $0x186A0;
	s13 =	sshrl.u32 s13, $0x8;
	[dreg:$0x6] =	wrdreg s29;
	v2 =	vmov s7;
	v5 =	vsel vm3, $0x800, v4;
	v4 =	vmov s9  }
0x14: {  	s6 =	sadd.s32 s4, s6;
	[dreg:$0x9] =	wrdreg s18;
	s1 =	sand.u32 $0xFF, s1;
	v11 =	vsel vm3, $0x1800, v11;
	v12 =	vsel vm3, $0x2800, v12;
	v13 =	vsel vm3, $0x3800, v13  }
0x15: {  	p0 =	sne.s32 s0, $0x1F;
	s29 =	smax.u32 s15, $0x1;
	s26 =	ssub.s32 $0x18680, s9;
	v6 =	vsel vm10, $0x880, v5;
	v5 =	vmov s11;
	v14 =	vsel vm10, $0x1880, v11  }
0x16: {  	s15 =	simm.s32 $0x1;
	[dreg:$0x8] =	wrdreg s6;
	s11 =	ssub.s32 $0x18600, s9;
	v11 =	vmov s26;
	v12 =	vsel vm10, $0x2880, v12;
	v13 =	vsel vm10, $0x3880, v13  }
0x17: {  	s2 =	sadd.s32 $0x200, s2;
	s1 =	sadd.s32 $0xC35, s1;
	[dreg:$0xe] =	wrdreg s29;
	v7 =	vsel vm4, $0x900, v6;
	v6 =	vmov s11;
	v14 =	vsel vm4, $0x1900, v14  }
0x18: {  	p1 =	seq.s32 s13, $0x0;
	s16 =	ssub.s32 $0x18700, s9;
	s14 =	ssub.s32 s14, s9;
	v12 =	vsel vm4, $0x2900, v12;
	v13 =	vsel vm4, $0x3900, v13;
	v8 =	vsel vm5, $0x980, v7  }
0x19: {  	s2 =	sand.u32 $0x3FF00, s2;
	s23 =	sadd.s32 s20, s9;
	s18 =	sshrl.u32 s14, $0x8;
	v7 =	vmov s16;
	v14 =	vsel vm5, $0x1980, v14;
	v12 =	vsel vm5, $0x2980, v12  }
.Ltmp0:
0x1a: {  	[dreg:$0xa] =	wrdreg s23;
	s2 =	sadd.s32 s20, s2;
	v13 =	vsel vm5, $0x3980, v13;
	v9 =	vsel vm6, $0xA00, v8;
	v8 =	vlaneseq.u32;
	(pc) =	sbr.rel .LBB2_1-.Ltmp0, $4  }
0x1b: {  	[dreg:$0xc] =	wrdreg s2;
	p2 =	seq.s32 s18, $0x0;
	s16 =	sadd.s32 s4, s28;
	v14 =	vsel vm6, $0x1A00, v14;
	v12 =	vsel vm6, $0x2A00, v12;
	v13 =	vsel vm6, $0x3A00, v13  }
0x1c: {  	s28 =	sadd.s32 $0x7A12, s25;
	[dreg:$0x7] =	wrdreg s16;
	s16 =	sand.u32 $0x3FF00, s22;
	v10 =	vsel vm7, $0xA80, v9;
	v9 =	vmul.u32 $0x8000, v8;
	v14 =	vsel vm7, $0x1A80, v14  }
0x1d: {  	s2 =	simm.s32 $0x2;
	s23 =	sshrl.u32 s28, $0x8;
	s24 =	sadd.s32 s20, s16;
	v15 =	vsel vm7, $0x2A80, v12;
	v16 =	vsel vm7, $0x3A80, v13;
	v10 =	vsel vm8, $0xB00, v10  }
0x1e: {  	[dreg:$0xb] =	wrdreg s24;
	s24 =	sshrl.u32 s1, $0x8;
	v12 =	vsel vm8, $0x1B00, v14;
	v13 =	vsel vm8, $0x2B00, v15;
	v14 =	vsel vm8, $0x3B00, v16;
	s1 =	simm.s32 $0x0  }
.LBB2_85:
0x1f: {  	[sflag:s2] =	ssyncadd.s32 $0xFFFFFF80  }
.LBB2_86:
0x20: {  	s1 =	sadd.s32 $0x1, s1;
	s0 =	rddreg [dreg:$0xe]  }
0x21: {  	p3 =	sne.s32 s1, s0  }
.Ltmp1:
0x22: {  	_ = 	snop;
	(pc) =	sbr.rel @!p3 .LBB2_87-.Ltmp1, $1  }
0x23: {  	_ =	sdelay $0x3  }
.LBB2_1:
0x24: {  	[dreg:$0x10] =	wrdreg s1  }
0x25: {  	s0 =	rddreg [dreg:$0x6];
	s21 =	simm.s32 $0x800;
	s3 =	simm.s32 $0x7A1400  }
0x26: {  	[tilespmem:s31], [sflag:$0x1] =	stream.strided.gather [hbm4b:s0+s21], $0x4000, s3, s21, $0x38;
	[tilespmem:$0x1C500] =	vst v63  }
0x27: {  	s22 =	rddreg [dreg:$0x7];
	s6 =	simm.s32 $0x10100  }
0x28: {  	[tilespmem:s6], [sflag:$0x1] =	stream.strided.gather [hbm4b:s22+s21], $0x4000, s3, s21, $0x38;
	[tilespmem:$0x1C500] =	vst v63  }
0x29: {  	s25 =	rddreg [dreg:$0x8];
	s28 =	simm.s32 $0x14100  }
0x2a: {  	[tilespmem:s28], [sflag:$0x1] =	stream.strided.gather [hbm4b:s25+s21], $0x4000, s3, s21, $0x38;
	[tilespmem:$0x1C500] =	vst v63  }
0x2b: {  	s29 =	rddreg [dreg:$0x0];
	s30 =	simm.s32 $0x3  }
0x2c: {  	[tilespmem:s8], [sflag:$0x3] =	stream.linear.gather [hbm4b:s29+s8], $0x4000, $0x38;
	[tilespmem:$0x1C500] =	vst v63  }
0x2d: {  	_ =	swait.ge [sflag:s30], $0x4000  }
0x2e: {  	[sflag:s30] =	ssyncset.done $0x0  }
0x2f: {  	[sflag:s30] =	ssyncadd.s32 $0xFFFFC000  }
0x30: {  	v15 =	vld [tilespmem:s8+$0x0];
	_ =	sdelay $0x2  }
0x31: {  	v16 =	vmov s8  }
0x32: {  	v16 =	vshll.u32 v16, $0xF  }
0x33: {  	v16 =	vor.u32 v9, v16;
	vm0 =	vge.s32 v15, v0;
	vm1 =	vlt.s32 v15, v1  }
0x34: {  	v16 =	vsub.s32 v16, v0;
	vm0 =	vmand vm0, vm1  }
0x35: {  	v15 =	vadd.s32 v15, v16;
	v16 =	vmpcnt.ones.xlane vm0;
	_ =	sdelay $0x1  }
0x36: {  	(v2sf) =	vpush v16, $0x0;
	_ =	sdelay $0x5  }
0x37: {  	s1 =	simm.s32 $0x10;
	[tilespmem:s8+$0x4000] =	vst.msk vm0, v15  }
0x38: {  	s14 =	simm.s32 $0x10;
	s0 =	simm.s32 $0x0;
	s6 =	simm.s32 $0x20;
	v15 =	vld [tilespmem:s1+$0x0]  }
.LBB2_2:
0x39: {  	p3 =	seq.s32 s6, $0x3FF0;
	v16 =	vmov s1;
	s1 =	smov.u32 s6  }
0x3a: {  	v16 =	vshll.u32 v16, $0xF  }
0x3b: {  	v16 =	vor.u32 v9, v16  }
0x3c: {  	v16 =	vsub.s32 v16, v0  }
0x3d: {  	vm0 =	vge.s32 v15, v0;
	vm1 =	vlt.s32 v15, v1;
	v15 =	vadd.s32 v15, v16  }
0x3e: {  	vm0 =	vmand vm0, vm1  }
0x3f: {  	v16 =	vmpcnt.ones.xlane vm0  }
0x40: {  	s16 =	spop (v2sf)  }
0x41: {  	(v2sf) =	vpush v16, $0x0;
	s0 =	sadd.s32 s0, s16  }
0x42: {  	[tilespmem:s0+$0x4000] =	vst.msk vm0, v15;
	_ =	sdelay $0x1  }
.Ltmp2:
0x43: {  	(pc) =	sbr.rel @!p3 .LBB2_2-.Ltmp2, $3  }
0x44: {  	_ =	sdelay $0x1  }
0x45: {  	s14 =	sadd.s32 $0x10, s14  }
0x46: {  	s6 =	sadd.s32 $0x10, s6;
	v15 =	vld [tilespmem:s14+$0x0]  }
0x47: {  	_ =	sdelay $0x3  }
0x48: {  	vm0 =	vge.s32 v15, v0;
	vm1 =	vlt.s32 v15, v1  }
0x49: {  	vm0 =	vmand vm0, vm1  }
0x4a: {  	v16 =	vmpcnt.ones.xlane vm0;
	_ =	sdelay $0x1  }
0x4b: {  	(v2sf) =	vpush v16, $0x0;
	_ =	sdelay $0xa  }
0x4c: {  	v63 =	vmov s1  }
.Ltmp3:
0x4d: {  	v16 =	vshll.u32 v63, $0xF;
	(pc) =	sbr.rel @p1 .LBB2_4-.Ltmp3, $4  }
0x4e: {  	v16 =	vor.u32 v9, v16  }
0x4f: {  	s30 =	spop (v2sf);
	v16 =	vsub.s32 v16, v0  }
0x50: {  	s19 =	sadd.s32 s0, s30;
	v15 =	vadd.s32 v15, v16;
	s20 =	spop (v2sf)  }
0x51: {  	[tilespmem:s19+$0x4000] =	vst.msk vm0, v15;
	s6 =	sadd.s32 s19, s20  }
0x52: {  	s0 =	sadd.s32 $0xF, s6  }
0x53: {  	s1 =	sand.u32 $0xF, s0  }
0x54: {  	s14 =	sshra.s32 s0, $0x1F;
	p3 =	slt.s32 s0, $0x1;
	p4 =	sne.s32 s1, $0x0  }
.Ltmp4:
0x55: {  	s30 =	sshrl.u32 s14, $0x1C;
	p3 =	por !p3, !p4;
	(pc) =	sbr.rel .LBB2_8-.Ltmp4, $4  }
0x56: {  	s1 =	simm.s32 $0x1;
	s0 =	sadd.s32 s30, s0;
	p3 =	por !p3, !p3  }
0x57: {  	s0 =	sshra.s32 s0, $0x4;
	s1 =	simm.s32 @!p3 $0x0  }
0x58: {  	s0 =	ssub.s32 s0, s1  }
0x59: {  	s21 =	simm.s32 $0x0;
	s25 =	simm.s32 $0x0;
	p3 =	slt.s32 s0, $0x1  }
.LBB2_9:
0x5a: {  	s14 =	smov.u32 s21  }
.LBB2_20:
0x5b: {  	s25 =	sadd.s32 $0x1, s25  }
0x5c: {  	p4 =	seq.s32 s25, s23  }
.Ltmp5:
0x5d: {  	_ = 	snop;
	(pc) =	sbr.rel @p4 .LBB2_5-.Ltmp5, $2  }
0x5e: {  	_ =	sdelay $0x2  }
0x5f: {  	s21 =	smov.u32 s14  }
.LBB2_8:
0x60: {  	s1 =	sadd.s32 $0x3, s25;
	_ =	swait.ge [sflag:s15], $0x4000  }
0x61: {  	p4 =	sge.u32 s1, s13;
	[sflag:s15] =	ssyncset.done $0x0  }
.Ltmp6:
0x62: {  	s14 =	sshll.u32 @!p4 s1, $0xE;
	s1 =	sshll.u32 @!p4 s1, $0x8;
	(pc) =	sbr.rel @p3 .LBB2_9-.Ltmp6, $4  }
0x63: {  	[sflag:s15] =	ssyncadd.s32 $0xFFFFC000;
	s1 =	sadd.s32 @!p4 s5, s1  }
0x64: {  	s16 =	simm.s32 @!p4 $0x800;
	s14 =	sand.u32 @!p4 $0xC000, s14;
	s1 =	sand.u32 @!p4 $0x1FFFFF00, s1  }
0x65: {  	s22 =	simm.s32 @!p4 $0x7A1400;
	s14 =	sadd.s32 @!p4 $0xC100, s14;
	s1 =	sadd.s32 @!p4 s4, s1  }
0x66: {  	[tilespmem:s14], [sflag:$0x1] =	stream.strided.gather @!p4 [hbm4b:s1+s16], $0x4000, s22, s16, $0x38;
	[tilespmem:$0x1C500] =	vst v63  }
0x67: {  	p5 =	sne.s32 s0, $0x1  }
.Ltmp7:
0x68: {  	_ = 	snop;
	(pc) =	sbr.rel @!p5 .LBB2_11-.Ltmp7, $4  }
0x69: {  	_ = 	snop  }
0x6a: {  	s30 =	sshll.u32 s25, $0x8  }
0x6b: {  	s1 =	sand.u32 $0x3, s25;
	s16 =	simm.s32 $0x4000;
	s14 =	sadd.s32 $0x100, s30  }
0x6c: {  	p4 =	por $0x0, $0x0;
	v16 =	vmov s30;
	v15 =	vld [tilespmem:s16+$0x0];
	s16 =	sadd.s32 $0xFFFFFFFF, s0;
	v17 =	vmov s14;
	s14 =	simm.s32 $0x0  }
0x6d: {  	_ =	sdelay $0x3  }
0x6e: {  	v18 =	vand.u32 $0x7FFF, v15  }
0x6f: {  	vm0 =	vge.s32 v18, v16;
	vm1 =	vlt.s32 v18, v17;
	v18 =	vmov s6  }
0x70: {  	vm0 =	vmand vm0, vm1;
	vm15 =	vgt.s32 v18, v8  }
0x71: {  	vm0 =	vmand vm15, vm0  }
0x72: {  	v18 =	vmpcnt.ones.xlane vm0;
	_ =	sdelay $0x1  }
0x73: {  	p5 =	sne.s32 s16, $0x1;
	(v2sf) =	vpush v18, $0x0  }
.Ltmp8:
0x74: {  	_ = 	snop;
	(pc) =	sbr.rel @!p5 .LBB2_13-.Ltmp8, $3  }
0x75: {  	_ =	sdelay $0x1  }
0x76: {  	s29 =	simm.s32 $0x4010;
	s16 =	sadd.s32 $0xFFFFFFFF, s16;
	[tilespmem:s14+$0x8080] =	vst.msk vm0, v15  }
0x77: {  	p4 =	por $0x1, $0x1;
	s28 =	smov.u32 s6;
	s22 =	simm.s32 $0x0;
	v15 =	vld [tilespmem:s29+$0x0]  }
.LBB2_14:
0x78: {  	p5 =	sne.s32 s16, $0x1;
	_ =	sdelay $0x3  }
0x79: {  	s28 =	sadd.s32 $0xFFFFFFF0, s28;
	v18 =	vand.u32 $0x7FFF, v15  }
0x7a: {  	vm0 =	vge.s32 v18, v16;
	vm1 =	vlt.s32 v18, v17;
	v18 =	vmov s28  }
0x7b: {  	vm0 =	vmand vm0, vm1;
	vm1 =	vgt.s32 v18, v8  }
0x7c: {  	vm0 =	vmand vm1, vm0  }
0x7d: {  	v18 =	vmpcnt.ones.xlane vm0  }
0x7e: {  	s17 =	spop (v2sf)  }
0x7f: {  	(v2sf) =	vpush v18, $0x0;
	s22 =	sadd.s32 s22, s17  }
.Ltmp9:
0x80: {  	[tilespmem:s22+$0x8080] =	vst.msk vm0, v15;
	(pc) =	sbr.rel @p5 .LBB2_14-.Ltmp9, $3  }
0x81: {  	_ =	sdelay $0x1  }
0x82: {  	s29 =	sadd.s32 $0x10, s29  }
0x83: {  	s16 =	sadd.s32 $0xFFFFFFFF, s16;
	v15 =	vld [tilespmem:s29+$0x0]  }
.LBB2_15:
0x84: {  	_ =	sdelay $0x2  }
0x85: {  	s16 =	sadd.s32 @p4 $0xFFFFFFF0, s28;
	s17 =	smov.u32 s6  }
0x86: {  	s17 =	smov.u32 @p4 s16;
	v18 =	vand.u32 $0x7FFF, v15  }
0x87: {  	v62 =	vmov s17;
	vm0 =	vge.s32 v18, v16;
	vm1 =	vlt.s32 v18, v17  }
0x88: {  	vm15 =	vgt.s32 v62, v8;
	vm0 =	vmand vm0, vm1  }
0x89: {  	vm0 =	vmand vm15, vm0  }
0x8a: {  	v63 =	vmpcnt.ones.xlane vm0;
	_ =	sdelay $0x1  }
0x8b: {  	(v2sf) =	vpush v63, $0x0;
	_ =	sdelay $0xc  }
0x8c: {  	s16 =	spop @p4 (v2sf)  }
0x8d: {  	s16 =	sadd.s32 @p4 s22, s16  }
0x8e: {  	s14 =	smov.u32 @p4 s16;
	s29 =	spop (v2sf)  }
0x8f: {  	s16 =	sadd.s32 s14, s29  }
0x90: {  	p4 =	slt.s32 s16, $0x1  }
.Ltmp10:
0x91: {  	_ = 	snop;
	(pc) =	sbr.rel @p4 .LBB2_16-.Ltmp10, $2  }
0x92: {  	_ =	sdelay $0x2  }
0x93: {  	[tilespmem:s14+$0x8080] =	vst.msk vm0, v15  }
0x94: {  	s14 =	simm.s32 $0x8080  }
0x95: {  	v15 =	vld [tilespmem:s14+$0x0];
	_ =	sdelay $0x4  }
0x96: {  	(v2sf) =	vpush v15, $0x0;
	_ =	sdelay $0xe  }
0x97: {  	s17 =	spop (v2sf)  }
0x98: {  	s3 =	sand.u32 $0x7FFF, s17  }
0x99: {  	s14 =	ssub.s32 s3, s30  }
0x9a: {  	s1 =	sshll.u32 s1, $0xE;
	v16 =	vmov s14  }
0x9b: {  	v15 =	vor.u32 s1, v10;
	v19 =	vand.u32 $0x7F, v16;
	v16 =	vshll.u32 v16, $0x3  }
0x9c: {  	v20 =	vand.u32 $0xFFFFFC00, v16;
	v16 =	vor.u32 v19, v15  }
0x9d: {  	v17 =	vadd.s32 v20, v16;
	_ =	sdelay $0x3  }
0x9e: {  	v16 =	vor.u32 s1, v12  }
0x9f: {  	v18 =	vor.u32 v19, v16;
	v21 =	vld.idx.msk [tilespmem:v17+s31+$0x0], $0xffff  }
0xa0: {  	v18 =	vadd.s32 v20, v18;
	_ =	sdelay $0x1  }
0xa1: {  	s22 =	sshll.u32 s21, $0x7  }
0xa2: {  	s28 =	sand.u32 $0x380, s22  }
0xa3: {  	v17 =	vor.u32 s1, v13;
	[tilespmem:s28+$0x1C100] =	vst v21  }
0xa4: {  	v63 =	vor.u32 v19, v17;
	v22 =	vld.idx.msk [tilespmem:v18+s31+$0x0], $0xffff  }
0xa5: {  	v21 =	vadd.s32 v20, v63;
	_ =	sdelay $0x3  }
0xa6: {  	v18 =	vor.u32 s1, v14;
	[tilespmem:s28+$0x1C110] =	vst v22  }
0xa7: {  	v19 =	vor.u32 v19, v18;
	v21 =	vld.idx.msk [tilespmem:v21+s31+$0x0], $0xffff  }
0xa8: {  	v19 =	vadd.s32 v20, v19;
	_ =	sdelay $0x3  }
0xa9: {  	[tilespmem:s28+$0x1C120] =	vst v21  }
0xaa: {  	v19 =	vld.idx.msk [tilespmem:v19+s31+$0x0], $0xffff;
	_ =	sdelay $0x1  }
0xab: {  	s29 =	sadd.s32 $0xFFFFFFFF, s16  }
0xac: {  	p5 =	sne.s32 s29, $0x0  }
.Ltmp11:
0xad: {  	p4 =	slt.s32 s21, $0x8;
	(pc) =	sbr.rel @!p5 .LBB2_19-.Ltmp11, $4  }
0xae: {  	s14 =	sadd.s32 s21, s16;
	s16 =	sshrl.u32 s17, $0xB;
	s17 =	simm.s32 @!p4 $0x2;
	[tilespmem:s28+$0x1C130] =	vst v19  }
0xaf: {  	s22 =	sadd.s32 $0x80, s22;
	s21 =	sadd.s32 $0x1, s21;
	_ =	swait.ge @!p4 [sflag:s17], $0x80  }
0xb0: {  	s3 =	sand.u32 $0x1FFFF0, s16;
	s16 =	sadd.s32 $0x1C100, s28;
	[sflag:s17] =	ssyncset.done @!p4 $0x0  }
0xb1: {  	s1 =	simm.s32 $0x8081;
	s28 =	sadd.s32 s10, s3;
	[sflag:s17] =	ssyncadd.s32 @!p4 $0xFFFFFF80  }
.LBB2_18:
0xb2: {  	[hbm4b:s28+s8] =	stream.linear.scatter [tilespmem:s16], [sflag:$0x2], $0x80, $0x38;
	[tilespmem:$0x1C500] =	vst v63  }
0xb3: {  	s29 =	sadd.s32 $0xFFFFFFFF, s29;
	v19 =	vld [tilespmem:s1+$0x0]  }
0xb4: {  	p4 =	sne.s32 s29, $0x0;
	_ =	sdelay $0x3  }
0xb5: {  	(v2sf) =	vpush v19, $0x0;
	_ =	sdelay $0xe  }
0xb6: {  	s3 =	spop (v2sf)  }
0xb7: {  	s16 =	sand.u32 $0x7FFF, s3;
	s3 =	sshrl.u32 s3, $0xB  }
0xb8: {  	s16 =	ssub.s32 s16, s30;
	s28 =	sand.u32 $0x1FFFF0, s3  }
0xb9: {  	v19 =	vmov s16  }
0xba: {  	v20 =	vand.u32 $0x7F, v19;
	v19 =	vshll.u32 v19, $0x3  }
0xbb: {  	v19 =	vand.u32 $0xFFFFFC00, v19;
	v21 =	vor.u32 v20, v15;
	v22 =	vor.u32 v20, v16  }
0xbc: {  	v23 =	vor.u32 v20, v17;
	v21 =	vadd.s32 v19, v21;
	v22 =	vadd.s32 v19, v22  }
0xbd: {  	v20 =	vor.u32 v20, v18;
	v23 =	vadd.s32 v19, v23  }
0xbe: {  	v19 =	vadd.s32 v19, v20;
	_ =	sdelay $0x2  }
0xbf: {  	v20 =	vld.idx.msk [tilespmem:v21+s31+$0x0], $0xffff;
	_ =	sdelay $0x4  }
0xc0: {  	s3 =	sand.u32 $0x380, s22  }
0xc1: {  	[tilespmem:s3+$0x1C100] =	vst v20  }
0xc2: {  	v20 =	vld.idx.msk [tilespmem:v22+s31+$0x0], $0xffff;
	_ =	sdelay $0x5  }
0xc3: {  	[tilespmem:s3+$0x1C110] =	vst v20  }
0xc4: {  	v20 =	vld.idx.msk [tilespmem:v23+s31+$0x0], $0xffff;
	_ =	sdelay $0x5  }
0xc5: {  	[tilespmem:s3+$0x1C120] =	vst v20  }
0xc6: {  	v19 =	vld.idx.msk [tilespmem:v19+s31+$0x0], $0xffff;
	_ =	sdelay $0x4  }
.Ltmp12:
0xc7: {  	p5 =	slt.s32 s21, $0x8;
	(pc) =	sbr.rel @p4 .LBB2_18-.Ltmp12, $4  }
0xc8: {  	s17 =	simm.s32 @!p5 $0x2;
	[tilespmem:s3+$0x1C130] =	vst v19  }
0xc9: {  	s1 =	sadd.s32 $0x1, s1;
	_ =	swait.ge @!p5 [sflag:s17], $0x80  }
0xca: {  	s21 =	sadd.s32 $0x1, s21;
	s22 =	sadd.s32 $0x80, s22;
	[sflag:s17] =	ssyncset.done @!p5 $0x0  }
0xcb: {  	s16 =	sadd.s32 $0x1C100, s3;
	s28 =	sadd.s32 s10, s28;
	[sflag:s17] =	ssyncadd.s32 @!p5 $0xFFFFFF80  }
.LBB2_19:
.Ltmp13:
0xcc: {  	(pc) =	sbr.rel .LBB2_20-.Ltmp13, $2  }
0xcd: {  	_ =	sdelay $0x2  }
0xce: {  	[hbm4b:s28+s8] =	stream.linear.scatter [tilespmem:s16], [sflag:$0x2], $0x80, $0x38;
	[tilespmem:$0x1C500] =	vst v63  }
.LBB2_16:
.Ltmp14:
0xcf: {  	(pc) =	sbr.rel .LBB2_20-.Ltmp14, $2  }
0xd0: {  	_ =	sdelay $0x2  }
0xd1: {  	s14 =	smov.u32 s21  }
.LBB2_11:
.Ltmp15:
0xd2: {  	(pc) =	sbr.rel .LBB2_15-.Ltmp15, $2  }
0xd3: {  	_ =	sdelay $0x2  }
0xd4: {  	s28 =	smov.u32 s6;
	s22 =	simm.s32 $0x0  }
.LBB2_13:
.Ltmp16:
0xd5: {  	(pc) =	sbr.rel .LBB2_15-.Ltmp16, $2  }
0xd6: {  	_ =	sdelay $0x2  }
0xd7: {  	s28 =	smov.u32 s6;
	s22 =	simm.s32 $0x0  }
.LBB2_4:
0xd8: {  	s14 =	simm.s32 $0x0  }
.LBB2_5:
0xd9: {  	s0 =	simm.s32 @!p0 $0x0;
	s1 =	simm.s32 @!p0 $0xC100;
	s3 =	rddreg [dreg:$0x9]  }
0xda: {  	[tilespmem:s1], [sflag:$0x1] =	stream.linear.gather @!p0 [hbm4b:s3+s0], $0x400, $0x38;
	[tilespmem:$0x1C500] =	vst v63  }
0xdb: {  	s16 =	simm.s32 @!p0 $0xC900;
	s1 =	sadd.s32 @!p0 $0xF4280, s3  }
0xdc: {  	[tilespmem:s16], [sflag:$0x1] =	stream.linear.gather @!p0 [hbm4b:s1+s0], $0x400, $0x38;
	[tilespmem:$0x1C500] =	vst v63  }
0xdd: {  	s1 =	sadd.s32 @!p0 $0x1E8500, s3;
	s16 =	simm.s32 @!p0 $0xD100  }
0xde: {  	[tilespmem:s16], [sflag:$0x1] =	stream.linear.gather @!p0 [hbm4b:s1+s0], $0x400, $0x38;
	[tilespmem:$0x1C500] =	vst v63  }
0xdf: {  	s1 =	sadd.s32 @!p0 $0x2DC780, s3;
	s16 =	simm.s32 @!p0 $0xD900  }
0xe0: {  	[tilespmem:s16], [sflag:$0x1] =	stream.linear.gather @!p0 [hbm4b:s1+s0], $0x400, $0x38;
	[tilespmem:$0x1C500] =	vst v63  }
0xe1: {  	s1 =	sadd.s32 @!p0 $0x3D0A00, s3;
	s16 =	simm.s32 @!p0 $0xE100  }
0xe2: {  	[tilespmem:s16], [sflag:$0x1] =	stream.linear.gather @!p0 [hbm4b:s1+s0], $0x400, $0x38;
	[tilespmem:$0x1C500] =	vst v63  }
0xe3: {  	s1 =	sadd.s32 @!p0 $0x4C4C80, s3;
	s16 =	simm.s32 @!p0 $0xE900  }
0xe4: {  	[tilespmem:s16], [sflag:$0x1] =	stream.linear.gather @!p0 [hbm4b:s1+s0], $0x400, $0x38;
	[tilespmem:$0x1C500] =	vst v63  }
0xe5: {  	s1 =	sadd.s32 @!p0 $0x5B8F00, s3;
	s16 =	simm.s32 @!p0 $0xF100  }
0xe6: {  	[tilespmem:s16], [sflag:$0x1] =	stream.linear.gather @!p0 [hbm4b:s1+s0], $0x400, $0x38;
	[tilespmem:$0x1C500] =	vst v63  }
0xe7: {  	s1 =	sadd.s32 @!p0 $0x6AD180, s3;
	s16 =	simm.s32 @!p0 $0xF900  }
0xe8: {  	[tilespmem:s16], [sflag:$0x1] =	stream.linear.gather @!p0 [hbm4b:s1+s0], $0x400, $0x38;
	[tilespmem:$0x1C500] =	vst v63  }
0xe9: {  	s0 =	sadd.s32 @!p0 $0xF, s6  }
0xea: {  	s1 =	sand.u32 @!p0 $0xF, s0  }
0xeb: {  	p3 =	slt.s32 @!p0 s0, $0x1;
	p4 =	sne.s32 @!p0 s1, $0x0  }
0xec: {  	s1 =	sshra.s32 @!p0 s0, $0x1F;
	p3 =	por @!p0 !p3, !p4  }
0xed: {  	s1 =	sshrl.u32 @!p0 s1, $0x1C;
	p3 =	por @!p0 !p3, !p3  }
0xee: {  	s0 =	sadd.s32 @!p0 s1, s0;
	s1 =	simm.s32 @!p0 $0x1;
	p3 =	por !p3, p0  }
0xef: {  	s0 =	sshra.s32 @!p0 s0, $0x4;
	s1 =	simm.s32 @p3 $0x0  }
0xf0: {  	s6 =	ssub.s32 @!p0 s0, s1  }
0xf1: {  	p3 =	slt.s32 @!p0 s6, $0x1  }
0xf2: {  	p3 =	por p0, p3  }
.Ltmp17:
0xf3: {  	_ = 	snop;
	(pc) =	sbr.rel @p3 .LBB2_6-.Ltmp17, $4  }
0xf4: {  	s16 =	simm.s32 @!p0 $0x1  }
0xf5: {  	_ =	swait.ge @!p0 [sflag:s16], $0x2000  }
0xf6: {  	[sflag:s16] =	ssyncset.done @!p0 $0x0  }
0xf7: {  	[sflag:s16] =	ssyncadd.s32 @!p0 $0xFFFFE000  }
0xf8: {  	p4 =	seq.s32 s6, $0x1  }
.Ltmp18:
0xf9: {  	_ = 	snop;
	(pc) =	sbr.rel @p4 .LBB2_24-.Ltmp18, $3  }
0xfa: {  	_ =	sdelay $0x1  }
0xfb: {  	s1 =	sadd.s32 s19, s20;
	s16 =	simm.s32 $0x4000  }
0xfc: {  	s0 =	simm.s32 $0x0;
	s6 =	sadd.s32 $0xFFFFFFFF, s6;
	p3 =	por $0x0, $0x0;
	v15 =	vld [tilespmem:s16+$0x0]  }
0xfd: {  	_ =	sdelay $0x3  }
0xfe: {  	v16 =	vand.u32 $0x7FFF, v15  }
0xff: {  	vm0 =	vge.u32 v16, v2;
	vm1 =	vlt.u32 v16, v3;
	v16 =	vmov s1  }
0x100: {  	vm0 =	vmand vm0, vm1;
	vm15 =	vgt.s32 v16, v8  }
0x101: {  	vm0 =	vmand vm15, vm0  }
0x102: {  	v16 =	vmpcnt.ones.xlane vm0;
	_ =	sdelay $0x1  }
0x103: {  	p4 =	seq.s32 s6, $0x1;
	(v2sf) =	vpush v16, $0x0  }
.Ltmp19:
0x104: {  	_ = 	snop;
	(pc) =	sbr.rel @p4 .LBB2_26-.Ltmp19, $3  }
0x105: {  	_ =	sdelay $0x1  }
0x106: {  	s20 =	simm.s32 $0x4010;
	s16 =	sadd.s32 $0xFFFFFFFF, s6;
	[tilespmem:s0+$0x8080] =	vst.msk vm0, v15  }
0x107: {  	p3 =	por $0x1, $0x1;
	s19 =	smov.u32 s1;
	s6 =	simm.s32 $0x0;
	v15 =	vld [tilespmem:s20+$0x0]  }
.LBB2_27:
0x108: {  	p4 =	seq.s32 s16, $0x1;
	_ =	sdelay $0x3  }
0x109: {  	s19 =	sadd.s32 $0xFFFFFFF0, s19;
	v16 =	vand.u32 $0x7FFF, v15  }
0x10a: {  	vm0 =	vge.u32 v16, v2;
	vm1 =	vlt.u32 v16, v3;
	v16 =	vmov s19  }
0x10b: {  	vm0 =	vmand vm0, vm1;
	vm1 =	vgt.s32 v16, v8  }
0x10c: {  	vm0 =	vmand vm1, vm0  }
0x10d: {  	v16 =	vmpcnt.ones.xlane vm0  }
0x10e: {  	s3 =	spop (v2sf)  }
0x10f: {  	(v2sf) =	vpush v16, $0x0;
	s6 =	sadd.s32 s6, s3  }
.Ltmp20:
0x110: {  	[tilespmem:s6+$0x8080] =	vst.msk vm0, v15;
	(pc) =	sbr.rel @!p4 .LBB2_27-.Ltmp20, $3  }
0x111: {  	_ =	sdelay $0x1  }
0x112: {  	s20 =	sadd.s32 $0x10, s20  }
0x113: {  	s16 =	sadd.s32 $0xFFFFFFFF, s16;
	v15 =	vld [tilespmem:s20+$0x0]  }
.LBB2_28:
0x114: {  	_ =	sdelay $0x2  }
0x115: {  	s3 =	sadd.s32 @p3 $0xFFFFFFF0, s19  }
0x116: {  	s1 =	smov.u32 @p3 s3;
	v16 =	vand.u32 $0x7FFF, v15  }
0x117: {  	v62 =	vmov s1;
	vm0 =	vge.u32 v16, v2;
	vm1 =	vlt.u32 v16, v3  }
0x118: {  	vm15 =	vgt.s32 v62, v8;
	vm0 =	vmand vm0, vm1  }
0x119: {  	vm0 =	vmand vm15, vm0  }
0x11a: {  	v63 =	vmpcnt.ones.xlane vm0;
	_ =	sdelay $0x1  }
0x11b: {  	(v2sf) =	vpush v63, $0x0;
	_ =	sdelay $0xc  }
0x11c: {  	s1 =	spop @p3 (v2sf)  }
0x11d: {  	s1 =	sadd.s32 @p3 s6, s1  }
0x11e: {  	s0 =	smov.u32 @p3 s1;
	s30 =	spop (v2sf)  }
0x11f: {  	[tilespmem:s0+$0x8080] =	vst.msk vm0, v15;
	s1 =	sadd.s32 s0, s30  }
0x120: {  	p3 =	slt.s32 s1, $0x1  }
.Ltmp21:
0x121: {  	_ = 	snop;
	(pc) =	sbr.rel @p3 .LBB2_22-.Ltmp21, $1  }
0x122: {  	_ =	sdelay $0x3  }
0x123: {  	s6 =	simm.s32 $0x8080  }
0x124: {  	v15 =	vld [tilespmem:s6+$0x0];
	_ =	sdelay $0x4  }
0x125: {  	(v2sf) =	vpush v15, $0x0;
	_ =	sdelay $0xe  }
0x126: {  	s3 =	spop (v2sf)  }
0x127: {  	s29 =	sand.u32 $0x7FFF, s3  }
0x128: {  	s6 =	ssub.s32 s29, s7  }
0x129: {  	v15 =	vmov s6  }
0x12a: {  	v16 =	vshll.u32 v15, $0x3  }
0x12b: {  	v15 =	vand.u32 $0x7F, v15;
	v16 =	vand.u32 $0xFFFFFC00, v16  }
0x12c: {  	v15 =	vor.u32 v15, v16  }
0x12d: {  	v16 =	vadd.s32 v10, v15;
	_ =	sdelay $0x4  }
0x12e: {  	v16 =	vld.idx.msk [tilespmem:v16+s31+$0x0], $0xffff  }
0x12f: {  	v17 =	vadd.s32 v12, v15;
	_ =	sdelay $0x1  }
0x130: {  	s16 =	sshll.u32 s14, $0x7  }
0x131: {  	s17 =	sand.u32 $0x380, s16  }
0x132: {  	[tilespmem:s17+$0x1C100] =	vst v16  }
0x133: {  	v16 =	vld.idx.msk [tilespmem:v17+s31+$0x0], $0xffff  }
0x134: {  	v63 =	vadd.s32 v13, v15;
	_ =	sdelay $0x3  }
0x135: {  	[tilespmem:s17+$0x1C110] =	vst v16  }
0x136: {  	v16 =	vld.idx.msk [tilespmem:v63+s31+$0x0], $0xffff  }
0x137: {  	v15 =	vadd.s32 v14, v15;
	_ =	sdelay $0x3  }
0x138: {  	[tilespmem:s17+$0x1C120] =	vst v16  }
0x139: {  	v15 =	vld.idx.msk [tilespmem:v15+s31+$0x0], $0xffff;
	_ =	sdelay $0x1  }
0x13a: {  	s6 =	sadd.s32 $0xFFFFFFFF, s1  }
0x13b: {  	p4 =	sne.s32 s6, $0x0  }
.Ltmp22:
0x13c: {  	p3 =	slt.s32 s14, $0x8;
	(pc) =	sbr.rel @!p4 .LBB2_31-.Ltmp22, $4  }
0x13d: {  	s0 =	sadd.s32 s14, s1;
	s30 =	sshrl.u32 s3, $0xB;
	s3 =	simm.s32 @!p3 $0x2;
	[tilespmem:s17+$0x1C130] =	vst v15  }
0x13e: {  	s14 =	sadd.s32 $0x1, s14;
	s19 =	sadd.s32 $0x80, s16;
	_ =	swait.ge @!p3 [sflag:s3], $0x80  }
0x13f: {  	s16 =	sadd.s32 $0x1C100, s17;
	s20 =	sand.u32 $0x1FFFF0, s30;
	[sflag:s3] =	ssyncset.done @!p3 $0x0  }
0x140: {  	s1 =	simm.s32 $0x8081;
	s20 =	sadd.s32 s10, s20;
	[sflag:s3] =	ssyncadd.s32 @!p3 $0xFFFFFF80  }
.LBB2_30:
0x141: {  	[hbm4b:s20+s8] =	stream.linear.scatter [tilespmem:s16], [sflag:$0x2], $0x80, $0x38;
	[tilespmem:$0x1C500] =	vst v63  }
0x142: {  	s6 =	sadd.s32 $0xFFFFFFFF, s6;
	v15 =	vld [tilespmem:s1+$0x0]  }
0x143: {  	p3 =	sne.s32 s6, $0x0;
	_ =	sdelay $0x3  }
0x144: {  	(v2sf) =	vpush v15, $0x0;
	_ =	sdelay $0xe  }
0x145: {  	s3 =	spop (v2sf)  }
0x146: {  	s16 =	sand.u32 $0x7FFF, s3;
	s3 =	sshrl.u32 s3, $0xB  }
0x147: {  	s16 =	ssub.s32 s16, s7;
	s20 =	sand.u32 $0x1FFFF0, s3  }
0x148: {  	v15 =	vmov s16  }
0x149: {  	v16 =	vshll.u32 v15, $0x3  }
0x14a: {  	v15 =	vand.u32 $0x7F, v15;
	v16 =	vand.u32 $0xFFFFFC00, v16  }
0x14b: {  	v15 =	vor.u32 v15, v16  }
0x14c: {  	v16 =	vadd.s32 v10, v15;
	_ =	sdelay $0x4  }
0x14d: {  	v16 =	vld.idx.msk [tilespmem:v16+s31+$0x0], $0xffff;
	_ =	sdelay $0x1  }
0x14e: {  	v17 =	vadd.s32 v12, v15;
	_ =	sdelay $0x2  }
0x14f: {  	s3 =	sand.u32 $0x380, s19  }
0x150: {  	[tilespmem:s3+$0x1C100] =	vst v16  }
0x151: {  	v16 =	vld.idx.msk [tilespmem:v17+s31+$0x0], $0xffff;
	_ =	sdelay $0x1  }
0x152: {  	v17 =	vadd.s32 v13, v15;
	_ =	sdelay $0x3  }
0x153: {  	[tilespmem:s3+$0x1C110] =	vst v16  }
0x154: {  	v16 =	vld.idx.msk [tilespmem:v17+s31+$0x0], $0xffff;
	_ =	sdelay $0x1  }
0x155: {  	v15 =	vadd.s32 v14, v15;
	_ =	sdelay $0x3  }
0x156: {  	[tilespmem:s3+$0x1C120] =	vst v16  }
0x157: {  	v15 =	vld.idx.msk [tilespmem:v15+s31+$0x0], $0xffff;
	_ =	sdelay $0x4  }
.Ltmp23:
0x158: {  	p4 =	slt.s32 s14, $0x8;
	(pc) =	sbr.rel @p3 .LBB2_30-.Ltmp23, $4  }
0x159: {  	s17 =	simm.s32 @!p4 $0x2;
	[tilespmem:s3+$0x1C130] =	vst v15  }
0x15a: {  	s1 =	sadd.s32 $0x1, s1;
	_ =	swait.ge @!p4 [sflag:s17], $0x80  }
0x15b: {  	s14 =	sadd.s32 $0x1, s14;
	s19 =	sadd.s32 $0x80, s19;
	[sflag:s17] =	ssyncset.done @!p4 $0x0  }
0x15c: {  	s16 =	sadd.s32 $0x1C100, s3;
	s20 =	sadd.s32 s10, s20;
	[sflag:s17] =	ssyncadd.s32 @!p4 $0xFFFFFF80  }
.LBB2_31:
.Ltmp24:
0x15d: {  	(pc) =	sbr.rel .LBB2_32-.Ltmp24, $2  }
0x15e: {  	_ =	sdelay $0x2  }
0x15f: {  	[hbm4b:s20+s8] =	stream.linear.scatter [tilespmem:s16], [sflag:$0x2], $0x80, $0x38;
	[tilespmem:$0x1C500] =	vst v63  }
.LBB2_6:
.Ltmp25:
0x160: {  	(pc) =	sbr.rel .LBB2_32-.Ltmp25, $3  }
0x161: {  	_ =	sdelay $0x1  }
0x162: {  	s14 =	smov.u32 @p0 s14  }
0x163: {  	s0 =	smov.u32 s14  }
.LBB2_22:
0x164: {  	s0 =	smov.u32 s14  }
.LBB2_32:
0x165: {  	p3 =	slt.s32 s0, $0x1  }
.Ltmp26:
0x166: {  	_ = 	snop;
	(pc) =	sbr.rel @p3 .LBB2_36-.Ltmp26, $1  }
0x167: {  	_ =	sdelay $0x3  }
0x168: {  	p3 =	slt.s32 s0, $0x8  }
0x169: {  	s0 =	simm.s32 @!p3 $0x8  }
0x16a: {  	p3 =	sne.s32 s0, $0x1  }
.Ltmp27:
0x16b: {  	_ = 	snop;
	(pc) =	sbr.rel @!p3 .LBB2_35-.Ltmp27, $3  }
0x16c: {  	_ =	sdelay $0x1  }
0x16d: {  	_ =	swait.ge [sflag:s2], $0x80  }
0x16e: {  	[sflag:s2] =	ssyncset.done $0x0;
	s0 =	sadd.s32 $0xFFFFFFFF, s0  }
.LBB2_34:
0x16f: {  	p3 =	sne.s32 s0, $0x1;
	s0 =	sadd.s32 $0xFFFFFFFF, s0;
	[sflag:s2] =	ssyncadd.s32 $0xFFFFFF80  }
.Ltmp28:
0x170: {  	(pc) =	sbr.rel @p3 .LBB2_34-.Ltmp28, $3  }
0x171: {  	_ =	sdelay $0x1  }
0x172: {  	_ =	swait.ge [sflag:s2], $0x80  }
0x173: {  	[sflag:s2] =	ssyncset.done $0x0  }
.LBB2_35:
0x174: {  	[sflag:s2] =	ssyncadd.s32 $0xFFFFFF80  }
.LBB2_36:
0x175: {  	s0 =	rddreg [dreg:$0xa];
	s1 =	simm.s32 $0x800;
	s6 =	simm.s32 $0xC3800  }
0x176: {  	[tilespmem:s31], [sflag:$0x1] =	stream.strided.gather [hbm4b:s0+s1], $0x4000, s6, s1, $0x38;
	[tilespmem:$0x1C500] =	vst v63  }
0x177: {  	s22 =	rddreg [dreg:$0xb];
	s3 =	simm.s32 $0x10100  }
0x178: {  	[tilespmem:s3], [sflag:$0x1] =	stream.strided.gather [hbm4b:s22+s1], $0x4000, s6, s1, $0x38;
	[tilespmem:$0x1C500] =	vst v63  }
0x179: {  	s25 =	rddreg [dreg:$0xc];
	s28 =	simm.s32 $0x14100  }
0x17a: {  	[tilespmem:s28], [sflag:$0x1] =	stream.strided.gather [hbm4b:s25+s1], $0x4000, s6, s1, $0x38;
	[tilespmem:$0x1C500] =	vst v63  }
0x17b: {  	s29 =	rddreg [dreg:$0x1];
	s30 =	simm.s32 $0x3;
	s0 =	simm.s32 $0x0  }
0x17c: {  	[tilespmem:s0], [sflag:$0x3] =	stream.linear.gather [hbm4b:s29+s0], $0x4000, $0x38;
	[tilespmem:$0x1C500] =	vst v63  }
0x17d: {  	_ =	swait.ge [sflag:s30], $0x4000  }
0x17e: {  	[sflag:s30] =	ssyncset.done $0x0  }
0x17f: {  	[sflag:s30] =	ssyncadd.s32 $0xFFFFC000  }
0x180: {  	v15 =	vld [tilespmem:s0+$0x0];
	_ =	sdelay $0x2  }
0x181: {  	v16 =	vmov s0  }
0x182: {  	v16 =	vshll.u32 v16, $0xF  }
0x183: {  	v16 =	vor.u32 v9, v16;
	vm0 =	vge.s32 v15, v4;
	vm1 =	vlt.s32 v15, v5  }
0x184: {  	v16 =	vsub.s32 v16, v4;
	vm0 =	vmand vm0, vm1  }
0x185: {  	v15 =	vadd.s32 v15, v16;
	v16 =	vmpcnt.ones.xlane vm0;
	_ =	sdelay $0x1  }
0x186: {  	(v2sf) =	vpush v16, $0x0;
	_ =	sdelay $0x5  }
0x187: {  	s1 =	simm.s32 $0x10;
	[tilespmem:s0+$0x4000] =	vst.msk vm0, v15  }
0x188: {  	s14 =	simm.s32 $0x10;
	s6 =	simm.s32 $0x20;
	v15 =	vld [tilespmem:s1+$0x0]  }
.LBB2_37:
0x189: {  	p3 =	seq.s32 s6, $0x3FF0;
	v16 =	vmov s1;
	s1 =	smov.u32 s6  }
0x18a: {  	v16 =	vshll.u32 v16, $0xF  }
0x18b: {  	v16 =	vor.u32 v9, v16  }
0x18c: {  	v16 =	vsub.s32 v16, v4  }
0x18d: {  	vm0 =	vge.s32 v15, v4;
	vm1 =	vlt.s32 v15, v5;
	v15 =	vadd.s32 v15, v16  }
0x18e: {  	vm0 =	vmand vm0, vm1  }
0x18f: {  	v16 =	vmpcnt.ones.xlane vm0  }
0x190: {  	s3 =	spop (v2sf)  }
0x191: {  	(v2sf) =	vpush v16, $0x0;
	s0 =	sadd.s32 s0, s3  }
0x192: {  	[tilespmem:s0+$0x4000] =	vst.msk vm0, v15;
	_ =	sdelay $0x1  }
.Ltmp29:
0x193: {  	(pc) =	sbr.rel @!p3 .LBB2_37-.Ltmp29, $3  }
0x194: {  	_ =	sdelay $0x1  }
0x195: {  	s14 =	sadd.s32 $0x10, s14  }
0x196: {  	s6 =	sadd.s32 $0x10, s6;
	v15 =	vld [tilespmem:s14+$0x0]  }
0x197: {  	_ =	sdelay $0x3  }
0x198: {  	vm0 =	vge.s32 v15, v4;
	vm1 =	vlt.s32 v15, v5  }
0x199: {  	vm0 =	vmand vm0, vm1  }
0x19a: {  	v16 =	vmpcnt.ones.xlane vm0;
	_ =	sdelay $0x1  }
0x19b: {  	(v2sf) =	vpush v16, $0x0;
	_ =	sdelay $0xa  }
0x19c: {  	v63 =	vmov s1  }
.Ltmp30:
0x19d: {  	v16 =	vshll.u32 v63, $0xF;
	(pc) =	sbr.rel @p2 .LBB2_39-.Ltmp30, $4  }
0x19e: {  	v16 =	vor.u32 v9, v16  }
0x19f: {  	s30 =	spop (v2sf);
	v16 =	vsub.s32 v16, v4  }
0x1a0: {  	s21 =	sadd.s32 s0, s30;
	v15 =	vadd.s32 v15, v16;
	s6 =	spop (v2sf)  }
0x1a1: {  	[tilespmem:s21+$0x4000] =	vst.msk vm0, v15;
	s20 =	sadd.s32 s21, s6  }
0x1a2: {  	s0 =	sadd.s32 $0xF, s20  }
0x1a3: {  	s1 =	sand.u32 $0xF, s0  }
0x1a4: {  	s3 =	sshra.s32 s0, $0x1F;
	p3 =	slt.s32 s0, $0x1;
	p4 =	sne.s32 s1, $0x0  }
.Ltmp31:
0x1a5: {  	s30 =	sshrl.u32 s3, $0x1C;
	p3 =	por !p3, !p4;
	(pc) =	sbr.rel .LBB2_47-.Ltmp31, $4  }
0x1a6: {  	s1 =	simm.s32 $0x1;
	s0 =	sadd.s32 s30, s0;
	p3 =	por !p3, !p3  }
0x1a7: {  	s0 =	sshra.s32 s0, $0x4;
	s1 =	simm.s32 @!p3 $0x0  }
0x1a8: {  	s0 =	ssub.s32 s0, s1  }
0x1a9: {  	s14 =	simm.s32 $0x0;
	s25 =	simm.s32 $0x0;
	p3 =	slt.s32 s0, $0x1  }
.LBB2_48:
0x1aa: {  	s19 =	smov.u32 s14  }
.LBB2_59:
0x1ab: {  	s25 =	sadd.s32 $0x1, s25  }
0x1ac: {  	p4 =	seq.s32 s25, s24  }
.Ltmp32:
0x1ad: {  	_ = 	snop;
	(pc) =	sbr.rel @p4 .LBB2_40-.Ltmp32, $2  }
0x1ae: {  	_ =	sdelay $0x2  }
0x1af: {  	s14 =	smov.u32 s19  }
.LBB2_47:
0x1b0: {  	s1 =	sadd.s32 $0x3, s25;
	_ =	swait.ge [sflag:s15], $0x4000  }
0x1b1: {  	p4 =	sge.u32 s1, s18;
	[sflag:s15] =	ssyncset.done $0x0  }
.Ltmp33:
0x1b2: {  	s3 =	sshll.u32 @!p4 s1, $0xE;
	s1 =	sshll.u32 @!p4 s1, $0x8;
	(pc) =	sbr.rel @p3 .LBB2_48-.Ltmp33, $4  }
0x1b3: {  	[sflag:s15] =	ssyncadd.s32 $0xFFFFC000;
	s17 =	simm.s32 @!p4 $0xC3800;
	s1 =	sadd.s32 @!p4 s9, s1  }
0x1b4: {  	s3 =	sand.u32 @!p4 $0xC000, s3;
	s16 =	rddreg [dreg:$0x3];
	s1 =	sand.u32 @!p4 $0x1FFFFF00, s1  }
0x1b5: {  	s3 =	sadd.s32 @!p4 $0xC100, s3;
	s1 =	sadd.s32 @!p4 s16, s1;
	s16 =	simm.s32 @!p4 $0x800  }
0x1b6: {  	[tilespmem:s3], [sflag:$0x1] =	stream.strided.gather @!p4 [hbm4b:s1+s16], $0x4000, s17, s16, $0x38;
	[tilespmem:$0x1C500] =	vst v63  }
0x1b7: {  	p5 =	sne.s32 s0, $0x1  }
.Ltmp34:
0x1b8: {  	_ = 	snop;
	(pc) =	sbr.rel @!p5 .LBB2_50-.Ltmp34, $4  }
0x1b9: {  	_ = 	snop  }
0x1ba: {  	s30 =	sshll.u32 s25, $0x8  }
0x1bb: {  	s1 =	sand.u32 $0x3, s25;
	s16 =	simm.s32 $0x4000;
	s3 =	sadd.s32 $0x100, s30  }
0x1bc: {  	s19 =	simm.s32 $0x0;
	p4 =	por $0x0, $0x0;
	v16 =	vmov s30;
	v15 =	vld [tilespmem:s16+$0x0];
	s16 =	sadd.s32 $0xFFFFFFFF, s0;
	v17 =	vmov s3  }
0x1bd: {  	_ =	sdelay $0x3  }
0x1be: {  	v18 =	vand.u32 $0x7FFF, v15  }
0x1bf: {  	vm0 =	vge.s32 v18, v16;
	vm1 =	vlt.s32 v18, v17;
	v18 =	vmov s20  }
0x1c0: {  	vm0 =	vmand vm0, vm1;
	vm15 =	vgt.s32 v18, v8  }
0x1c1: {  	vm0 =	vmand vm15, vm0  }
0x1c2: {  	v18 =	vmpcnt.ones.xlane vm0;
	_ =	sdelay $0x1  }
0x1c3: {  	p5 =	sne.s32 s16, $0x1;
	(v2sf) =	vpush v18, $0x0  }
.Ltmp35:
0x1c4: {  	_ = 	snop;
	(pc) =	sbr.rel @!p5 .LBB2_52-.Ltmp35, $3  }
0x1c5: {  	_ =	sdelay $0x1  }
0x1c6: {  	s29 =	simm.s32 $0x4010;
	s16 =	sadd.s32 $0xFFFFFFFF, s16;
	[tilespmem:s19+$0x8080] =	vst.msk vm0, v15  }
0x1c7: {  	p4 =	por $0x1, $0x1;
	s28 =	smov.u32 s20;
	s22 =	simm.s32 $0x0;
	v15 =	vld [tilespmem:s29+$0x0]  }
.LBB2_53:
0x1c8: {  	p5 =	sne.s32 s16, $0x1;
	_ =	sdelay $0x3  }
0x1c9: {  	s28 =	sadd.s32 $0xFFFFFFF0, s28;
	v18 =	vand.u32 $0x7FFF, v15  }
0x1ca: {  	vm0 =	vge.s32 v18, v16;
	vm1 =	vlt.s32 v18, v17;
	v18 =	vmov s28  }
0x1cb: {  	vm0 =	vmand vm0, vm1;
	vm1 =	vgt.s32 v18, v8  }
0x1cc: {  	vm0 =	vmand vm1, vm0  }
0x1cd: {  	v18 =	vmpcnt.ones.xlane vm0  }
0x1ce: {  	s3 =	spop (v2sf)  }
0x1cf: {  	(v2sf) =	vpush v18, $0x0;
	s22 =	sadd.s32 s22, s3  }
.Ltmp36:
0x1d0: {  	[tilespmem:s22+$0x8080] =	vst.msk vm0, v15;
	(pc) =	sbr.rel @p5 .LBB2_53-.Ltmp36, $3  }
0x1d1: {  	_ =	sdelay $0x1  }
0x1d2: {  	s29 =	sadd.s32 $0x10, s29  }
0x1d3: {  	s16 =	sadd.s32 $0xFFFFFFFF, s16;
	v15 =	vld [tilespmem:s29+$0x0]  }
.LBB2_54:
0x1d4: {  	_ =	sdelay $0x2  }
0x1d5: {  	s3 =	sadd.s32 @p4 $0xFFFFFFF0, s28;
	s16 =	smov.u32 s20  }
0x1d6: {  	s16 =	smov.u32 @p4 s3;
	v18 =	vand.u32 $0x7FFF, v15  }
0x1d7: {  	v62 =	vmov s16;
	vm0 =	vge.s32 v18, v16;
	vm1 =	vlt.s32 v18, v17  }
0x1d8: {  	vm15 =	vgt.s32 v62, v8;
	vm0 =	vmand vm0, vm1  }
0x1d9: {  	vm0 =	vmand vm15, vm0  }
0x1da: {  	v63 =	vmpcnt.ones.xlane vm0;
	_ =	sdelay $0x1  }
0x1db: {  	(v2sf) =	vpush v63, $0x0;
	_ =	sdelay $0xc  }
0x1dc: {  	s3 =	spop @p4 (v2sf)  }
0x1dd: {  	s3 =	sadd.s32 @p4 s22, s3  }
0x1de: {  	s19 =	smov.u32 @p4 s3;
	s29 =	spop (v2sf)  }
0x1df: {  	s16 =	sadd.s32 s19, s29  }
0x1e0: {  	p4 =	slt.s32 s16, $0x1  }
.Ltmp37:
0x1e1: {  	_ = 	snop;
	(pc) =	sbr.rel @p4 .LBB2_55-.Ltmp37, $2  }
0x1e2: {  	_ =	sdelay $0x2  }
0x1e3: {  	[tilespmem:s19+$0x8080] =	vst.msk vm0, v15  }
0x1e4: {  	s3 =	simm.s32 $0x8080  }
0x1e5: {  	v15 =	vld [tilespmem:s3+$0x0];
	_ =	sdelay $0x4  }
0x1e6: {  	(v2sf) =	vpush v15, $0x0;
	_ =	sdelay $0xe  }
0x1e7: {  	s4 =	spop (v2sf)  }
0x1e8: {  	s17 =	sand.u32 $0x7FFF, s4  }
0x1e9: {  	s17 =	ssub.s32 s17, s30  }
0x1ea: {  	s1 =	sshll.u32 s1, $0xE;
	v16 =	vmov s17  }
0x1eb: {  	v15 =	vor.u32 s1, v10;
	v19 =	vand.u32 $0x7F, v16;
	v16 =	vshll.u32 v16, $0x3  }
0x1ec: {  	v20 =	vand.u32 $0xFFFFFC00, v16;
	v16 =	vor.u32 v19, v15  }
0x1ed: {  	v17 =	vadd.s32 v20, v16;
	_ =	sdelay $0x3  }
0x1ee: {  	v16 =	vor.u32 s1, v12  }
0x1ef: {  	v18 =	vor.u32 v19, v16;
	v21 =	vld.idx.msk [tilespmem:v17+s31+$0x0], $0xffff  }
0x1f0: {  	v18 =	vadd.s32 v20, v18;
	_ =	sdelay $0x1  }
0x1f1: {  	s17 =	sshll.u32 s14, $0x7  }
0x1f2: {  	s28 =	sand.u32 $0x380, s17  }
0x1f3: {  	v17 =	vor.u32 s1, v13;
	[tilespmem:s28+$0x1C100] =	vst v21  }
0x1f4: {  	v63 =	vor.u32 v19, v17;
	v22 =	vld.idx.msk [tilespmem:v18+s31+$0x0], $0xffff  }
0x1f5: {  	v21 =	vadd.s32 v20, v63;
	_ =	sdelay $0x3  }
0x1f6: {  	v18 =	vor.u32 s1, v14;
	[tilespmem:s28+$0x1C110] =	vst v22  }
0x1f7: {  	v19 =	vor.u32 v19, v18;
	v21 =	vld.idx.msk [tilespmem:v21+s31+$0x0], $0xffff  }
0x1f8: {  	v19 =	vadd.s32 v20, v19;
	_ =	sdelay $0x3  }
0x1f9: {  	[tilespmem:s28+$0x1C120] =	vst v21  }
0x1fa: {  	v19 =	vld.idx.msk [tilespmem:v19+s31+$0x0], $0xffff;
	_ =	sdelay $0x1  }
0x1fb: {  	s29 =	sadd.s32 $0xFFFFFFFF, s16  }
0x1fc: {  	p5 =	sne.s32 s29, $0x0  }
.Ltmp38:
0x1fd: {  	p4 =	slt.s32 s14, $0x8;
	(pc) =	sbr.rel @!p5 .LBB2_58-.Ltmp38, $4  }
0x1fe: {  	s19 =	sadd.s32 s14, s16;
	s3 =	simm.s32 @!p4 $0x2;
	s22 =	sshrl.u32 s4, $0xB;
	[tilespmem:s28+$0x1C130] =	vst v19  }
0x1ff: {  	s4 =	sand.u32 $0x1FFFF0, s22;
	s14 =	sadd.s32 $0x1, s14;
	_ =	swait.ge @!p4 [sflag:s3], $0x80  }
0x200: {  	s22 =	sadd.s32 $0x80, s17;
	s16 =	sadd.s32 $0x1C100, s28;
	[sflag:s3] =	ssyncset.done @!p4 $0x0  }
0x201: {  	s1 =	simm.s32 $0x8081;
	s28 =	sadd.s32 s12, s4;
	[sflag:s3] =	ssyncadd.s32 @!p4 $0xFFFFFF80  }
.LBB2_57:
0x202: {  	[hbm4b:s28+s8] =	stream.linear.scatter [tilespmem:s16], [sflag:$0x2], $0x80, $0x38;
	[tilespmem:$0x1C500] =	vst v63  }
0x203: {  	s29 =	sadd.s32 $0xFFFFFFFF, s29;
	v19 =	vld [tilespmem:s1+$0x0]  }
0x204: {  	p4 =	sne.s32 s29, $0x0;
	_ =	sdelay $0x3  }
0x205: {  	(v2sf) =	vpush v19, $0x0;
	_ =	sdelay $0xe  }
0x206: {  	s3 =	spop (v2sf)  }
0x207: {  	s4 =	sand.u32 $0x7FFF, s3;
	s3 =	sshrl.u32 s3, $0xB  }
0x208: {  	s4 =	ssub.s32 s4, s30;
	s28 =	sand.u32 $0x1FFFF0, s3  }
0x209: {  	v19 =	vmov s4  }
0x20a: {  	v20 =	vand.u32 $0x7F, v19;
	v19 =	vshll.u32 v19, $0x3  }
0x20b: {  	v19 =	vand.u32 $0xFFFFFC00, v19;
	v21 =	vor.u32 v20, v15;
	v22 =	vor.u32 v20, v16  }
0x20c: {  	v23 =	vor.u32 v20, v17;
	v21 =	vadd.s32 v19, v21;
	v22 =	vadd.s32 v19, v22  }
0x20d: {  	v20 =	vor.u32 v20, v18;
	v23 =	vadd.s32 v19, v23  }
0x20e: {  	v19 =	vadd.s32 v19, v20;
	_ =	sdelay $0x2  }
0x20f: {  	v20 =	vld.idx.msk [tilespmem:v21+s31+$0x0], $0xffff;
	_ =	sdelay $0x4  }
0x210: {  	s3 =	sand.u32 $0x380, s22  }
0x211: {  	[tilespmem:s3+$0x1C100] =	vst v20  }
0x212: {  	v20 =	vld.idx.msk [tilespmem:v22+s31+$0x0], $0xffff;
	_ =	sdelay $0x5  }
0x213: {  	[tilespmem:s3+$0x1C110] =	vst v20  }
0x214: {  	v20 =	vld.idx.msk [tilespmem:v23+s31+$0x0], $0xffff;
	_ =	sdelay $0x5  }
0x215: {  	[tilespmem:s3+$0x1C120] =	vst v20  }
0x216: {  	v19 =	vld.idx.msk [tilespmem:v19+s31+$0x0], $0xffff;
	_ =	sdelay $0x4  }
.Ltmp39:
0x217: {  	p5 =	slt.s32 s14, $0x8;
	(pc) =	sbr.rel @p4 .LBB2_57-.Ltmp39, $4  }
0x218: {  	s4 =	simm.s32 @!p5 $0x2;
	[tilespmem:s3+$0x1C130] =	vst v19  }
0x219: {  	s1 =	sadd.s32 $0x1, s1;
	_ =	swait.ge @!p5 [sflag:s4], $0x80  }
0x21a: {  	s14 =	sadd.s32 $0x1, s14;
	s22 =	sadd.s32 $0x80, s22;
	[sflag:s4] =	ssyncset.done @!p5 $0x0  }
0x21b: {  	s16 =	sadd.s32 $0x1C100, s3;
	s28 =	sadd.s32 s12, s28;
	[sflag:s4] =	ssyncadd.s32 @!p5 $0xFFFFFF80  }
.LBB2_58:
.Ltmp40:
0x21c: {  	(pc) =	sbr.rel .LBB2_59-.Ltmp40, $3  }
0x21d: {  	_ =	sdelay $0x1  }
0x21e: {  	[hbm4b:s28+s8] =	stream.linear.scatter [tilespmem:s16], [sflag:$0x2], $0x80, $0x38;
	[tilespmem:$0x1C500] =	vst v63  }
0x21f: {  	s4 =	rddreg [dreg:$0x2]  }
.LBB2_55:
.Ltmp41:
0x220: {  	(pc) =	sbr.rel .LBB2_59-.Ltmp41, $2  }
0x221: {  	_ =	sdelay $0x2  }
0x222: {  	s19 =	smov.u32 s14  }
.LBB2_50:
.Ltmp42:
0x223: {  	(pc) =	sbr.rel .LBB2_54-.Ltmp42, $2  }
0x224: {  	_ =	sdelay $0x2  }
0x225: {  	s28 =	smov.u32 s20;
	s22 =	simm.s32 $0x0  }
.LBB2_52:
.Ltmp43:
0x226: {  	(pc) =	sbr.rel .LBB2_54-.Ltmp43, $2  }
0x227: {  	_ =	sdelay $0x2  }
0x228: {  	s28 =	smov.u32 s20;
	s22 =	simm.s32 $0x0  }
.LBB2_39:
0x229: {  	s19 =	simm.s32 $0x0  }
.LBB2_40:
.Ltmp44:
0x22a: {  	(pc) =	sbr.rel @p0 .LBB2_41-.Ltmp44, $1  }
0x22b: {  	_ =	sdelay $0x3  }
0x22c: {  	s1 =	rddreg [dreg:$0xd]  }
0x22d: {  	[tilespmem:s31], [sflag:$0x1] =	stream.linear.gather [hbm4b:s1+s8], $0x400, $0x38;
	[tilespmem:$0x1C500] =	vst v63  }
0x22e: {  	s3 =	simm.s32 $0xC900;
	s0 =	sadd.s32 $0x18700, s1  }
0x22f: {  	[tilespmem:s3], [sflag:$0x1] =	stream.linear.gather [hbm4b:s0+s8], $0x400, $0x38;
	[tilespmem:$0x1C500] =	vst v63  }
0x230: {  	s22 =	simm.s32 $0xD100;
	s28 =	simm.s32 $0xD900;
	s17 =	sadd.s32 $0x30E00, s1  }
0x231: {  	[tilespmem:s22], [sflag:$0x1] =	stream.linear.gather [hbm4b:s17+s8], $0x400, $0x38;
	[tilespmem:$0x1C500] =	vst v63  }
0x232: {  	s30 =	simm.s32 $0xE100;
	s14 =	simm.s32 $0xE900;
	s25 =	sadd.s32 $0x49500, s1  }
0x233: {  	[tilespmem:s28], [sflag:$0x1] =	stream.linear.gather [hbm4b:s25+s8], $0x400, $0x38;
	[tilespmem:$0x1C500] =	vst v63  }
0x234: {  	s29 =	sadd.s32 $0x61C00, s1;
	s16 =	sadd.s32 $0x92A00, s1;
	s28 =	sadd.s32 $0xF, s20  }
0x235: {  	[tilespmem:s30], [sflag:$0x1] =	stream.linear.gather [hbm4b:s29+s8], $0x400, $0x38;
	[tilespmem:$0x1C500] =	vst v63  }
0x236: {  	s3 =	sadd.s32 $0x7A300, s1;
	s17 =	simm.s32 $0xF100;
	s29 =	sand.u32 $0xF, s28  }
0x237: {  	p4 =	slt.s32 s28, $0x1;
	s30 =	sshra.s32 s28, $0x1F;
	p3 =	sne.s32 s29, $0x0  }
0x238: {  	[tilespmem:s14], [sflag:$0x1] =	stream.linear.gather [hbm4b:s3+s8], $0x400, $0x38;
	[tilespmem:$0x1C500] =	vst v63  }
0x239: {  	s22 =	sadd.s32 $0xAB100, s1;
	s1 =	sshrl.u32 s30, $0x1C;
	p3 =	por !p4, !p3  }
0x23a: {  	s0 =	sadd.s32 s1, s28;
	s1 =	simm.s32 $0x1;
	p3 =	por !p3, !p3  }
0x23b: {  	[tilespmem:s17], [sflag:$0x1] =	stream.linear.gather [hbm4b:s16+s8], $0x400, $0x38;
	[tilespmem:$0x1C500] =	vst v63  }
0x23c: {  	s0 =	sshra.s32 s0, $0x4;
	s1 =	simm.s32 @!p3 $0x0  }
0x23d: {  	s0 =	ssub.s32 s0, s1  }
0x23e: {  	p3 =	slt.s32 s0, $0x1  }
.Ltmp45:
0x23f: {  	s25 =	simm.s32 $0xF900;
	(pc) =	sbr.rel @p3 .LBB2_43-.Ltmp45, $4  }
0x240: {  	[tilespmem:s25], [sflag:$0x1] =	stream.linear.gather [hbm4b:s22+s8], $0x400, $0x38;
	[tilespmem:$0x1C500] =	vst v63  }
0x241: {  	_ =	swait.ge [sflag:s15], $0x2000  }
0x242: {  	[sflag:s15] =	ssyncset.done $0x0  }
0x243: {  	s20 =	sadd.s32 s21, s6;
	[sflag:s15] =	ssyncadd.s32 $0xFFFFE000  }
0x244: {  	p5 =	seq.s32 s0, $0x1  }
.Ltmp46:
0x245: {  	_ = 	snop;
	(pc) =	sbr.rel @p5 .LBB2_63-.Ltmp46, $3  }
0x246: {  	_ =	sdelay $0x1  }
0x247: {  	s6 =	sadd.s32 s21, s6;
	s14 =	simm.s32 $0x4000  }
0x248: {  	s1 =	simm.s32 $0x0;
	p4 =	por $0x0, $0x0;
	v15 =	vld [tilespmem:s14+$0x0];
	s14 =	sadd.s32 $0xFFFFFFFF, s0  }
0x249: {  	_ =	sdelay $0x3  }
0x24a: {  	v16 =	vand.u32 $0x7FFF, v15  }
0x24b: {  	vm0 =	vge.u32 v16, v6;
	vm1 =	vlt.u32 v16, v11;
	v16 =	vmov s6  }
0x24c: {  	vm0 =	vmand vm0, vm1;
	vm15 =	vgt.s32 v16, v8  }
0x24d: {  	vm0 =	vmand vm15, vm0  }
0x24e: {  	v16 =	vmpcnt.ones.xlane vm0;
	_ =	sdelay $0x1  }
0x24f: {  	p5 =	seq.s32 s14, $0x1;
	(v2sf) =	vpush v16, $0x0  }
.Ltmp47:
0x250: {  	_ = 	snop;
	(pc) =	sbr.rel @p5 .LBB2_65-.Ltmp47, $3  }
0x251: {  	_ =	sdelay $0x1  }
0x252: {  	s22 =	simm.s32 $0x4010;
	s16 =	sadd.s32 $0xFFFFFFFF, s14;
	[tilespmem:s1+$0x8080] =	vst.msk vm0, v15  }
0x253: {  	p4 =	por $0x1, $0x1;
	s21 =	smov.u32 s6;
	s14 =	simm.s32 $0x0;
	v15 =	vld [tilespmem:s22+$0x0]  }
.LBB2_66:
0x254: {  	p5 =	seq.s32 s16, $0x1;
	_ =	sdelay $0x3  }
0x255: {  	s21 =	sadd.s32 $0xFFFFFFF0, s21;
	v16 =	vand.u32 $0x7FFF, v15  }
0x256: {  	vm0 =	vge.u32 v16, v6;
	vm1 =	vlt.u32 v16, v11;
	v16 =	vmov s21  }
0x257: {  	vm0 =	vmand vm0, vm1;
	vm1 =	vgt.s32 v16, v8  }
0x258: {  	vm0 =	vmand vm1, vm0  }
0x259: {  	v16 =	vmpcnt.ones.xlane vm0  }
0x25a: {  	s3 =	spop (v2sf)  }
0x25b: {  	(v2sf) =	vpush v16, $0x0;
	s14 =	sadd.s32 s14, s3  }
.Ltmp48:
0x25c: {  	[tilespmem:s14+$0x8080] =	vst.msk vm0, v15;
	(pc) =	sbr.rel @!p5 .LBB2_66-.Ltmp48, $3  }
0x25d: {  	_ =	sdelay $0x1  }
0x25e: {  	s22 =	sadd.s32 $0x10, s22  }
0x25f: {  	s16 =	sadd.s32 $0xFFFFFFFF, s16;
	v15 =	vld [tilespmem:s22+$0x0]  }
.LBB2_67:
0x260: {  	_ =	sdelay $0x2  }
0x261: {  	s3 =	sadd.s32 @p4 $0xFFFFFFF0, s21  }
0x262: {  	s6 =	smov.u32 @p4 s3;
	v16 =	vand.u32 $0x7FFF, v15  }
0x263: {  	v62 =	vmov s6;
	vm0 =	vge.u32 v16, v6;
	vm1 =	vlt.u32 v16, v11  }
0x264: {  	vm15 =	vgt.s32 v62, v8;
	vm0 =	vmand vm0, vm1  }
0x265: {  	vm0 =	vmand vm15, vm0  }
0x266: {  	v63 =	vmpcnt.ones.xlane vm0;
	_ =	sdelay $0x1  }
0x267: {  	(v2sf) =	vpush v63, $0x0;
	_ =	sdelay $0xc  }
0x268: {  	s3 =	spop @p4 (v2sf)  }
0x269: {  	s3 =	sadd.s32 @p4 s14, s3  }
0x26a: {  	s1 =	smov.u32 @p4 s3;
	s30 =	spop (v2sf)  }
0x26b: {  	[tilespmem:s1+$0x8080] =	vst.msk vm0, v15;
	s1 =	sadd.s32 s1, s30  }
0x26c: {  	p4 =	slt.s32 s1, $0x1  }
.Ltmp49:
0x26d: {  	_ = 	snop;
	(pc) =	sbr.rel @p4 .LBB2_61-.Ltmp49, $1  }
0x26e: {  	_ =	sdelay $0x3  }
0x26f: {  	s14 =	simm.s32 $0x8080  }
0x270: {  	v15 =	vld [tilespmem:s14+$0x0];
	_ =	sdelay $0x4  }
0x271: {  	(v2sf) =	vpush v15, $0x0;
	_ =	sdelay $0xe  }
0x272: {  	s3 =	spop (v2sf)  }
0x273: {  	s4 =	sand.u32 $0x7FFF, s3  }
0x274: {  	s4 =	ssub.s32 s4, s11  }
0x275: {  	v15 =	vmov s4  }
0x276: {  	v16 =	vshll.u32 v15, $0x3  }
0x277: {  	v15 =	vand.u32 $0x7F, v15;
	v16 =	vand.u32 $0xFFFFFC00, v16  }
0x278: {  	v15 =	vor.u32 v15, v16  }
0x279: {  	v16 =	vadd.s32 v10, v15;
	_ =	sdelay $0x4  }
0x27a: {  	v16 =	vld.idx.msk [tilespmem:v16+s31+$0x0], $0xffff  }
0x27b: {  	v17 =	vadd.s32 v12, v15;
	_ =	sdelay $0x1  }
0x27c: {  	s16 =	sshll.u32 s19, $0x7  }
0x27d: {  	s29 =	sand.u32 $0x380, s16  }
0x27e: {  	[tilespmem:s29+$0x1C100] =	vst v16  }
0x27f: {  	v16 =	vld.idx.msk [tilespmem:v17+s31+$0x0], $0xffff  }
0x280: {  	v63 =	vadd.s32 v13, v15;
	_ =	sdelay $0x3  }
0x281: {  	[tilespmem:s29+$0x1C110] =	vst v16  }
0x282: {  	v16 =	vld.idx.msk [tilespmem:v63+s31+$0x0], $0xffff  }
0x283: {  	v15 =	vadd.s32 v14, v15;
	_ =	sdelay $0x3  }
0x284: {  	[tilespmem:s29+$0x1C120] =	vst v16  }
0x285: {  	v15 =	vld.idx.msk [tilespmem:v15+s31+$0x0], $0xffff;
	_ =	sdelay $0x1  }
0x286: {  	s14 =	sadd.s32 $0xFFFFFFFF, s1  }
0x287: {  	p5 =	seq.s32 s14, $0x0  }
.Ltmp50:
0x288: {  	p4 =	slt.s32 s19, $0x8;
	(pc) =	sbr.rel @p5 .LBB2_70-.Ltmp50, $4  }
0x289: {  	s6 =	sadd.s32 s19, s1;
	s30 =	sshrl.u32 s3, $0xB;
	s3 =	simm.s32 @!p4 $0x2;
	[tilespmem:s29+$0x1C130] =	vst v15  }
0x28a: {  	s19 =	sadd.s32 $0x1, s19;
	s1 =	simm.s32 $0x8081;
	_ =	swait.ge @!p4 [sflag:s3], $0x80  }
0x28b: {  	s21 =	sadd.s32 $0x80, s16;
	s17 =	sand.u32 $0x1FFFF0, s30;
	[sflag:s3] =	ssyncset.done @!p4 $0x0  }
0x28c: {  	s16 =	sadd.s32 $0x1C100, s29;
	s22 =	sadd.s32 s12, s17;
	[sflag:s3] =	ssyncadd.s32 @!p4 $0xFFFFFF80  }
.LBB2_69:
0x28d: {  	[hbm4b:s22+s8] =	stream.linear.scatter [tilespmem:s16], [sflag:$0x2], $0x80, $0x38;
	[tilespmem:$0x1C500] =	vst v63  }
0x28e: {  	s14 =	sadd.s32 $0xFFFFFFFF, s14;
	v15 =	vld [tilespmem:s1+$0x0]  }
0x28f: {  	p4 =	seq.s32 s14, $0x0;
	_ =	sdelay $0x3  }
0x290: {  	(v2sf) =	vpush v15, $0x0;
	_ =	sdelay $0xe  }
0x291: {  	s3 =	spop (v2sf)  }
0x292: {  	s4 =	sand.u32 $0x7FFF, s3;
	s3 =	sshrl.u32 s3, $0xB  }
0x293: {  	s4 =	ssub.s32 s4, s11;
	s22 =	sand.u32 $0x1FFFF0, s3  }
0x294: {  	v15 =	vmov s4  }
0x295: {  	v16 =	vshll.u32 v15, $0x3  }
0x296: {  	v15 =	vand.u32 $0x7F, v15;
	v16 =	vand.u32 $0xFFFFFC00, v16  }
0x297: {  	v15 =	vor.u32 v15, v16  }
0x298: {  	v16 =	vadd.s32 v10, v15;
	_ =	sdelay $0x4  }
0x299: {  	v16 =	vld.idx.msk [tilespmem:v16+s31+$0x0], $0xffff;
	_ =	sdelay $0x1  }
0x29a: {  	v17 =	vadd.s32 v12, v15;
	_ =	sdelay $0x2  }
0x29b: {  	s3 =	sand.u32 $0x380, s21  }
0x29c: {  	[tilespmem:s3+$0x1C100] =	vst v16  }
0x29d: {  	v16 =	vld.idx.msk [tilespmem:v17+s31+$0x0], $0xffff;
	_ =	sdelay $0x1  }
0x29e: {  	v17 =	vadd.s32 v13, v15;
	_ =	sdelay $0x3  }
0x29f: {  	[tilespmem:s3+$0x1C110] =	vst v16  }
0x2a0: {  	v16 =	vld.idx.msk [tilespmem:v17+s31+$0x0], $0xffff;
	_ =	sdelay $0x1  }
0x2a1: {  	v15 =	vadd.s32 v14, v15;
	_ =	sdelay $0x3  }
0x2a2: {  	[tilespmem:s3+$0x1C120] =	vst v16  }
0x2a3: {  	v15 =	vld.idx.msk [tilespmem:v15+s31+$0x0], $0xffff;
	_ =	sdelay $0x4  }
.Ltmp51:
0x2a4: {  	p5 =	slt.s32 s19, $0x8;
	(pc) =	sbr.rel @!p4 .LBB2_69-.Ltmp51, $4  }
0x2a5: {  	s4 =	simm.s32 @!p5 $0x2;
	[tilespmem:s3+$0x1C130] =	vst v15  }
0x2a6: {  	s1 =	sadd.s32 $0x1, s1;
	_ =	swait.ge @!p5 [sflag:s4], $0x80  }
0x2a7: {  	s19 =	sadd.s32 $0x1, s19;
	s21 =	sadd.s32 $0x80, s21;
	[sflag:s4] =	ssyncset.done @!p5 $0x0  }
0x2a8: {  	s16 =	sadd.s32 $0x1C100, s3;
	s22 =	sadd.s32 s12, s22;
	[sflag:s4] =	ssyncadd.s32 @!p5 $0xFFFFFF80  }
.LBB2_70:
.Ltmp52:
0x2a9: {  	(pc) =	sbr.rel .LBB2_44-.Ltmp52, $3  }
0x2aa: {  	_ =	sdelay $0x1  }
0x2ab: {  	[hbm4b:s22+s8] =	stream.linear.scatter [tilespmem:s16], [sflag:$0x2], $0x80, $0x38;
	[tilespmem:$0x1C500] =	vst v63  }
0x2ac: {  	s4 =	rddreg [dreg:$0x2]  }
.LBB2_41:
.Ltmp53:
0x2ad: {  	(pc) =	sbr.rel .LBB2_82-.Ltmp53, $2  }
0x2ae: {  	_ =	sdelay $0x2  }
0x2af: {  	s1 =	rddreg [dreg:$0x10]  }
.LBB2_43:
.Ltmp54:
0x2b0: {  	(pc) =	sbr.rel .LBB2_44-.Ltmp54, $2  }
0x2b1: {  	_ =	sdelay $0x2  }
0x2b2: {  	s6 =	smov.u32 s19  }
.LBB2_61:
0x2b3: {  	s6 =	smov.u32 s19  }
.LBB2_44:
0x2b4: {  	s3 =	rddreg [dreg:$0xf]  }
0x2b5: {  	[tilespmem:s31], [sflag:$0x1] =	stream.linear.gather [hbm4b:s3+s8], $0x400, $0x38;
	[tilespmem:$0x1C500] =	vst v63  }
0x2b6: {  	s14 =	simm.s32 $0xC900;
	s1 =	sadd.s32 $0x18700, s3  }
0x2b7: {  	[tilespmem:s14], [sflag:$0x1] =	stream.linear.gather [hbm4b:s1+s8], $0x400, $0x38;
	[tilespmem:$0x1C500] =	vst v63  }
0x2b8: {  	s30 =	simm.s32 $0xD100;
	s29 =	sadd.s32 $0x30E00, s3  }
0x2b9: {  	[tilespmem:s30], [sflag:$0x1] =	stream.linear.gather [hbm4b:s29+s8], $0x400, $0x38;
	[tilespmem:$0x1C500] =	vst v63  }
0x2ba: {  	s16 =	simm.s32 $0xD900;
	s14 =	sadd.s32 $0x49500, s3  }
0x2bb: {  	[tilespmem:s16], [sflag:$0x1] =	stream.linear.gather [hbm4b:s14+s8], $0x400, $0x38;
	[tilespmem:$0x1C500] =	vst v63  }
0x2bc: {  	s19 =	simm.s32 $0xE100;
	s17 =	sadd.s32 $0x61C00, s3  }
0x2bd: {  	[tilespmem:s19], [sflag:$0x1] =	stream.linear.gather [hbm4b:s17+s8], $0x400, $0x38;
	[tilespmem:$0x1C500] =	vst v63  }
0x2be: {  	s22 =	simm.s32 $0xE900;
	s21 =	sadd.s32 $0x7A300, s3  }
0x2bf: {  	[tilespmem:s22], [sflag:$0x1] =	stream.linear.gather [hbm4b:s21+s8], $0x400, $0x38;
	[tilespmem:$0x1C500] =	vst v63  }
0x2c0: {  	s28 =	simm.s32 $0xF100;
	s25 =	sadd.s32 $0x92A00, s3  }
0x2c1: {  	[tilespmem:s28], [sflag:$0x1] =	stream.linear.gather [hbm4b:s25+s8], $0x400, $0x38;
	[tilespmem:$0x1C500] =	vst v63  }
.Ltmp55:
0x2c2: {  	s29 =	sadd.s32 $0xAB100, s3;
	s30 =	simm.s32 $0xF900;
	(pc) =	sbr.rel @p3 .LBB2_45-.Ltmp55, $4  }
0x2c3: {  	[tilespmem:s30], [sflag:$0x1] =	stream.linear.gather [hbm4b:s29+s8], $0x400, $0x38;
	[tilespmem:$0x1C500] =	vst v63  }
0x2c4: {  	_ =	swait.ge [sflag:s15], $0x2000  }
0x2c5: {  	[sflag:s15] =	ssyncset.done $0x0  }
0x2c6: {  	[sflag:s15] =	ssyncadd.s32 $0xFFFFE000  }
0x2c7: {  	p4 =	seq.s32 s0, $0x1  }
.Ltmp56:
0x2c8: {  	_ = 	snop;
	(pc) =	sbr.rel @p4 .LBB2_74-.Ltmp56, $3  }
0x2c9: {  	_ =	sdelay $0x1  }
0x2ca: {  	s14 =	simm.s32 $0x4000  }
0x2cb: {  	s1 =	simm.s32 $0x0;
	s0 =	sadd.s32 $0xFFFFFFFF, s0;
	p3 =	por $0x0, $0x0;
	v15 =	vld [tilespmem:s14+$0x0]  }
0x2cc: {  	_ =	sdelay $0x3  }
0x2cd: {  	v16 =	vand.u32 $0x7FFF, v15  }
0x2ce: {  	vm0 =	vge.u32 v16, v11;
	vm1 =	vlt.u32 v16, v7;
	v16 =	vmov s20  }
0x2cf: {  	vm0 =	vmand vm0, vm1;
	vm15 =	vgt.s32 v16, v8  }
0x2d0: {  	vm0 =	vmand vm15, vm0  }
0x2d1: {  	v16 =	vmpcnt.ones.xlane vm0;
	_ =	sdelay $0x1  }
0x2d2: {  	p4 =	seq.s32 s0, $0x1;
	(v2sf) =	vpush v16, $0x0  }
.Ltmp57:
0x2d3: {  	_ = 	snop;
	(pc) =	sbr.rel @p4 .LBB2_76-.Ltmp57, $3  }
0x2d4: {  	_ =	sdelay $0x1  }
0x2d5: {  	s19 =	simm.s32 $0x4010;
	s16 =	sadd.s32 $0xFFFFFFFF, s0;
	[tilespmem:s1+$0x8080] =	vst.msk vm0, v15  }
0x2d6: {  	p3 =	por $0x1, $0x1;
	s14 =	smov.u32 s20;
	s0 =	simm.s32 $0x0;
	v15 =	vld [tilespmem:s19+$0x0]  }
.LBB2_77:
0x2d7: {  	p4 =	seq.s32 s16, $0x1;
	_ =	sdelay $0x3  }
0x2d8: {  	s14 =	sadd.s32 $0xFFFFFFF0, s14;
	v16 =	vand.u32 $0x7FFF, v15  }
0x2d9: {  	vm0 =	vge.u32 v16, v11;
	vm1 =	vlt.u32 v16, v7;
	v16 =	vmov s14  }
0x2da: {  	vm0 =	vmand vm0, vm1;
	vm1 =	vgt.s32 v16, v8  }
0x2db: {  	vm0 =	vmand vm1, vm0  }
0x2dc: {  	v16 =	vmpcnt.ones.xlane vm0  }
0x2dd: {  	s3 =	spop (v2sf)  }
0x2de: {  	(v2sf) =	vpush v16, $0x0;
	s0 =	sadd.s32 s0, s3  }
.Ltmp58:
0x2df: {  	[tilespmem:s0+$0x8080] =	vst.msk vm0, v15;
	(pc) =	sbr.rel @!p4 .LBB2_77-.Ltmp58, $3  }
0x2e0: {  	_ =	sdelay $0x1  }
0x2e1: {  	s19 =	sadd.s32 $0x10, s19  }
0x2e2: {  	s16 =	sadd.s32 $0xFFFFFFFF, s16;
	v15 =	vld [tilespmem:s19+$0x0]  }
.LBB2_78:
0x2e3: {  	_ =	sdelay $0x2  }
0x2e4: {  	s3 =	sadd.s32 @p3 $0xFFFFFFF0, s14  }
0x2e5: {  	s20 =	smov.u32 @p3 s3;
	v16 =	vand.u32 $0x7FFF, v15  }
0x2e6: {  	v62 =	vmov s20;
	vm0 =	vge.u32 v16, v11;
	vm1 =	vlt.u32 v16, v7  }
0x2e7: {  	vm15 =	vgt.s32 v62, v8;
	vm0 =	vmand vm0, vm1  }
0x2e8: {  	vm0 =	vmand vm15, vm0  }
0x2e9: {  	v63 =	vmpcnt.ones.xlane vm0;
	_ =	sdelay $0x1  }
0x2ea: {  	(v2sf) =	vpush v63, $0x0;
	_ =	sdelay $0xc  }
0x2eb: {  	s3 =	spop @p3 (v2sf)  }
0x2ec: {  	s0 =	sadd.s32 @p3 s0, s3  }
0x2ed: {  	s1 =	smov.u32 @p3 s0;
	s30 =	spop (v2sf)  }
0x2ee: {  	[tilespmem:s1+$0x8080] =	vst.msk vm0, v15;
	s0 =	sadd.s32 s1, s30  }
0x2ef: {  	p3 =	slt.s32 s0, $0x1  }
.Ltmp59:
0x2f0: {  	_ = 	snop;
	(pc) =	sbr.rel @p3 .LBB2_72-.Ltmp59, $1  }
0x2f1: {  	_ =	sdelay $0x3  }
0x2f2: {  	s1 =	simm.s32 $0x8080  }
0x2f3: {  	v15 =	vld [tilespmem:s1+$0x0];
	_ =	sdelay $0x4  }
0x2f4: {  	(v2sf) =	vpush v15, $0x0;
	_ =	sdelay $0xe  }
0x2f5: {  	s29 =	spop (v2sf)  }
0x2f6: {  	s3 =	sand.u32 $0x7FFF, s29  }
0x2f7: {  	s3 =	ssub.s32 s3, s26  }
0x2f8: {  	v15 =	vmov s3  }
0x2f9: {  	v16 =	vshll.u32 v15, $0x3  }
0x2fa: {  	v15 =	vand.u32 $0x7F, v15;
	v16 =	vand.u32 $0xFFFFFC00, v16  }
0x2fb: {  	v15 =	vor.u32 v15, v16  }
0x2fc: {  	v16 =	vadd.s32 v10, v15;
	_ =	sdelay $0x4  }
0x2fd: {  	v16 =	vld.idx.msk [tilespmem:v16+s31+$0x0], $0xffff  }
0x2fe: {  	v17 =	vadd.s32 v12, v15;
	_ =	sdelay $0x1  }
0x2ff: {  	s14 =	sshll.u32 s6, $0x7  }
0x300: {  	s30 =	sand.u32 $0x380, s14  }
0x301: {  	[tilespmem:s30+$0x1C100] =	vst v16  }
0x302: {  	v16 =	vld.idx.msk [tilespmem:v17+s31+$0x0], $0xffff  }
0x303: {  	v63 =	vadd.s32 v13, v15;
	_ =	sdelay $0x3  }
0x304: {  	[tilespmem:s30+$0x1C110] =	vst v16  }
0x305: {  	v16 =	vld.idx.msk [tilespmem:v63+s31+$0x0], $0xffff  }
0x306: {  	v15 =	vadd.s32 v14, v15;
	_ =	sdelay $0x3  }
0x307: {  	[tilespmem:s30+$0x1C120] =	vst v16  }
0x308: {  	v15 =	vld.idx.msk [tilespmem:v15+s31+$0x0], $0xffff;
	_ =	sdelay $0x1  }
0x309: {  	s19 =	sadd.s32 s6, s0;
	s0 =	sadd.s32 $0xFFFFFFFF, s0  }
0x30a: {  	p4 =	sne.s32 s0, $0x0  }
.Ltmp60:
0x30b: {  	p3 =	slt.s32 s6, $0x8;
	(pc) =	sbr.rel @!p4 .LBB2_81-.Ltmp60, $4  }
0x30c: {  	s6 =	sadd.s32 $0x1, s6;
	s4 =	simm.s32 @!p3 $0x2;
	[tilespmem:s30+$0x1C130] =	vst v15  }
0x30d: {  	s14 =	sadd.s32 $0x80, s14;
	s1 =	sshrl.u32 s29, $0xB;
	_ =	swait.ge @!p3 [sflag:s4], $0x80  }
0x30e: {  	s16 =	sadd.s32 $0x1C100, s30;
	s17 =	sand.u32 $0x1FFFF0, s1;
	[sflag:s4] =	ssyncset.done @!p3 $0x0  }
0x30f: {  	s1 =	simm.s32 $0x8081;
	s20 =	sadd.s32 s12, s17;
	[sflag:s4] =	ssyncadd.s32 @!p3 $0xFFFFFF80  }
.LBB2_80:
0x310: {  	[hbm4b:s20+s8] =	stream.linear.scatter [tilespmem:s16], [sflag:$0x2], $0x80, $0x38;
	[tilespmem:$0x1C500] =	vst v63  }
0x311: {  	s0 =	sadd.s32 $0xFFFFFFFF, s0;
	v15 =	vld [tilespmem:s1+$0x0]  }
0x312: {  	p3 =	sne.s32 s0, $0x0;
	_ =	sdelay $0x3  }
0x313: {  	(v2sf) =	vpush v15, $0x0;
	_ =	sdelay $0xe  }
0x314: {  	s3 =	spop (v2sf)  }
0x315: {  	s4 =	sand.u32 $0x7FFF, s3;
	s3 =	sshrl.u32 s3, $0xB  }
0x316: {  	s4 =	ssub.s32 s4, s26;
	s20 =	sand.u32 $0x1FFFF0, s3  }
0x317: {  	v15 =	vmov s4  }
0x318: {  	v16 =	vshll.u32 v15, $0x3  }
0x319: {  	v15 =	vand.u32 $0x7F, v15;
	v16 =	vand.u32 $0xFFFFFC00, v16  }
0x31a: {  	v15 =	vor.u32 v15, v16  }
0x31b: {  	v16 =	vadd.s32 v10, v15;
	_ =	sdelay $0x4  }
0x31c: {  	v16 =	vld.idx.msk [tilespmem:v16+s31+$0x0], $0xffff;
	_ =	sdelay $0x1  }
0x31d: {  	v17 =	vadd.s32 v12, v15;
	_ =	sdelay $0x2  }
0x31e: {  	s3 =	sand.u32 $0x380, s14  }
0x31f: {  	[tilespmem:s3+$0x1C100] =	vst v16  }
0x320: {  	v16 =	vld.idx.msk [tilespmem:v17+s31+$0x0], $0xffff;
	_ =	sdelay $0x1  }
0x321: {  	v17 =	vadd.s32 v13, v15;
	_ =	sdelay $0x3  }
0x322: {  	[tilespmem:s3+$0x1C110] =	vst v16  }
0x323: {  	v16 =	vld.idx.msk [tilespmem:v17+s31+$0x0], $0xffff;
	_ =	sdelay $0x1  }
0x324: {  	v15 =	vadd.s32 v14, v15;
	_ =	sdelay $0x3  }
0x325: {  	[tilespmem:s3+$0x1C120] =	vst v16  }
0x326: {  	v15 =	vld.idx.msk [tilespmem:v15+s31+$0x0], $0xffff;
	_ =	sdelay $0x4  }
.Ltmp61:
0x327: {  	p4 =	slt.s32 s6, $0x8;
	(pc) =	sbr.rel @p3 .LBB2_80-.Ltmp61, $4  }
0x328: {  	s4 =	simm.s32 @!p4 $0x2;
	[tilespmem:s3+$0x1C130] =	vst v15  }
0x329: {  	s1 =	sadd.s32 $0x1, s1;
	_ =	swait.ge @!p4 [sflag:s4], $0x80  }
0x32a: {  	s6 =	sadd.s32 $0x1, s6;
	s14 =	sadd.s32 $0x80, s14;
	[sflag:s4] =	ssyncset.done @!p4 $0x0  }
0x32b: {  	s16 =	sadd.s32 $0x1C100, s3;
	s20 =	sadd.s32 s12, s20;
	[sflag:s4] =	ssyncadd.s32 @!p4 $0xFFFFFF80  }
.LBB2_81:
.Ltmp62:
0x32c: {  	(pc) =	sbr.rel .LBB2_82-.Ltmp62, $4  }
0x32d: {  	_ = 	snop  }
0x32e: {  	[hbm4b:s20+s8] =	stream.linear.scatter [tilespmem:s16], [sflag:$0x2], $0x80, $0x38;
	[tilespmem:$0x1C500] =	vst v63  }
0x32f: {  	s4 =	rddreg [dreg:$0x2]  }
0x330: {  	s1 =	rddreg [dreg:$0x10]  }
.LBB2_45:
.Ltmp63:
0x331: {  	(pc) =	sbr.rel .LBB2_82-.Ltmp63, $2  }
0x332: {  	_ =	sdelay $0x2  }
0x333: {  	s19 =	smov.u32 s6;
	s1 =	rddreg [dreg:$0x10]  }
.LBB2_72:
0x334: {  	s19 =	smov.u32 s6;
	s1 =	rddreg [dreg:$0x10]  }
.LBB2_82:
0x335: {  	p3 =	slt.s32 s19, $0x1  }
.Ltmp64:
0x336: {  	_ = 	snop;
	(pc) =	sbr.rel @p3 .LBB2_86-.Ltmp64, $1  }
0x337: {  	_ =	sdelay $0x3  }
0x338: {  	p3 =	slt.s32 s19, $0x8  }
0x339: {  	s19 =	simm.s32 @!p3 $0x8  }
0x33a: {  	p3 =	sne.s32 s19, $0x1  }
.Ltmp65:
0x33b: {  	_ = 	snop;
	(pc) =	sbr.rel @!p3 .LBB2_85-.Ltmp65, $3  }
0x33c: {  	_ =	sdelay $0x1  }
0x33d: {  	_ =	swait.ge [sflag:s2], $0x80  }
0x33e: {  	[sflag:s2] =	ssyncset.done $0x0;
	s0 =	sadd.s32 $0xFFFFFFFF, s19  }
.LBB2_84:
0x33f: {  	p3 =	sne.s32 s0, $0x1;
	s0 =	sadd.s32 $0xFFFFFFFF, s0;
	[sflag:s2] =	ssyncadd.s32 $0xFFFFFF80  }
.Ltmp66:
0x340: {  	(pc) =	sbr.rel @p3 .LBB2_84-.Ltmp66, $3  }
0x341: {  	_ =	sdelay $0x1  }
0x342: {  	_ =	swait.ge [sflag:s2], $0x80  }
0x343: {  	[sflag:s2] =	ssyncset.done $0x0  }
.Ltmp67:
0x344: {  	_ = 	snop;
	(pc) =	sbr.rel .LBB2_85-.Ltmp67, $1  }
0x345: {  	_ =	sdelay $0x3  }
.LBB2_24:
.Ltmp68:
0x346: {  	(pc) =	sbr.rel .LBB2_28-.Ltmp68, $2  }
0x347: {  	_ =	sdelay $0x2  }
0x348: {  	s19 =	smov.u32 s1;
	s6 =	simm.s32 $0x0  }
.LBB2_26:
.Ltmp69:
0x349: {  	(pc) =	sbr.rel .LBB2_28-.Ltmp69, $2  }
0x34a: {  	_ =	sdelay $0x2  }
0x34b: {  	s19 =	smov.u32 s1;
	s6 =	simm.s32 $0x0  }
.LBB2_63:
.Ltmp70:
0x34c: {  	(pc) =	sbr.rel .LBB2_67-.Ltmp70, $2  }
0x34d: {  	_ =	sdelay $0x2  }
0x34e: {  	s21 =	smov.u32 s6;
	s14 =	simm.s32 $0x0  }
.LBB2_74:
.Ltmp71:
0x34f: {  	(pc) =	sbr.rel .LBB2_78-.Ltmp71, $2  }
0x350: {  	_ =	sdelay $0x2  }
0x351: {  	s14 =	smov.u32 s20;
	s0 =	simm.s32 $0x0  }
.LBB2_65:
.Ltmp72:
0x352: {  	(pc) =	sbr.rel .LBB2_67-.Ltmp72, $2  }
0x353: {  	_ =	sdelay $0x2  }
0x354: {  	s21 =	smov.u32 s6;
	s14 =	simm.s32 $0x0  }
.LBB2_76:
.Ltmp73:
0x355: {  	(pc) =	sbr.rel .LBB2_78-.Ltmp73, $2  }
0x356: {  	_ =	sdelay $0x2  }
0x357: {  	s14 =	smov.u32 s20;
	s0 =	simm.s32 $0x0  }
.LBB2_87:
0x358: {  	_ =	sfence.sel $0x180000  }
0x359: {  	[bflag:$0x0] =	sbarrier.arrive $0xFFFF  }
0x35a: {  	_ =	strace $0x90000047  }
0x35b: {  	s0 =	stileid.u32;
	[bflag:$0x2] =	sbarrier.arrive $0xFFFF  }
0x35c: {  	p0 =	sne.s32 s0, $0x0;
	s0 =	rddreg [dreg:$0x5]  }
0x35d: {  	s0 =	sadd.s32 @!p0 $0x100000, s0  }
0x35e: {  	[sflag:s0] =	ssyncadd.tile.s32 @!p0 $0x1;
	_ =	shalt  }
.Lfunc_end2:
_tile_overlayer_lowered:
.L_overlay_start_2:
0x35f: {  	(tag) =	ssettag $0x2  }
0x360: {  	s0 =	rddreg [dreg:$0x0];
	s2 =	stileid.u32  }
0x361: {  	s1 =	rddreg [dreg:$0x1];
	p0 =	sne.s32 s2, $0x0  }
0x362: {  	s3 =	rddreg [dreg:$0x2];
	[bflag:$0x3] =	sbarrier.arrive $0xFFFF;
	s2 =	simm.s32 @!p0 $0x1C03  }
0x363: {  	[timem:s3], [sflag:s2] =	dma.local @!p0 [hbm:s0], s1  }
0x364: {  	s0 =	simm.s32 @!p0 $0x3  }
0x365: {  	_ =	swait.ge @!p0 [sflag:s0], s1  }
0x366: {  	s1 =	ssub.s32 @!p0 $0x0, s1;
	[sflag:s0] =	ssyncset.done @!p0 $0x0  }
0x367: {  	[sflag:s0] =	ssyncadd.s32 @!p0 s1  }
0x368: {  	[bflag:$0x3] =	sbarrier.arrive $0xFFFF  }
0x369: {  	_ =	shalt  }

</sc_bundles>
